<compile_context>
chip_gen: v7x
topology: tpu7x:2x2x1
jax: 0.10.2.dev20260603
libtpu: 0.0.44.dev20260713+nightly
codegen_flags: <defaults>
</compile_context>

<pallas_src>
import functools

import jax
import jax.numpy as jnp
from jax import lax
from jax.experimental import pallas as pl
from jax.experimental.pallas import tpu as pltpu

N = 2048
D = 256
E = 65536
H = 4
HD = D // H
BLK = 128
GRID = N // BLK


def _ln(x, g, b):
    m = jnp.mean(x, axis=-1, keepdims=True)
    v = jnp.mean((x - m) ** 2, axis=-1, keepdims=True)
    return (x - m) * jax.lax.rsqrt(v + 1e-5) * g + b


def _fold_attn(Wq, bq, Wk, bk, attn):
    Wq3 = Wq.reshape(H, HD, D)
    Wk3 = Wk.reshape(H, HD, D)
    wq_cols = jnp.einsum('hkd,hk->dh', Wq3, attn[:, :HD])
    wk_cols = jnp.einsum('hkd,hk->dh', Wk3, attn[:, HD:])
    Wsc = jnp.concatenate([wq_cols, wk_cols], axis=1)
    bq_off = jnp.sum(bq.reshape(H, HD) * attn[:, :HD], axis=1)
    bk_off = jnp.sum(bk.reshape(H, HD) * attn[:, HD:], axis=1)
    bsc = jnp.concatenate([bq_off, bk_off])
    return Wsc, bsc


def _proj_next(h_blk, Wv, bv, Wsc, bsc):
    v_blk = jnp.dot(h_blk, Wv.T, preferred_element_type=jnp.float32) + bv[None, :]
    sc_blk = jnp.dot(h_blk, Wsc, preferred_element_type=jnp.float32) + bsc[None, :]
    return v_blk, sc_blk


def _k1_body(x_ref, tp_ref, W_in_ref, b_in_ref, W_t_ref, b_t_ref,
             Wv_ref, bv_ref, Wsc_ref, bsc_ref,
             h_out, v_out, sc_out):
    x = x_ref[...]
    h0 = jnp.dot(x, W_in_ref[...].T, preferred_element_type=jnp.float32)
    h0 = h0 + b_in_ref[...][None, :]
    h0 = h0 + tp_ref[...].reshape(BLK, 1) * W_t_ref[...][:, 0][None, :]
    h0 = h0 + b_t_ref[...][None, :]
    h_out[...] = h0
    v_blk, sc_blk = _proj_next(h0, Wv_ref[...], bv_ref[...],
                               Wsc_ref[...], bsc_ref[...])
    v_out[...] = v_blk
    sc_out[...] = sc_blk


def _row_spec(width):
    return pl.BlockSpec((BLK, width), lambda i: (i, 0))


def _full_spec(shape):
    return pl.BlockSpec(shape, lambda i: tuple(0 for _ in shape))


def _vec_spec():
    return pl.BlockSpec((BLK,), lambda i: (i,))


def _k1(x, tp, W_in, b_in, W_t, b_t, Wv, bv, Wsc, bsc):
    return pl.pallas_call(
        _k1_body,
        grid=(GRID,),
        in_specs=[_row_spec(D), _vec_spec(), _full_spec((D, D)),
                  _full_spec((D,)), _full_spec((D, 1)), _full_spec((D,)),
                  _full_spec((D, D)), _full_spec((D,)),
                  _full_spec((D, 2 * H)), _full_spec((2 * H,))],
        out_specs=[_row_spec(D), _row_spec(D), _row_spec(2 * H)],
        out_shape=[jax.ShapeDtypeStruct((N, D), jnp.float32),
                   jax.ShapeDtypeStruct((N, D), jnp.float32),
                   jax.ShapeDtypeStruct((N, 2 * H), jnp.float32)],
    )(x, tp, W_in, b_in, W_t, b_t, Wv, bv, Wsc, bsc)


def _agg_epilogue(S_blk, M_extra, base_blk, V_full, h_blk, g, b):
    M = jnp.dot(S_blk, V_full, preferred_element_type=jnp.float32)
    if M_extra is not None:
        M = M + M_extra
    vsum = jnp.sum(V_full, axis=0)
    msgs = M + base_blk.reshape(BLK, 1) * vsum[None, :]
    return _ln(msgs + h_blk, g, b)


def _k2_body(S_ref, base_ref, V_ref, h_ref, g_ref, b_ref,
             Wv_ref, bv_ref, Wsc_ref, bsc_ref,
             h_out, v_out, sc_out):
    h1 = _agg_epilogue(S_ref[...], None, base_ref[...], V_ref[...],
                       h_ref[...], g_ref[...], b_ref[...])
    h_out[...] = h1
    v_blk, sc_blk = _proj_next(h1, Wv_ref[...], bv_ref[...],
                               Wsc_ref[...], bsc_ref[...])
    v_out[...] = v_blk
    sc_out[...] = sc_blk


def _k2(S, base, V, h, g, b, Wv, bv, Wsc, bsc):
    return pl.pallas_call(
        _k2_body,
        grid=(GRID,),
        in_specs=[_row_spec(N), _vec_spec(), _full_spec((N, D)),
                  _row_spec(D), _full_spec((D,)), _full_spec((D,)),
                  _full_spec((D, D)), _full_spec((D,)),
                  _full_spec((D, 2 * H)), _full_spec((2 * H,))],
        out_specs=[_row_spec(D), _row_spec(D), _row_spec(2 * H)],
        out_shape=[jax.ShapeDtypeStruct((N, D), jnp.float32),
                   jax.ShapeDtypeStruct((N, D), jnp.float32),
                   jax.ShapeDtypeStruct((N, 2 * H), jnp.float32)],
    )(S, base, V, h, g, b, Wv, bv, Wsc, bsc)


def _k3_body(S_ref, base_ref, V_ref, h_ref, g_ref, b_ref,
             Wqkv_ref, bqkv_ref, h_out, qkv_out):
    h2 = _agg_epilogue(S_ref[...], None, base_ref[...], V_ref[...],
                       h_ref[...], g_ref[...], b_ref[...])
    h_out[...] = h2
    qkv_out[...] = jnp.dot(h2, Wqkv_ref[...].T,
                           preferred_element_type=jnp.float32) + bqkv_ref[...][None, :]


def _k3(S, base, V, h, g, b, Wqkv, bqkv):
    return pl.pallas_call(
        _k3_body,
        grid=(GRID,),
        in_specs=[_row_spec(N), _vec_spec(), _full_spec((N, D)),
                  _row_spec(D), _full_spec((D,)), _full_spec((D,)),
                  _full_spec((3 * D, D)), _full_spec((3 * D,))],
        out_specs=[_row_spec(D), _row_spec(3 * D)],
        out_shape=[jax.ShapeDtypeStruct((N, D), jnp.float32),
                   jax.ShapeDtypeStruct((N, 3 * D), jnp.float32)],
    )(S, base, V, h, g, b, Wqkv, bqkv)


def _k5(qkv, Wo, bo, Wout, bout, gf, bf):
    def body(qkv_blk_ref, qkv_full_ref, Wo_ref, bo_ref, Wout_ref, bout_ref,
             gf_ref, bf_ref, out_ref):
        qb = qkv_blk_ref[...][:, :D]
        k_full = qkv_full_ref[...][:, D:2 * D]
        v_full = qkv_full_ref[...][:, 2 * D:]
        outs = []
        for hh in range(H):
            qh = qb[:, hh * HD:(hh + 1) * HD]
            kh = k_full[:, hh * HD:(hh + 1) * HD]
            vh = v_full[:, hh * HD:(hh + 1) * HD]
            s = jnp.dot(qh, kh.T, preferred_element_type=jnp.float32) / 8.0
            m = jnp.max(s, axis=-1, keepdims=True)
            e = jnp.exp(s - m)
            p = e / jnp.sum(e, axis=-1, keepdims=True)
            outs.append(jnp.dot(p, vh, preferred_element_type=jnp.float32))
        o = jnp.concatenate(outs, axis=-1)
        o = jnp.dot(o, Wo_ref[...].T, preferred_element_type=jnp.float32) + bo_ref[...][None, :]
        o = jnp.dot(o, Wout_ref[...].T, preferred_element_type=jnp.float32) + bout_ref[...][None, :]
        out_ref[...] = _ln(o, gf_ref[...], bf_ref[...])

    return pl.pallas_call(
        body,
        grid=(GRID,),
        in_specs=[_row_spec(3 * D), _full_spec((N, 3 * D)),
                  _full_spec((D, D)), _full_spec((D,)),
                  _full_spec((D, D)), _full_spec((D,)),
                  _full_spec((D,)), _full_spec((D,))],
        out_specs=_row_spec(D),
        out_shape=jax.ShapeDtypeStruct((N, D), jnp.float32),
    )(qkv, qkv, Wo, bo, Wout, bout, gf, bf)


def _edge_pass(scores, ew, src, dst):
    qs = scores[:, :H]
    ks = scores[:, H:]
    s = qs[src] + ks[dst]
    s = jnp.where(s > 0, s, 0.2 * s) * ew[:, None]
    t = jnp.exp(s) - 1.0
    Z = float(N) + jnp.zeros((N, H), jnp.float32).at[dst].add(t)
    Zinv = 1.0 / Z
    c = jnp.sum(t * Zinv[dst], axis=-1)
    S = jnp.zeros((N, N), jnp.float32).at[dst, src].add(c)
    base = jnp.sum(Zinv, axis=-1)
    return S, base


def kernel(x, edge_index, edge_weights, temporal_positions, W_in, b_in, W_t,
           b_t, Wq0, bq0, Wk0, bk0, Wv0, bv0, attn0, g0, be0, Wq1, bq1, Wk1,
           bk1, Wv1, bv1, attn1, g1, be1, W_qkv, b_qkv, W_o, b_o, W_out,
           b_out, g_f, b_f):
    src = edge_index[0]
    dst = edge_index[1]
    Wsc0, bsc0 = _fold_attn(Wq0, bq0, Wk0, bk0, attn0)
    Wsc1, bsc1 = _fold_attn(Wq1, bq1, Wk1, bk1, attn1)

    h0, V0, sc0 = _k1(x, temporal_positions, W_in, b_in, W_t, b_t,
                      Wv0, bv0, Wsc0, bsc0)
    S0, base0 = _edge_pass(sc0, edge_weights, src, dst)
    h1, V1, sc1 = _k2(S0, base0, V0, h0, g0, be0,
                      Wv1, bv1, Wsc1, bsc1)
    S1, base1 = _edge_pass(sc1, edge_weights, src, dst)
    h2, qkv = _k3(S1, base1, V1, h1, g1, be1, W_qkv, b_qkv)
    return _k5(qkv, W_o, b_o, W_out, b_out, g_f, b_f)

# --- scband reference (transcript-rebuilt; emitter-appended) ---
"""Pipeline reference for scband-temporal-graph-attention-network-86363202388376 (READ-ONLY COPY).

The authoritative reference and input builder live on the scoring server;
editing this copy changes nothing except your own understanding.
"""

import jax, jax.numpy as jnp
import numpy as np

N = 2048
D = 256
E = 65536
H = 4

FLOAT_NAMES = ["x", "edge_weights", "temporal_positions", "W_in", "b_in", "W_t", "b_t",
               "Wq0", "bq0", "Wk0", "bk0", "Wv0", "bv0", "attn0", "g0", "be0",
               "Wq1", "bq1", "Wk1", "bk1", "Wv1", "bv1", "attn1", "g1", "be1",
               "W_qkv", "b_qkv", "W_o", "b_o", "W_out", "b_out", "g_f", "b_f"]


def _ln(x, g, b):
    m = jnp.mean(x, axis=-1, keepdims=True)
    v = jnp.var(x, axis=-1, keepdims=True)
    return (x - m) / jnp.sqrt(v + 1e-5) * g + b


def _gat(h, edge_index, edge_weights, Wq, bq, Wk, bk, Wv, bv, attn, g, b):
    n, d = h.shape
    hd = d // H
    Q = (h @ Wq.T + bq).reshape(n, H, hd)
    K = (h @ Wk.T + bk).reshape(n, H, hd)
    V = (h @ Wv.T + bv).reshape(n, H, hd)
    src = edge_index[0]
    dst = edge_index[1]
    ef = jnp.concatenate([Q[src], K[dst]], axis=-1)          # (E, H, 2*hd) gather
    s = jnp.sum(ef * attn[None, :, :], axis=-1)               # (E, H)
    s = jnp.where(s > 0, s, 0.2 * s)                          # leaky_relu(0.2)
    s = s * edge_weights[:, None]
    A = jnp.zeros((n, n, H), dtype=h.dtype).at[dst, src].set(s)  # scatter-overwrite
    A = jax.nn.softmax(A, axis=1)
    msgs = jnp.einsum('ijk,jhd->ihd', A, V)
    out = msgs.reshape(n, d)
    # residual applies since input dim == output dim; dropout is identity in eval
    return _ln(out + h, g, b)


def _mha(h, W_qkv, b_qkv, W_o, b_o):
    n, d = h.shape
    hd = d // H
    qkv = h @ W_qkv.T + b_qkv
    q, k, v = jnp.split(qkv, 3, axis=-1)
    q = q.reshape(n, H, hd).transpose(1, 0, 2)
    k = k.reshape(n, H, hd).transpose(1, 0, 2)
    v = v.reshape(n, H, hd).transpose(1, 0, 2)
    sc = (q @ k.transpose(0, 2, 1)) / float(np.sqrt(hd))
    sc = jax.nn.softmax(sc, axis=-1)
    o = (sc @ v).transpose(1, 0, 2).reshape(n, d)
    return o @ W_o.T + b_o


def _forward(p, edge_index):
    h = p["x"] @ p["W_in"].T + p["b_in"]
    h = h + p["temporal_positions"][:, None] @ p["W_t"].T + p["b_t"]
    for l in ("0", "1"):
        h = _gat(h, edge_index, p["edge_weights"],
                 p["Wq" + l], p["bq" + l], p["Wk" + l], p["bk" + l],
                 p["Wv" + l], p["bv" + l], p["attn" + l], p["g" + l], p["be" + l])
    h = _mha(h, p["W_qkv"], p["b_qkv"], p["W_o"], p["b_o"])
    out = h @ p["W_out"].T + p["b_out"]
    return _ln(out, p["g_f"], p["b_f"])


def setup_inputs(seed: int = 0) -> dict:
    key = jax.random.key(seed)
    cnt = iter(range(200))
    def nrm(shape, s=0.02):
        return s * jax.random.normal(jax.random.fold_in(key, next(cnt)), shape, dtype=jnp.float32)
    def zeros(shape):
        return jnp.zeros(shape, dtype=jnp.float32)
    inp = {}
    inp["x"] = jax.random.normal(jax.random.fold_in(key, 190), (N, D), dtype=jnp.float32)
    inp["edge_index"] = jax.random.randint(jax.random.fold_in(key, 191), (2, E), 0, N, dtype=jnp.int32)
    inp["edge_weights"] = jax.random.uniform(jax.random.fold_in(key, 192), (E,), dtype=jnp.float32)
    inp["temporal_positions"] = jax.random.uniform(jax.random.fold_in(key, 193), (N,), dtype=jnp.float32)
    inp["W_in"] = nrm((D, D)); inp["b_in"] = zeros((D,))
    inp["W_t"] = nrm((D, 1)); inp["b_t"] = zeros((D,))
    hd = D // H
    for l in ("0", "1"):
        inp["Wq" + l] = nrm((D, D)); inp["bq" + l] = zeros((D,))
        inp["Wk" + l] = nrm((D, D)); inp["bk" + l] = zeros((D,))
        inp["Wv" + l] = nrm((D, D)); inp["bv" + l] = zeros((D,))
        inp["attn" + l] = nrm((H, 2 * hd), 0.1)
        inp["g" + l] = jnp.ones((D,), jnp.float32); inp["be" + l] = zeros((D,))
    inp["W_qkv"] = nrm((3 * D, D)); inp["b_qkv"] = zeros((3 * D,))
    inp["W_o"] = nrm((D, D)); inp["b_o"] = zeros((D,))
    inp["W_out"] = nrm((D, D)); inp["b_out"] = zeros((D,))
    inp["g_f"] = jnp.ones((D,), jnp.float32); inp["b_f"] = zeros((D,))
    return inp


def reference(x, edge_index, edge_weights, temporal_positions, W_in, b_in, W_t, b_t,
              Wq0, bq0, Wk0, bk0, Wv0, bv0, attn0, g0, be0,
              Wq1, bq1, Wk1, bk1, Wv1, bv1, attn1, g1, be1,
              W_qkv, b_qkv, W_o, b_o, W_out, b_out, g_f, b_f):
    p = {"x": x, "edge_weights": edge_weights, "temporal_positions": temporal_positions,
         "W_in": W_in, "b_in": b_in, "W_t": W_t, "b_t": b_t,
         "Wq0": Wq0, "bq0": bq0, "Wk0": Wk0, "bk0": bk0, "Wv0": Wv0, "bv0": bv0,
         "attn0": attn0, "g0": g0, "be0": be0,
         "Wq1": Wq1, "bq1": bq1, "Wk1": Wk1, "bk1": bk1, "Wv1": Wv1, "bv1": bv1,
         "attn1": attn1, "g1": g1, "be1": be1,
         "W_qkv": W_qkv, "b_qkv": b_qkv, "W_o": W_o, "b_o": b_o,
         "W_out": W_out, "b_out": b_out, "g_f": g_f, "b_f": b_f}
    return _forward(p, edge_index)

if __name__ == "__main__":
    import jax
    _d = setup_inputs()
    print(jax.jit(kernel)(*tuple(_d.values())))

</pallas_src>

<mosaic_0001>
module attributes {stable_mosaic.version = 14 : i64} {
  func.func @_k1_body(%arg0: i32, %arg1: memref<128x256xf32, #tpu.memory_space<vmem>>, %arg2: memref<128xf32, #tpu.memory_space<vmem>>, %arg3: memref<256x256xf32, #tpu.memory_space<vmem>>, %arg4: memref<256xf32, #tpu.memory_space<vmem>>, %arg5: memref<256x1xf32, #tpu.memory_space<vmem>>, %arg6: memref<256xf32, #tpu.memory_space<vmem>>, %arg7: memref<256x256xf32, #tpu.memory_space<vmem>>, %arg8: memref<256xf32, #tpu.memory_space<vmem>>, %arg9: memref<256x8xf32, #tpu.memory_space<vmem>>, %arg10: memref<8xf32, #tpu.memory_space<vmem>>, %arg11: memref<128x256xf32, #tpu.memory_space<vmem>>, %arg12: memref<128x256xf32, #tpu.memory_space<vmem>>, %arg13: memref<128x8xf32, #tpu.memory_space<vmem>>) attributes {dimension_semantics = [#tpu.dimension_semantics<arbitrary>], iteration_bounds = array<i64: 16>, scalar_prefetch = 0 : i64, scratch_operands = 0 : i64, tpu.core_type = #tpu.core_type<tc>, window_params = [{transform_indices = @transform_0, window_bounds = array<i64: 128, 256>}, {transform_indices = @transform_1, window_bounds = array<i64: 128>}, {pipeline_mode = #tpu.pipeline_mode<synchronous>, transform_indices = @transform_2, window_bounds = array<i64: 256, 256>}, {pipeline_mode = #tpu.pipeline_mode<synchronous>, transform_indices = @transform_3, window_bounds = array<i64: 256>}, {pipeline_mode = #tpu.pipeline_mode<synchronous>, transform_indices = @transform_4, window_bounds = array<i64: 256, 1>}, {pipeline_mode = #tpu.pipeline_mode<synchronous>, transform_indices = @transform_5, window_bounds = array<i64: 256>}, {pipeline_mode = #tpu.pipeline_mode<synchronous>, transform_indices = @transform_6, window_bounds = array<i64: 256, 256>}, {pipeline_mode = #tpu.pipeline_mode<synchronous>, transform_indices = @transform_7, window_bounds = array<i64: 256>}, {pipeline_mode = #tpu.pipeline_mode<synchronous>, transform_indices = @transform_8, window_bounds = array<i64: 256, 8>}, {pipeline_mode = #tpu.pipeline_mode<synchronous>, transform_indices = @transform_9, window_bounds = array<i64: 8>}, {transform_indices = @transform_10, window_bounds = array<i64: 128, 256>}, {transform_indices = @transform_11, window_bounds = array<i64: 128, 256>}, {transform_indices = @transform_12, window_bounds = array<i64: 128, 8>}]} {
    %get3A = arith.constant 0 : index
    %get3A_0 = arith.constant 0 : index
    %get3A_1 = vector.load %arg1[%get3A, %get3A_0] : memref<128x256xf32, #tpu.memory_space<vmem>>, vector<128x256xf32>
    %get3A_2 = arith.constant 0 : index
    %get3A_3 = arith.constant 0 : index
    %get3A_4 = vector.load %arg3[%get3A_2, %get3A_3] : memref<256x256xf32, #tpu.memory_space<vmem>>, vector<256x256xf32>
    %transpose3A = tpu.transpose %get3A_4, [1, 0] : vector<256x256xf32> -> vector<256x256xf32>
    %dot_general3A = arith.constant dense<0.000000e+00> : vector<128x256xf32>
    %dot_general3A_5 = tpu.matmul %get3A_1, %transpose3A, %dot_general3A {dimension_numbers = #tpu.dot_dimension_numbers<[1], [0], [0], [1], [0, 0, 1, 1], [], []>, transpose_lhs_hint = false} : vector<128x256xf32>, vector<256x256xf32>, vector<128x256xf32> -> vector<128x256xf32>
    %get3A_6 = arith.constant 0 : index
    %get3A_7 = vector.load %arg4[%get3A_6] : memref<256xf32, #tpu.memory_space<vmem>>, vector<256xf32>
    %broadcast_in_dim3A = vector.shape_cast %get3A_7 : vector<256xf32> to vector<1x256xf32>
    %add3A = vector.broadcast %broadcast_in_dim3A : vector<1x256xf32> to vector<128x256xf32>
    %add3A_8 = arith.addf %dot_general3A_5, %add3A : vector<128x256xf32>
    %get3A_9 = arith.constant 0 : index
    %get3A_10 = vector.load %arg2[%get3A_9] : memref<128xf32, #tpu.memory_space<vmem>>, vector<128xf32>
    %reshape3A = vector.shape_cast %get3A_10 : vector<128xf32> to vector<128x1xf32>
    %get3A_11 = arith.constant 0 : index
    %get3A_12 = arith.constant 0 : index
    %get3A_13 = vector.load %arg5[%get3A_11, %get3A_12] : memref<256x1xf32, #tpu.memory_space<vmem>>, vector<256x1xf32>
    %squeeze3A = vector.shape_cast %get3A_13 : vector<256x1xf32> to vector<256xf32>
    %broadcast_in_dim3A_14 = vector.shape_cast %squeeze3A : vector<256xf32> to vector<1x256xf32>
    %mul3A = vector.broadcast %reshape3A : vector<128x1xf32> to vector<128x256xf32>
    %mul3A_15 = vector.broadcast %broadcast_in_dim3A_14 : vector<1x256xf32> to vector<128x256xf32>
    %mul3A_16 = arith.mulf %mul3A, %mul3A_15 : vector<128x256xf32>
    %add3A_17 = arith.addf %add3A_8, %mul3A_16 : vector<128x256xf32>
    %get3A_18 = arith.constant 0 : index
    %get3A_19 = vector.load %arg6[%get3A_18] : memref<256xf32, #tpu.memory_space<vmem>>, vector<256xf32>
    %broadcast_in_dim3A_20 = vector.shape_cast %get3A_19 : vector<256xf32> to vector<1x256xf32>
    %add3A_21 = vector.broadcast %broadcast_in_dim3A_20 : vector<1x256xf32> to vector<128x256xf32>
    %add3A_22 = arith.addf %add3A_17, %add3A_21 : vector<128x256xf32>
    %swap3A = arith.constant 0 : index
    %swap3A_23 = arith.constant 0 : index
    %swap3A_24 = vector.load %arg11[%swap3A, %swap3A_23] : memref<128x256xf32, #tpu.memory_space<vmem>>, vector<128x256xf32>
    tpu.vector_store %arg11[%swap3A, %swap3A_23], %add3A_22 {strides = array<i32>} : memref<128x256xf32, #tpu.memory_space<vmem>>, vector<128x256xf32>,
    %get3A_25 = arith.constant 0 : index
    %get3A_26 = arith.constant 0 : index
    %get3A_27 = vector.load %arg7[%get3A_25, %get3A_26] : memref<256x256xf32, #tpu.memory_space<vmem>>, vector<256x256xf32>
    %get3A_28 = arith.constant 0 : index
    %get3A_29 = vector.load %arg8[%get3A_28] : memref<256xf32, #tpu.memory_space<vmem>>, vector<256xf32>
    %get3A_30 = arith.constant 0 : index
    %get3A_31 = arith.constant 0 : index
    %get3A_32 = vector.load %arg9[%get3A_30, %get3A_31] : memref<256x8xf32, #tpu.memory_space<vmem>>, vector<256x8xf32>
    %get3A_33 = arith.constant 0 : index
    %get3A_34 = vector.load %arg10[%get3A_33] : memref<8xf32, #tpu.memory_space<vmem>>, vector<8xf32>
    %transpose3A_35 = tpu.transpose %get3A_27, [1, 0] : vector<256x256xf32> -> vector<256x256xf32>
    %dot_general3A_36 = arith.constant dense<0.000000e+00> : vector<128x256xf32>
    %dot_general3A_37 = tpu.matmul %add3A_22, %transpose3A_35, %dot_general3A_36 {dimension_numbers = #tpu.dot_dimension_numbers<[1], [0], [0], [1], [0, 0, 1, 1], [], []>, transpose_lhs_hint = false} : vector<128x256xf32>, vector<256x256xf32>, vector<128x256xf32> -> vector<128x256xf32>
    %broadcast_in_dim3A_38 = vector.shape_cast %get3A_29 : vector<256xf32> to vector<1x256xf32>
    %add3A_39 = vector.broadcast %broadcast_in_dim3A_38 : vector<1x256xf32> to vector<128x256xf32>
    %add3A_40 = arith.addf %dot_general3A_37, %add3A_39 : vector<128x256xf32>
    %dot_general3A_41 = arith.constant dense<0.000000e+00> : vector<128x8xf32>
    %dot_general3A_42 = tpu.matmul %add3A_22, %get3A_32, %dot_general3A_41 {dimension_numbers = #tpu.dot_dimension_numbers<[1], [0], [0], [1], [0, 0, 1, 1], [], []>, transpose_lhs_hint = false} : vector<128x256xf32>, vector<256x8xf32>, vector<128x8xf32> -> vector<128x8xf32>
    %broadcast_in_dim3A_43 = vector.shape_cast %get3A_34 : vector<8xf32> to vector<1x8xf32>
    %add3A_44 = vector.broadcast %broadcast_in_dim3A_43 : vector<1x8xf32> to vector<128x8xf32>
    %add3A_45 = arith.addf %dot_general3A_42, %add3A_44 : vector<128x8xf32>
    %swap3A_46 = arith.constant 0 : index
    %swap3A_47 = arith.constant 0 : index
    %swap3A_48 = vector.load %arg12[%swap3A_46, %swap3A_47] : memref<128x256xf32, #tpu.memory_space<vmem>>, vector<128x256xf32>
    tpu.vector_store %arg12[%swap3A_46, %swap3A_47], %add3A_40 {strides = array<i32>} : memref<128x256xf32, #tpu.memory_space<vmem>>, vector<128x256xf32>,
    %swap3A_49 = arith.constant 0 : index
    %swap3A_50 = arith.constant 0 : index
    %swap3A_51 = vector.load %arg13[%swap3A_49, %swap3A_50] : memref<128x8xf32, #tpu.memory_space<vmem>>, vector<128x8xf32>
    tpu.vector_store %arg13[%swap3A_49, %swap3A_50], %add3A_45 {strides = array<i32>} : memref<128x8xf32, #tpu.memory_space<vmem>>, vector<128x8xf32>,
    return
  }
  func.func @transform_0(%arg0: i32) -> (i32, i32) {
    %c0_i32 = arith.constant 0 : i32
    %c0_i32_0 = arith.constant 0 : i32
    return %arg0, %c0_i32 : i32, i32
  }
  func.func @transform_1(%arg0: i32) -> i32 {
    %c0_i32 = arith.constant 0 : i32
    return %arg0 : i32
  }
  func.func @transform_2(%arg0: i32) -> (i32, i32) {
    %c0_i32 = arith.constant 0 : i32
    %c0_i32_0 = arith.constant 0 : i32
    %c0_i32_1 = arith.constant 0 : i32
    return %c0_i32, %c0_i32_0 : i32, i32
  }
  func.func @transform_3(%arg0: i32) -> i32 {
    %c0_i32 = arith.constant 0 : i32
    %c0_i32_0 = arith.constant 0 : i32
    return %c0_i32 : i32
  }
  func.func @transform_4(%arg0: i32) -> (i32, i32) {
    %c0_i32 = arith.constant 0 : i32
    %c0_i32_0 = arith.constant 0 : i32
    %c0_i32_1 = arith.constant 0 : i32
    return %c0_i32, %c0_i32_0 : i32, i32
  }
  func.func @transform_5(%arg0: i32) -> i32 {
    %c0_i32 = arith.constant 0 : i32
    %c0_i32_0 = arith.constant 0 : i32
    return %c0_i32 : i32
  }
  func.func @transform_6(%arg0: i32) -> (i32, i32) {
    %c0_i32 = arith.constant 0 : i32
    %c0_i32_0 = arith.constant 0 : i32
    %c0_i32_1 = arith.constant 0 : i32
    return %c0_i32, %c0_i32_0 : i32, i32
  }
  func.func @transform_7(%arg0: i32) -> i32 {
    %c0_i32 = arith.constant 0 : i32
    %c0_i32_0 = arith.constant 0 : i32
    return %c0_i32 : i32
  }
  func.func @transform_8(%arg0: i32) -> (i32, i32) {
    %c0_i32 = arith.constant 0 : i32
    %c0_i32_0 = arith.constant 0 : i32
    %c0_i32_1 = arith.constant 0 : i32
    return %c0_i32, %c0_i32_0 : i32, i32
  }
  func.func @transform_9(%arg0: i32) -> i32 {
    %c0_i32 = arith.constant 0 : i32
    %c0_i32_0 = arith.constant 0 : i32
    return %c0_i32 : i32
  }
  func.func @transform_10(%arg0: i32) -> (i32, i32) {
    %c0_i32 = arith.constant 0 : i32
    %c0_i32_0 = arith.constant 0 : i32
    return %arg0, %c0_i32 : i32, i32
  }
  func.func @transform_11(%arg0: i32) -> (i32, i32) {
    %c0_i32 = arith.constant 0 : i32
    %c0_i32_0 = arith.constant 0 : i32
    return %arg0, %c0_i32 : i32, i32
  }
  func.func @transform_12(%arg0: i32) -> (i32, i32) {
    %c0_i32 = arith.constant 0 : i32
    %c0_i32_0 = arith.constant 0 : i32
    return %arg0, %c0_i32 : i32, i32
  }
}

module attributes {stable_mosaic.version = 14 : i64} {
  func.func @_k2_body(%arg0: i32, %arg1: memref<128x2048xf32, #tpu.memory_space<vmem>>, %arg2: memref<128xf32, #tpu.memory_space<vmem>>, %arg3: memref<2048x256xf32, #tpu.memory_space<vmem>>, %arg4: memref<128x256xf32, #tpu.memory_space<vmem>>, %arg5: memref<256xf32, #tpu.memory_space<vmem>>, %arg6: memref<256xf32, #tpu.memory_space<vmem>>, %arg7: memref<256x256xf32, #tpu.memory_space<vmem>>, %arg8: memref<256xf32, #tpu.memory_space<vmem>>, %arg9: memref<256x8xf32, #tpu.memory_space<vmem>>, %arg10: memref<8xf32, #tpu.memory_space<vmem>>, %arg11: memref<128x256xf32, #tpu.memory_space<vmem>>, %arg12: memref<128x256xf32, #tpu.memory_space<vmem>>, %arg13: memref<128x8xf32, #tpu.memory_space<vmem>>) attributes {dimension_semantics = [#tpu.dimension_semantics<arbitrary>], iteration_bounds = array<i64: 16>, scalar_prefetch = 0 : i64, scratch_operands = 0 : i64, tpu.core_type = #tpu.core_type<tc>, window_params = [{transform_indices = @transform_0, window_bounds = array<i64: 128, 2048>}, {transform_indices = @transform_1, window_bounds = array<i64: 128>}, {pipeline_mode = #tpu.pipeline_mode<synchronous>, transform_indices = @transform_2, window_bounds = array<i64: 2048, 256>}, {transform_indices = @transform_3, window_bounds = array<i64: 128, 256>}, {pipeline_mode = #tpu.pipeline_mode<synchronous>, transform_indices = @transform_4, window_bounds = array<i64: 256>}, {pipeline_mode = #tpu.pipeline_mode<synchronous>, transform_indices = @transform_5, window_bounds = array<i64: 256>}, {pipeline_mode = #tpu.pipeline_mode<synchronous>, transform_indices = @transform_6, window_bounds = array<i64: 256, 256>}, {pipeline_mode = #tpu.pipeline_mode<synchronous>, transform_indices = @transform_7, window_bounds = array<i64: 256>}, {pipeline_mode = #tpu.pipeline_mode<synchronous>, transform_indices = @transform_8, window_bounds = array<i64: 256, 8>}, {pipeline_mode = #tpu.pipeline_mode<synchronous>, transform_indices = @transform_9, window_bounds = array<i64: 8>}, {transform_indices = @transform_10, window_bounds = array<i64: 128, 256>}, {transform_indices = @transform_11, window_bounds = array<i64: 128, 256>}, {transform_indices = @transform_12, window_bounds = array<i64: 128, 8>}]} {
    %get3A = arith.constant 0 : index
    %get3A_0 = arith.constant 0 : index
    %get3A_1 = vector.load %arg1[%get3A, %get3A_0] : memref<128x2048xf32, #tpu.memory_space<vmem>>, vector<128x2048xf32>
    %get3A_2 = arith.constant 0 : index
    %get3A_3 = vector.load %arg2[%get3A_2] : memref<128xf32, #tpu.memory_space<vmem>>, vector<128xf32>
    %get3A_4 = arith.constant 0 : index
    %get3A_5 = arith.constant 0 : index
    %get3A_6 = vector.load %arg3[%get3A_4, %get3A_5] : memref<2048x256xf32, #tpu.memory_space<vmem>>, vector<2048x256xf32>
    %get3A_7 = arith.constant 0 : index
    %get3A_8 = arith.constant 0 : index
    %get3A_9 = vector.load %arg4[%get3A_7, %get3A_8] : memref<128x256xf32, #tpu.memory_space<vmem>>, vector<128x256xf32>
    %get3A_10 = arith.constant 0 : index
    %get3A_11 = vector.load %arg5[%get3A_10] : memref<256xf32, #tpu.memory_space<vmem>>, vector<256xf32>
    %get3A_12 = arith.constant 0 : index
    %get3A_13 = vector.load %arg6[%get3A_12] : memref<256xf32, #tpu.memory_space<vmem>>, vector<256xf32>
    %dot_general3A = arith.constant dense<0.000000e+00> : vector<128x256xf32>
    %dot_general3A_14 = tpu.matmul %get3A_1, %get3A_6, %dot_general3A {dimension_numbers = #tpu.dot_dimension_numbers<[1], [0], [0], [1], [0, 0, 1, 1], [], []>, transpose_lhs_hint = false} : vector<128x2048xf32>, vector<2048x256xf32>, vector<128x256xf32> -> vector<128x256xf32>
    %reduce_sum3A = arith.constant dense<0.000000e+00> : vector<256xf32>
    %reduce_sum3A_15 = vector.multi_reduction <add>, %get3A_6, %reduce_sum3A [0] : vector<2048x256xf32> to vector<256xf32>
    %reshape3A = vector.shape_cast %get3A_3 : vector<128xf32> to vector<128x1xf32>
    %broadcast_in_dim3A = vector.shape_cast %reduce_sum3A_15 : vector<256xf32> to vector<1x256xf32>
    %mul3A = vector.broadcast %reshape3A : vector<128x1xf32> to vector<128x256xf32>
    %mul3A_16 = vector.broadcast %broadcast_in_dim3A : vector<1x256xf32> to vector<128x256xf32>
    %mul3A_17 = arith.mulf %mul3A, %mul3A_16 : vector<128x256xf32>
    %add3A = arith.addf %dot_general3A_14, %mul3A_17 : vector<128x256xf32>
    %add3A_18 = arith.addf %add3A, %get3A_9 : vector<128x256xf32>
    %reduce_sum3A_19 = arith.constant dense<0.000000e+00> : vector<128xf32>
    %reduce_sum3A_20 = vector.multi_reduction <add>, %add3A_18, %reduce_sum3A_19 [1] : vector<128x256xf32> to vector<128xf32>
    %broadcast_in_dim3A_21 = vector.shape_cast %reduce_sum3A_20 : vector<128xf32> to vector<128x1xf32>
    %div3A = arith.constant 2.560000e+02 : f32
    %div3A_22 = vector.broadcast %div3A : f32 to vector<128x1xf32>
    %div3A_23 = arith.divf %broadcast_in_dim3A_21, %div3A_22 : vector<128x1xf32>
    %jit3A = arith.constant 0 : i32
    %reduce_sum3A_24 = arith.constant dense<0.000000e+00> : vector<128xf32>
    %reduce_sum3A_25 = vector.multi_reduction <add>, %add3A_18, %reduce_sum3A_24 [1] : vector<128x256xf32> to vector<128xf32>
    %broadcast_in_dim3A_26 = vector.shape_cast %reduce_sum3A_25 : vector<128xf32> to vector<128x1xf32>
    %div3A_27 = arith.constant 2.560000e+02 : f32
    %div3A_28 = vector.broadcast %div3A_27 : f32 to vector<128x1xf32>
    %div3A_29 = arith.divf %broadcast_in_dim3A_26, %div3A_28 : vector<128x1xf32>
    %sub3A = vector.broadcast %div3A_29 : vector<128x1xf32> to vector<128x256xf32>
    %sub3A_30 = arith.subf %add3A_18, %sub3A : vector<128x256xf32>
    %square3A = arith.mulf %sub3A_30, %sub3A_30 : vector<128x256xf32>
    %convert_element_type3A = arith.sitofp %jit3A : i32 to f32
    %sub3A_31 = arith.constant 2.560000e+02 : f32
    %sub3A_32 = arith.subf %sub3A_31, %convert_element_type3A : f32
    %reduce_sum3A_33 = arith.constant dense<0.000000e+00> : vector<128xf32>
    %reduce_sum3A_34 = vector.multi_reduction <add>, %square3A, %reduce_sum3A_33 [1] : vector<128x256xf32> to vector<128xf32>
    %broadcast_in_dim3A_35 = vector.shape_cast %reduce_sum3A_34 : vector<128xf32> to vector<128x1xf32>
    %div3A_36 = vector.broadcast %sub3A_32 : f32 to vector<128x1xf32>
    %div3A_37 = arith.divf %broadcast_in_dim3A_35, %div3A_36 : vector<128x1xf32>
    %gt3A = arith.constant 0.000000e+00 : f32
    %gt3A_38 = arith.cmpf ogt, %sub3A_32, %gt3A : f32
    %jit3A_39 = arith.constant 0x7FC00000 : f32
    %broadcast_in_dim3A_40 = vector.broadcast %jit3A_39 : f32 to vector<128x1xf32>
    %select_n3A = arith.select %gt3A_38, %div3A_37, %broadcast_in_dim3A_40 : vector<128x1xf32>
    %sub3A_41 = vector.broadcast %div3A_23 : vector<128x1xf32> to vector<128x256xf32>
    %sub3A_42 = arith.subf %add3A_18, %sub3A_41 : vector<128x256xf32>
    %add3A_43 = arith.constant 9.99999974E-6 : f32
    %add3A_44 = vector.broadcast %add3A_43 : f32 to vector<128x1xf32>
    %add3A_45 = arith.addf %select_n3A, %add3A_44 : vector<128x1xf32>
    %sqrt3A = math.sqrt %add3A_45 : vector<128x1xf32>
    %div3A_46 = vector.broadcast %sqrt3A : vector<128x1xf32> to vector<128x256xf32>
    %div3A_47 = arith.divf %sub3A_42, %div3A_46 : vector<128x256xf32>
    %broadcast_in_dim3A_48 = vector.shape_cast %get3A_11 : vector<256xf32> to vector<1x256xf32>
    %mul3A_49 = vector.broadcast %broadcast_in_dim3A_48 : vector<1x256xf32> to vector<128x256xf32>
    %mul3A_50 = arith.mulf %div3A_47, %mul3A_49 : vector<128x256xf32>
    %broadcast_in_dim3A_51 = vector.shape_cast %get3A_13 : vector<256xf32> to vector<1x256xf32>
    %add3A_52 = vector.broadcast %broadcast_in_dim3A_51 : vector<1x256xf32> to vector<128x256xf32>
    %add3A_53 = arith.addf %mul3A_50, %add3A_52 : vector<128x256xf32>
    %swap3A = arith.constant 0 : index
    %swap3A_54 = arith.constant 0 : index
    %swap3A_55 = vector.load %arg11[%swap3A, %swap3A_54] : memref<128x256xf32, #tpu.memory_space<vmem>>, vector<128x256xf32>
    tpu.vector_store %arg11[%swap3A, %swap3A_54], %add3A_53 {strides = array<i32>} : memref<128x256xf32, #tpu.memory_space<vmem>>, vector<128x256xf32>,
    %get3A_56 = arith.constant 0 : index
    %get3A_57 = arith.constant 0 : index
    %get3A_58 = vector.load %arg7[%get3A_56, %get3A_57] : memref<256x256xf32, #tpu.memory_space<vmem>>, vector<256x256xf32>
    %get3A_59 = arith.constant 0 : index
    %get3A_60 = vector.load %arg8[%get3A_59] : memref<256xf32, #tpu.memory_space<vmem>>, vector<256xf32>
    %get3A_61 = arith.constant 0 : index
    %get3A_62 = arith.constant 0 : index
    %get3A_63 = vector.load %arg9[%get3A_61, %get3A_62] : memref<256x8xf32, #tpu.memory_space<vmem>>, vector<256x8xf32>
    %get3A_64 = arith.constant 0 : index
    %get3A_65 = vector.load %arg10[%get3A_64] : memref<8xf32, #tpu.memory_space<vmem>>, vector<8xf32>
    %transpose3A = tpu.transpose %get3A_58, [1, 0] : vector<256x256xf32> -> vector<256x256xf32>
    %dot_general3A_66 = arith.constant dense<0.000000e+00> : vector<128x256xf32>
    %dot_general3A_67 = tpu.matmul %add3A_53, %transpose3A, %dot_general3A_66 {dimension_numbers = #tpu.dot_dimension_numbers<[1], [0], [0], [1], [0, 0, 1, 1], [], []>, transpose_lhs_hint = false} : vector<128x256xf32>, vector<256x256xf32>, vector<128x256xf32> -> vector<128x256xf32>
    %broadcast_in_dim3A_68 = vector.shape_cast %get3A_60 : vector<256xf32> to vector<1x256xf32>
    %add3A_69 = vector.broadcast %broadcast_in_dim3A_68 : vector<1x256xf32> to vector<128x256xf32>
    %add3A_70 = arith.addf %dot_general3A_67, %add3A_69 : vector<128x256xf32>
    %dot_general3A_71 = arith.constant dense<0.000000e+00> : vector<128x8xf32>
    %dot_general3A_72 = tpu.matmul %add3A_53, %get3A_63, %dot_general3A_71 {dimension_numbers = #tpu.dot_dimension_numbers<[1], [0], [0], [1], [0, 0, 1, 1], [], []>, transpose_lhs_hint = false} : vector<128x256xf32>, vector<256x8xf32>, vector<128x8xf32> -> vector<128x8xf32>
    %broadcast_in_dim3A_73 = vector.shape_cast %get3A_65 : vector<8xf32> to vector<1x8xf32>
    %add3A_74 = vector.broadcast %broadcast_in_dim3A_73 : vector<1x8xf32> to vector<128x8xf32>
    %add3A_75 = arith.addf %dot_general3A_72, %add3A_74 : vector<128x8xf32>
    %swap3A_76 = arith.constant 0 : index
    %swap3A_77 = arith.constant 0 : index
    %swap3A_78 = vector.load %arg12[%swap3A_76, %swap3A_77] : memref<128x256xf32, #tpu.memory_space<vmem>>, vector<128x256xf32>
    tpu.vector_store %arg12[%swap3A_76, %swap3A_77], %add3A_70 {strides = array<i32>} : memref<128x256xf32, #tpu.memory_space<vmem>>, vector<128x256xf32>,
    %swap3A_79 = arith.constant 0 : index
    %swap3A_80 = arith.constant 0 : index
    %swap3A_81 = vector.load %arg13[%swap3A_79, %swap3A_80] : memref<128x8xf32, #tpu.memory_space<vmem>>, vector<128x8xf32>
    tpu.vector_store %arg13[%swap3A_79, %swap3A_80], %add3A_75 {strides = array<i32>} : memref<128x8xf32, #tpu.memory_space<vmem>>, vector<128x8xf32>,
    return
  }
  func.func @transform_0(%arg0: i32) -> (i32, i32) {
    %c0_i32 = arith.constant 0 : i32
    %c0_i32_0 = arith.constant 0 : i32
    return %arg0, %c0_i32 : i32, i32
  }
  func.func @transform_1(%arg0: i32) -> i32 {
    %c0_i32 = arith.constant 0 : i32
    return %arg0 : i32
  }
  func.func @transform_2(%arg0: i32) -> (i32, i32) {
    %c0_i32 = arith.constant 0 : i32
    %c0_i32_0 = arith.constant 0 : i32
    %c0_i32_1 = arith.constant 0 : i32
    return %c0_i32, %c0_i32_0 : i32, i32
  }
  func.func @transform_3(%arg0: i32) -> (i32, i32) {
    %c0_i32 = arith.constant 0 : i32
    %c0_i32_0 = arith.constant 0 : i32
    return %arg0, %c0_i32 : i32, i32
  }
  func.func @transform_4(%arg0: i32) -> i32 {
    %c0_i32 = arith.constant 0 : i32
    %c0_i32_0 = arith.constant 0 : i32
    return %c0_i32 : i32
  }
  func.func @transform_5(%arg0: i32) -> i32 {
    %c0_i32 = arith.constant 0 : i32
    %c0_i32_0 = arith.constant 0 : i32
    return %c0_i32 : i32
  }
  func.func @transform_6(%arg0: i32) -> (i32, i32) {
    %c0_i32 = arith.constant 0 : i32
    %c0_i32_0 = arith.constant 0 : i32
    %c0_i32_1 = arith.constant 0 : i32
    return %c0_i32, %c0_i32_0 : i32, i32
  }
  func.func @transform_7(%arg0: i32) -> i32 {
    %c0_i32 = arith.constant 0 : i32
    %c0_i32_0 = arith.constant 0 : i32
    return %c0_i32 : i32
  }
  func.func @transform_8(%arg0: i32) -> (i32, i32) {
    %c0_i32 = arith.constant 0 : i32
    %c0_i32_0 = arith.constant 0 : i32
    %c0_i32_1 = arith.constant 0 : i32
    return %c0_i32, %c0_i32_0 : i32, i32
  }
  func.func @transform_9(%arg0: i32) -> i32 {
    %c0_i32 = arith.constant 0 : i32
    %c0_i32_0 = arith.constant 0 : i32
    return %c0_i32 : i32
  }
  func.func @transform_10(%arg0: i32) -> (i32, i32) {
    %c0_i32 = arith.constant 0 : i32
    %c0_i32_0 = arith.constant 0 : i32
    return %arg0, %c0_i32 : i32, i32
  }
  func.func @transform_11(%arg0: i32) -> (i32, i32) {
    %c0_i32 = arith.constant 0 : i32
    %c0_i32_0 = arith.constant 0 : i32
    return %arg0, %c0_i32 : i32, i32
  }
  func.func @transform_12(%arg0: i32) -> (i32, i32) {
    %c0_i32 = arith.constant 0 : i32
    %c0_i32_0 = arith.constant 0 : i32
    return %arg0, %c0_i32 : i32, i32
  }
}

module attributes {stable_mosaic.version = 14 : i64} {
  func.func @_k3_body(%arg0: i32, %arg1: memref<128x2048xf32, #tpu.memory_space<vmem>>, %arg2: memref<128xf32, #tpu.memory_space<vmem>>, %arg3: memref<2048x256xf32, #tpu.memory_space<vmem>>, %arg4: memref<128x256xf32, #tpu.memory_space<vmem>>, %arg5: memref<256xf32, #tpu.memory_space<vmem>>, %arg6: memref<256xf32, #tpu.memory_space<vmem>>, %arg7: memref<768x256xf32, #tpu.memory_space<vmem>>, %arg8: memref<768xf32, #tpu.memory_space<vmem>>, %arg9: memref<128x256xf32, #tpu.memory_space<vmem>>, %arg10: memref<128x768xf32, #tpu.memory_space<vmem>>) attributes {dimension_semantics = [#tpu.dimension_semantics<arbitrary>], iteration_bounds = array<i64: 16>, scalar_prefetch = 0 : i64, scratch_operands = 0 : i64, tpu.core_type = #tpu.core_type<tc>, window_params = [{transform_indices = @transform_0, window_bounds = array<i64: 128, 2048>}, {transform_indices = @transform_1, window_bounds = array<i64: 128>}, {pipeline_mode = #tpu.pipeline_mode<synchronous>, transform_indices = @transform_2, window_bounds = array<i64: 2048, 256>}, {transform_indices = @transform_3, window_bounds = array<i64: 128, 256>}, {pipeline_mode = #tpu.pipeline_mode<synchronous>, transform_indices = @transform_4, window_bounds = array<i64: 256>}, {pipeline_mode = #tpu.pipeline_mode<synchronous>, transform_indices = @transform_5, window_bounds = array<i64: 256>}, {pipeline_mode = #tpu.pipeline_mode<synchronous>, transform_indices = @transform_6, window_bounds = array<i64: 768, 256>}, {pipeline_mode = #tpu.pipeline_mode<synchronous>, transform_indices = @transform_7, window_bounds = array<i64: 768>}, {transform_indices = @transform_8, window_bounds = array<i64: 128, 256>}, {transform_indices = @transform_9, window_bounds = array<i64: 128, 768>}]} {
    %get3A = arith.constant 0 : index
    %get3A_0 = arith.constant 0 : index
    %get3A_1 = vector.load %arg1[%get3A, %get3A_0] : memref<128x2048xf32, #tpu.memory_space<vmem>>, vector<128x2048xf32>
    %get3A_2 = arith.constant 0 : index
    %get3A_3 = vector.load %arg2[%get3A_2] : memref<128xf32, #tpu.memory_space<vmem>>, vector<128xf32>
    %get3A_4 = arith.constant 0 : index
    %get3A_5 = arith.constant 0 : index
    %get3A_6 = vector.load %arg3[%get3A_4, %get3A_5] : memref<2048x256xf32, #tpu.memory_space<vmem>>, vector<2048x256xf32>
    %get3A_7 = arith.constant 0 : index
    %get3A_8 = arith.constant 0 : index
    %get3A_9 = vector.load %arg4[%get3A_7, %get3A_8] : memref<128x256xf32, #tpu.memory_space<vmem>>, vector<128x256xf32>
    %get3A_10 = arith.constant 0 : index
    %get3A_11 = vector.load %arg5[%get3A_10] : memref<256xf32, #tpu.memory_space<vmem>>, vector<256xf32>
    %get3A_12 = arith.constant 0 : index
    %get3A_13 = vector.load %arg6[%get3A_12] : memref<256xf32, #tpu.memory_space<vmem>>, vector<256xf32>
    %dot_general3A = arith.constant dense<0.000000e+00> : vector<128x256xf32>
    %dot_general3A_14 = tpu.matmul %get3A_1, %get3A_6, %dot_general3A {dimension_numbers = #tpu.dot_dimension_numbers<[1], [0], [0], [1], [0, 0, 1, 1], [], []>, transpose_lhs_hint = false} : vector<128x2048xf32>, vector<2048x256xf32>, vector<128x256xf32> -> vector<128x256xf32>
    %reduce_sum3A = arith.constant dense<0.000000e+00> : vector<256xf32>
    %reduce_sum3A_15 = vector.multi_reduction <add>, %get3A_6, %reduce_sum3A [0] : vector<2048x256xf32> to vector<256xf32>
    %reshape3A = vector.shape_cast %get3A_3 : vector<128xf32> to vector<128x1xf32>
    %broadcast_in_dim3A = vector.shape_cast %reduce_sum3A_15 : vector<256xf32> to vector<1x256xf32>
    %mul3A = vector.broadcast %reshape3A : vector<128x1xf32> to vector<128x256xf32>
    %mul3A_16 = vector.broadcast %broadcast_in_dim3A : vector<1x256xf32> to vector<128x256xf32>
    %mul3A_17 = arith.mulf %mul3A, %mul3A_16 : vector<128x256xf32>
    %add3A = arith.addf %dot_general3A_14, %mul3A_17 : vector<128x256xf32>
    %add3A_18 = arith.addf %add3A, %get3A_9 : vector<128x256xf32>
    %reduce_sum3A_19 = arith.constant dense<0.000000e+00> : vector<128xf32>
    %reduce_sum3A_20 = vector.multi_reduction <add>, %add3A_18, %reduce_sum3A_19 [1] : vector<128x256xf32> to vector<128xf32>
    %broadcast_in_dim3A_21 = vector.shape_cast %reduce_sum3A_20 : vector<128xf32> to vector<128x1xf32>
    %div3A = arith.constant 2.560000e+02 : f32
    %div3A_22 = vector.broadcast %div3A : f32 to vector<128x1xf32>
    %div3A_23 = arith.divf %broadcast_in_dim3A_21, %div3A_22 : vector<128x1xf32>
    %jit3A = arith.constant 0 : i32
    %reduce_sum3A_24 = arith.constant dense<0.000000e+00> : vector<128xf32>
    %reduce_sum3A_25 = vector.multi_reduction <add>, %add3A_18, %reduce_sum3A_24 [1] : vector<128x256xf32> to vector<128xf32>
    %broadcast_in_dim3A_26 = vector.shape_cast %reduce_sum3A_25 : vector<128xf32> to vector<128x1xf32>
    %div3A_27 = arith.constant 2.560000e+02 : f32
    %div3A_28 = vector.broadcast %div3A_27 : f32 to vector<128x1xf32>
    %div3A_29 = arith.divf %broadcast_in_dim3A_26, %div3A_28 : vector<128x1xf32>
    %sub3A = vector.broadcast %div3A_29 : vector<128x1xf32> to vector<128x256xf32>
    %sub3A_30 = arith.subf %add3A_18, %sub3A : vector<128x256xf32>
    %square3A = arith.mulf %sub3A_30, %sub3A_30 : vector<128x256xf32>
    %convert_element_type3A = arith.sitofp %jit3A : i32 to f32
    %sub3A_31 = arith.constant 2.560000e+02 : f32
    %sub3A_32 = arith.subf %sub3A_31, %convert_element_type3A : f32
    %reduce_sum3A_33 = arith.constant dense<0.000000e+00> : vector<128xf32>
    %reduce_sum3A_34 = vector.multi_reduction <add>, %square3A, %reduce_sum3A_33 [1] : vector<128x256xf32> to vector<128xf32>
    %broadcast_in_dim3A_35 = vector.shape_cast %reduce_sum3A_34 : vector<128xf32> to vector<128x1xf32>
    %div3A_36 = vector.broadcast %sub3A_32 : f32 to vector<128x1xf32>
    %div3A_37 = arith.divf %broadcast_in_dim3A_35, %div3A_36 : vector<128x1xf32>
    %gt3A = arith.constant 0.000000e+00 : f32
    %gt3A_38 = arith.cmpf ogt, %sub3A_32, %gt3A : f32
    %jit3A_39 = arith.constant 0x7FC00000 : f32
    %broadcast_in_dim3A_40 = vector.broadcast %jit3A_39 : f32 to vector<128x1xf32>
    %select_n3A = arith.select %gt3A_38, %div3A_37, %broadcast_in_dim3A_40 : vector<128x1xf32>
    %sub3A_41 = vector.broadcast %div3A_23 : vector<128x1xf32> to vector<128x256xf32>
    %sub3A_42 = arith.subf %add3A_18, %sub3A_41 : vector<128x256xf32>
    %add3A_43 = arith.constant 9.99999974E-6 : f32
    %add3A_44 = vector.broadcast %add3A_43 : f32 to vector<128x1xf32>
    %add3A_45 = arith.addf %select_n3A, %add3A_44 : vector<128x1xf32>
    %sqrt3A = math.sqrt %add3A_45 : vector<128x1xf32>
    %div3A_46 = vector.broadcast %sqrt3A : vector<128x1xf32> to vector<128x256xf32>
    %div3A_47 = arith.divf %sub3A_42, %div3A_46 : vector<128x256xf32>
    %broadcast_in_dim3A_48 = vector.shape_cast %get3A_11 : vector<256xf32> to vector<1x256xf32>
    %mul3A_49 = vector.broadcast %broadcast_in_dim3A_48 : vector<1x256xf32> to vector<128x256xf32>
    %mul3A_50 = arith.mulf %div3A_47, %mul3A_49 : vector<128x256xf32>
    %broadcast_in_dim3A_51 = vector.shape_cast %get3A_13 : vector<256xf32> to vector<1x256xf32>
    %add3A_52 = vector.broadcast %broadcast_in_dim3A_51 : vector<1x256xf32> to vector<128x256xf32>
    %add3A_53 = arith.addf %mul3A_50, %add3A_52 : vector<128x256xf32>
    %swap3A = arith.constant 0 : index
    %swap3A_54 = arith.constant 0 : index
    %swap3A_55 = vector.load %arg9[%swap3A, %swap3A_54] : memref<128x256xf32, #tpu.memory_space<vmem>>, vector<128x256xf32>
    tpu.vector_store %arg9[%swap3A, %swap3A_54], %add3A_53 {strides = array<i32>} : memref<128x256xf32, #tpu.memory_space<vmem>>, vector<128x256xf32>,
    %get3A_56 = arith.constant 0 : index
    %get3A_57 = arith.constant 0 : index
    %get3A_58 = vector.load %arg7[%get3A_56, %get3A_57] : memref<768x256xf32, #tpu.memory_space<vmem>>, vector<768x256xf32>
    %transpose3A = tpu.transpose %get3A_58, [1, 0] : vector<768x256xf32> -> vector<256x768xf32>
    %dot_general3A_59 = arith.constant dense<0.000000e+00> : vector<128x768xf32>
    %dot_general3A_60 = tpu.matmul %add3A_53, %transpose3A, %dot_general3A_59 {dimension_numbers = #tpu.dot_dimension_numbers<[1], [0], [0], [1], [0, 0, 1, 1], [], []>, transpose_lhs_hint = false} : vector<128x256xf32>, vector<256x768xf32>, vector<128x768xf32> -> vector<128x768xf32>
    %get3A_61 = arith.constant 0 : index
    %get3A_62 = vector.load %arg8[%get3A_61] : memref<768xf32, #tpu.memory_space<vmem>>, vector<768xf32>
    %broadcast_in_dim3A_63 = vector.shape_cast %get3A_62 : vector<768xf32> to vector<1x768xf32>
    %add3A_64 = vector.broadcast %broadcast_in_dim3A_63 : vector<1x768xf32> to vector<128x768xf32>
    %add3A_65 = arith.addf %dot_general3A_60, %add3A_64 : vector<128x768xf32>
    %swap3A_66 = arith.constant 0 : index
    %swap3A_67 = arith.constant 0 : index
    %swap3A_68 = vector.load %arg10[%swap3A_66, %swap3A_67] : memref<128x768xf32, #tpu.memory_space<vmem>>, vector<128x768xf32>
    tpu.vector_store %arg10[%swap3A_66, %swap3A_67], %add3A_65 {strides = array<i32>} : memref<128x768xf32, #tpu.memory_space<vmem>>, vector<128x768xf32>,
    return
  }
  func.func @transform_0(%arg0: i32) -> (i32, i32) {
    %c0_i32 = arith.constant 0 : i32
    %c0_i32_0 = arith.constant 0 : i32
    return %arg0, %c0_i32 : i32, i32
  }
  func.func @transform_1(%arg0: i32) -> i32 {
    %c0_i32 = arith.constant 0 : i32
    return %arg0 : i32
  }
  func.func @transform_2(%arg0: i32) -> (i32, i32) {
    %c0_i32 = arith.constant 0 : i32
    %c0_i32_0 = arith.constant 0 : i32
    %c0_i32_1 = arith.constant 0 : i32
    return %c0_i32, %c0_i32_0 : i32, i32
  }
  func.func @transform_3(%arg0: i32) -> (i32, i32) {
    %c0_i32 = arith.constant 0 : i32
    %c0_i32_0 = arith.constant 0 : i32
    return %arg0, %c0_i32 : i32, i32
  }
  func.func @transform_4(%arg0: i32) -> i32 {
    %c0_i32 = arith.constant 0 : i32
    %c0_i32_0 = arith.constant 0 : i32
    return %c0_i32 : i32
  }
  func.func @transform_5(%arg0: i32) -> i32 {
    %c0_i32 = arith.constant 0 : i32
    %c0_i32_0 = arith.constant 0 : i32
    return %c0_i32 : i32
  }
  func.func @transform_6(%arg0: i32) -> (i32, i32) {
    %c0_i32 = arith.constant 0 : i32
    %c0_i32_0 = arith.constant 0 : i32
    %c0_i32_1 = arith.constant 0 : i32
    return %c0_i32, %c0_i32_0 : i32, i32
  }
  func.func @transform_7(%arg0: i32) -> i32 {
    %c0_i32 = arith.constant 0 : i32
    %c0_i32_0 = arith.constant 0 : i32
    return %c0_i32 : i32
  }
  func.func @transform_8(%arg0: i32) -> (i32, i32) {
    %c0_i32 = arith.constant 0 : i32
    %c0_i32_0 = arith.constant 0 : i32
    return %arg0, %c0_i32 : i32, i32
  }
  func.func @transform_9(%arg0: i32) -> (i32, i32) {
    %c0_i32 = arith.constant 0 : i32
    %c0_i32_0 = arith.constant 0 : i32
    return %arg0, %c0_i32 : i32, i32
  }
}

module attributes {stable_mosaic.version = 14 : i64} {
  func.func @body(%arg0: i32, %arg1: memref<128x768xf32, #tpu.memory_space<vmem>>, %arg2: memref<2048x768xf32, #tpu.memory_space<vmem>>, %arg3: memref<256x256xf32, #tpu.memory_space<vmem>>, %arg4: memref<256xf32, #tpu.memory_space<vmem>>, %arg5: memref<256x256xf32, #tpu.memory_space<vmem>>, %arg6: memref<256xf32, #tpu.memory_space<vmem>>, %arg7: memref<256xf32, #tpu.memory_space<vmem>>, %arg8: memref<256xf32, #tpu.memory_space<vmem>>, %arg9: memref<128x256xf32, #tpu.memory_space<vmem>>) attributes {dimension_semantics = [#tpu.dimension_semantics<arbitrary>], iteration_bounds = array<i64: 16>, scalar_prefetch = 0 : i64, scratch_operands = 0 : i64, tpu.core_type = #tpu.core_type<tc>, window_params = [{transform_indices = @transform_0, window_bounds = array<i64: 128, 768>}, {pipeline_mode = #tpu.pipeline_mode<synchronous>, transform_indices = @transform_1, window_bounds = array<i64: 2048, 768>}, {pipeline_mode = #tpu.pipeline_mode<synchronous>, transform_indices = @transform_2, window_bounds = array<i64: 256, 256>}, {pipeline_mode = #tpu.pipeline_mode<synchronous>, transform_indices = @transform_3, window_bounds = array<i64: 256>}, {pipeline_mode = #tpu.pipeline_mode<synchronous>, transform_indices = @transform_4, window_bounds = array<i64: 256, 256>}, {pipeline_mode = #tpu.pipeline_mode<synchronous>, transform_indices = @transform_5, window_bounds = array<i64: 256>}, {pipeline_mode = #tpu.pipeline_mode<synchronous>, transform_indices = @transform_6, window_bounds = array<i64: 256>}, {pipeline_mode = #tpu.pipeline_mode<synchronous>, transform_indices = @transform_7, window_bounds = array<i64: 256>}, {transform_indices = @transform_8, window_bounds = array<i64: 128, 256>}]} {
    %get3A = arith.constant 0 : index
    %get3A_0 = arith.constant 0 : index
    %get3A_1 = vector.load %arg1[%get3A, %get3A_0] : memref<128x768xf32, #tpu.memory_space<vmem>>, vector<128x768xf32>
    %slice3A = vector.extract_strided_slice %get3A_1 {offsets = [0, 0], sizes = [128, 256], strides = [1, 1]} : vector<128x768xf32> to vector<128x256xf32>
    %get3A_2 = arith.constant 0 : index
    %get3A_3 = arith.constant 0 : index
    %get3A_4 = vector.load %arg2[%get3A_2, %get3A_3] : memref<2048x768xf32, #tpu.memory_space<vmem>>, vector<2048x768xf32>
    %slice3A_5 = vector.extract_strided_slice %get3A_4 {offsets = [0, 256], sizes = [2048, 256], strides = [1, 1]} : vector<2048x768xf32> to vector<2048x256xf32>
    %get3A_6 = arith.constant 0 : index
    %get3A_7 = arith.constant 0 : index
    %get3A_8 = vector.load %arg2[%get3A_6, %get3A_7] : memref<2048x768xf32, #tpu.memory_space<vmem>>, vector<2048x768xf32>
    %slice3A_9 = vector.extract_strided_slice %get3A_8 {offsets = [0, 512], sizes = [2048, 256], strides = [1, 1]} : vector<2048x768xf32> to vector<2048x256xf32>
    %slice3A_10 = vector.extract_strided_slice %slice3A {offsets = [0, 0], sizes = [128, 64], strides = [1, 1]} : vector<128x256xf32> to vector<128x64xf32>
    %slice3A_11 = vector.extract_strided_slice %slice3A_5 {offsets = [0, 0], sizes = [2048, 64], strides = [1, 1]} : vector<2048x256xf32> to vector<2048x64xf32>
    %slice3A_12 = vector.extract_strided_slice %slice3A_9 {offsets = [0, 0], sizes = [2048, 64], strides = [1, 1]} : vector<2048x256xf32> to vector<2048x64xf32>
    %transpose3A = tpu.transpose %slice3A_11, [1, 0] : vector<2048x64xf32> -> vector<64x2048xf32>
    %dot_general3A = arith.constant dense<0.000000e+00> : vector<128x2048xf32>
    %dot_general3A_13 = tpu.matmul %slice3A_10, %transpose3A, %dot_general3A {dimension_numbers = #tpu.dot_dimension_numbers<[1], [0], [0], [1], [0, 0, 1, 1], [], []>, transpose_lhs_hint = false} : vector<128x64xf32>, vector<64x2048xf32>, vector<128x2048xf32> -> vector<128x2048xf32>
    %div3A = arith.constant 8.000000e+00 : f32
    %div3A_14 = vector.broadcast %div3A : f32 to vector<128x2048xf32>
    %div3A_15 = arith.divf %dot_general3A_13, %div3A_14 : vector<128x2048xf32>
    %reduce_max3A = arith.constant dense<0xFF800000> : vector<128xf32>
    %reduce_max3A_16 = vector.multi_reduction <maximumf>, %div3A_15, %reduce_max3A [1] : vector<128x2048xf32> to vector<128xf32>
    %broadcast_in_dim3A = vector.shape_cast %reduce_max3A_16 : vector<128xf32> to vector<128x1xf32>
    %sub3A = vector.broadcast %broadcast_in_dim3A : vector<128x1xf32> to vector<128x2048xf32>
    %sub3A_17 = arith.subf %div3A_15, %sub3A : vector<128x2048xf32>
    %exp3A = math.exp %sub3A_17 : vector<128x2048xf32>
    %reduce_sum3A = arith.constant dense<0.000000e+00> : vector<128xf32>
    %reduce_sum3A_18 = vector.multi_reduction <add>, %exp3A, %reduce_sum3A [1] : vector<128x2048xf32> to vector<128xf32>
    %broadcast_in_dim3A_19 = vector.shape_cast %reduce_sum3A_18 : vector<128xf32> to vector<128x1xf32>
    %div3A_20 = vector.broadcast %broadcast_in_dim3A_19 : vector<128x1xf32> to vector<128x2048xf32>
    %div3A_21 = arith.divf %exp3A, %div3A_20 : vector<128x2048xf32>
    %dot_general3A_22 = arith.constant dense<0.000000e+00> : vector<128x64xf32>
    %dot_general3A_23 = tpu.matmul %div3A_21, %slice3A_12, %dot_general3A_22 {dimension_numbers = #tpu.dot_dimension_numbers<[1], [0], [0], [1], [0, 0, 1, 1], [], []>, transpose_lhs_hint = false} : vector<128x2048xf32>, vector<2048x64xf32>, vector<128x64xf32> -> vector<128x64xf32>
    %slice3A_24 = vector.extract_strided_slice %slice3A {offsets = [0, 64], sizes = [128, 64], strides = [1, 1]} : vector<128x256xf32> to vector<128x64xf32>
    %slice3A_25 = vector.extract_strided_slice %slice3A_5 {offsets = [0, 64], sizes = [2048, 64], strides = [1, 1]} : vector<2048x256xf32> to vector<2048x64xf32>
    %slice3A_26 = vector.extract_strided_slice %slice3A_9 {offsets = [0, 64], sizes = [2048, 64], strides = [1, 1]} : vector<2048x256xf32> to vector<2048x64xf32>
    %transpose3A_27 = tpu.transpose %slice3A_25, [1, 0] : vector<2048x64xf32> -> vector<64x2048xf32>
    %dot_general3A_28 = arith.constant dense<0.000000e+00> : vector<128x2048xf32>
    %dot_general3A_29 = tpu.matmul %slice3A_24, %transpose3A_27, %dot_general3A_28 {dimension_numbers = #tpu.dot_dimension_numbers<[1], [0], [0], [1], [0, 0, 1, 1], [], []>, transpose_lhs_hint = false} : vector<128x64xf32>, vector<64x2048xf32>, vector<128x2048xf32> -> vector<128x2048xf32>
    %div3A_30 = arith.constant 8.000000e+00 : f32
    %div3A_31 = vector.broadcast %div3A_30 : f32 to vector<128x2048xf32>
    %div3A_32 = arith.divf %dot_general3A_29, %div3A_31 : vector<128x2048xf32>
    %reduce_max3A_33 = arith.constant dense<0xFF800000> : vector<128xf32>
    %reduce_max3A_34 = vector.multi_reduction <maximumf>, %div3A_32, %reduce_max3A_33 [1] : vector<128x2048xf32> to vector<128xf32>
    %broadcast_in_dim3A_35 = vector.shape_cast %reduce_max3A_34 : vector<128xf32> to vector<128x1xf32>
    %sub3A_36 = vector.broadcast %broadcast_in_dim3A_35 : vector<128x1xf32> to vector<128x2048xf32>
    %sub3A_37 = arith.subf %div3A_32, %sub3A_36 : vector<128x2048xf32>
    %exp3A_38 = math.exp %sub3A_37 : vector<128x2048xf32>
    %reduce_sum3A_39 = arith.constant dense<0.000000e+00> : vector<128xf32>
    %reduce_sum3A_40 = vector.multi_reduction <add>, %exp3A_38, %reduce_sum3A_39 [1] : vector<128x2048xf32> to vector<128xf32>
    %broadcast_in_dim3A_41 = vector.shape_cast %reduce_sum3A_40 : vector<128xf32> to vector<128x1xf32>
    %div3A_42 = vector.broadcast %broadcast_in_dim3A_41 : vector<128x1xf32> to vector<128x2048xf32>
    %div3A_43 = arith.divf %exp3A_38, %div3A_42 : vector<128x2048xf32>
    %dot_general3A_44 = arith.constant dense<0.000000e+00> : vector<128x64xf32>
    %dot_general3A_45 = tpu.matmul %div3A_43, %slice3A_26, %dot_general3A_44 {dimension_numbers = #tpu.dot_dimension_numbers<[1], [0], [0], [1], [0, 0, 1, 1], [], []>, transpose_lhs_hint = false} : vector<128x2048xf32>, vector<2048x64xf32>, vector<128x64xf32> -> vector<128x64xf32>
    %slice3A_46 = vector.extract_strided_slice %slice3A {offsets = [0, 128], sizes = [128, 64], strides = [1, 1]} : vector<128x256xf32> to vector<128x64xf32>
    %slice3A_47 = vector.extract_strided_slice %slice3A_5 {offsets = [0, 128], sizes = [2048, 64], strides = [1, 1]} : vector<2048x256xf32> to vector<2048x64xf32>
    %slice3A_48 = vector.extract_strided_slice %slice3A_9 {offsets = [0, 128], sizes = [2048, 64], strides = [1, 1]} : vector<2048x256xf32> to vector<2048x64xf32>
    %transpose3A_49 = tpu.transpose %slice3A_47, [1, 0] : vector<2048x64xf32> -> vector<64x2048xf32>
    %dot_general3A_50 = arith.constant dense<0.000000e+00> : vector<128x2048xf32>
    %dot_general3A_51 = tpu.matmul %slice3A_46, %transpose3A_49, %dot_general3A_50 {dimension_numbers = #tpu.dot_dimension_numbers<[1], [0], [0], [1], [0, 0, 1, 1], [], []>, transpose_lhs_hint = false} : vector<128x64xf32>, vector<64x2048xf32>, vector<128x2048xf32> -> vector<128x2048xf32>
    %div3A_52 = arith.constant 8.000000e+00 : f32
    %div3A_53 = vector.broadcast %div3A_52 : f32 to vector<128x2048xf32>
    %div3A_54 = arith.divf %dot_general3A_51, %div3A_53 : vector<128x2048xf32>
    %reduce_max3A_55 = arith.constant dense<0xFF800000> : vector<128xf32>
    %reduce_max3A_56 = vector.multi_reduction <maximumf>, %div3A_54, %reduce_max3A_55 [1] : vector<128x2048xf32> to vector<128xf32>
    %broadcast_in_dim3A_57 = vector.shape_cast %reduce_max3A_56 : vector<128xf32> to vector<128x1xf32>
    %sub3A_58 = vector.broadcast %broadcast_in_dim3A_57 : vector<128x1xf32> to vector<128x2048xf32>
    %sub3A_59 = arith.subf %div3A_54, %sub3A_58 : vector<128x2048xf32>
    %exp3A_60 = math.exp %sub3A_59 : vector<128x2048xf32>
    %reduce_sum3A_61 = arith.constant dense<0.000000e+00> : vector<128xf32>
    %reduce_sum3A_62 = vector.multi_reduction <add>, %exp3A_60, %reduce_sum3A_61 [1] : vector<128x2048xf32> to vector<128xf32>
    %broadcast_in_dim3A_63 = vector.shape_cast %reduce_sum3A_62 : vector<128xf32> to vector<128x1xf32>
    %div3A_64 = vector.broadcast %broadcast_in_dim3A_63 : vector<128x1xf32> to vector<128x2048xf32>
    %div3A_65 = arith.divf %exp3A_60, %div3A_64 : vector<128x2048xf32>
    %dot_general3A_66 = arith.constant dense<0.000000e+00> : vector<128x64xf32>
    %dot_general3A_67 = tpu.matmul %div3A_65, %slice3A_48, %dot_general3A_66 {dimension_numbers = #tpu.dot_dimension_numbers<[1], [0], [0], [1], [0, 0, 1, 1], [], []>, transpose_lhs_hint = false} : vector<128x2048xf32>, vector<2048x64xf32>, vector<128x64xf32> -> vector<128x64xf32>
    %slice3A_68 = vector.extract_strided_slice %slice3A {offsets = [0, 192], sizes = [128, 64], strides = [1, 1]} : vector<128x256xf32> to vector<128x64xf32>
    %slice3A_69 = vector.extract_strided_slice %slice3A_5 {offsets = [0, 192], sizes = [2048, 64], strides = [1, 1]} : vector<2048x256xf32> to vector<2048x64xf32>
    %slice3A_70 = vector.extract_strided_slice %slice3A_9 {offsets = [0, 192], sizes = [2048, 64], strides = [1, 1]} : vector<2048x256xf32> to vector<2048x64xf32>
    %transpose3A_71 = tpu.transpose %slice3A_69, [1, 0] : vector<2048x64xf32> -> vector<64x2048xf32>
    %dot_general3A_72 = arith.constant dense<0.000000e+00> : vector<128x2048xf32>
    %dot_general3A_73 = tpu.matmul %slice3A_68, %transpose3A_71, %dot_general3A_72 {dimension_numbers = #tpu.dot_dimension_numbers<[1], [0], [0], [1], [0, 0, 1, 1], [], []>, transpose_lhs_hint = false} : vector<128x64xf32>, vector<64x2048xf32>, vector<128x2048xf32> -> vector<128x2048xf32>
    %div3A_74 = arith.constant 8.000000e+00 : f32
    %div3A_75 = vector.broadcast %div3A_74 : f32 to vector<128x2048xf32>
    %div3A_76 = arith.divf %dot_general3A_73, %div3A_75 : vector<128x2048xf32>
    %reduce_max3A_77 = arith.constant dense<0xFF800000> : vector<128xf32>
    %reduce_max3A_78 = vector.multi_reduction <maximumf>, %div3A_76, %reduce_max3A_77 [1] : vector<128x2048xf32> to vector<128xf32>
    %broadcast_in_dim3A_79 = vector.shape_cast %reduce_max3A_78 : vector<128xf32> to vector<128x1xf32>
    %sub3A_80 = vector.broadcast %broadcast_in_dim3A_79 : vector<128x1xf32> to vector<128x2048xf32>
    %sub3A_81 = arith.subf %div3A_76, %sub3A_80 : vector<128x2048xf32>
    %exp3A_82 = math.exp %sub3A_81 : vector<128x2048xf32>
    %reduce_sum3A_83 = arith.constant dense<0.000000e+00> : vector<128xf32>
    %reduce_sum3A_84 = vector.multi_reduction <add>, %exp3A_82, %reduce_sum3A_83 [1] : vector<128x2048xf32> to vector<128xf32>
    %broadcast_in_dim3A_85 = vector.shape_cast %reduce_sum3A_84 : vector<128xf32> to vector<128x1xf32>
    %div3A_86 = vector.broadcast %broadcast_in_dim3A_85 : vector<128x1xf32> to vector<128x2048xf32>
    %div3A_87 = arith.divf %exp3A_82, %div3A_86 : vector<128x2048xf32>
    %dot_general3A_88 = arith.constant dense<0.000000e+00> : vector<128x64xf32>
    %dot_general3A_89 = tpu.matmul %div3A_87, %slice3A_70, %dot_general3A_88 {dimension_numbers = #tpu.dot_dimension_numbers<[1], [0], [0], [1], [0, 0, 1, 1], [], []>, transpose_lhs_hint = false} : vector<128x2048xf32>, vector<2048x64xf32>, vector<128x64xf32> -> vector<128x64xf32>
    %concatenate3A = tpu.concatenate %dot_general3A_23, %dot_general3A_45, %dot_general3A_67, %dot_general3A_89 in 1 : vector<128x64xf32>, vector<128x64xf32>, vector<128x64xf32>, vector<128x64xf32> -> vector<128x256xf32>
    %get3A_90 = arith.constant 0 : index
    %get3A_91 = arith.constant 0 : index
    %get3A_92 = vector.load %arg3[%get3A_90, %get3A_91] : memref<256x256xf32, #tpu.memory_space<vmem>>, vector<256x256xf32>
    %transpose3A_93 = tpu.transpose %get3A_92, [1, 0] : vector<256x256xf32> -> vector<256x256xf32>
    %dot_general3A_94 = arith.constant dense<0.000000e+00> : vector<128x256xf32>
    %dot_general3A_95 = tpu.matmul %concatenate3A, %transpose3A_93, %dot_general3A_94 {dimension_numbers = #tpu.dot_dimension_numbers<[1], [0], [0], [1], [0, 0, 1, 1], [], []>, transpose_lhs_hint = false} : vector<128x256xf32>, vector<256x256xf32>, vector<128x256xf32> -> vector<128x256xf32>
    %get3A_96 = arith.constant 0 : index
    %get3A_97 = vector.load %arg4[%get3A_96] : memref<256xf32, #tpu.memory_space<vmem>>, vector<256xf32>
    %broadcast_in_dim3A_98 = vector.shape_cast %get3A_97 : vector<256xf32> to vector<1x256xf32>
    %add3A = vector.broadcast %broadcast_in_dim3A_98 : vector<1x256xf32> to vector<128x256xf32>
    %add3A_99 = arith.addf %dot_general3A_95, %add3A : vector<128x256xf32>
    %get3A_100 = arith.constant 0 : index
    %get3A_101 = arith.constant 0 : index
    %get3A_102 = vector.load %arg5[%get3A_100, %get3A_101] : memref<256x256xf32, #tpu.memory_space<vmem>>, vector<256x256xf32>
    %transpose3A_103 = tpu.transpose %get3A_102, [1, 0] : vector<256x256xf32> -> vector<256x256xf32>
    %dot_general3A_104 = arith.constant dense<0.000000e+00> : vector<128x256xf32>
    %dot_general3A_105 = tpu.matmul %add3A_99, %transpose3A_103, %dot_general3A_104 {dimension_numbers = #tpu.dot_dimension_numbers<[1], [0], [0], [1], [0, 0, 1, 1], [], []>, transpose_lhs_hint = false} : vector<128x256xf32>, vector<256x256xf32>, vector<128x256xf32> -> vector<128x256xf32>
    %get3A_106 = arith.constant 0 : index
    %get3A_107 = vector.load %arg6[%get3A_106] : memref<256xf32, #tpu.memory_space<vmem>>, vector<256xf32>
    %broadcast_in_dim3A_108 = vector.shape_cast %get3A_107 : vector<256xf32> to vector<1x256xf32>
    %add3A_109 = vector.broadcast %broadcast_in_dim3A_108 : vector<1x256xf32> to vector<128x256xf32>
    %add3A_110 = arith.addf %dot_general3A_105, %add3A_109 : vector<128x256xf32>
    %get3A_111 = arith.constant 0 : index
    %get3A_112 = vector.load %arg7[%get3A_111] : memref<256xf32, #tpu.memory_space<vmem>>, vector<256xf32>
    %get3A_113 = arith.constant 0 : index
    %get3A_114 = vector.load %arg8[%get3A_113] : memref<256xf32, #tpu.memory_space<vmem>>, vector<256xf32>
    %reduce_sum3A_115 = arith.constant dense<0.000000e+00> : vector<128xf32>
    %reduce_sum3A_116 = vector.multi_reduction <add>, %add3A_110, %reduce_sum3A_115 [1] : vector<128x256xf32> to vector<128xf32>
    %broadcast_in_dim3A_117 = vector.shape_cast %reduce_sum3A_116 : vector<128xf32> to vector<128x1xf32>
    %div3A_118 = arith.constant 2.560000e+02 : f32
    %div3A_119 = vector.broadcast %div3A_118 : f32 to vector<128x1xf32>
    %div3A_120 = arith.divf %broadcast_in_dim3A_117, %div3A_119 : vector<128x1xf32>
    %jit3A = arith.constant 0 : i32
    %reduce_sum3A_121 = arith.constant dense<0.000000e+00> : vector<128xf32>
    %reduce_sum3A_122 = vector.multi_reduction <add>, %add3A_110, %reduce_sum3A_121 [1] : vector<128x256xf32> to vector<128xf32>
    %broadcast_in_dim3A_123 = vector.shape_cast %reduce_sum3A_122 : vector<128xf32> to vector<128x1xf32>
    %div3A_124 = arith.constant 2.560000e+02 : f32
    %div3A_125 = vector.broadcast %div3A_124 : f32 to vector<128x1xf32>
    %div3A_126 = arith.divf %broadcast_in_dim3A_123, %div3A_125 : vector<128x1xf32>
    %sub3A_127 = vector.broadcast %div3A_126 : vector<128x1xf32> to vector<128x256xf32>
    %sub3A_128 = arith.subf %add3A_110, %sub3A_127 : vector<128x256xf32>
    %square3A = arith.mulf %sub3A_128, %sub3A_128 : vector<128x256xf32>
    %convert_element_type3A = arith.sitofp %jit3A : i32 to f32
    %sub3A_129 = arith.constant 2.560000e+02 : f32
    %sub3A_130 = arith.subf %sub3A_129, %convert_element_type3A : f32
    %reduce_sum3A_131 = arith.constant dense<0.000000e+00> : vector<128xf32>
    %reduce_sum3A_132 = vector.multi_reduction <add>, %square3A, %reduce_sum3A_131 [1] : vector<128x256xf32> to vector<128xf32>
    %broadcast_in_dim3A_133 = vector.shape_cast %reduce_sum3A_132 : vector<128xf32> to vector<128x1xf32>
    %div3A_134 = vector.broadcast %sub3A_130 : f32 to vector<128x1xf32>
    %div3A_135 = arith.divf %broadcast_in_dim3A_133, %div3A_134 : vector<128x1xf32>
    %gt3A = arith.constant 0.000000e+00 : f32
    %gt3A_136 = arith.cmpf ogt, %sub3A_130, %gt3A : f32
    %jit3A_137 = arith.constant 0x7FC00000 : f32
    %broadcast_in_dim3A_138 = vector.broadcast %jit3A_137 : f32 to vector<128x1xf32>
    %select_n3A = arith.select %gt3A_136, %div3A_135, %broadcast_in_dim3A_138 : vector<128x1xf32>
    %sub3A_139 = vector.broadcast %div3A_120 : vector<128x1xf32> to vector<128x256xf32>
    %sub3A_140 = arith.subf %add3A_110, %sub3A_139 : vector<128x256xf32>
    %add3A_141 = arith.constant 9.99999974E-6 : f32
    %add3A_142 = vector.broadcast %add3A_141 : f32 to vector<128x1xf32>
    %add3A_143 = arith.addf %select_n3A, %add3A_142 : vector<128x1xf32>
    %sqrt3A = math.sqrt %add3A_143 : vector<128x1xf32>
    %div3A_144 = vector.broadcast %sqrt3A : vector<128x1xf32> to vector<128x256xf32>
    %div3A_145 = arith.divf %sub3A_140, %div3A_144 : vector<128x256xf32>
    %broadcast_in_dim3A_146 = vector.shape_cast %get3A_112 : vector<256xf32> to vector<1x256xf32>
    %mul3A = vector.broadcast %broadcast_in_dim3A_146 : vector<1x256xf32> to vector<128x256xf32>
    %mul3A_147 = arith.mulf %div3A_145, %mul3A : vector<128x256xf32>
    %broadcast_in_dim3A_148 = vector.shape_cast %get3A_114 : vector<256xf32> to vector<1x256xf32>
    %add3A_149 = vector.broadcast %broadcast_in_dim3A_148 : vector<1x256xf32> to vector<128x256xf32>
    %add3A_150 = arith.addf %mul3A_147, %add3A_149 : vector<128x256xf32>
    %swap3A = arith.constant 0 : index
    %swap3A_151 = arith.constant 0 : index
    %swap3A_152 = vector.load %arg9[%swap3A, %swap3A_151] : memref<128x256xf32, #tpu.memory_space<vmem>>, vector<128x256xf32>
    tpu.vector_store %arg9[%swap3A, %swap3A_151], %add3A_150 {strides = array<i32>} : memref<128x256xf32, #tpu.memory_space<vmem>>, vector<128x256xf32>,
    return
  }
  func.func @transform_0(%arg0: i32) -> (i32, i32) {
    %c0_i32 = arith.constant 0 : i32
    %c0_i32_0 = arith.constant 0 : i32
    return %arg0, %c0_i32 : i32, i32
  }
  func.func @transform_1(%arg0: i32) -> (i32, i32) {
    %c0_i32 = arith.constant 0 : i32
    %c0_i32_0 = arith.constant 0 : i32
    %c0_i32_1 = arith.constant 0 : i32
    return %c0_i32, %c0_i32_0 : i32, i32
  }
  func.func @transform_2(%arg0: i32) -> (i32, i32) {
    %c0_i32 = arith.constant 0 : i32
    %c0_i32_0 = arith.constant 0 : i32
    %c0_i32_1 = arith.constant 0 : i32
    return %c0_i32, %c0_i32_0 : i32, i32
  }
  func.func @transform_3(%arg0: i32) -> i32 {
    %c0_i32 = arith.constant 0 : i32
    %c0_i32_0 = arith.constant 0 : i32
    return %c0_i32 : i32
  }
  func.func @transform_4(%arg0: i32) -> (i32, i32) {
    %c0_i32 = arith.constant 0 : i32
    %c0_i32_0 = arith.constant 0 : i32
    %c0_i32_1 = arith.constant 0 : i32
    return %c0_i32, %c0_i32_0 : i32, i32
  }
  func.func @transform_5(%arg0: i32) -> i32 {
    %c0_i32 = arith.constant 0 : i32
    %c0_i32_0 = arith.constant 0 : i32
    return %c0_i32 : i32
  }
  func.func @transform_6(%arg0: i32) -> i32 {
    %c0_i32 = arith.constant 0 : i32
    %c0_i32_0 = arith.constant 0 : i32
    return %c0_i32 : i32
  }
  func.func @transform_7(%arg0: i32) -> i32 {
    %c0_i32 = arith.constant 0 : i32
    %c0_i32_0 = arith.constant 0 : i32
    return %c0_i32 : i32
  }
  func.func @transform_8(%arg0: i32) -> (i32, i32) {
    %c0_i32 = arith.constant 0 : i32
    %c0_i32_0 = arith.constant 0 : i32
    return %arg0, %c0_i32 : i32, i32
  }
}

</mosaic_0001>

<sc_bundles>
// kernel: scatter_offload_async_start.1
scs
__scs_entry_jumppad:
0x0: {  	(pc) =	sbr.rel $0x88, $3  }
0x1: {  	(tag) =	ssettag $0x0;
	lr =	simm.s32 $0x1  }
0x2: {  	[smem:$0x3F7F] =	sst lr;
	_ =	strace $0xD0000000  }
0x3: {  	_ = 	snop  }
0x4: {  	_ = 	snop  }
0x5: {  	_ = 	snop  }
0x6: {  	_ = 	snop  }
0x7: {  	_ = 	snop  }
__scs_overlays_trampoline_lowered:
0x8: {  	[smem:$0x3F8E] =	sst s0  }
0x9: {  	[smem:$0x3F8F] =	sst s1  }
0xa: {  	[smem:$0x3F90] =	sst s2  }
0xb: {  	[smem:$0x3F91] =	sst s3  }
0xc: {  	[smem:$0x3F92] =	sst s4  }
0xd: {  	[smem:$0x3F93] =	sst s5  }
0xe: {  	[smem:$0x3F94] =	sst s6  }
0xf: {  	[smem:$0x3F95] =	sst s7  }
0x10: {  	[smem:$0x3F96] =	sst s8  }
0x11: {  	[smem:$0x3F97] =	sst s9;
	s0 =	simm.s32 @!p0 $0x0  }
0x12: {  	s1 =	sld [smem:$0x3F7D];
	s0 =	simm.s32 @p0 $0x1  }
0x13: {  	[smem:$0x3F98] =	sst s0;
	s0 =	simm.s32 @!p1 $0x0  }
0x14: {  	s2 =	sld [smem:$0x3F7C];
	s0 =	simm.s32 @p1 $0x1  }
0x15: {  	[smem:$0x3F99] =	sst s0;
	s0 =	simm.s32 @!p2 $0x0  }
0x16: {  	s3 =	sld [smem:$0x3FDB];
	s0 =	simm.s32 @p2 $0x1  }
0x17: {  	s4 =	simm.s32 $0x1BF5;
	[smem:$0x3F9B] =	sst s0  }
0x18: {  	s0 =	sld [smem:$0x3F7E];
	_ =	swait.ge [sflag:s4], $0x0  }
0x19: {  	s7 =	sld [smem:$0x3F7F]  }
0x1a: {  	s8 =	sadd.s32 $0xFFFFE003, lr  }
0x1b: {  	s9 =	sadd.s32 $0xFFFFFEF7, lr;
	s5 =	simm.s32 $0xFFFFFFFF;
	p2 =	slt.u32 s8, $0xFFFFF086  }
0x1c: {  	p1 =	slt.u32 s9, $0xF7A;
	s5 =	simm.s32 @!p2 $0x0  }
0x1d: {  	s5 =	simm.s32 @p1 $0x1;
	p0 =	seq.s32 s7, s2  }
0x1e: {  	s7 =	smul.u32 @!p0 $0xF7A, s2;
	p2 =	seq.s32 @!p0 s5, $0x0  }
0x1f: {  	s9 =	smul.u32 $0xF7A, s1;
	s8 =	simm.s32 @!p0 $0x1BF5;
	p2 =	por !p2, p0  }
0x20: {  	[sflag:s8] =	ssyncset.s32 @!p0 $0xFFFFF086;
	s6 =	sadd.s32 @!p0 s3, s7;
	s7 =	simm.s32 @!p0 $0x108  }
0x21: {  	s3 =	sadd.s32 s3, s9;
	s6 =	sadd.s32 @!p0 $0x88, s6;
	s7 =	simm.s32 @p2 $0x1082  }
0x22: {  	[simem:s7], [sflag:s8] =	dma.local @!p0 [hbm:s6], $0xF7A  }
0x23: {  	s9 =	sor.u32 $0xD0000000, s2;
	s6 =	simm.s32 $0x108;
	_ =	swait.ge @!p0 [sflag:s8], $0x0  }
0x24: {  	s3 =	sadd.s32 $0x88, s3;
	s6 =	simm.s32 @!p1 $0x1082;
	[sflag:s4] =	ssyncset.s32 $0xFFFFF086  }
0x25: {  	[simem:s6], [sflag:s4] =	dma.local [hbm:s3], $0xF7A  }
0x26: {  	[smem:$0x3F7F] =	sst s1;
	(tag) =	ssettag s2;
	_ =	strace s9  }
0x27: {  	s1 =	sld [smem:$0x3F8F]  }
0x28: {  	s2 =	sld [smem:$0x3F90]  }
0x29: {  	s4 =	sld [smem:$0x3F92]  }
0x2a: {  	p0 =	seq.s32 s5, $0x0;
	s5 =	sld [smem:$0x3F93]  }
0x2b: {  	s6 =	sld [smem:$0x3F94]  }
0x2c: {  	s7 =	sld [smem:$0x3F95]  }
0x2d: {  	s3 =	simm.s32 $0x108;
	s8 =	sld [smem:$0x3F96]  }
0x2e: {  	s3 =	simm.s32 @!p0 $0x1082;
	s9 =	sld [smem:$0x3F97]  }
0x2f: {  	lr =	sadd.s32 s0, s3;
	s0 =	sld [smem:$0x3F8E]  }
0x30: {  	s3 =	sld [smem:$0x3F91]  }
0x31: {  	[smem:$0x3F9A] =	sst s10  }
0x32: {  	s10 =	sld [smem:$0x3F98];
	_ =	sdelay $0x3  }
0x33: {  	p0 =	seq.s32 s10, $0x1;
	s10 =	sld [smem:$0x3F9A];
	_ =	sdelay $0x3  }
0x34: {  	[smem:$0x3F9A] =	sst s10  }
0x35: {  	s10 =	sld [smem:$0x3F99];
	_ =	sdelay $0x3  }
0x36: {  	p1 =	seq.s32 s10, $0x1;
	s10 =	sld [smem:$0x3F9A];
	_ =	sdelay $0x3  }
0x37: {  	[smem:$0x3F9A] =	sst s10  }
0x38: {  	s10 =	sld [smem:$0x3F9B]  }
0x39: {  	_ = 	snop;
	(pc) =	sbr.ind lr, $3  }
0x3a: {  	_ = 	snop  }
0x3b: {  	_ = 	snop  }
0x3c: {  	p2 =	seq.s32 s10, $0x1;
	s10 =	sld [smem:$0x3F9A]  }
0x3d: {  	_ =	shalt  }
0x3e: {  	_ =	shalt  }
0x3f: {  	_ =	shalt  }
0x40: {  	_ =	shalt  }
0x41: {  	_ =	shalt  }
0x42: {  	_ =	shalt  }
0x43: {  	_ =	shalt  }
0x44: {  	_ =	shalt  }
0x45: {  	_ =	shalt  }
0x46: {  	_ =	shalt  }
0x47: {  	_ =	shalt  }
0x48: {  	_ =	shalt  }
0x49: {  	_ =	shalt  }
0x4a: {  	_ =	shalt  }
0x4b: {  	_ =	shalt  }
0x4c: {  	_ =	shalt  }
0x4d: {  	_ =	shalt  }
0x4e: {  	_ =	shalt  }
0x4f: {  	_ =	shalt  }
0x50: {  	_ =	shalt  }
0x51: {  	_ =	shalt  }
0x52: {  	_ =	shalt  }
0x53: {  	_ =	shalt  }
0x54: {  	_ =	shalt  }
0x55: {  	_ =	shalt  }
0x56: {  	_ =	shalt  }
0x57: {  	_ =	shalt  }
0x58: {  	_ =	shalt  }
0x59: {  	_ =	shalt  }
0x5a: {  	_ =	shalt  }
0x5b: {  	_ =	shalt  }
0x5c: {  	_ =	shalt  }
0x5d: {  	_ =	shalt  }
0x5e: {  	_ =	shalt  }
0x5f: {  	_ =	shalt  }
0x60: {  	_ =	shalt  }
0x61: {  	_ =	shalt  }
0x62: {  	_ =	shalt  }
0x63: {  	_ =	shalt  }
0x64: {  	_ =	shalt  }
0x65: {  	_ =	shalt  }
0x66: {  	_ =	shalt  }
0x67: {  	_ =	shalt  }
0x68: {  	_ =	shalt  }
0x69: {  	_ =	shalt  }
0x6a: {  	_ =	shalt  }
0x6b: {  	_ =	shalt  }
0x6c: {  	_ =	shalt  }
0x6d: {  	_ =	shalt  }
0x6e: {  	_ =	shalt  }
0x6f: {  	_ =	shalt  }
0x70: {  	_ =	shalt  }
0x71: {  	_ =	shalt  }
0x72: {  	_ =	shalt  }
0x73: {  	_ =	shalt  }
0x74: {  	_ =	shalt  }
0x75: {  	_ =	shalt  }
0x76: {  	_ =	shalt  }
0x77: {  	_ =	shalt  }
0x78: {  	_ =	shalt  }
0x79: {  	_ =	shalt  }
0x7a: {  	_ =	shalt  }
0x7b: {  	_ =	shalt  }
0x7c: {  	_ =	shalt  }
0x7d: {  	_ =	shalt  }
0x7e: {  	_ =	shalt  }
0x7f: {  	_ =	shalt  }
0x80: {  	_ =	shalt  }
0x81: {  	_ =	shalt  }
0x82: {  	_ =	shalt  }
0x83: {  	_ =	shalt  }
0x84: {  	_ =	shalt  }
0x85: {  	_ =	shalt  }
0x86: {  	_ =	shalt  }
0x87: {  	_ =	shalt  }
.Lfunc_end0:
.L_simem_size_0:
called_computation.1_lowered:
.L_overlay_start_0:
0x88: {  	s2 =	sld [smem:$0x3FD9]  }
0x89: {  	s3 =	sld [smem:$0x3FFE];
	_ =	sdelay $0x1  }
0x8a: {  	s1 =	srdreg.scid  }
0x8b: {  	s0 =	sand.u32 $0x1, s1  }
0x8c: {  	s15 =	sshll.u32 s0, $0xA;
	s2 =	sadd.s32 s3, s2  }
0x8d: {  	s2 =	sadd.s32 s2, s15  }
0x8e: {  	[smem:$0x3FA6] =	sst s2  }
0x8f: {  	_ = 	snop  }
0x90: {  	(tm) =	ssettm $0x1  }
0x91: {  	s16 =	sld [smem:$0x3FFB];
	_ =	sdelay $0x3  }
0x92: {  	_ =	strace s16  }
0x93: {  	s2 =	sld [smem:$0x3FFC];
	_ =	sdelay $0x3  }
0x94: {  	_ =	strace s2  }
0x95: {  	s2 =	sld [smem:$0x3FFD];
	_ =	sdelay $0x3  }
0x96: {  	_ =	strace s2  }
0x97: {  	_ =	strace $0x8FFFFFFF  }
0x98: {  	s17 =	sld [smem:$0x3FDB];
	_ =	sdelay $0x1  }
0x99: {  	s18 =	simm.s32 $_scs_section_size  }
0x9a: {  	s4 =	simm.s32 $_size__tile_overlayer_lowered;
	s5 =	simm.s32 $_tile_overlayer_lowered  }
0x9b: {  	s21 =	simm.s32 $0x1BFF;
	s20 =	sshll.u32 s5, $0x1;
	s2 =	sadd.s32 s18, s17  }
0x9c: {  	s6 =	simm.s32 $0x0;
	s19 =	sshll.u32 s4, $0x1;
	s4 =	sadd.s32 s20, s2  }
0x9d: {  	[timem:s6], [sflag:s21] =	dma.local [hbm:s4], s19  }
0x9e: {  	_ =	swait.ge [sflag:s21], s19  }
0x9f: {  	s3 =	ssub.s32 $0x0, s19;
	[sflag:s21] =	ssyncset.done $0x0  }
0xa0: {  	[sflag:s21] =	ssyncadd.s32 s3;
	_ =	sdelay $0x1  }
0xa1: {  	s22 =	simm.s32 $0x1B8B  }
0xa2: {  	_ =	swait.ge [sflag:s22], $0x1  }
0xa3: {  	[sflag:s22] =	ssyncset.done $0x0  }
0xa4: {  	s23 =	sld [smem:$0x3FFE];
	[sflag:s22] =	ssyncadd.s32 $0xFFFFFFFF  }
0xa5: {  	s25 =	simm.s32 $0x1B8E;
	s24 =	sld [smem:$0x0]  }
0xa6: {  	s26 =	simm.s32 $execute0_lowered;
	[smem:$0x3FD2] =	sst s25  }
0xa7: {  	s5 =	sshll.u32 s26, $0x1;
	_ =	strace $0x80000052;
	[dreg:$0x1] =	wrdreg $0xFFFFFFFF  }
0xa8: {  	s28 =	simm.s32 $_size_execute0_lowered;
	s2 =	sadd.s32 s2, s5;
	[dreg:$0x0] =	wrdreg $0x0  }
0xa9: {  	s5 =	sshll.u32 s28, $0x1;
	[dreg:$0x2] =	wrdreg s2  }
0xaa: {  	[dreg:$0x3] =	wrdreg s5  }
0xab: {  	[dreg:$0x4] =	wrdreg $0xC0  }
0xac: {  	_ =	task [dreg:s6], $0x5FFFF  }
0xad: {  	[dreg:$0x1] =	wrdreg $0xFFFFFFFF  }
0xae: {  	[dreg:$0x0] =	wrdreg $0x60  }
0xaf: {  	[dreg:$0x2] =	wrdreg s23  }
0xb0: {  	[dreg:$0x3] =	wrdreg s1  }
0xb1: {  	[dreg:$0x4] =	wrdreg s24  }
0xb2: {  	[dreg:$0x5] =	wrdreg $0x9  }
0xb3: {  	_ =	task.clear_ibuf [dreg:s6], $0x6FFFF;
	_ =	strace $0x90000052  }
0xb4: {  	s29 =	simm.s32 $0x9;
	_ =	strace $0x80000054  }
0xb5: {  	_ =	swait.ge [sflag:s29], $0x1  }
0xb6: {  	[sflag:s29] =	ssyncadd.s32 $0xFFFFFFFF  }
0xb7: {  	_ =	strace $0x90000054  }
0xb8: {  	_ =	sfence  }
0xb9: {  	s30 =	sld [smem:$0x0];
	_ =	sdelay $0x2  }
0xba: {  	s31 =	sshll.u32 s1, $0xD;
	s1 =	sshrl.u32 s1, $0x2  }
0xbb: {  	s3 =	sand.u32 $0x4000, s31;
	s1 =	sadd.s32 s1, s30  }
0xbc: {  	s0 =	sor.u32 s3, s0;
	s1 =	sshll.u32 s1, $0x11  }
0xbd: {  	s0 =	sor.u32 s1, s0  }
0xbe: {  	s0 =	sadd.s32 $0x8F2B, s0  }
0xbf: {  	[sflag:s0] =	ssyncadd.remote.s32 $0x1  }
0xc0: {  	_ =	sfence.sel $0xFFFF  }
0xc1: {  	[dreg:$0x0] =	wrdreg $0xFFFFFFFF;
	(pc) =	sbr.abs _section_cstart, $3  }
0xc2: {  	[dreg:$0x1] =	wrdreg $0xFFFFFFFF  }
0xc3: {  	_ =	task.clear_ibuf [dreg:s6], $0x2FFFF;
	_ =	strace $0x9FFFFFFF  }
0xc4: {  	(tm) =	ssettm $0x7FFFFFFF  }
0xc5: {  	_ =	shalt  }
tec
execute0_lowered:
.L_overlay_start_1:
0x0: {  	(tag) =	ssettag $0x1  }
0x1: {  	s11 =	rddreg [dreg:$0x0]  }
0x2: {  	s2 =	rddreg [dreg:$0x1];
	_ =	strace $0x80000053;
	s12 =	simm.s32 $0x1  }
0x3: {  	v0 =	vimm.s32 $0x0;
	[sflag:s12] =	ssyncpa.u1 $0x0  }
0x4: {  	[tilespmem:$0x28] =	vst v0  }
0x5: {  	[tilespmem:$0x38] =	vst v0  }
0x6: {  	[tilespmem:$0x48] =	vst v0  }
0x7: {  	[tilespmem:$0x58] =	vst v0  }
0x8: {  	[tilespmem:$0x68] =	vst v0  }
0x9: {  	[tilespmem:$0x78] =	vst v0  }
0xa: {  	[tilespmem:$0x88] =	vst v0  }
0xb: {  	[tilespmem:$0x98] =	vst v0  }
0xc: {  	[tilespmem:$0xA8] =	vst v0  }
0xd: {  	[tilespmem:$0xB8] =	vst v0  }
0xe: {  	[tilespmem:$0xC8] =	vst v0  }
0xf: {  	[tilespmem:$0xD8] =	vst v0  }
0x10: {  	[tilespmem:$0xE8] =	vst v0  }
0x11: {  	[tilespmem:$0xF8] =	vst v0  }
0x12: {  	[tilespmem:$0x108] =	vst v0  }
0x13: {  	[tilespmem:$0x118] =	vst v0  }
0x14: {  	[tilespmem:$0x128] =	vst v0  }
0x15: {  	[tilespmem:$0x138] =	vst v0  }
0x16: {  	[tilespmem:$0x148] =	vst v0  }
0x17: {  	[tilespmem:$0x158] =	vst v0  }
0x18: {  	[tilespmem:$0x168] =	vst v0  }
0x19: {  	[tilespmem:$0x178] =	vst v0  }
0x1a: {  	[tilespmem:$0x188] =	vst v0  }
0x1b: {  	[tilespmem:$0x198] =	vst v0  }
0x1c: {  	[tilespmem:$0x1A8] =	vst v0  }
0x1d: {  	[tilespmem:$0x1B8] =	vst v0  }
0x1e: {  	[tilespmem:$0x1C8] =	vst v0  }
0x1f: {  	[tilespmem:$0x1D8] =	vst v0  }
0x20: {  	[tilespmem:$0x1E8] =	vst v0  }
0x21: {  	[tilespmem:$0x1F8] =	vst v0  }
0x22: {  	[tilespmem:$0x208] =	vst v0  }
0x23: {  	[tilespmem:$0x218] =	vst v0  }
0x24: {  	[tilespmem:$0x228] =	vst v0  }
0x25: {  	[tilespmem:$0x238] =	vst v0  }
0x26: {  	[tilespmem:$0x248] =	vst v0  }
0x27: {  	[tilespmem:$0x258] =	vst v0  }
0x28: {  	[tilespmem:$0x268] =	vst v0  }
0x29: {  	[tilespmem:$0x278] =	vst v0  }
0x2a: {  	[tilespmem:$0x288] =	vst v0  }
0x2b: {  	[tilespmem:$0x298] =	vst v0  }
0x2c: {  	[tilespmem:$0x2A8] =	vst v0  }
0x2d: {  	[tilespmem:$0x2B8] =	vst v0  }
0x2e: {  	[tilespmem:$0x2C8] =	vst v0  }
0x2f: {  	[tilespmem:$0x2D8] =	vst v0  }
0x30: {  	[tilespmem:$0x2E8] =	vst v0  }
0x31: {  	[tilespmem:$0x2F8] =	vst v0  }
0x32: {  	[tilespmem:$0x308] =	vst v0  }
0x33: {  	[tilespmem:$0x318] =	vst v0  }
0x34: {  	[tilespmem:$0x328] =	vst v0  }
0x35: {  	[tilespmem:$0x338] =	vst v0  }
0x36: {  	[tilespmem:$0x348] =	vst v0  }
0x37: {  	[tilespmem:$0x358] =	vst v0  }
0x38: {  	[tilespmem:$0x368] =	vst v0  }
0x39: {  	[tilespmem:$0x378] =	vst v0  }
0x3a: {  	[tilespmem:$0x388] =	vst v0  }
0x3b: {  	[tilespmem:$0x398] =	vst v0  }
0x3c: {  	[tilespmem:$0x3A8] =	vst v0  }
0x3d: {  	[tilespmem:$0x3B8] =	vst v0  }
0x3e: {  	[tilespmem:$0x3C8] =	vst v0  }
0x3f: {  	[tilespmem:$0x3D8] =	vst v0  }
0x40: {  	[tilespmem:$0x3E8] =	vst v0  }
0x41: {  	[tilespmem:$0x3F8] =	vst v0  }
0x42: {  	[tilespmem:$0x408] =	vst v0  }
0x43: {  	[tilespmem:$0x418] =	vst v0  }
0x44: {  	[tilespmem:$0x428] =	vst v0  }
0x45: {  	[tilespmem:$0x438] =	vst v0  }
0x46: {  	[tilespmem:$0x448] =	vst v0  }
0x47: {  	[tilespmem:$0x458] =	vst v0  }
0x48: {  	[tilespmem:$0x468] =	vst v0  }
0x49: {  	[tilespmem:$0x478] =	vst v0  }
0x4a: {  	[tilespmem:$0x488] =	vst v0  }
0x4b: {  	[tilespmem:$0x498] =	vst v0  }
0x4c: {  	[tilespmem:$0x4A8] =	vst v0  }
0x4d: {  	[tilespmem:$0x4B8] =	vst v0  }
0x4e: {  	[tilespmem:$0x4C8] =	vst v0  }
0x4f: {  	[tilespmem:$0x4D8] =	vst v0  }
0x50: {  	[tilespmem:$0x4E8] =	vst v0  }
0x51: {  	[tilespmem:$0x4F8] =	vst v0  }
0x52: {  	[tilespmem:$0x508] =	vst v0  }
0x53: {  	[tilespmem:$0x518] =	vst v0  }
0x54: {  	[tilespmem:$0x528] =	vst v0  }
0x55: {  	[tilespmem:$0x538] =	vst v0  }
0x56: {  	[tilespmem:$0x548] =	vst v0  }
0x57: {  	[tilespmem:$0x558] =	vst v0  }
0x58: {  	[tilespmem:$0x568] =	vst v0  }
0x59: {  	[tilespmem:$0x578] =	vst v0  }
0x5a: {  	[tilespmem:$0x588] =	vst v0  }
0x5b: {  	[tilespmem:$0x598] =	vst v0  }
0x5c: {  	[tilespmem:$0x5A8] =	vst v0  }
0x5d: {  	[tilespmem:$0x5B8] =	vst v0  }
0x5e: {  	[tilespmem:$0x5C8] =	vst v0  }
0x5f: {  	[tilespmem:$0x5D8] =	vst v0  }
0x60: {  	[tilespmem:$0x5E8] =	vst v0  }
0x61: {  	[tilespmem:$0x5F8] =	vst v0  }
0x62: {  	[tilespmem:$0x608] =	vst v0  }
0x63: {  	[tilespmem:$0x618] =	vst v0  }
0x64: {  	[tilespmem:$0x628] =	vst v0  }
0x65: {  	[tilespmem:$0x638] =	vst v0  }
0x66: {  	[tilespmem:$0x648] =	vst v0  }
0x67: {  	[tilespmem:$0x658] =	vst v0  }
0x68: {  	[tilespmem:$0x668] =	vst v0  }
0x69: {  	[tilespmem:$0x678] =	vst v0  }
0x6a: {  	[tilespmem:$0x688] =	vst v0  }
0x6b: {  	[tilespmem:$0x698] =	vst v0  }
0x6c: {  	[tilespmem:$0x6A8] =	vst v0  }
0x6d: {  	[tilespmem:$0x6B8] =	vst v0  }
0x6e: {  	[tilespmem:$0x6C8] =	vst v0  }
0x6f: {  	[tilespmem:$0x6D8] =	vst v0  }
0x70: {  	[tilespmem:$0x6E8] =	vst v0  }
0x71: {  	[tilespmem:$0x6F8] =	vst v0  }
0x72: {  	[tilespmem:$0x708] =	vst v0  }
0x73: {  	[tilespmem:$0x718] =	vst v0  }
0x74: {  	[tilespmem:$0x728] =	vst v0  }
0x75: {  	[tilespmem:$0x738] =	vst v0  }
0x76: {  	[tilespmem:$0x748] =	vst v0  }
0x77: {  	[tilespmem:$0x758] =	vst v0  }
0x78: {  	[tilespmem:$0x768] =	vst v0  }
0x79: {  	[tilespmem:$0x778] =	vst v0  }
0x7a: {  	[tilespmem:$0x788] =	vst v0  }
0x7b: {  	[tilespmem:$0x798] =	vst v0  }
0x7c: {  	[tilespmem:$0x7A8] =	vst v0  }
0x7d: {  	[tilespmem:$0x7B8] =	vst v0  }
0x7e: {  	[tilespmem:$0x7C8] =	vst v0  }
0x7f: {  	[tilespmem:$0x7D8] =	vst v0  }
0x80: {  	[tilespmem:$0x7E8] =	vst v0  }
0x81: {  	[tilespmem:$0x7F8] =	vst v0  }
0x82: {  	[tilespmem:$0x808] =	vst v0  }
0x83: {  	[tilespmem:$0x818] =	vst v0  }
0x84: {  	[tilespmem:$0x828] =	vst v0  }
0x85: {  	[tilespmem:$0x838] =	vst v0  }
0x86: {  	[tilespmem:$0x848] =	vst v0  }
0x87: {  	[tilespmem:$0x858] =	vst v0  }
0x88: {  	[tilespmem:$0x868] =	vst v0  }
0x89: {  	[tilespmem:$0x878] =	vst v0  }
0x8a: {  	[tilespmem:$0x888] =	vst v0  }
0x8b: {  	[tilespmem:$0x898] =	vst v0  }
0x8c: {  	[tilespmem:$0x8A8] =	vst v0  }
0x8d: {  	[tilespmem:$0x8B8] =	vst v0  }
0x8e: {  	[tilespmem:$0x8C8] =	vst v0  }
0x8f: {  	[tilespmem:$0x8D8] =	vst v0  }
0x90: {  	[tilespmem:$0x8E8] =	vst v0  }
0x91: {  	[tilespmem:$0x8F8] =	vst v0  }
0x92: {  	[tilespmem:$0x908] =	vst v0  }
0x93: {  	[tilespmem:$0x918] =	vst v0  }
0x94: {  	[tilespmem:$0x928] =	vst v0  }
0x95: {  	[tilespmem:$0x938] =	vst v0  }
0x96: {  	[tilespmem:$0x948] =	vst v0  }
0x97: {  	[tilespmem:$0x958] =	vst v0  }
0x98: {  	[tilespmem:$0x968] =	vst v0  }
0x99: {  	[tilespmem:$0x978] =	vst v0  }
0x9a: {  	[tilespmem:$0x988] =	vst v0  }
0x9b: {  	[tilespmem:$0x998] =	vst v0  }
0x9c: {  	[tilespmem:$0x9A8] =	vst v0  }
0x9d: {  	[tilespmem:$0x9B8] =	vst v0  }
0x9e: {  	[tilespmem:$0x9C8] =	vst v0  }
0x9f: {  	[tilespmem:$0x9D8] =	vst v0  }
0xa0: {  	[tilespmem:$0x9E8] =	vst v0  }
0xa1: {  	[tilespmem:$0x9F8] =	vst v0  }
0xa2: {  	[tilespmem:$0xA08] =	vst v0  }
0xa3: {  	[tilespmem:$0xA18] =	vst v0  }
0xa4: {  	[tilespmem:$0xA28] =	vst v0  }
0xa5: {  	[tilespmem:$0xA38] =	vst v0  }
0xa6: {  	[tilespmem:$0xA48] =	vst v0  }
0xa7: {  	[tilespmem:$0xA58] =	vst v0  }
0xa8: {  	[tilespmem:$0xA68] =	vst v0  }
0xa9: {  	[tilespmem:$0xA78] =	vst v0  }
0xaa: {  	[tilespmem:$0xA88] =	vst v0  }
0xab: {  	[tilespmem:$0xA98] =	vst v0  }
0xac: {  	[tilespmem:$0xAA8] =	vst v0  }
0xad: {  	[tilespmem:$0xAB8] =	vst v0  }
0xae: {  	[tilespmem:$0xAC8] =	vst v0  }
0xaf: {  	[tilespmem:$0xAD8] =	vst v0  }
0xb0: {  	[tilespmem:$0xAE8] =	vst v0  }
0xb1: {  	[tilespmem:$0xAF8] =	vst v0  }
0xb2: {  	[tilespmem:$0xB08] =	vst v0  }
0xb3: {  	[tilespmem:$0xB18] =	vst v0  }
0xb4: {  	[tilespmem:$0xB28] =	vst v0  }
0xb5: {  	[tilespmem:$0xB38] =	vst v0  }
0xb6: {  	[tilespmem:$0xB48] =	vst v0  }
0xb7: {  	[tilespmem:$0xB58] =	vst v0  }
0xb8: {  	[tilespmem:$0xB68] =	vst v0  }
0xb9: {  	[tilespmem:$0xB78] =	vst v0  }
0xba: {  	[tilespmem:$0xB88] =	vst v0  }
0xbb: {  	[tilespmem:$0xB98] =	vst v0  }
0xbc: {  	[tilespmem:$0xBA8] =	vst v0  }
0xbd: {  	[tilespmem:$0xBB8] =	vst v0  }
0xbe: {  	[tilespmem:$0xBC8] =	vst v0  }
0xbf: {  	[tilespmem:$0xBD8] =	vst v0  }
0xc0: {  	[tilespmem:$0xBE8] =	vst v0  }
0xc1: {  	[tilespmem:$0xBF8] =	vst v0  }
0xc2: {  	[tilespmem:$0xC08] =	vst v0  }
0xc3: {  	[tilespmem:$0xC18] =	vst v0  }
0xc4: {  	[tilespmem:$0xC28] =	vst v0  }
0xc5: {  	[tilespmem:$0xC38] =	vst v0  }
0xc6: {  	[tilespmem:$0xC48] =	vst v0  }
0xc7: {  	[tilespmem:$0xC58] =	vst v0  }
0xc8: {  	[tilespmem:$0xC68] =	vst v0  }
0xc9: {  	[tilespmem:$0xC78] =	vst v0  }
0xca: {  	[tilespmem:$0xC88] =	vst v0  }
0xcb: {  	[tilespmem:$0xC98] =	vst v0  }
0xcc: {  	[tilespmem:$0xCA8] =	vst v0  }
0xcd: {  	[tilespmem:$0xCB8] =	vst v0  }
0xce: {  	[tilespmem:$0xCC8] =	vst v0  }
0xcf: {  	[tilespmem:$0xCD8] =	vst v0  }
0xd0: {  	[tilespmem:$0xCE8] =	vst v0  }
0xd1: {  	[tilespmem:$0xCF8] =	vst v0  }
0xd2: {  	[tilespmem:$0xD08] =	vst v0  }
0xd3: {  	[tilespmem:$0xD18] =	vst v0  }
0xd4: {  	[tilespmem:$0xD28] =	vst v0  }
0xd5: {  	[tilespmem:$0xD38] =	vst v0  }
0xd6: {  	[tilespmem:$0xD48] =	vst v0  }
0xd7: {  	[tilespmem:$0xD58] =	vst v0  }
0xd8: {  	[tilespmem:$0xD68] =	vst v0  }
0xd9: {  	[tilespmem:$0xD78] =	vst v0  }
0xda: {  	[tilespmem:$0xD88] =	vst v0  }
0xdb: {  	[tilespmem:$0xD98] =	vst v0  }
0xdc: {  	[tilespmem:$0xDA8] =	vst v0  }
0xdd: {  	[tilespmem:$0xDB8] =	vst v0  }
0xde: {  	[tilespmem:$0xDC8] =	vst v0  }
0xdf: {  	[tilespmem:$0xDD8] =	vst v0  }
0xe0: {  	[tilespmem:$0xDE8] =	vst v0  }
0xe1: {  	[tilespmem:$0xDF8] =	vst v0  }
0xe2: {  	[tilespmem:$0xE08] =	vst v0  }
0xe3: {  	[tilespmem:$0xE18] =	vst v0  }
0xe4: {  	[tilespmem:$0xE28] =	vst v0  }
0xe5: {  	[tilespmem:$0xE38] =	vst v0  }
0xe6: {  	[tilespmem:$0xE48] =	vst v0  }
0xe7: {  	[tilespmem:$0xE58] =	vst v0  }
0xe8: {  	[tilespmem:$0xE68] =	vst v0  }
0xe9: {  	[tilespmem:$0xE78] =	vst v0  }
0xea: {  	[tilespmem:$0xE88] =	vst v0  }
0xeb: {  	[tilespmem:$0xE98] =	vst v0  }
0xec: {  	[tilespmem:$0xEA8] =	vst v0  }
0xed: {  	[tilespmem:$0xEB8] =	vst v0  }
0xee: {  	[tilespmem:$0xEC8] =	vst v0  }
0xef: {  	[tilespmem:$0xED8] =	vst v0  }
0xf0: {  	[tilespmem:$0xEE8] =	vst v0  }
0xf1: {  	[tilespmem:$0xEF8] =	vst v0  }
0xf2: {  	[tilespmem:$0xF08] =	vst v0  }
0xf3: {  	[tilespmem:$0xF18] =	vst v0  }
0xf4: {  	[tilespmem:$0xF28] =	vst v0  }
0xf5: {  	[tilespmem:$0xF38] =	vst v0  }
0xf6: {  	[tilespmem:$0xF48] =	vst v0  }
0xf7: {  	[tilespmem:$0xF58] =	vst v0  }
0xf8: {  	[tilespmem:$0xF68] =	vst v0  }
0xf9: {  	[tilespmem:$0xF78] =	vst v0  }
0xfa: {  	[tilespmem:$0xF88] =	vst v0  }
0xfb: {  	[tilespmem:$0xF98] =	vst v0  }
0xfc: {  	[tilespmem:$0xFA8] =	vst v0  }
0xfd: {  	[tilespmem:$0xFB8] =	vst v0  }
0xfe: {  	[tilespmem:$0xFC8] =	vst v0  }
0xff: {  	[tilespmem:$0xFD8] =	vst v0  }
0x100: {  	[tilespmem:$0xFE8] =	vst v0  }
0x101: {  	[tilespmem:$0xFF8] =	vst v0  }
0x102: {  	[tilespmem:$0x1018] =	vst v0  }
0x103: {  	[tilespmem:$0x10D8] =	vst v0  }
0x104: {  	[tilespmem:$0x1B28] =	vst v0  }
0x105: {  	[tilespmem:$0x1B18] =	vst v0  }
0x106: {  	[tilespmem:$0x1B08] =	vst v0  }
0x107: {  	[tilespmem:$0x1AF8] =	vst v0  }
0x108: {  	[tilespmem:$0x1AE8] =	vst v0  }
0x109: {  	[tilespmem:$0x1AD8] =	vst v0  }
0x10a: {  	[tilespmem:$0x1AC8] =	vst v0  }
0x10b: {  	[tilespmem:$0x1AB8] =	vst v0  }
0x10c: {  	[tilespmem:$0x1AA8] =	vst v0  }
0x10d: {  	[tilespmem:$0x1A98] =	vst v0  }
0x10e: {  	[tilespmem:$0x1A88] =	vst v0  }
0x10f: {  	[tilespmem:$0x1A78] =	vst v0  }
0x110: {  	[tilespmem:$0x1A68] =	vst v0  }
0x111: {  	[tilespmem:$0x1A58] =	vst v0  }
0x112: {  	[tilespmem:$0x1A48] =	vst v0  }
0x113: {  	[tilespmem:$0x1A38] =	vst v0  }
0x114: {  	[tilespmem:$0x1A28] =	vst v0  }
0x115: {  	[tilespmem:$0x1A18] =	vst v0  }
0x116: {  	[tilespmem:$0x1A08] =	vst v0  }
0x117: {  	[tilespmem:$0x19F8] =	vst v0  }
0x118: {  	[tilespmem:$0x19E8] =	vst v0  }
0x119: {  	[tilespmem:$0x19D8] =	vst v0  }
0x11a: {  	[tilespmem:$0x19C8] =	vst v0  }
0x11b: {  	[tilespmem:$0x19B8] =	vst v0  }
0x11c: {  	[tilespmem:$0x19A8] =	vst v0  }
0x11d: {  	[tilespmem:$0x1998] =	vst v0  }
0x11e: {  	[tilespmem:$0x1988] =	vst v0  }
0x11f: {  	[tilespmem:$0x1978] =	vst v0  }
0x120: {  	[tilespmem:$0x1968] =	vst v0  }
0x121: {  	[tilespmem:$0x1958] =	vst v0  }
0x122: {  	[tilespmem:$0x1948] =	vst v0  }
0x123: {  	[tilespmem:$0x1938] =	vst v0  }
0x124: {  	[tilespmem:$0x1928] =	vst v0  }
0x125: {  	[tilespmem:$0x1918] =	vst v0  }
0x126: {  	[tilespmem:$0x1908] =	vst v0  }
0x127: {  	[tilespmem:$0x18F8] =	vst v0  }
0x128: {  	[tilespmem:$0x18E8] =	vst v0  }
0x129: {  	[tilespmem:$0x18D8] =	vst v0  }
0x12a: {  	[tilespmem:$0x18C8] =	vst v0  }
0x12b: {  	[tilespmem:$0x18B8] =	vst v0  }
0x12c: {  	[tilespmem:$0x18A8] =	vst v0  }
0x12d: {  	[tilespmem:$0x1898] =	vst v0  }
0x12e: {  	[tilespmem:$0x1888] =	vst v0  }
0x12f: {  	[tilespmem:$0x1878] =	vst v0  }
0x130: {  	[tilespmem:$0x1868] =	vst v0  }
0x131: {  	[tilespmem:$0x1858] =	vst v0  }
0x132: {  	[tilespmem:$0x1848] =	vst v0  }
0x133: {  	[tilespmem:$0x1838] =	vst v0  }
0x134: {  	[tilespmem:$0x1828] =	vst v0  }
0x135: {  	[tilespmem:$0x1818] =	vst v0  }
0x136: {  	[tilespmem:$0x1808] =	vst v0  }
0x137: {  	[tilespmem:$0x17F8] =	vst v0  }
0x138: {  	[tilespmem:$0x17E8] =	vst v0  }
0x139: {  	[tilespmem:$0x17D8] =	vst v0  }
0x13a: {  	[tilespmem:$0x17C8] =	vst v0  }
0x13b: {  	[tilespmem:$0x17B8] =	vst v0  }
0x13c: {  	[tilespmem:$0x17A8] =	vst v0  }
0x13d: {  	[tilespmem:$0x1798] =	vst v0  }
0x13e: {  	[tilespmem:$0x1788] =	vst v0  }
0x13f: {  	[tilespmem:$0x1778] =	vst v0  }
0x140: {  	[tilespmem:$0x1768] =	vst v0  }
0x141: {  	[tilespmem:$0x1758] =	vst v0  }
0x142: {  	[tilespmem:$0x1748] =	vst v0  }
0x143: {  	[tilespmem:$0x1738] =	vst v0  }
0x144: {  	[tilespmem:$0x1728] =	vst v0  }
0x145: {  	[tilespmem:$0x1718] =	vst v0  }
0x146: {  	[tilespmem:$0x1708] =	vst v0  }
0x147: {  	[tilespmem:$0x16F8] =	vst v0  }
0x148: {  	[tilespmem:$0x16E8] =	vst v0  }
0x149: {  	[tilespmem:$0x16D8] =	vst v0  }
0x14a: {  	[tilespmem:$0x16C8] =	vst v0  }
0x14b: {  	[tilespmem:$0x16B8] =	vst v0  }
0x14c: {  	[tilespmem:$0x16A8] =	vst v0  }
0x14d: {  	[tilespmem:$0x1698] =	vst v0  }
0x14e: {  	[tilespmem:$0x1688] =	vst v0  }
0x14f: {  	[tilespmem:$0x1678] =	vst v0  }
0x150: {  	[tilespmem:$0x1668] =	vst v0  }
0x151: {  	[tilespmem:$0x1658] =	vst v0  }
0x152: {  	[tilespmem:$0x1648] =	vst v0  }
0x153: {  	[tilespmem:$0x1638] =	vst v0  }
0x154: {  	[tilespmem:$0x1628] =	vst v0  }
0x155: {  	[tilespmem:$0x1618] =	vst v0  }
0x156: {  	[tilespmem:$0x1608] =	vst v0  }
0x157: {  	[tilespmem:$0x15F8] =	vst v0  }
0x158: {  	[tilespmem:$0x15E8] =	vst v0  }
0x159: {  	[tilespmem:$0x15D8] =	vst v0  }
0x15a: {  	[tilespmem:$0x15C8] =	vst v0  }
0x15b: {  	[tilespmem:$0x15B8] =	vst v0  }
0x15c: {  	[tilespmem:$0x15A8] =	vst v0  }
0x15d: {  	[tilespmem:$0x1598] =	vst v0  }
0x15e: {  	[tilespmem:$0x1588] =	vst v0  }
0x15f: {  	[tilespmem:$0x1578] =	vst v0  }
0x160: {  	[tilespmem:$0x1568] =	vst v0  }
0x161: {  	[tilespmem:$0x1558] =	vst v0  }
0x162: {  	[tilespmem:$0x1548] =	vst v0  }
0x163: {  	[tilespmem:$0x1538] =	vst v0  }
0x164: {  	[tilespmem:$0x1528] =	vst v0  }
0x165: {  	[tilespmem:$0x1518] =	vst v0  }
0x166: {  	[tilespmem:$0x1508] =	vst v0  }
0x167: {  	[tilespmem:$0x14F8] =	vst v0  }
0x168: {  	[tilespmem:$0x14E8] =	vst v0  }
0x169: {  	[tilespmem:$0x14D8] =	vst v0  }
0x16a: {  	[tilespmem:$0x14C8] =	vst v0  }
0x16b: {  	[tilespmem:$0x14B8] =	vst v0  }
0x16c: {  	[tilespmem:$0x14A8] =	vst v0  }
0x16d: {  	[tilespmem:$0x1498] =	vst v0  }
0x16e: {  	[tilespmem:$0x1488] =	vst v0  }
0x16f: {  	[tilespmem:$0x1478] =	vst v0  }
0x170: {  	[tilespmem:$0x1468] =	vst v0  }
0x171: {  	[tilespmem:$0x1458] =	vst v0  }
0x172: {  	[tilespmem:$0x1448] =	vst v0  }
0x173: {  	[tilespmem:$0x1438] =	vst v0  }
0x174: {  	[tilespmem:$0x1428] =	vst v0  }
0x175: {  	[tilespmem:$0x1418] =	vst v0  }
0x176: {  	[tilespmem:$0x1408] =	vst v0  }
0x177: {  	[tilespmem:$0x13F8] =	vst v0  }
0x178: {  	[tilespmem:$0x13E8] =	vst v0  }
0x179: {  	[tilespmem:$0x13D8] =	vst v0  }
0x17a: {  	[tilespmem:$0x13C8] =	vst v0  }
0x17b: {  	[tilespmem:$0x13B8] =	vst v0  }
0x17c: {  	[tilespmem:$0x13A8] =	vst v0  }
0x17d: {  	[tilespmem:$0x1398] =	vst v0  }
0x17e: {  	[tilespmem:$0x1388] =	vst v0  }
0x17f: {  	[tilespmem:$0x1378] =	vst v0  }
0x180: {  	[tilespmem:$0x1368] =	vst v0  }
0x181: {  	[tilespmem:$0x1358] =	vst v0  }
0x182: {  	[tilespmem:$0x1348] =	vst v0  }
0x183: {  	[tilespmem:$0x1338] =	vst v0  }
0x184: {  	[tilespmem:$0x1328] =	vst v0  }
0x185: {  	[tilespmem:$0x1318] =	vst v0  }
0x186: {  	[tilespmem:$0x1308] =	vst v0  }
0x187: {  	[tilespmem:$0x12F8] =	vst v0  }
0x188: {  	[tilespmem:$0x12E8] =	vst v0  }
0x189: {  	[tilespmem:$0x12D8] =	vst v0  }
0x18a: {  	[tilespmem:$0x12C8] =	vst v0  }
0x18b: {  	[tilespmem:$0x12B8] =	vst v0  }
0x18c: {  	[tilespmem:$0x12A8] =	vst v0  }
0x18d: {  	[tilespmem:$0x1298] =	vst v0  }
0x18e: {  	[tilespmem:$0x1288] =	vst v0  }
0x18f: {  	[tilespmem:$0x1278] =	vst v0  }
0x190: {  	[tilespmem:$0x1268] =	vst v0  }
0x191: {  	[tilespmem:$0x1258] =	vst v0  }
0x192: {  	[tilespmem:$0x1248] =	vst v0  }
0x193: {  	[tilespmem:$0x1238] =	vst v0  }
0x194: {  	[tilespmem:$0x1228] =	vst v0  }
0x195: {  	[tilespmem:$0x1218] =	vst v0  }
0x196: {  	[tilespmem:$0x1208] =	vst v0  }
0x197: {  	[tilespmem:$0x11F8] =	vst v0  }
0x198: {  	[tilespmem:$0x11E8] =	vst v0  }
0x199: {  	[tilespmem:$0x11D8] =	vst v0  }
0x19a: {  	[tilespmem:$0x11C8] =	vst v0  }
0x19b: {  	[tilespmem:$0x11B8] =	vst v0  }
0x19c: {  	[tilespmem:$0x11A8] =	vst v0  }
0x19d: {  	[tilespmem:$0x1198] =	vst v0  }
0x19e: {  	[tilespmem:$0x1188] =	vst v0  }
0x19f: {  	[tilespmem:$0x1178] =	vst v0  }
0x1a0: {  	[tilespmem:$0x1168] =	vst v0  }
0x1a1: {  	[tilespmem:$0x1158] =	vst v0  }
0x1a2: {  	[tilespmem:$0x1148] =	vst v0  }
0x1a3: {  	[tilespmem:$0x1138] =	vst v0  }
0x1a4: {  	[tilespmem:$0x1128] =	vst v0  }
0x1a5: {  	[tilespmem:$0x1118] =	vst v0  }
0x1a6: {  	s4 =	stileid.u32;
	[tilespmem:$0x1108] =	vst v0  }
0x1a7: {  	s0 =	sshll.u32 s4, $0x2;
	s1 =	smin.u32 s4, $0xC;
	[tilespmem:$0x10F8] =	vst v0  }
0x1a8: {  	[tilespmem:$0x10E8] =	vst v0;
	s0 =	sadd.s32 s1, s0  }
0x1a9: {  	p0 =	slt.u32 s4, $0xC;
	[tilespmem:$0x10C8] =	vst v0;
	s1 =	simm.s32 $0x870;
	s6 =	smul.u32 $0x1B0, s0  }
0x1aa: {  	s1 =	simm.s32 @!p0 $0x6C0;
	[tilespmem:$0x1038] =	vst v0  }
0x1ab: {  	[tilespmem:$0x10B8] =	vst v0;
	s0 =	sadd.s32 s1, s6  }
0x1ac: {  	[tilespmem:$0x10A8] =	vst v0;
	s7 =	smin.u32 s0, $0x8000  }
0x1ad: {  	[tilespmem:$0x1098] =	vst v0;
	s0 =	ssub.s32 s7, s6  }
0x1ae: {  	s3 =	simm.s32 $0x2;
	s8 =	simm.s32 $0x9;
	[tilespmem:$0x1088] =	vst v0;
	p0 =	sgt.s32 s0, $0x0  }
0x1af: {  	s10 =	simm.s32 $0xA;
	s30 =	simm.s32 $0xB;
	[tilespmem:$0x1078] =	vst v0;
	s0 =	simm.s32 @!p0 $0x0  }
0x1b0: {  	s16 =	simm.s32 $0x0;
	p4 =	por $0x0, $0x0;
	[tilespmem:$0x1068] =	vst v0;
	s29 =	sand.u32 $0xFFF0, s0  }
0x1b1: {  	s17 =	simm.s32 $0xC;
	s21 =	simm.s32 $0x0;
	[tilespmem:$0x1058] =	vst v0;
	s1 =	sshrl.u32 s29, $0x4  }
0x1b2: {  	s18 =	simm.s32 $0x0;
	s2 =	sand.u32 $0x1, s2;
	[tilespmem:$0x1048] =	vst v0;
	s1 =	smul.u32 $0x12F7, s1  }
0x1b3: {  	s20 =	simm.s32 $0x0;
	s31 =	sshll.u32 s4, $0x5;
	[dreg:$0x5] =	wrdreg s2;
	[tilespmem:$0x1028] =	vst v0  }
0x1b4: {  	[tilespmem:$0x1008] =	vst v0;
	s2 =	sshll.u32 s2, $0xC;
	[sflag:s3] =	ssyncpa.u1 $0x0;
	s1 =	sshrl.u32 s1, $0x11  }
0x1b5: {  	v0 =	vimm.s32 $0xFFFFFFFF;
	s3 =	sadd.s32 $0x1EA00, s11;
	[dreg:$0x4] =	wrdreg s31;
	s5 =	smul.u32 $0x1B0, s1  }
.Ltmp0:
0x1b6: {  	s2 =	sadd.s32 s2, s11;
	[tilespmem:$0x3648] =	vst v0;
	[sflag:s8] =	ssyncpa.u1 $0x0;
	(pc) =	sbr.rel .LBB2_1-.Ltmp0, $4  }
0x1b7: {  	s11 =	sadd.s32 $0x1AAA00, s11;
	[sflag:s10] =	ssyncpa.u1 $0x0;
	p0 =	sne.s32 s0, s5  }
0x1b8: {  	s14 =	sadd.s32 $0x1CA00, s2;
	s15 =	sadd.s32 $0x1AA00, s2;
	s12 =	simm.s32 @!p0 $0x0  }
0x1b9: {  	[sflag:s30] =	ssyncpa.u1 $0x0;
	s19 =	smov.u32 s6;
	s12 =	sadd.s32 s1, s12  }
0x1ba: {  	v0 =	vlaneseq.u32;
	[dreg:$0x6] =	wrdreg s6;
	p0 =	por $0x1, $0x1;
	s4 =	sadd.s32 $0x1, s12  }
.LBB2_18:
0x1bb: {  	s0 =	simm.s32 $0x2  }
0x1bc: {  	_ =	swait.ge [sflag:s0], $0x0  }
0x1bd: {  	[sflag:s0] =	ssyncset.done $0x0;
	s0 =	simm.s32 $0x0  }
.LBB2_19:
0x1be: {  	_ =	swait.ge [sflag:s17], s0  }
0x1bf: {  	s31 =	ssub.s32 $0x0, s0;
	v1 =	vmov s23;
	vm0 =	veq.s32 v0, $0x0;
	[sflag:s17] =	ssyncset.done $0x0  }
0x1c0: {  	vm15 =	veq.s32 v0, $0x2;
	v1 =	vsel vm0, s28, v1;
	[sflag:s17] =	ssyncadd.s32 s31  }
0x1c1: {  	v1 =	vsel vm15, s21, v1;
	[sflag:s17] =	ssyncpa.u1 $0x1  }
0x1c2: {  	[tilespmem:$0x3648] =	vst v1  }
.LBB2_20:
0x1c3: {  	s0 =	sadd.s32 $0x1B0, s19  }
0x1c4: {  	s1 =	smov.u32 s6;
	p1 =	slt.s32 s0, s7  }
0x1c5: {  	s1 =	smov.u32 @p1 s0;
	p1 =	sne.s32 s20, s4  }
.Ltmp1:
0x1c6: {  	_ = 	snop;
	(pc) =	sbr.rel @!p1 .LBB2_21-.Ltmp1, $4  }
0x1c7: {  	_ = 	snop  }
0x1c8: {  	s21 =	smov.u32 s18  }
0x1c9: {  	s31 =	sadd.s32 $0x1, s20;
	s18 =	smov.u32 s19;
	p0 =	por !p0, !p0  }
0x1ca: {  	p4 =	por !p4, !p4;
	s20 =	smov.u32 s31;
	s19 =	smov.u32 s1  }
.LBB2_1:
0x1cb: {  	p2 =	sge.u32 s20, s12  }
0x1cc: {  	s0 =	smulhi.u32 @!p2 $0xAAAAAAAB, s20  }
0x1cd: {  	s1 =	smov.u32 s19;
	p3 =	sgt.s32 @!p2 s19, $0x7E50  }
0x1ce: {  	s2 =	sshra.s32 @!p2 s19, $0x1F;
	p3 =	por !p3, p2;
	s0 =	sshrl.u32 @!p2 s0, $0x1  }
0x1cf: {  	s2 =	sand.u32 @!p2 s2, s19;
	s1 =	simm.s32 @p3 $0x7E50;
	s0 =	smul.u32 @!p2 $0x3, s0  }
0x1d0: {  	s1 =	ssub.s32 @!p2 s1, s2  }
0x1d1: {  	s23 =	sadd.s32 $0xFFFFFFFF, s20;
	s1 =	sadd.s32 @!p2 $0xFFFF81B0, s1;
	s0 =	ssub.s32 @!p2 s20, s0  }
0x1d2: {  	s2 =	sshll.u32 @!p2 s1, $0x2;
	p3 =	sgt.s32 @!p2 s1, $0x1AF;
	s0 =	smul.u32 @!p2 $0x6C0, s0  }
0x1d3: {  	s5 =	sand.u32 @!p2 $0x7, s19;
	s1 =	ssub.s32 @!p2 $0x6C0, s2;
	p3 =	por !p3, p2  }
0x1d4: {  	s2 =	sshrl.u32 @!p2 s19, $0x3;
	s1 =	sshrl.u32 @!p2 s1, $0x2;
	s0 =	sshrl.u32 @!p2 s0, $0x2  }
0x1d5: {  	s2 =	sadd.s32 @!p2 s2, s14;
	s1 =	simm.s32 @!p3 $0x0;
	s0 =	sadd.s32 @!p2 $0x3888, s0  }
0x1d6: {  	[tilespmem:s0], [sflag:$0xA] =	stream.linear.gather @!p2 [hbm4b:s2+s5], s1, $0x38;
	[tilespmem:$0x1F0F8] =	vst v63  }
0x1d7: {  	p2 =	sge.u32 s23, s12  }
0x1d8: {  	p3 =	sgt.s32 @!p2 s18, $0x7E50  }
0x1d9: {  	s0 =	smov.u32 s18;
	s1 =	sshra.s32 @!p2 s18, $0x1F;
	p3 =	por !p3, p2  }
0x1da: {  	s1 =	sand.u32 @!p2 s1, s18;
	s0 =	simm.s32 @p3 $0x7E50  }
0x1db: {  	s0 =	ssub.s32 @!p2 s0, s1  }
0x1dc: {  	s0 =	sadd.s32 @!p2 $0xFFFF81B0, s0  }
0x1dd: {  	s1 =	sshll.u32 @!p2 s0, $0x2  }
0x1de: {  	p3 =	sgt.s32 @!p2 s0, $0x1AF;
	s0 =	ssub.s32 @!p2 $0x6C0, s1  }
0x1df: {  	s22 =	ssub.s32 @!p2 $0x8000, s18;
	p3 =	por !p3, p2;
	s0 =	sshrl.u32 @!p2 s0, $0x2  }
0x1e0: {  	s1 =	sand.u32 @!p2 $0x1, s23;
	s0 =	simm.s32 @!p3 $0x0;
	p3 =	slt.s32 @!p2 s22, $0x1  }
0x1e1: {  	s2 =	simm.s32 @!p2 $0xA;
	s1 =	smul.u32 @!p2 $0x6C0, s1;
	p3 =	por p2, p3  }
.Ltmp2:
0x1e2: {  	_ =	swait.ge @!p2 [sflag:s2], s0;
	(pc) =	sbr.rel @p3 .LBB2_7-.Ltmp2, $4  }
0x1e3: {  	s5 =	ssub.s32 @!p2 $0x0, s0;
	[sflag:s2] =	ssyncset.done @!p2 $0x0  }
0x1e4: {  	s1 =	sshrl.u32 @!p2 s1, $0x2;
	[sflag:s2] =	ssyncadd.s32 @!p2 s5;
	s2 =	sshrl.u32 @!p2 s18, $0x3  }
0x1e5: {  	s1 =	sadd.s32 @!p2 $0x3D98, s1;
	s5 =	sand.u32 @!p2 $0x7, s18;
	s2 =	sadd.s32 @!p2 s2, s15  }
0x1e6: {  	[tilespmem:s1], [sflag:$0xB] =	stream.linear.gather @!p2 [hbm4b:s2+s5], s0, $0x38;
	[tilespmem:$0x1F0F8] =	vst v63  }
0x1e7: {  	s0 =	smulhi.u32 $0xAAAAAAAB, s23;
	_ =	sdelay $0x1  }
0x1e8: {  	s0 =	sshrl.u32 s0, $0x1  }
0x1e9: {  	s0 =	smul.u32 $0x3, s0;
	_ =	sdelay $0x1  }
0x1ea: {  	s0 =	ssub.s32 s23, s0  }
0x1eb: {  	s1 =	simm.s32 $0x1;
	s0 =	smul.u32 $0x6C0, s0  }
.Ltmp3:
0x1ec: {  	s1 =	simm.s32 @!p0 $0x0;
	(pc) =	sbr.rel .LBB2_4-.Ltmp3, $4  }
0x1ed: {  	s1 =	smul.u32 $0x36000, s1  }
0x1ee: {  	p3 =	slt.s32 @!p2 s22, $0x1B0;
	s0 =	sshrl.u32 s0, $0x2  }
0x1ef: {  	p2 =	por !p3, p2;
	s1 =	sshrl.u32 s1, $0x2;
	s0 =	sadd.s32 $0x3888, s0  }
0x1f0: {  	s24 =	simm.s32 $0x0;
	s22 =	simm.s32 @p2 $0x1B0;
	s23 =	sadd.s32 $0x40F8, s1;
	v1 =	vmov s0  }
.LBB2_3:
0x1f1: {  	p2 =	sge.s32 s24, s22  }
.Ltmp4:
0x1f2: {  	_ = 	snop;
	(pc) =	sbr.rel @p2 .LBB2_7-.Ltmp4, $2  }
0x1f3: {  	_ =	sdelay $0x2  }
0x1f4: {  	s23 =	sadd.s32 $0x800, s23  }
.LBB2_4:
0x1f5: {  	p2 =	sle.s32 s22, s24  }
.Ltmp5:
0x1f6: {  	_ = 	snop;
	(pc) =	sbr.rel @p2 .LBB2_3-.Ltmp5, $2  }
0x1f7: {  	_ =	sdelay $0x2  }
0x1f8: {  	s0 =	smov.u32 s24;
	s24 =	sadd.s32 $0x10, s24  }
0x1f9: {  	s1 =	ssub.s32 s22, s0  }
0x1fa: {  	p2 =	slt.s32 s1, $0x10  }
0x1fb: {  	s1 =	simm.s32 @!p2 $0x10  }
0x1fc: {  	v2 =	vmov s1  }
0x1fd: {  	vm0 =	vgt.s32 v2, v0;
	_ =	sdelay $0x5  }
0x1fe: {  	v2 =	vld.idx.msk [tilespmem:v1+s0+$0x0 ss:$0x1], vm0;
	_ =	sdelay $0x2  }
0x1ff: {  	p2 =	slt.s32 s24, s22;
	s1 =	smov.u32 s22  }
0x200: {  	s2 =	smov.u32 s23;
	s25 =	simm.s32 $0x0;
	s1 =	smov.u32 @p2 s24  }
.LBB2_6:
0x201: {  	(v2sf) =	vpush v2, s25;
	_ =	sdelay $0xc  }
0x202: {  	s25 =	sadd.s32 $0x1, s25  }
0x203: {  	s31 =	sadd.s32 s25, s0  }
0x204: {  	p2 =	slt.s32 s31, s1;
	s5 =	spop (v2sf)  }
.Ltmp6:
0x205: {  	s5 =	sshll.u32 s5, $0x4;
	(pc) =	sbr.rel @p2 .LBB2_6-.Ltmp6, $4  }
0x206: {  	s5 =	sand.u32 $0x1FFFFFF0, s5  }
0x207: {  	s5 =	sadd.s32 s11, s5  }
0x208: {  	[tilespmem:s2], [sflag:$0x9] =	stream.linear.gather [hbm4b:s5+s16], $0x4, $0x38;
	[tilespmem:$0x1F0F8] =	vst v63  }
0x209: {  	s2 =	sadd.s32 $0x80, s2  }
.Ltmp7:
0x20a: {  	_ = 	snop;
	(pc) =	sbr.rel .LBB2_3-.Ltmp7, $1  }
0x20b: {  	_ =	sdelay $0x3  }
.LBB2_7:
0x20c: {  	p2 =	slt.u32 s20, $0x2  }
.Ltmp8:
0x20d: {  	_ = 	snop;
	(pc) =	sbr.rel @p2 .LBB2_20-.Ltmp8, $1  }
0x20e: {  	_ =	sdelay $0x3  }
0x20f: {  	p2 =	sgt.s32 s21, $0x7E50  }
0x210: {  	s0 =	smov.u32 s21;
	s1 =	sshra.s32 s21, $0x1F;
	s2 =	ssub.s32 $0x8000, s21  }
0x211: {  	s0 =	simm.s32 @!p2 $0x7E50;
	s1 =	sand.u32 s1, s21;
	p2 =	slt.s32 s2, $0x1B0  }
0x212: {  	s0 =	ssub.s32 s0, s1;
	s2 =	simm.s32 @!p2 $0x1B0  }
0x213: {  	s0 =	sadd.s32 $0xFFFF81B0, s0;
	s24 =	sshll.u32 s2, $0x2  }
0x214: {  	s28 =	simm.s32 $0x9;
	s25 =	sshll.u32 s0, $0x2;
	s1 =	sand.u32 $0x3FFFFFFC, s24  }
0x215: {  	p2 =	sgt.s32 s0, $0x1AF;
	s26 =	ssub.s32 $0x6C0, s25;
	_ =	swait.ge [sflag:s28], s1  }
0x216: {  	s1 =	ssub.s32 $0x0, s1;
	[sflag:s28] =	ssyncset.done $0x0;
	s0 =	sshrl.u32 s26, $0x2  }
0x217: {  	s30 =	simm.s32 $0xB;
	[sflag:s28] =	ssyncadd.s32 s1;
	s0 =	simm.s32 @p2 $0x0  }
0x218: {  	_ =	swait.ge [sflag:s30], s0  }
0x219: {  	s0 =	ssub.s32 $0x0, s0;
	[sflag:s30] =	ssyncset.done $0x0  }
0x21a: {  	[sflag:s30] =	ssyncadd.s32 s0  }
0x21b: {  	v1 =	vld [tilespmem:$0x3648];
	_ =	sdelay $0x4  }
0x21c: {  	(v2sf) =	vpush v1, $0x0  }
0x21d: {  	(v2sf) =	vpush v1, $0x1  }
0x21e: {  	(v2sf) =	vpush v1, $0x2;
	_ =	sdelay $0x3  }
0x21f: {  	s0 =	sadd.s32 $0x1B0, s21  }
0x220: {  	s1 =	ssub.s32 $0x10000, s21;
	p2 =	slt.s32 s7, s0  }
0x221: {  	s0 =	smov.u32 @p2 s7;
	p2 =	sgt.s32 s1, $0x0  }
0x222: {  	s25 =	ssub.s32 s0, s21;
	s1 =	simm.s32 @!p2 $0x0  }
0x223: {  	p2 =	slt.s32 s1, s25  }
0x224: {  	s25 =	smov.u32 @p2 s1  }
0x225: {  	s24 =	simm.s32 $0x1;
	p2 =	slt.s32 s25, $0x1  }
.Ltmp9:
0x226: {  	s24 =	simm.s32 @!p4 $0x0;
	(pc) =	sbr.rel @p2 .LBB2_12-.Ltmp9, $4  }
0x227: {  	s31 =	smul.u32 $0x6C0, s24  }
0x228: {  	s26 =	spop (v2sf)  }
0x229: {  	s0 =	sshrl.u32 s31, $0x2;
	s29 =	spop (v2sf)  }
0x22a: {  	s22 =	sadd.s32 $0x3D98, s0;
	s21 =	spop (v2sf)  }
0x22b: {  	s0 =	smin.u32 s25, $0x10  }
0x22c: {  	v1 =	vmov s0  }
0x22d: {  	p3 =	sgt.s32 s25, $0x10;
	vm1 =	vgt.u32 v1, v0  }
.Ltmp10:
0x22e: {  	_ = 	snop;
	(pc) =	sbr.rel @!p3 .LBB2_11-.Ltmp10, $2  }
0x22f: {  	_ =	sdelay $0x2  }
0x230: {  	s23 =	simm.s32 $0x10;
	s28 =	sadd.s32 $0xFFFFFFF0, s25;
	s0 =	smov.u32 s22;
	vm0 =	vmmov vm1  }
.LBB2_10:
0x231: {  	s1 =	smin.u32 s28, $0x10;
	s23 =	sadd.s32 $0x10, s23;
	v1 =	vld.msk [tilespmem:s0+$0x0 ss:$0x1], vm1  }
0x232: {  	v2 =	vmov s1;
	p3 =	slt.s32 s23, s25  }
0x233: {  	vm1 =	vgt.u32 v2, v0  }
.Ltmp11:
0x234: {  	(pc) =	sbr.rel @p3 .LBB2_10-.Ltmp11, $3  }
0x235: {  	_ =	sdelay $0x1  }
0x236: {  	v1 =	vshll.u32 v1, $0x4  }
0x237: {  	s28 =	sadd.s32 $0xFFFFFFF0, s28;
	[tilespmem:s0+$0x0] =	vst.msk vm0, v1;
	s0 =	sadd.s32 $0x10, s0;
	vm0 =	vmmov vm1  }
.LBB2_11:
0x238: {  	_ =	sdelay $0x4  }
0x239: {  	v1 =	vld.msk [tilespmem:s0+$0x0 ss:$0x1], vm1;
	_ =	sdelay $0x4  }
0x23a: {  	v1 =	vshll.u32 v1, $0x4  }
0x23b: {  	[tilespmem:s0+$0x0] =	vst.msk vm0, v1  }
.LBB2_12:
0x23c: {  	s0 =	sand.u32 $0x1, s20  }
0x23d: {  	s0 =	smul.u32 $0x1B0, s0  }
0x23e: {  	p3 =	sne.s32 s29, $0xFFFFFFFF  }
0x23f: {  	v1 =	vld.msk @!p3 [tilespmem:s0+$0x3D98], $0x1;
	_ =	sdelay $0x4  }
0x240: {  	(v2sf) =	vpush @!p3 v1, $0x0;
	_ =	sdelay $0xc  }
.Ltmp12:
0x241: {  	_ = 	snop;
	(pc) =	sbr.rel @p2 .LBB2_18-.Ltmp12, $4  }
0x242: {  	_ = 	snop  }
0x243: {  	s28 =	spop @!p3 (v2sf)  }
0x244: {  	s21 =	simm.s32 @!p3 $0x0;
	s23 =	smov.u32 s28  }
0x245: {  	[sflag:s17] =	ssyncpa.u1 $0x0;
	s28 =	smov.u32 @p3 s26;
	s23 =	smov.u32 @p3 s29  }
0x246: {  	v1 =	vld.msk [tilespmem:s22+$0x0], $0x1;
	_ =	sdelay $0x4  }
0x247: {  	(v2sf) =	vpush v1, $0x0;
	_ =	sdelay $0xe  }
0x248: {  	s0 =	simm.s32 @!p4 $0x0;
	s26 =	smul.u32 $0x36000, s24;
	s31 =	spop (v2sf)  }
0x249: {  	s29 =	ssub.s32 $0x0, s25;
	s0 =	simm.s32 @p4 $0x1;
	p2 =	seq.s32 s28, s31  }
0x24a: {  	s1 =	smov.u32 s28;
	[smem:$0x7FD] =	sst s0;
	p3 =	sgt.s32 @!p2 s28, $0x0  }
0x24b: {  	s0 =	sshrl.u32 s26, $0x2;
	s26 =	sadd.s32 $0x1, s29;
	p3 =	por !p3, p2  }
0x24c: {  	s1 =	simm.s32 @p3 $0x0;
	p3 =	seq.s32 s26, $0x0  }
.Ltmp13:
0x24d: {  	_ = 	snop;
	(pc) =	sbr.rel @p3 .LBB2_15-.Ltmp13, $4  }
0x24e: {  	s6 =	smov.u32 s4;
	s25 =	simm.s32 $0x0  }
0x24f: {  	s24 =	sadd.s32 $0x40F8, s0;
	s0 =	simm.s32 @!p2 $0x1;
	s2 =	smin.u32 @!p2 s1, $0x7FFF  }
0x250: {  	s30 =	sadd.s32 $0x1, s22;
	s0 =	smov.u32 @p2 s25;
	s5 =	sand.u32 @!p2 $0x7FF8, s2  }
0x251: {  	s1 =	simm.s32 @!p2 $0x1B38;
	s2 =	sand.u32 @!p2 $0x7, s2;
	s5 =	sadd.s32 @!p2 s3, s5  }
.LBB2_14:
0x252: {  	s4 =	smov.u32 s0  }
0x253: {  	[tilespmem:s1], [sflag:$0x2] =	stream.linear.gather @!p2 [hbm4b:s5+s2], $0x4, $0x38;
	[tilespmem:$0x1F0F8] =	vst v63  }
0x254: {  	s26 =	sadd.s32 $0x1, s26;
	s2 =	smov.u32 s31;
	v1 =	vld.msk [tilespmem:s30+$0x0], $0x1  }
0x255: {  	p3 =	seq.s32 s26, $0x0;
	_ =	sdelay $0x3  }
0x256: {  	(v2sf) =	vpush v1, $0x0;
	_ =	sdelay $0xe  }
0x257: {  	s31 =	spop (v2sf)  }
0x258: {  	p2 =	seq.s32 s2, s31  }
0x259: {  	p4 =	sgt.s32 @!p2 s2, $0x0;
	s1 =	sshll.u32 @!p2 s0, $0x6;
	s0 =	sadd.s32 @!p2 $0x1, s0  }
.Ltmp14:
0x25a: {  	p4 =	por !p4, p2;
	s1 =	sshra.s32 @!p2 s1, $0x2;
	(pc) =	sbr.rel @!p3 .LBB2_14-.Ltmp14, $4  }
0x25b: {  	s0 =	smov.u32 @p2 s4;
	s2 =	simm.s32 @p4 $0x0;
	s1 =	sadd.s32 @!p2 $0x1B38, s1  }
0x25c: {  	s2 =	smin.u32 @!p2 s2, $0x7FFF  }
0x25d: {  	s4 =	sand.u32 @!p2 $0x7FF8, s2;
	s2 =	sand.u32 @!p2 $0x7, s2  }
0x25e: {  	s30 =	sadd.s32 $0x1, s30;
	s5 =	sadd.s32 @!p2 s3, s4  }
.LBB2_15:
0x25f: {  	[tilespmem:s1], [sflag:$0x2] =	stream.linear.gather @!p2 [hbm4b:s5+s2], $0x4, $0x38;
	[tilespmem:$0x1F0F8] =	vst v63  }
0x260: {  	s0 =	sshll.u32 s0, $0x2  }
0x261: {  	s31 =	simm.s32 $0x2;
	s0 =	sand.u32 $0x3FFFFFFC, s0  }
0x262: {  	_ =	swait.ge [sflag:s31], s0  }
0x263: {  	s0 =	ssub.s32 $0x0, s0;
	[sflag:s31] =	ssyncset.done $0x0  }
0x264: {  	[sflag:s31] =	ssyncadd.s32 s0  }
0x265: {  	v1 =	vld.msk [tilespmem:s22+$0x0], $0x1;
	_ =	sdelay $0x4  }
0x266: {  	(v2sf) =	vpush v1, $0x0;
	_ =	sdelay $0xe  }
0x267: {  	s26 =	spop (v2sf)  }
0x268: {  	p2 =	sne.s32 s28, s26  }
0x269: {  	p4 =	sne.s32 @p2 s28, s23  }
0x26a: {  	p3 =	por !p4, !p2  }
0x26b: {  	s0 =	simm.s32 @!p3 $0x0  }
0x26c: {  	v1 =	vld.msk @!p3 [tilespmem:s0+$0x1B38], $0xf  }
0x26d: {  	p5 =	sgt.u32 @!p3 s28, $0x7FFF  }
0x26e: {  	s1 =	sshll.u32 @!p3 s21, $0x6;
	p6 =	por @p2 p5, !p4  }
0x26f: {  	s1 =	sshra.s32 @!p3 s1, $0x2;
	p1 =	por p6, !p2;
	p6 =	por p4, !p2  }
0x270: {  	s2 =	sadd.s32 @!p3 $0x28, s1;
	s4 =	sand.u32 @!p1 $0x7FF8, s28;
	s5 =	sshll.u32 @!p6 s21, $0x6  }
0x271: {  	s28 =	sand.u32 @!p1 $0x7, s28;
	[tilespmem:s1+$0x28] =	vst.add.f32.msk @!p3 $0xf, v1;
	s1 =	sadd.s32 @!p1 s3, s4;
	s4 =	sshra.s32 @!p6 s5, $0x2  }
0x272: {  	[hbm4b:s1+s28] =	stream.linear.scatter @!p1 [tilespmem:s2], [sflag:$0xC], $0x4, $0x38;
	[tilespmem:$0x1F0F8] =	vst v63  }
0x273: {  	s0 =	rddreg [dreg:$0x4];
	s1 =	sadd.s32 @!p6 $0x28, s4;
	s2 =	simm.s32 @!p6 $0x1  }
0x274: {  	[spmem:s0] =	stream.linear.scatter @!p6 [tilespmem:s1], [sflag:$0x1], $0x4, $0x38;
	[tilespmem:$0x1F0F8] =	vst v63  }
0x275: {  	s0 =	sadd.s32 @p2 $0x1, s21;
	_ =	swait.ge @!p6 [sflag:s2], $0x4  }
0x276: {  	s1 =	sshrl.u32 @p2 s0, $0x4;
	[sflag:s2] =	ssyncset.done @!p6 $0x0  }
0x277: {  	s1 =	smulhi.u32 @p2 $0x97B425F, s1;
	[sflag:s2] =	ssyncadd.s32 @!p6 $0xFFFFFFFC  }
0x278: {  	s28 =	sadd.s32 $0x1, s29;
	v1 =	vld.msk @p2 [tilespmem:s24+$0x0], $0xf  }
0x279: {  	p1 =	por @p2 !p5, !p4;
	p4 =	seq.s32 s28, $0x0;
	s1 =	smul.u32 @p2 $0x1B0, s1  }
.Ltmp15:
0x27a: {  	p1 =	por !p1, !p2;
	s2 =	simm.s32 @!p3 $0x0;
	(pc) =	sbr.rel @p4 .LBB2_17-.Ltmp15, $4  }
0x27b: {  	s4 =	sshll.u32 @!p2 s21, $0x6;
	s2 =	simm.s32 @!p1 $0x10;
	s0 =	ssub.s32 @p2 s0, s1  }
0x27c: {  	s29 =	simm.s32 $0x0;
	s2 =	sadd.s32 @!p3 $0x0, s2;
	s5 =	sshll.u32 @p2 s0, $0x4  }
0x27d: {  	s30 =	sshra.s32 @!p2 s4, $0x2;
	s1 =	simm.s32 @p2 $0x1;
	s2 =	smov.u32 @p3 s25;
	[tilespmem:s5+$0x28] =	vst.msk @p2 $0xf, v1  }
0x27e: {  	s21 =	smov.u32 @p2 s0;
	s29 =	smov.u32 @p2 s2;
	s25 =	smov.u32 @p2 s1;
	v1 =	vld.msk @!p2 [tilespmem:s24+$0x0], $0xf  }
.LBB2_16:
0x27f: {  	_ =	sdelay $0x3  }
0x280: {  	s22 =	sadd.s32 $0x1, s22;
	[tilespmem:s30+$0x28] =	vst.add.f32.msk @!p2 $0xf, v1  }
0x281: {  	v1 =	vld.msk [tilespmem:s22+$0x0], $0x1;
	_ =	sdelay $0x4  }
0x282: {  	(v2sf) =	vpush v1, $0x0;
	_ =	sdelay $0xe  }
0x283: {  	s0 =	smov.u32 s26;
	s26 =	spop (v2sf)  }
0x284: {  	p2 =	sne.s32 s0, s26  }
0x285: {  	p5 =	sne.s32 @p2 s0, s23  }
0x286: {  	s4 =	sshll.u32 @!p2 s21, $0x6;
	p4 =	por !p5, !p2  }
0x287: {  	s30 =	sshra.s32 @!p2 s4, $0x2;
	s4 =	sshll.u32 @!p4 s25, $0x6  }
0x288: {  	s4 =	sshra.s32 @!p4 s4, $0x2  }
0x289: {  	p1 =	sgt.u32 @!p4 s0, $0x7FFF;
	v1 =	vld.msk @!p4 [tilespmem:s4+$0x1B38], $0xf  }
0x28a: {  	s31 =	sshll.u32 @!p4 s21, $0x6;
	p6 =	por @p2 p1, !p5;
	p1 =	por @p2 !p1, !p5  }
0x28b: {  	s8 =	simm.s32 @!p4 $0x0;
	s31 =	sshra.s32 @!p4 s31, $0x2;
	p1 =	por !p1, !p2  }
0x28c: {  	p5 =	por p5, !p2;
	s8 =	simm.s32 @!p1 $0x10;
	p1 =	por p6, !p2  }
0x28d: {  	s4 =	sadd.s32 @!p4 $0x28, s31;
	s13 =	sshll.u32 @!p5 s21, $0x6;
	s10 =	sand.u32 @!p1 $0x7FF8, s0  }
0x28e: {  	s13 =	sshra.s32 @!p5 s13, $0x2;
	s0 =	sand.u32 @!p1 $0x7, s0;
	s10 =	sadd.s32 @!p1 s3, s10;
	[tilespmem:s31+$0x28] =	vst.add.f32.msk @!p4 $0xf, v1  }
0x28f: {  	[hbm4b:s10+s0] =	stream.linear.scatter @!p1 [tilespmem:s4], [sflag:$0xC], $0x4, $0x38;
	[tilespmem:$0x1F0F8] =	vst v63  }
0x290: {  	s1 =	rddreg [dreg:$0x4];
	s0 =	sadd.s32 @!p5 $0x28, s13;
	s4 =	simm.s32 @!p5 $0x1  }
0x291: {  	[spmem:s1] =	stream.linear.scatter @!p5 [tilespmem:s0], [sflag:$0x1], $0x4, $0x38;
	[tilespmem:$0x1F0F8] =	vst v63  }
0x292: {  	s2 =	sadd.s32 @p2 $0x1, s21;
	_ =	swait.ge @!p5 [sflag:s4], $0x4  }
0x293: {  	s5 =	sshrl.u32 @p2 s2, $0x4;
	[sflag:s4] =	ssyncset.done @!p5 $0x0  }
0x294: {  	s24 =	sadd.s32 $0x80, s24;
	s5 =	smulhi.u32 @p2 $0x97B425F, s5;
	[sflag:s4] =	ssyncadd.s32 @!p5 $0xFFFFFFFC  }
0x295: {  	s28 =	sadd.s32 $0x1, s28;
	v1 =	vld.msk @p2 [tilespmem:s24+$0x0], $0xf  }
0x296: {  	p3 =	seq.s32 s28, $0x0;
	s5 =	smul.u32 @p2 $0x1B0, s5  }
.Ltmp16:
0x297: {  	_ = 	snop;
	(pc) =	sbr.rel @!p3 .LBB2_16-.Ltmp16, $4  }
0x298: {  	s2 =	ssub.s32 @p2 s2, s5  }
0x299: {  	s8 =	sadd.s32 @!p4 s8, s29;
	s5 =	sshll.u32 @p2 s2, $0x4  }
0x29a: {  	s9 =	sadd.s32 @p2 $0x1, s25;
	s8 =	smov.u32 @p4 s29;
	[tilespmem:s5+$0x28] =	vst.msk @p2 $0xf, v1  }
0x29b: {  	s25 =	smov.u32 @p2 s9;
	s21 =	smov.u32 @p2 s2;
	s29 =	smov.u32 @p2 s8;
	v1 =	vld.msk @!p2 [tilespmem:s24+$0x0], $0xf  }
.LBB2_17:
.Ltmp17:
0x29c: {  	_ = 	snop;
	(pc) =	sbr.rel .LBB2_19-.Ltmp17, $3  }
0x29d: {  	s1 =	sld [smem:$0x7FD];
	_ =	sdelay $0x1  }
0x29e: {  	s0 =	sshrl.u32 s29, $0x2;
	s28 =	smov.u32 s26  }
0x29f: {  	s4 =	smov.u32 s6;
	s6 =	rddreg [dreg:$0x6];
	p4 =	seq.s32 s1, $0x1;
	[tilespmem:s30+$0x28] =	vst.add.f32.msk @!p2 $0xf, v1  }
.LBB2_21:
0x2a0: {  	_ =	sfence.sel $0x180000  }
0x2a1: {  	s0 =	simm.s32 $0x9;
	[bflag:$0x0] =	sbarrier.arrive $0xFFFF  }
0x2a2: {  	s24 =	simm.s32 $0xA;
	[sflag:s0] =	ssyncpa.u1 $0x1  }
0x2a3: {  	s25 =	simm.s32 $0xB;
	[sflag:s24] =	ssyncpa.u1 $0x1  }
0x2a4: {  	s26 =	simm.s32 $0x2;
	[sflag:s25] =	ssyncpa.u1 $0x1  }
0x2a5: {  	[sflag:s26] =	ssyncpa.u1 $0x1  }
0x2a6: {  	v0 =	vld [tilespmem:$0x3648];
	_ =	sdelay $0x4  }
0x2a7: {  	(v2sf) =	vpush v0, $0x0  }
0x2a8: {  	(v2sf) =	vpush v0, $0x1;
	_ =	sdelay $0x1  }
0x2a9: {  	(v2sf) =	vpush v0, $0x2;
	_ =	sdelay $0xb  }
0x2aa: {  	s0 =	spop (v2sf)  }
0x2ab: {  	s1 =	spop (v2sf)  }
0x2ac: {  	s2 =	smov.u32 s0;
	p0 =	sne.s32 s0, s1  }
0x2ad: {  	s4 =	spop (v2sf);
	s2 =	simm.s32 @!p0 $0xFFFFFFFF  }
0x2ae: {  	v2 =	vimm.s32 $0x1;
	v3 =	vlaneseq.u32;
	p0 =	seq.s32 s4, $0xFFFFFFFF;
	v1 =	vmov s2  }
0x2af: {  	s16 =	stileid.u32;
	v0 =	vperm.xlane v0, v2;
	p1 =	sne.s32 @!p0 s0, s1;
	v1 =	vperm.xlane v1, v3  }
0x2b0: {  	vm0 =	vcmask $0x3F04;
	s6 =	simm.s32 $0x3648;
	s0 =	simm.s32 @!p0 $0x1;
	p1 =	por !p1, p0  }
0x2b1: {  	s2 =	sshll.u32 s16, $0x1;
	s1 =	sshll.u32 @!p0 s4, $0x6;
	s0 =	simm.s32 @p1 $0x0;
	v0 =	vsel vm0, v1, v0  }
0x2b2: {  	s5 =	sor.u32 $0x200, s2;
	s1 =	sshra.s32 @!p0 s1, $0x2;
	s0 =	sor.u32 @!p0 s0, s2;
	[tilespmem:$0x3648] =	vst v0  }
0x2b3: {  	[spmem:s5] =	stream.linear.scatter [tilespmem:s6], [sflag:$0x1], $0x2, $0x38;
	[tilespmem:$0x1F0F8] =	vst v63  }
0x2b4: {  	s1 =	sadd.s32 @!p0 $0x28, s1;
	s0 =	sshll.u32 @!p0 s0, $0x4  }
0x2b5: {  	[spmem:s0] =	stream.linear.scatter @!p0 [tilespmem:s1], [sflag:$0x1], $0x10, $0x38;
	[tilespmem:$0x1F0F8] =	vst v63  }
0x2b6: {  	s0 =	simm.s32 @!p0 $0x12  }
0x2b7: {  	s28 =	simm.s32 $0x1;
	s0 =	simm.s32 @p0 $0x2  }
0x2b8: {  	_ =	swait.ge [sflag:s28], s0  }
0x2b9: {  	s0 =	ssub.s32 $0x0, s0;
	[sflag:s28] =	ssyncset.done $0x0  }
0x2ba: {  	p0 =	sne.s32 s16, $0x0;
	[sflag:s28] =	ssyncadd.s32 s0  }
.Ltmp18:
0x2bb: {  	_ =	sfence.stream.spmem;
	(pc) =	sbr.rel @p0 .LBB2_38-.Ltmp18, $4  }
0x2bc: {  	s29 =	simm.s32 $0x3;
	[bflag:$0x0] =	sbarrier.arrive $0xFFFF  }
0x2bd: {  	s30 =	simm.s32 $0x4;
	[sflag:s29] =	ssyncpa.u1 $0x1  }
0x2be: {  	s31 =	simm.s32 $0x3C;
	[sflag:s30] =	ssyncpa.u1 $0x1  }
0x2bf: {  	s17 =	rddreg [dreg:$0x5];
	[sflag:s31] =	ssyncpa.u1 $0x1  }
0x2c0: {  	_ =	sfence.stream.spmem;
	s0 =	simm.s32 $0x5  }
0x2c1: {  	s1 =	simm.s32 $0x200;
	s2 =	simm.s32 $0x3658;
	[sflag:s0] =	ssyncpa.u1 $0x0  }
0x2c2: {  	[tilespmem:s2], [sflag:$0x5] =	stream.linear.gather [spmem:s1], $0x20, $0x38;
	[tilespmem:$0x1F0F8] =	vst v63  }
0x2c3: {  	s26 =	simm.s32 $0x0;
	s28 =	simm.s32 $0x3678  }
0x2c4: {  	[tilespmem:s28], [sflag:$0x5] =	stream.linear.gather [spmem:s26], $0x200, $0x38;
	[tilespmem:$0x1F0F8] =	vst v63  }
0x2c5: {  	_ =	swait.ge [sflag:s0], $0x220  }
0x2c6: {  	[sflag:s0] =	ssyncset.done $0x0  }
0x2c7: {  	s29 =	simm.s32 $0x0;
	[sflag:s0] =	ssyncadd.s32 $0xFFFFFDE0  }
0x2c8: {  	v0 =	vld.msk [tilespmem:s29+$0x3658], $0x1;
	_ =	sdelay $0x1  }
0x2c9: {  	s30 =	simm.s32 $0x1  }
0x2ca: {  	v1 =	vld.msk [tilespmem:s30+$0x3658], $0x1;
	_ =	sdelay $0x1  }
0x2cb: {  	(v2sf) =	vpush v0, $0x0;
	_ =	sdelay $0x2  }
0x2cc: {  	(v2sf) =	vpush v1, $0x0;
	_ =	sdelay $0x2  }
0x2cd: {  	s31 =	simm.s32 $0x2  }
0x2ce: {  	v0 =	vld.msk [tilespmem:s31+$0x3658], $0x1;
	_ =	sdelay $0x2  }
0x2cf: {  	s6 =	simm.s32 $0xFFFFFFFF;
	s1 =	simm.s32 $0xFFFFFFFF;
	s0 =	simm.s32 $0xC  }
.LBB2_23:
0x2d0: {  	s2 =	smov.u32 s6;
	s4 =	smov.u32 s1  }
0x2d1: {  	s1 =	sshra.s32 s0, $0x2;
	p1 =	sne.s32 s0, $0x7C;
	s0 =	sadd.s32 $0x4, s0;
	(v2sf) =	vpush v0, $0x0  }
0x2d2: {  	v0 =	vld.msk [tilespmem:s1+$0x3658], $0x1  }
.Ltmp19:
0x2d3: {  	(pc) =	sbr.rel @p1 .LBB2_23-.Ltmp19, $4  }
0x2d4: {  	s6 =	spop (v2sf)  }
0x2d5: {  	p2 =	sne.s32 s4, $0xFFFFFFFF;
	s1 =	smov.u32 s6  }
0x2d6: {  	p3 =	seq.s32 s6, $0xFFFFFFFF;
	s1 =	smov.u32 @p2 s4  }
0x2d7: {  	s6 =	smov.u32 @p3 s2;
	s1 =	smov.u32 @p3 s4  }
0x2d8: {  	(v2sf) =	vpush v0, $0x0;
	_ =	sdelay $0x8  }
0x2d9: {  	s0 =	spop (v2sf)  }
0x2da: {  	p1 =	sne.s32 s1, $0xFFFFFFFF;
	s2 =	smov.u32 s0  }
0x2db: {  	s9 =	simm.s32 $0x6;
	p2 =	seq.s32 s0, $0xFFFFFFFF;
	s2 =	smov.u32 @p1 s1  }
0x2dc: {  	s10 =	simm.s32 $0x3638;
	s2 =	smov.u32 @p2 s1;
	s1 =	spop (v2sf)  }
0x2dd: {  	s0 =	smov.u32 @p2 s6;
	p1 =	sne.s32 s2, $0xFFFFFFFF;
	s4 =	smov.u32 s1  }
.Ltmp20:
0x2de: {  	p2 =	seq.s32 s1, $0xFFFFFFFF;
	s4 =	smov.u32 @p1 s2;
	(pc) =	sbr.rel .LBB2_25-.Ltmp20, $4  }
0x2df: {  	s11 =	simm.s32 $0x0;
	s4 =	smov.u32 @p2 s2;
	s7 =	spop (v2sf)  }
0x2e0: {  	[sflag:s9] =	ssyncpa.u1 $0x0;
	p1 =	sne.s32 s4, $0xFFFFFFFF;
	s8 =	smov.u32 s7  }
0x2e1: {  	s1 =	smov.u32 @p2 s0;
	p2 =	seq.s32 s7, $0xFFFFFFFF;
	s8 =	smov.u32 @p1 s4  }
0x2e2: {  	s6 =	simm.s32 $0x0;
	s7 =	smov.u32 @p2 s1;
	s8 =	smov.u32 @p2 s4  }
.LBB2_30:
0x2e3: {  	p1 =	sgt.u32 s12, $0x7FFF  }
0x2e4: {  	p2 =	seq.s32 @!p1 s12, s8  }
0x2e5: {  	p1 =	por p1, p2  }
0x2e6: {  	p2 =	sne.s32 @!p1 s12, s7  }
0x2e7: {  	p1 =	por p1, !p2  }
0x2e8: {  	s0 =	sshll.u32 @p1 s11, $0x6  }
0x2e9: {  	s0 =	sand.u32 @!p1 $0x7FF8, s12  }
0x2ea: {  	s1 =	sand.u32 @!p1 $0x7, s12;
	s0 =	sadd.s32 @!p1 s3, s0  }
0x2eb: {  	[tilespmem:s10], [sflag:$0x6] =	stream.linear.gather @!p1 [hbm4b:s0+s1], $0x4, $0x38;
	[tilespmem:$0x1F0F8] =	vst v63  }
0x2ec: {  	_ =	swait.ge @!p1 [sflag:s9], $0x4  }
0x2ed: {  	[sflag:s9] =	ssyncset.done @!p1 $0x0  }
0x2ee: {  	[sflag:s9] =	ssyncadd.s32 @!p1 $0xFFFFFFFC  }
0x2ef: {  	v1 =	vld @!p1 [tilespmem:$0x3638];
	_ =	sdelay $0x2  }
0x2f0: {  	s0 =	sshll.u32 @!p1 s11, $0x6  }
0x2f1: {  	s1 =	sshrl.u32 @!p1 s0, $0x2  }
0x2f2: {  	[tilespmem:s1+$0x3678] =	vst.add.f32.msk @!p1 $0xffff, v1  }
0x2f3: {  	s0 =	sshrl.u32 s0, $0x2;
	[tilespmem:s6+$0x3658] =	vst.msk $0x1, v0  }
0x2f4: {  	v0 =	vld [tilespmem:s0+$0x3678];
	_ =	sdelay $0x2  }
0x2f5: {  	s31 =	sshll.u32 s6, $0x6  }
0x2f6: {  	s0 =	sshra.s32 s31, $0x2  }
0x2f7: {  	s6 =	sadd.s32 $0x1, s6;
	[tilespmem:s0+$0x3678] =	vst v0  }
.LBB2_32:
0x2f8: {  	s11 =	sadd.s32 $0x1, s11  }
0x2f9: {  	p1 =	sne.s32 s11, $0x20  }
.Ltmp21:
0x2fa: {  	_ = 	snop;
	(pc) =	sbr.rel @!p1 .LBB2_33-.Ltmp21, $1  }
0x2fb: {  	_ =	sdelay $0x3  }
.LBB2_25:
0x2fc: {  	v0 =	vld.msk [tilespmem:s11+$0x3658], $0x1;
	_ =	sdelay $0x4  }
0x2fd: {  	(v2sf) =	vpush v0, $0x0;
	_ =	sdelay $0xe  }
0x2fe: {  	s12 =	spop (v2sf)  }
0x2ff: {  	p1 =	seq.s32 s12, $0xFFFFFFFF  }
.Ltmp22:
0x300: {  	_ = 	snop;
	(pc) =	sbr.rel @p1 .LBB2_32-.Ltmp22, $1  }
0x301: {  	_ =	sdelay $0x3  }
0x302: {  	p1 =	slt.s32 s6, $0x1  }
.Ltmp23:
0x303: {  	_ = 	snop;
	(pc) =	sbr.rel @p1 .LBB2_30-.Ltmp23, $1  }
0x304: {  	_ =	sdelay $0x3  }
0x305: {  	s13 =	simm.s32 $0x3658;
	p1 =	por $0x0, $0x0  }
0x306: {  	v1 =	vld.msk @!p1 [tilespmem:s13+$0x0], $0x1;
	_ =	sdelay $0x4  }
0x307: {  	(v2sf) =	vpush @!p1 v1, $0x0;
	_ =	sdelay $0xd  }
0x308: {  	p3 =	sne.s32 s6, $0x1  }
.Ltmp24:
0x309: {  	s0 =	spop @!p1 (v2sf);
	(pc) =	sbr.rel @!p3 .LBB2_29-.Ltmp24, $4  }
0x30a: {  	p2 =	seq.s32 @!p1 s12, s0  }
0x30b: {  	s14 =	simm.s32 $0x0;
	p2 =	por !p2, p1  }
0x30c: {  	s0 =	simm.s32 $0xFFFFFFFF;
	s14 =	simm.s32 @p2 $0xFFFFFFFF  }
0x30d: {  	s15 =	simm.s32 $0x1;
	s14 =	smov.u32 @p1 s0  }
.LBB2_28:
0x30e: {  	s0 =	smov.u32 s14;
	p1 =	sne.s32 s14, $0xFFFFFFFF  }
0x30f: {  	s13 =	sadd.s32 $0x1, s13;
	s14 =	smov.u32 s15;
	s15 =	sadd.s32 $0x1, s15  }
0x310: {  	p2 =	sne.s32 s6, s15;
	v1 =	vld.msk @!p1 [tilespmem:s13+$0x0], $0x1;
	_ =	sdelay $0x4  }
0x311: {  	(v2sf) =	vpush @!p1 v1, $0x0;
	_ =	sdelay $0xe  }
.Ltmp25:
0x312: {  	s1 =	spop @!p1 (v2sf);
	(pc) =	sbr.rel @p2 .LBB2_28-.Ltmp25, $4  }
0x313: {  	p3 =	seq.s32 @!p1 s12, s1  }
0x314: {  	p3 =	por !p3, p1  }
0x315: {  	s14 =	simm.s32 @p3 $0xFFFFFFFF  }
0x316: {  	s14 =	smov.u32 @p1 s0  }
.LBB2_29:
0x317: {  	p1 =	sne.s32 s14, $0xFFFFFFFF  }
.Ltmp26:
0x318: {  	_ = 	snop;
	(pc) =	sbr.rel @!p1 .LBB2_30-.Ltmp26, $1  }
0x319: {  	_ =	sdelay $0x3  }
0x31a: {  	s0 =	sshll.u32 s11, $0x4  }
0x31b: {  	s0 =	sand.u32 $0x3FFFFFF0, s0  }
0x31c: {  	v0 =	vld [tilespmem:s0+$0x3678]  }
.Ltmp27:
0x31d: {  	_ = 	snop;
	(pc) =	sbr.rel .LBB2_32-.Ltmp27, $4  }
0x31e: {  	_ = 	snop  }
0x31f: {  	s31 =	sshll.u32 s14, $0x6  }
0x320: {  	s0 =	sshra.s32 s31, $0x2  }
0x321: {  	[tilespmem:s0+$0x3678] =	vst.add.f32.msk $0xffff, v0  }
.LBB2_33:
0x322: {  	s0 =	simm.s32 $0x6;
	p1 =	seq.s32 s6, $0x0  }
0x323: {  	[sflag:s0] =	ssyncpa.u1 $0x1;
	v0 =	vimm.s32 @p1 $0xFFFFFFFF  }
0x324: {  	s9 =	sadd.s32 $0xFFFFFFFF, s6;
	[tilespmem:$0x3878] =	vst @p1 v0  }
0x325: {  	v0 =	vld.msk @!p1 [tilespmem:s9+$0x3658], $0x1;
	_ =	sdelay $0x1  }
0x326: {  	v1 =	vld.msk @!p1 [tilespmem:$0x3658], $0x1;
	_ =	sdelay $0x2  }
0x327: {  	p2 =	seq.s32 @!p1 s9, $0x0;
	v0 =	vbroadcast @!p1 v0, $0x0  }
0x328: {  	vm0 =	vmmov @!p1 $0x1;
	p2 =	por !p2, p1  }
0x329: {  	v1 =	vnsel @!p1 vm0, $0xFFFFFFFF, v1;
	vm0 =	vcmask @!p1 $0x308;
	v0 =	vpsel !p2, $0xFFFFFFFF, v0  }
0x32a: {  	p2 =	sne.s32 @!p1 s8, s7;
	v0 =	vsel @!p1 vm0, v1, v0  }
0x32b: {  	s0 =	simm.s32 @!p1 $0x3678;
	s1 =	simm.s32 @!p1 $0x0;
	p3 =	por !p2, p1;
	[tilespmem:$0x3878] =	vst @!p1 v0  }
0x32c: {  	[spmem:s1] =	stream.linear.scatter @!p1 [tilespmem:s0], [sflag:$0x1], $0x10, $0x38;
	[tilespmem:$0x1F0F8] =	vst v63  }
0x32d: {  	s0 =	sshll.u32 @!p3 s9, $0x6  }
0x32e: {  	s0 =	sshra.s32 @!p3 s0, $0x2  }
0x32f: {  	s1 =	simm.s32 @!p3 $0x10;
	s0 =	sadd.s32 @!p3 $0x3678, s0  }
0x330: {  	[spmem:s1] =	stream.linear.scatter @!p3 [tilespmem:s0], [sflag:$0x1], $0x10, $0x38;
	[tilespmem:$0x1F0F8] =	vst v63  }
0x331: {  	s0 =	simm.s32 @!p3 $0x1  }
0x332: {  	_ =	swait.ge @!p3 [sflag:s0], $0x20  }
0x333: {  	p1 =	por p2, p1;
	[sflag:s0] =	ssyncset.done @!p3 $0x0  }
0x334: {  	[sflag:s0] =	ssyncadd.s32 @!p3 $0xFFFFFFE0;
	s0 =	simm.s32 @!p1 $0x1  }
0x335: {  	_ =	swait.ge @!p1 [sflag:s0], $0x10  }
0x336: {  	s29 =	simm.s32 $0x3878;
	[sflag:s0] =	ssyncset.done @!p1 $0x0  }
0x337: {  	s30 =	simm.s32 $0x200;
	s31 =	simm.s32 $0x1;
	[sflag:s0] =	ssyncadd.s32 @!p1 $0xFFFFFFF0  }
0x338: {  	[spmem:s30] =	stream.linear.scatter [tilespmem:s29], [sflag:$0x1], $0x10, $0x38;
	[tilespmem:$0x1F0F8] =	vst v63  }
0x339: {  	_ =	swait.ge [sflag:s31], $0x10  }
0x33a: {  	[sflag:s31] =	ssyncset.done $0x0  }
0x33b: {  	p1 =	seq.s32 s17, $0x0;
	s8 =	rddreg [dreg:$0x1];
	[sflag:s31] =	ssyncadd.s32 $0xFFFFFFF0  }
0x33c: {  	s1 =	sshll.u32 @p1 s8, $0xE;
	s7 =	rddreg [dreg:$0x2]  }
0x33d: {  	s0 =	sadd.s32 @p1 $0x15C3C, s1;
	s1 =	sshll.u32 @p1 s7, $0x11  }
0x33e: {  	_ =	sfence.stream.spmem;
	s0 =	sor.u32 @p1 s1, s0  }
0x33f: {  	[sflag:s0] =	ssyncadd.remote.s32 @p1 $0x1;
	s0 =	simm.s32 @p1 $0x4  }
0x340: {  	s2 =	simm.s32 @!p1 $0x3C;
	s1 =	sand.u32 $0xFFFFFFFE, s8;
	_ =	swait.ge @p1 [sflag:s0], $0x6  }
0x341: {  	s4 =	simm.s32 @!p1 $0x0;
	s1 =	sadd.s32 @!p1 $0x4, s1;
	[sflag:s0] =	ssyncset.done @p1 $0x0  }
0x342: {  	s5 =	simm.s32 @!p1 $0x20;
	[sflag:s0] =	ssyncadd.s32 @p1 $0xFFFFFFFA;
	s0 =	sshll.u32 @!p1 s1, $0x1A  }
0x343: {  	s1 =	sshll.u32 @!p1 s1, $0xD;
	s0 =	sor.u32 @!p1 s0, s7;
	_ =	swait.eq @!p1 [sflag:s2], $0x1  }
0x344: {  	s1 =	sor.u32 @!p1 $0x1C04, s1;
	s2 =	simm.s32 @!p1 $0x1C03;
	s0 =	sor.u32 @!p1 $0x80004000, s0  }
0x345: {  	[spmem:s5], [sflag:s1] =	dma.general @!p1 [spmem:s4], [sflag:s2], length:$0x4, [dreg:$0x0], stride_count:$0x0, ici_dest:s0, dma_misc:DstOpCode:WRITE  }
0x346: {  	p2 =	slt.s32 s9, $0x2;
	s4 =	simm.s32 @!p1 $0x40;
	s5 =	simm.s32 @!p1 $0x42  }
0x347: {  	[spmem:s5], [sflag:s1] =	dma.general @!p1 [spmem:s4], [sflag:s2], length:$0x2, [dreg:$0x0], stride_count:$0x0, ici_dest:s0, dma_misc:DstOpCode:WRITE  }
.Ltmp28:
0x348: {  	s0 =	simm.s32 @!p1 $0x3;
	(pc) =	sbr.rel @p2 .LBB2_37-.Ltmp28, $4  }
0x349: {  	s1 =	sshll.u32 @!p1 s8, $0xE;
	_ =	swait.ge @!p1 [sflag:s0], $0x6  }
0x34a: {  	s2 =	sshll.u32 @!p1 s7, $0x11;
	s1 =	sadd.s32 @!p1 $0x11C3C, s1;
	[sflag:s0] =	ssyncset.done @!p1 $0x0  }
0x34b: {  	[sflag:s0] =	ssyncadd.s32 @!p1 $0xFFFFFFFA;
	s0 =	sor.u32 @!p1 s2, s1  }
0x34c: {  	[sflag:s0] =	ssyncadd.remote.s32 @!p1 $0xFFFFFFFF;
	s0 =	simm.s32 $0x0  }
0x34d: {  	s0 =	simm.s32 $0x3659  }
0x34e: {  	v0 =	vld.msk [tilespmem:s0+$0x0], $0x1;
	_ =	sdelay $0x4  }
0x34f: {  	(v2sf) =	vpush v0, $0x0;
	_ =	sdelay $0xd  }
0x350: {  	s2 =	sadd.s32 $0xFFFFFFFE, s6  }
0x351: {  	s2 =	sadd.s32 $0xFFFFFFFF, s2;
	s0 =	spop (v2sf)  }
0x352: {  	p2 =	sne.s32 s2, $0x0;
	p1 =	sgt.u32 s0, $0x7FFF  }
.Ltmp29:
0x353: {  	s4 =	sand.u32 @!p1 $0x7FF8, s0;
	(pc) =	sbr.rel @!p2 .LBB2_36-.Ltmp29, $4  }
0x354: {  	s1 =	simm.s32 $0x3688;
	s0 =	sand.u32 @!p1 $0x7, s0;
	s4 =	sadd.s32 @!p1 s3, s4  }
0x355: {  	[hbm4b:s4+s0] =	stream.linear.scatter @!p1 [tilespmem:s1], [sflag:$0x5], $0x4, $0x38;
	[tilespmem:$0x1F0F8] =	vst v63  }
0x356: {  	s0 =	simm.s32 $0x0  }
0x357: {  	s6 =	simm.s32 $0x0;
	s7 =	simm.s32 $0x365A;
	s0 =	simm.s32 @!p1 $0x10  }
.LBB2_35:
0x358: {  	v0 =	vld.msk [tilespmem:s7+$0x0], $0x1;
	s2 =	sadd.s32 $0xFFFFFFFF, s2;
	s6 =	sadd.s32 s6, s0  }
0x359: {  	p1 =	sne.s32 s2, $0x0;
	_ =	sdelay $0x3  }
0x35a: {  	(v2sf) =	vpush v0, $0x0;
	_ =	sdelay $0xe  }
.Ltmp30:
0x35b: {  	s4 =	spop (v2sf);
	(pc) =	sbr.rel @p1 .LBB2_35-.Ltmp30, $4  }
0x35c: {  	s0 =	simm.s32 $0x0;
	p2 =	sgt.u32 s4, $0x7FFF  }
0x35d: {  	s1 =	sadd.s32 $0x10, s1;
	s0 =	simm.s32 @!p2 $0x10;
	s5 =	sand.u32 @!p2 $0x7FF8, s4  }
0x35e: {  	s7 =	sadd.s32 $0x1, s7;
	s4 =	sand.u32 @!p2 $0x7, s4;
	s5 =	sadd.s32 @!p2 s3, s5  }
0x35f: {  	[hbm4b:s5+s4] =	stream.linear.scatter @!p2 [tilespmem:s1], [sflag:$0x5], $0x4, $0x38;
	[tilespmem:$0x1F0F8] =	vst v63  }
.LBB2_36:
0x360: {  	s0 =	sadd.s32 s6, s0  }
0x361: {  	s0 =	sshrl.u32 s0, $0x2  }
.LBB2_37:
0x362: {  	s1 =	simm.s32 $0x5  }
0x363: {  	_ =	swait.ge [sflag:s1], s0  }
0x364: {  	s31 =	ssub.s32 $0x0, s0;
	[sflag:s1] =	ssyncset.done $0x0  }
0x365: {  	[sflag:s1] =	ssyncadd.s32 s31  }
0x366: {  	[sflag:s1] =	ssyncpa.u1 $0x1  }
.LBB2_38:
0x367: {  	s0 =	sor.u32 s17, s16  }
0x368: {  	p1 =	sne.s32 s0, $0x0  }
.Ltmp31:
0x369: {  	_ = 	snop;
	(pc) =	sbr.rel @p1 .LBB2_53-.Ltmp31, $3  }
0x36a: {  	_ =	sdelay $0x1  }
0x36b: {  	[bflag:$0x0] =	sbarrier.arrive $0xFFFF  }
0x36c: {  	_ =	sfence  }
0x36d: {  	s0 =	simm.s32 $0x7  }
0x36e: {  	s1 =	simm.s32 $0x200;
	s2 =	simm.s32 $0x3658;
	[sflag:s0] =	ssyncpa.u1 $0x0  }
0x36f: {  	[tilespmem:s2], [sflag:$0x7] =	stream.linear.gather [spmem:s1], $0x20, $0x38;
	[tilespmem:$0x1F0F8] =	vst v63  }
0x370: {  	s30 =	simm.s32 $0x3678;
	s1 =	simm.s32 $0x0  }
0x371: {  	[tilespmem:s30], [sflag:$0x7] =	stream.linear.gather [spmem:s1], $0x200, $0x38;
	[tilespmem:$0x1F0F8] =	vst v63  }
.Ltmp32:
0x372: {  	_ = 	snop;
	(pc) =	sbr.rel .LBB2_40-.Ltmp32, $4  }
0x373: {  	_ =	swait.ge [sflag:s0], $0x220  }
0x374: {  	[sflag:s0] =	ssyncset.done $0x0  }
0x375: {  	s31 =	simm.s32 $0x8;
	[sflag:s0] =	ssyncadd.s32 $0xFFFFFDE0  }
0x376: {  	s2 =	simm.s32 $0x0;
	[sflag:s31] =	ssyncpa.u1 $0x0  }
.LBB2_45:
0x377: {  	p1 =	slt.u32 s4, $0x8000  }
0x378: {  	s0 =	sand.u32 @p1 $0x7FF8, s4  }
0x379: {  	s4 =	sand.u32 @p1 $0x7, s4;
	s5 =	simm.s32 @p1 $0x3638;
	s0 =	sadd.s32 @p1 s3, s0  }
0x37a: {  	[tilespmem:s5], [sflag:$0x8] =	stream.linear.gather @p1 [hbm4b:s0+s4], $0x4, $0x38;
	[tilespmem:$0x1F0F8] =	vst v63  }
0x37b: {  	s0 =	simm.s32 @p1 $0x8  }
0x37c: {  	_ =	swait.ge @p1 [sflag:s0], $0x4  }
0x37d: {  	[sflag:s0] =	ssyncset.done @p1 $0x0  }
0x37e: {  	[sflag:s0] =	ssyncadd.s32 @p1 $0xFFFFFFFC  }
0x37f: {  	v1 =	vld @p1 [tilespmem:$0x3638];
	_ =	sdelay $0x2  }
0x380: {  	s0 =	sshll.u32 @p1 s2, $0x6  }
0x381: {  	s5 =	sshll.u32 @!p1 s2, $0x6;
	s4 =	sshrl.u32 @p1 s0, $0x2  }
0x382: {  	s5 =	smov.u32 @p1 s0;
	[tilespmem:s4+$0x3678] =	vst.add.f32.msk @p1 $0xffff, v1  }
0x383: {  	s0 =	sshrl.u32 s5, $0x2;
	[tilespmem:s1+$0x3658] =	vst.msk $0x1, v0  }
0x384: {  	v0 =	vld [tilespmem:s0+$0x3678];
	_ =	sdelay $0x2  }
0x385: {  	s31 =	sshll.u32 s1, $0x6  }
0x386: {  	s0 =	sshra.s32 s31, $0x2  }
0x387: {  	s1 =	sadd.s32 $0x1, s1;
	[tilespmem:s0+$0x3678] =	vst v0  }
.LBB2_47:
0x388: {  	s2 =	sadd.s32 $0x1, s2  }
0x389: {  	p1 =	sne.s32 s2, $0x20  }
.Ltmp33:
0x38a: {  	_ = 	snop;
	(pc) =	sbr.rel @!p1 .LBB2_48-.Ltmp33, $1  }
0x38b: {  	_ =	sdelay $0x3  }
.LBB2_40:
0x38c: {  	v0 =	vld.msk [tilespmem:s2+$0x3658], $0x1;
	_ =	sdelay $0x4  }
0x38d: {  	(v2sf) =	vpush v0, $0x0;
	_ =	sdelay $0xe  }
0x38e: {  	s4 =	spop (v2sf)  }
0x38f: {  	p1 =	seq.s32 s4, $0xFFFFFFFF  }
.Ltmp34:
0x390: {  	_ = 	snop;
	(pc) =	sbr.rel @p1 .LBB2_47-.Ltmp34, $1  }
0x391: {  	_ =	sdelay $0x3  }
0x392: {  	p1 =	slt.s32 s1, $0x1  }
.Ltmp35:
0x393: {  	_ = 	snop;
	(pc) =	sbr.rel @p1 .LBB2_45-.Ltmp35, $1  }
0x394: {  	_ =	sdelay $0x3  }
0x395: {  	s5 =	simm.s32 $0x3658;
	p1 =	por $0x0, $0x0  }
0x396: {  	v1 =	vld.msk @!p1 [tilespmem:s5+$0x0], $0x1;
	_ =	sdelay $0x4  }
0x397: {  	(v2sf) =	vpush @!p1 v1, $0x0;
	_ =	sdelay $0xd  }
0x398: {  	p3 =	sne.s32 s1, $0x1  }
.Ltmp36:
0x399: {  	s0 =	spop @!p1 (v2sf);
	(pc) =	sbr.rel @!p3 .LBB2_44-.Ltmp36, $4  }
0x39a: {  	p2 =	seq.s32 @!p1 s4, s0  }
0x39b: {  	s6 =	simm.s32 $0x0;
	p2 =	por !p2, p1  }
0x39c: {  	s0 =	simm.s32 $0xFFFFFFFF;
	s6 =	simm.s32 @p2 $0xFFFFFFFF  }
0x39d: {  	s7 =	simm.s32 $0x1;
	s6 =	smov.u32 @p1 s0  }
.LBB2_43:
0x39e: {  	s0 =	smov.u32 s6;
	p1 =	sne.s32 s6, $0xFFFFFFFF  }
0x39f: {  	s5 =	sadd.s32 $0x1, s5;
	s6 =	smov.u32 s7;
	s7 =	sadd.s32 $0x1, s7  }
0x3a0: {  	p2 =	sne.s32 s1, s7;
	v1 =	vld.msk @!p1 [tilespmem:s5+$0x0], $0x1;
	_ =	sdelay $0x4  }
0x3a1: {  	(v2sf) =	vpush @!p1 v1, $0x0;
	_ =	sdelay $0xe  }
.Ltmp37:
0x3a2: {  	s8 =	spop @!p1 (v2sf);
	(pc) =	sbr.rel @p2 .LBB2_43-.Ltmp37, $4  }
0x3a3: {  	p3 =	seq.s32 @!p1 s4, s8  }
0x3a4: {  	p3 =	por !p3, p1  }
0x3a5: {  	s6 =	simm.s32 @p3 $0xFFFFFFFF  }
0x3a6: {  	s6 =	smov.u32 @p1 s0  }
.LBB2_44:
0x3a7: {  	p1 =	sne.s32 s6, $0xFFFFFFFF  }
.Ltmp38:
0x3a8: {  	_ = 	snop;
	(pc) =	sbr.rel @!p1 .LBB2_45-.Ltmp38, $1  }
0x3a9: {  	_ =	sdelay $0x3  }
0x3aa: {  	s0 =	sshll.u32 s2, $0x4  }
0x3ab: {  	s0 =	sand.u32 $0x3FFFFFF0, s0  }
0x3ac: {  	v0 =	vld [tilespmem:s0+$0x3678]  }
.Ltmp39:
0x3ad: {  	_ = 	snop;
	(pc) =	sbr.rel .LBB2_47-.Ltmp39, $4  }
0x3ae: {  	_ = 	snop  }
0x3af: {  	s31 =	sshll.u32 s6, $0x6  }
0x3b0: {  	s0 =	sshra.s32 s31, $0x2  }
0x3b1: {  	[tilespmem:s0+$0x3678] =	vst.add.f32.msk $0xffff, v0  }
.LBB2_48:
0x3b2: {  	p1 =	slt.s32 s1, $0x1  }
.Ltmp40:
0x3b3: {  	_ = 	snop;
	(pc) =	sbr.rel @p1 .LBB2_52-.Ltmp40, $3  }
0x3b4: {  	_ =	sdelay $0x1  }
0x3b5: {  	s0 =	simm.s32 $0x8  }
0x3b6: {  	s2 =	simm.s32 $0x0;
	[sflag:s0] =	ssyncpa.u1 $0x1  }
0x3b7: {  	s0 =	simm.s32 $0x3658  }
0x3b8: {  	v0 =	vld.msk [tilespmem:s0+$0x0], $0x1;
	_ =	sdelay $0x4  }
0x3b9: {  	(v2sf) =	vpush v0, $0x0;
	_ =	sdelay $0xe  }
0x3ba: {  	s1 =	sadd.s32 $0xFFFFFFFF, s1;
	s0 =	spop (v2sf)  }
0x3bb: {  	p2 =	sne.s32 s1, $0x0;
	p1 =	sgt.u32 s0, $0x7FFF  }
.Ltmp41:
0x3bc: {  	s5 =	sand.u32 @!p1 $0x7FF8, s0;
	(pc) =	sbr.rel @!p2 .LBB2_51-.Ltmp41, $4  }
0x3bd: {  	s4 =	simm.s32 $0x3678;
	s0 =	sand.u32 @!p1 $0x7, s0;
	s5 =	sadd.s32 @!p1 s3, s5  }
0x3be: {  	[hbm4b:s5+s0] =	stream.linear.scatter @!p1 [tilespmem:s4], [sflag:$0x7], $0x4, $0x38;
	[tilespmem:$0x1F0F8] =	vst v63  }
0x3bf: {  	s0 =	simm.s32 $0x0  }
0x3c0: {  	s5 =	simm.s32 $0x3659;
	s0 =	simm.s32 @!p1 $0x10  }
.LBB2_50:
0x3c1: {  	v0 =	vld.msk [tilespmem:s5+$0x0], $0x1;
	s1 =	sadd.s32 $0xFFFFFFFF, s1;
	s2 =	sadd.s32 s2, s0  }
0x3c2: {  	p1 =	sne.s32 s1, $0x0;
	_ =	sdelay $0x3  }
0x3c3: {  	(v2sf) =	vpush v0, $0x0;
	_ =	sdelay $0xe  }
.Ltmp42:
0x3c4: {  	s6 =	spop (v2sf);
	(pc) =	sbr.rel @p1 .LBB2_50-.Ltmp42, $4  }
0x3c5: {  	s0 =	simm.s32 $0x0;
	p2 =	sgt.u32 s6, $0x7FFF  }
0x3c6: {  	s4 =	sadd.s32 $0x10, s4;
	s0 =	simm.s32 @!p2 $0x10;
	s7 =	sand.u32 @!p2 $0x7FF8, s6  }
0x3c7: {  	s5 =	sadd.s32 $0x1, s5;
	s6 =	sand.u32 @!p2 $0x7, s6;
	s7 =	sadd.s32 @!p2 s3, s7  }
0x3c8: {  	[hbm4b:s7+s6] =	stream.linear.scatter @!p2 [tilespmem:s4], [sflag:$0x7], $0x4, $0x38;
	[tilespmem:$0x1F0F8] =	vst v63  }
.LBB2_51:
0x3c9: {  	s0 =	sadd.s32 s2, s0  }
0x3ca: {  	s2 =	sshrl.u32 s0, $0x2  }
.LBB2_52:
0x3cb: {  	s0 =	simm.s32 $0x7  }
0x3cc: {  	_ =	swait.ge [sflag:s0], s2  }
0x3cd: {  	s1 =	ssub.s32 $0x0, s2;
	[sflag:s0] =	ssyncset.done $0x0  }
0x3ce: {  	[sflag:s0] =	ssyncadd.s32 s1  }
0x3cf: {  	[sflag:s0] =	ssyncpa.u1 $0x1  }
.LBB2_53:
0x3d0: {  	_ =	sfence;
	s0 =	simm.s32 $0x1  }
0x3d1: {  	[sflag:s0] =	ssyncpa.u1 $0x1  }
0x3d2: {  	_ =	strace $0x90000053  }
0x3d3: {  	[bflag:$0x2] =	sbarrier.arrive $0xFFFF  }
0x3d4: {  	s0 =	rddreg [dreg:$0x3]  }
0x3d5: {  	s0 =	sadd.s32 @!p0 $0x100000, s0  }
0x3d6: {  	[sflag:s0] =	ssyncadd.tile.s32 @!p0 $0x1;
	_ =	shalt  }
.Lfunc_end2:
_tile_overlayer_lowered:
.L_overlay_start_2:
0x3d7: {  	(tag) =	ssettag $0x2  }
0x3d8: {  	s0 =	rddreg [dreg:$0x0];
	s2 =	stileid.u32  }
0x3d9: {  	s1 =	rddreg [dreg:$0x1];
	p0 =	sne.s32 s2, $0x0  }
0x3da: {  	s3 =	rddreg [dreg:$0x2];
	[bflag:$0x3] =	sbarrier.arrive $0xFFFF;
	s2 =	simm.s32 @!p0 $0x1C01  }
0x3db: {  	[timem:s3], [sflag:s2] =	dma.local @!p0 [hbm:s0], s1  }
0x3dc: {  	s0 =	simm.s32 @!p0 $0x1  }
0x3dd: {  	_ =	swait.ge @!p0 [sflag:s0], s1  }
0x3de: {  	s1 =	ssub.s32 @!p0 $0x0, s1;
	[sflag:s0] =	ssyncset.done @!p0 $0x0  }
0x3df: {  	[sflag:s0] =	ssyncadd.s32 @!p0 s1  }
0x3e0: {  	[bflag:$0x3] =	sbarrier.arrive $0xFFFF  }
0x3e1: {  	_ =	shalt  }

// kernel: scatter_offload_async_start.2
scs
__scs_entry_jumppad:
0x0: {  	(pc) =	sbr.rel $0x88, $3  }
0x1: {  	(tag) =	ssettag $0x0;
	lr =	simm.s32 $0x1  }
0x2: {  	[smem:$0x3F7F] =	sst lr;
	_ =	strace $0xD0000000  }
0x3: {  	_ = 	snop  }
0x4: {  	_ = 	snop  }
0x5: {  	_ = 	snop  }
0x6: {  	_ = 	snop  }
0x7: {  	_ = 	snop  }
__scs_overlays_trampoline_lowered:
0x8: {  	[smem:$0x3F8E] =	sst s0  }
0x9: {  	[smem:$0x3F8F] =	sst s1  }
0xa: {  	[smem:$0x3F90] =	sst s2  }
0xb: {  	[smem:$0x3F91] =	sst s3  }
0xc: {  	[smem:$0x3F92] =	sst s4  }
0xd: {  	[smem:$0x3F93] =	sst s5  }
0xe: {  	[smem:$0x3F94] =	sst s6  }
0xf: {  	[smem:$0x3F95] =	sst s7  }
0x10: {  	[smem:$0x3F96] =	sst s8  }
0x11: {  	[smem:$0x3F97] =	sst s9;
	s0 =	simm.s32 @!p0 $0x0  }
0x12: {  	s1 =	sld [smem:$0x3F7D];
	s0 =	simm.s32 @p0 $0x1  }
0x13: {  	[smem:$0x3F98] =	sst s0;
	s0 =	simm.s32 @!p1 $0x0  }
0x14: {  	s2 =	sld [smem:$0x3F7C];
	s0 =	simm.s32 @p1 $0x1  }
0x15: {  	[smem:$0x3F99] =	sst s0;
	s0 =	simm.s32 @!p2 $0x0  }
0x16: {  	s3 =	sld [smem:$0x3FDB];
	s0 =	simm.s32 @p2 $0x1  }
0x17: {  	s4 =	simm.s32 $0x1BF5;
	[smem:$0x3F9B] =	sst s0  }
0x18: {  	s0 =	sld [smem:$0x3F7E];
	_ =	swait.ge [sflag:s4], $0x0  }
0x19: {  	s7 =	sld [smem:$0x3F7F]  }
0x1a: {  	s8 =	sadd.s32 $0xFFFFE003, lr  }
0x1b: {  	s9 =	sadd.s32 $0xFFFFFEF7, lr;
	s5 =	simm.s32 $0xFFFFFFFF;
	p2 =	slt.u32 s8, $0xFFFFF086  }
0x1c: {  	p1 =	slt.u32 s9, $0xF7A;
	s5 =	simm.s32 @!p2 $0x0  }
0x1d: {  	s5 =	simm.s32 @p1 $0x1;
	p0 =	seq.s32 s7, s2  }
0x1e: {  	s7 =	smul.u32 @!p0 $0xF7A, s2;
	p2 =	seq.s32 @!p0 s5, $0x0  }
0x1f: {  	s9 =	smul.u32 $0xF7A, s1;
	s8 =	simm.s32 @!p0 $0x1BF5;
	p2 =	por !p2, p0  }
0x20: {  	[sflag:s8] =	ssyncset.s32 @!p0 $0xFFFFF086;
	s6 =	sadd.s32 @!p0 s3, s7;
	s7 =	simm.s32 @!p0 $0x108  }
0x21: {  	s3 =	sadd.s32 s3, s9;
	s6 =	sadd.s32 @!p0 $0x88, s6;
	s7 =	simm.s32 @p2 $0x1082  }
0x22: {  	[simem:s7], [sflag:s8] =	dma.local @!p0 [hbm:s6], $0xF7A  }
0x23: {  	s9 =	sor.u32 $0xD0000000, s2;
	s6 =	simm.s32 $0x108;
	_ =	swait.ge @!p0 [sflag:s8], $0x0  }
0x24: {  	s3 =	sadd.s32 $0x88, s3;
	s6 =	simm.s32 @!p1 $0x1082;
	[sflag:s4] =	ssyncset.s32 $0xFFFFF086  }
0x25: {  	[simem:s6], [sflag:s4] =	dma.local [hbm:s3], $0xF7A  }
0x26: {  	[smem:$0x3F7F] =	sst s1;
	(tag) =	ssettag s2;
	_ =	strace s9  }
0x27: {  	s1 =	sld [smem:$0x3F8F]  }
0x28: {  	s2 =	sld [smem:$0x3F90]  }
0x29: {  	s4 =	sld [smem:$0x3F92]  }
0x2a: {  	p0 =	seq.s32 s5, $0x0;
	s5 =	sld [smem:$0x3F93]  }
0x2b: {  	s6 =	sld [smem:$0x3F94]  }
0x2c: {  	s7 =	sld [smem:$0x3F95]  }
0x2d: {  	s3 =	simm.s32 $0x108;
	s8 =	sld [smem:$0x3F96]  }
0x2e: {  	s3 =	simm.s32 @!p0 $0x1082;
	s9 =	sld [smem:$0x3F97]  }
0x2f: {  	lr =	sadd.s32 s0, s3;
	s0 =	sld [smem:$0x3F8E]  }
0x30: {  	s3 =	sld [smem:$0x3F91]  }
0x31: {  	[smem:$0x3F9A] =	sst s10  }
0x32: {  	s10 =	sld [smem:$0x3F98];
	_ =	sdelay $0x3  }
0x33: {  	p0 =	seq.s32 s10, $0x1;
	s10 =	sld [smem:$0x3F9A];
	_ =	sdelay $0x3  }
0x34: {  	[smem:$0x3F9A] =	sst s10  }
0x35: {  	s10 =	sld [smem:$0x3F99];
	_ =	sdelay $0x3  }
0x36: {  	p1 =	seq.s32 s10, $0x1;
	s10 =	sld [smem:$0x3F9A];
	_ =	sdelay $0x3  }
0x37: {  	[smem:$0x3F9A] =	sst s10  }
0x38: {  	s10 =	sld [smem:$0x3F9B]  }
0x39: {  	_ = 	snop;
	(pc) =	sbr.ind lr, $3  }
0x3a: {  	_ = 	snop  }
0x3b: {  	_ = 	snop  }
0x3c: {  	p2 =	seq.s32 s10, $0x1;
	s10 =	sld [smem:$0x3F9A]  }
0x3d: {  	_ =	shalt  }
0x3e: {  	_ =	shalt  }
0x3f: {  	_ =	shalt  }
0x40: {  	_ =	shalt  }
0x41: {  	_ =	shalt  }
0x42: {  	_ =	shalt  }
0x43: {  	_ =	shalt  }
0x44: {  	_ =	shalt  }
0x45: {  	_ =	shalt  }
0x46: {  	_ =	shalt  }
0x47: {  	_ =	shalt  }
0x48: {  	_ =	shalt  }
0x49: {  	_ =	shalt  }
0x4a: {  	_ =	shalt  }
0x4b: {  	_ =	shalt  }
0x4c: {  	_ =	shalt  }
0x4d: {  	_ =	shalt  }
0x4e: {  	_ =	shalt  }
0x4f: {  	_ =	shalt  }
0x50: {  	_ =	shalt  }
0x51: {  	_ =	shalt  }
0x52: {  	_ =	shalt  }
0x53: {  	_ =	shalt  }
0x54: {  	_ =	shalt  }
0x55: {  	_ =	shalt  }
0x56: {  	_ =	shalt  }
0x57: {  	_ =	shalt  }
0x58: {  	_ =	shalt  }
0x59: {  	_ =	shalt  }
0x5a: {  	_ =	shalt  }
0x5b: {  	_ =	shalt  }
0x5c: {  	_ =	shalt  }
0x5d: {  	_ =	shalt  }
0x5e: {  	_ =	shalt  }
0x5f: {  	_ =	shalt  }
0x60: {  	_ =	shalt  }
0x61: {  	_ =	shalt  }
0x62: {  	_ =	shalt  }
0x63: {  	_ =	shalt  }
0x64: {  	_ =	shalt  }
0x65: {  	_ =	shalt  }
0x66: {  	_ =	shalt  }
0x67: {  	_ =	shalt  }
0x68: {  	_ =	shalt  }
0x69: {  	_ =	shalt  }
0x6a: {  	_ =	shalt  }
0x6b: {  	_ =	shalt  }
0x6c: {  	_ =	shalt  }
0x6d: {  	_ =	shalt  }
0x6e: {  	_ =	shalt  }
0x6f: {  	_ =	shalt  }
0x70: {  	_ =	shalt  }
0x71: {  	_ =	shalt  }
0x72: {  	_ =	shalt  }
0x73: {  	_ =	shalt  }
0x74: {  	_ =	shalt  }
0x75: {  	_ =	shalt  }
0x76: {  	_ =	shalt  }
0x77: {  	_ =	shalt  }
0x78: {  	_ =	shalt  }
0x79: {  	_ =	shalt  }
0x7a: {  	_ =	shalt  }
0x7b: {  	_ =	shalt  }
0x7c: {  	_ =	shalt  }
0x7d: {  	_ =	shalt  }
0x7e: {  	_ =	shalt  }
0x7f: {  	_ =	shalt  }
0x80: {  	_ =	shalt  }
0x81: {  	_ =	shalt  }
0x82: {  	_ =	shalt  }
0x83: {  	_ =	shalt  }
0x84: {  	_ =	shalt  }
0x85: {  	_ =	shalt  }
0x86: {  	_ =	shalt  }
0x87: {  	_ =	shalt  }
.Lfunc_end0:
.L_simem_size_0:
called_computation.2_lowered:
.L_overlay_start_0:
0x88: {  	s0 =	sld [smem:$0x3FD9]  }
0x89: {  	s1 =	sld [smem:$0x3FFE];
	_ =	sdelay $0x3  }
0x8a: {  	s0 =	sadd.s32 s1, s0  }
0x8b: {  	[smem:$0x3FA6] =	sst s0  }
0x8c: {  	_ = 	snop  }
0x8d: {  	(tm) =	ssettm $0x1  }
0x8e: {  	s14 =	sld [smem:$0x3FFB];
	_ =	sdelay $0x3  }
0x8f: {  	_ =	strace s14  }
0x90: {  	s0 =	sld [smem:$0x3FFC];
	_ =	sdelay $0x3  }
0x91: {  	_ =	strace s0  }
0x92: {  	s0 =	sld [smem:$0x3FFD];
	_ =	sdelay $0x3  }
0x93: {  	_ =	strace s0  }
0x94: {  	_ =	strace $0x8FFFFFFF  }
0x95: {  	s15 =	sld [smem:$0x3FDB];
	_ =	sdelay $0x1  }
0x96: {  	s16 =	simm.s32 $_scs_section_size  }
0x97: {  	s2 =	simm.s32 $_size__tile_overlayer_lowered;
	s3 =	simm.s32 $_tile_overlayer_lowered  }
0x98: {  	s4 =	simm.s32 $0x1BFF;
	s17 =	sshll.u32 s3, $0x1;
	s1 =	sadd.s32 s16, s15  }
0x99: {  	s18 =	simm.s32 $0x0;
	s2 =	sshll.u32 s2, $0x1;
	s3 =	sadd.s32 s17, s1  }
0x9a: {  	[timem:s18], [sflag:s4] =	dma.local [hbm:s3], s2  }
0x9b: {  	_ =	swait.ge [sflag:s4], s2  }
0x9c: {  	s2 =	ssub.s32 $0x0, s2;
	[sflag:s4] =	ssyncset.done $0x0  }
0x9d: {  	[sflag:s4] =	ssyncadd.s32 s2;
	_ =	sdelay $0x1  }
0x9e: {  	s19 =	simm.s32 $0x1B8B  }
0x9f: {  	_ =	swait.ge [sflag:s19], $0x1  }
0xa0: {  	[sflag:s19] =	ssyncset.done $0x0  }
0xa1: {  	s21 =	simm.s32 $0x1B8E;
	s20 =	sld [smem:$0x3FFE];
	[sflag:s19] =	ssyncadd.s32 $0xFFFFFFFF  }
0xa2: {  	s22 =	simm.s32 $execute0_lowered;
	[smem:$0x3FD2] =	sst s21  }
0xa3: {  	s3 =	sshll.u32 s22, $0x1;
	_ =	strace $0x8000004C;
	[dreg:$0x1] =	wrdreg $0xFFFFFFFF  }
0xa4: {  	s23 =	simm.s32 $_size_execute0_lowered;
	s3 =	sadd.s32 s1, s3;
	[dreg:$0x0] =	wrdreg $0x0  }
0xa5: {  	s4 =	sshll.u32 s23, $0x1;
	[dreg:$0x2] =	wrdreg s3  }
0xa6: {  	[dreg:$0x3] =	wrdreg s4  }
0xa7: {  	[dreg:$0x4] =	wrdreg $0xC0  }
0xa8: {  	s24 =	simm.s32 $execute1_lowered;
	_ =	task [dreg:s18], $0x5FFFF  }
0xa9: {  	s3 =	sshll.u32 s24, $0x1;
	[dreg:$0x1] =	wrdreg $0xFFFFFFFF  }
0xaa: {  	s1 =	sadd.s32 s1, s3;
	[dreg:$0x0] =	wrdreg $0x60  }
0xab: {  	[dreg:$0x2] =	wrdreg s1  }
0xac: {  	[dreg:$0x3] =	wrdreg s20  }
0xad: {  	[dreg:$0x4] =	wrdreg $0x9  }
0xae: {  	_ =	task.clear_ibuf [dreg:s18], $0x5FFFF;
	_ =	strace $0x9000004C  }
0xaf: {  	s25 =	simm.s32 $0x9;
	_ =	strace $0x8000004E  }
0xb0: {  	_ =	swait.ge [sflag:s25], $0x1  }
0xb1: {  	[sflag:s25] =	ssyncadd.s32 $0xFFFFFFFF  }
0xb2: {  	_ =	strace $0x9000004E  }
0xb3: {  	_ =	strace $0x8000004F;
	[dreg:$0x1] =	wrdreg $0xFFFFFFFF  }
0xb4: {  	[dreg:$0x0] =	wrdreg $0x2030  }
0xb5: {  	[dreg:$0x2] =	wrdreg s20  }
0xb6: {  	[dreg:$0x3] =	wrdreg $0xA  }
0xb7: {  	_ =	task.clear_ibuf [dreg:s18], $0x4FFFF;
	_ =	strace $0x9000004F  }
0xb8: {  	s26 =	simm.s32 $0xA;
	_ =	strace $0x80000051  }
0xb9: {  	_ =	swait.ge [sflag:s26], $0x1  }
0xba: {  	[sflag:s26] =	ssyncadd.s32 $0xFFFFFFFF  }
0xbb: {  	_ =	strace $0x90000051  }
0xbc: {  	_ =	sfence  }
0xbd: {  	s28 =	sld [smem:$0x0];
	_ =	sdelay $0x1  }
0xbe: {  	s29 =	srdreg.scid  }
0xbf: {  	s30 =	sshll.u32 s29, $0xD;
	s31 =	sshrl.u32 s29, $0x2  }
0xc0: {  	s2 =	sand.u32 $0x1, s29;
	s3 =	sand.u32 $0x4000, s30;
	s1 =	sadd.s32 s31, s28  }
0xc1: {  	s2 =	sor.u32 s3, s2;
	s1 =	sshll.u32 s1, $0x11  }
0xc2: {  	s1 =	sor.u32 s1, s2  }
0xc3: {  	s1 =	sadd.s32 $0x8F2B, s1  }
0xc4: {  	[sflag:s1] =	ssyncadd.remote.s32 $0x1  }
0xc5: {  	_ =	sfence.sel $0xFFFF  }
0xc6: {  	[dreg:$0x0] =	wrdreg $0xFFFFFFFF;
	(pc) =	sbr.abs _section_cstart, $3  }
0xc7: {  	[dreg:$0x1] =	wrdreg $0xFFFFFFFF  }
0xc8: {  	_ =	task.clear_ibuf [dreg:s18], $0x2FFFF;
	_ =	strace $0x9FFFFFFF  }
0xc9: {  	(tm) =	ssettm $0x7FFFFFFF  }
tec
execute0_lowered:
.L_overlay_start_1:
0x0: {  	(tag) =	ssettag $0x1  }
0x1: {  	s2 =	rddreg [dreg:$0x0]  }
0x2: {  	s6 =	rddreg [dreg:$0x1]  }
0x3: {  	s0 =	rddreg [dreg:$0x2];
	s3 =	stileid.u32  }
0x4: {  	[bflag:$0x3] =	sbarrier.arrive $0xFFFF;
	s1 =	simm.s32 $_size_execute1_lowered;
	p0 =	sne.s32 s3, $0x0  }
0x5: {  	s1 =	sshll.u32 s1, $0x1;
	s4 =	simm.s32 @!p0 $0x1C3F;
	s5 =	simm.s32 @!p0 $0x4060  }
0x6: {  	[timem:s5], [sflag:s4] =	dma.local @!p0 [hbm:s2], s1  }
0x7: {  	s7 =	simm.s32 $0x1;
	s8 =	simm.s32 $0x2;
	s2 =	sshll.u32 s3, $0xE  }
0x8: {  	s10 =	simm.s32 $0x0;
	s9 =	simm.s32 $0x0;
	s30 =	ssub.s32 $0x400000, s2  }
.Ltmp0:
0x9: {  	s3 =	sadd.s32 $0x2AA00, s6;
	s31 =	sand.u32 $0x3C000, s30;
	(pc) =	sbr.rel .LBB2_1-.Ltmp0, $4  }
0xa: {  	s4 =	simm.s32 $0x1;
	_ =	strace $0x8000004D;
	p1 =	sne.s32 s31, $0x0  }
0xb: {  	s5 =	sshrl.u32 s30, $0x12;
	[sflag:s4] =	ssyncpa.u1 $0x0;
	s7 =	simm.s32 @!p1 $0x0  }
0xc: {  	s6 =	sadd.s32 $0xAAA00, s6;
	[sflag:s8] =	ssyncpa.u1 $0x0;
	s5 =	sadd.s32 s7, s5  }
0xd: {  	s8 =	smov.u32 s2;
	p1 =	por $0x0, $0x0;
	s7 =	sadd.s32 $0x1, s5  }
.LBB2_4:
0xe: {  	[tilespmem:s11+$0xB0] =	vst v0  }
0xf: {  	[tilespmem:s11+$0xC0] =	vst v1  }
0x10: {  	[tilespmem:s11+$0xD0] =	vst v2  }
0x11: {  	[tilespmem:s11+$0xE0] =	vst v3;
	s13 =	sshrl.u32 s10, $0x3  }
0x12: {  	[tilespmem:s11+$0xFFFFFF00] =	vst v4;
	s31 =	sand.u32 $0x7, s10;
	s30 =	sadd.s32 s6, s13  }
0x13: {  	[hbm4b:s30+s31] =	stream.linear.scatter [tilespmem:s12], [sflag:$0x2], $0x4000, $0x38;
	[tilespmem:$0x10000] =	vst v63  }
.LBB2_5:
0x14: {  	s12 =	sadd.s32 $0x40000, s8  }
0x15: {  	p3 =	sgt.s32 s12, $0x3FFFFF  }
0x16: {  	s12 =	smov.u32 @p3 s2;
	p3 =	sne.s32 s9, s7  }
.Ltmp1:
0x17: {  	p2 =	slt.u32 s9, $0x2;
	(pc) =	sbr.rel @!p3 .LBB2_6-.Ltmp1, $4  }
0x18: {  	s11 =	simm.s32 @!p2 $0x2  }
0x19: {  	s13 =	sadd.s32 $0x1, s9;
	_ =	swait.ge @!p2 [sflag:s11], $0x4000  }
0x1a: {  	s10 =	smov.u32 s8;
	p1 =	por !p1, !p1;
	[sflag:s11] =	ssyncset.done @!p2 $0x0  }
0x1b: {  	s9 =	smov.u32 s13;
	s8 =	smov.u32 s12;
	[sflag:s11] =	ssyncadd.s32 @!p2 $0xFFFFC000  }
.LBB2_1:
0x1c: {  	p2 =	sge.u32 s9, s5  }
0x1d: {  	s11 =	sxor.u32 @!p2 $0xFFFFFFFF, s9  }
0x1e: {  	s31 =	sadd.s32 $0xFFFFFFFF, s9;
	s12 =	sshrl.u32 @!p2 s8, $0x3;
	s11 =	sshll.u32 @!p2 s11, $0xE  }
0x1f: {  	s13 =	sand.u32 @!p2 $0x7, s8;
	s12 =	sadd.s32 @!p2 s3, s12;
	s11 =	sand.u32 @!p2 $0x4000, s11  }
0x20: {  	[tilespmem:s11], [sflag:$0x1] =	stream.linear.gather @!p2 [hbm4b:s12+s13], $0x4000, $0x38;
	[tilespmem:$0x10000] =	vst v63  }
0x21: {  	p2 =	sge.u32 s31, s5  }
.Ltmp2:
0x22: {  	_ = 	snop;
	(pc) =	sbr.rel @p2 .LBB2_5-.Ltmp2, $1  }
0x23: {  	_ =	sdelay $0x3  }
0x24: {  	s11 =	simm.s32 $0x1  }
0x25: {  	_ =	swait.ge [sflag:s4], $0x4000;
	s11 =	simm.s32 @!p1 $0x0  }
0x26: {  	[sflag:s4] =	ssyncset.done $0x0;
	s11 =	sshll.u32 s11, $0xE  }
0x27: {  	[sflag:s4] =	ssyncadd.s32 $0xFFFFC000;
	s14 =	sor.u32 $0x100, s11  }
0x28: {  	v0 =	vld [tilespmem:s14+$0xF0]  }
0x29: {  	v1 =	vld [tilespmem:s14+$0xFFFFFF10]  }
0x2a: {  	v2 =	vld [tilespmem:s14+$0xFFFFFF20]  }
0x2b: {  	v3 =	vld [tilespmem:s14+$0xFFFFFF30]  }
0x2c: {  	s11 =	sor.u32 $0x8100, s11;
	v4 =	vld [tilespmem:s14+$0xFFFFFF40]  }
0x2d: {  	v5 =	vld [tilespmem:s14+$0xFFFFFF50];
	[tilespmem:s11+$0xF0] =	vst v0  }
0x2e: {  	[tilespmem:s11+$0xFFFFFF10] =	vst v1;
	v0 =	vld [tilespmem:s14+$0xFFFFFF60]  }
0x2f: {  	[tilespmem:s11+$0xFFFFFF20] =	vst v2;
	v1 =	vld [tilespmem:s14+$0xFFFFFF70]  }
0x30: {  	[tilespmem:s11+$0xFFFFFF30] =	vst v3;
	v2 =	vld [tilespmem:s14+$0xFFFFFF80]  }
0x31: {  	[tilespmem:s11+$0xFFFFFF40] =	vst v4;
	v3 =	vld [tilespmem:s14+$0xFFFFFF90]  }
0x32: {  	[tilespmem:s11+$0xFFFFFF50] =	vst v5;
	v4 =	vld [tilespmem:s14+$0xFFFFFFA0]  }
0x33: {  	v5 =	vld [tilespmem:s14+$0xA0];
	[tilespmem:s11+$0xFFFFFF60] =	vst v0  }
0x34: {  	v0 =	vld [tilespmem:s14+$0xFFFFFFB0];
	[tilespmem:s11+$0xFFFFFF70] =	vst v1  }
0x35: {  	v1 =	vld [tilespmem:s14+$0xFFFFFFC0];
	[tilespmem:s11+$0xFFFFFF80] =	vst v2  }
0x36: {  	v2 =	vld [tilespmem:s14+$0xFFFFFFD0];
	[tilespmem:s11+$0xFFFFFF90] =	vst v3  }
0x37: {  	v3 =	vld [tilespmem:s14+$0xFFFFFFE0];
	[tilespmem:s11+$0xFFFFFFA0] =	vst v4  }
0x38: {  	v4 =	vld [tilespmem:s14+$0xFFFFFFF0];
	[tilespmem:s11+$0xA0] =	vst v5  }
0x39: {  	[tilespmem:s11+$0xFFFFFFB0] =	vst v0;
	v0 =	vld [tilespmem:s14+$0x0]  }
0x3a: {  	[tilespmem:s11+$0xFFFFFFC0] =	vst v1;
	v1 =	vld [tilespmem:s14+$0x10]  }
0x3b: {  	[tilespmem:s11+$0xFFFFFFD0] =	vst v2;
	v2 =	vld [tilespmem:s14+$0x20]  }
0x3c: {  	[tilespmem:s11+$0xFFFFFFE0] =	vst v3;
	v3 =	vld [tilespmem:s14+$0x30]  }
0x3d: {  	[tilespmem:s11+$0xFFFFFFF0] =	vst v4;
	v4 =	vld [tilespmem:s14+$0x40]  }
0x3e: {  	[tilespmem:s11+$0x0] =	vst v0;
	v0 =	vld [tilespmem:s14+$0x50]  }
0x3f: {  	[tilespmem:s11+$0x10] =	vst v1;
	v1 =	vld [tilespmem:s14+$0x60]  }
0x40: {  	[tilespmem:s11+$0x20] =	vst v2;
	v2 =	vld [tilespmem:s14+$0x70]  }
0x41: {  	[tilespmem:s11+$0x30] =	vst v3;
	v3 =	vld [tilespmem:s14+$0x80]  }
0x42: {  	[tilespmem:s11+$0x40] =	vst v4;
	v4 =	vld [tilespmem:s14+$0x90]  }
0x43: {  	[tilespmem:s11+$0x50] =	vst v0;
	v0 =	vld [tilespmem:s14+$0xB0]  }
0x44: {  	[tilespmem:s11+$0x60] =	vst v1;
	v1 =	vld [tilespmem:s14+$0xC0]  }
0x45: {  	s12 =	sshll.u32 s9, $0xE;
	[tilespmem:s11+$0x70] =	vst v2;
	v2 =	vld [tilespmem:s14+$0xD0]  }
0x46: {  	s12 =	sand.u32 $0x4000, s12;
	[tilespmem:s11+$0x80] =	vst v3;
	v3 =	vld [tilespmem:s14+$0xE0]  }
0x47: {  	s13 =	simm.s32 $0x0;
	s12 =	sor.u32 $0x8000, s12;
	[tilespmem:s11+$0x90] =	vst v4;
	v4 =	vld [tilespmem:s14+$0xFFFFFF00];
	s14 =	sadd.s32 $0x200, s14  }
.LBB2_3:
0x48: {  	v5 =	vld [tilespmem:s14+$0xF0];
	s13 =	sadd.s32 $0x200, s13;
	[tilespmem:s11+$0xB0] =	vst v0  }
0x49: {  	v0 =	vld [tilespmem:s14+$0xFFFFFF10];
	p2 =	slt.u32 s13, $0x3E00;
	[tilespmem:s11+$0xC0] =	vst v1  }
0x4a: {  	v1 =	vld [tilespmem:s14+$0xFFFFFF20];
	[tilespmem:s11+$0xD0] =	vst v2  }
0x4b: {  	v2 =	vld [tilespmem:s14+$0xFFFFFF30];
	[tilespmem:s11+$0xE0] =	vst v3  }
0x4c: {  	v3 =	vld [tilespmem:s14+$0xFFFFFF40];
	[tilespmem:s11+$0xFFFFFF00] =	vst v4;
	s11 =	sadd.s32 $0x200, s11  }
0x4d: {  	v4 =	vld [tilespmem:s14+$0xFFFFFF50];
	[tilespmem:s11+$0xF0] =	vst v5  }
0x4e: {  	[tilespmem:s11+$0xFFFFFF10] =	vst v0;
	v0 =	vld [tilespmem:s14+$0xFFFFFF60]  }
0x4f: {  	[tilespmem:s11+$0xFFFFFF20] =	vst v1;
	v1 =	vld [tilespmem:s14+$0xFFFFFF70]  }
0x50: {  	[tilespmem:s11+$0xFFFFFF30] =	vst v2;
	v2 =	vld [tilespmem:s14+$0xFFFFFF80]  }
0x51: {  	[tilespmem:s11+$0xFFFFFF40] =	vst v3;
	v3 =	vld [tilespmem:s14+$0xFFFFFF90]  }
0x52: {  	[tilespmem:s11+$0xFFFFFF50] =	vst v4;
	v4 =	vld [tilespmem:s14+$0xFFFFFFA0]  }
0x53: {  	[tilespmem:s11+$0xFFFFFF60] =	vst v0;
	v0 =	vld [tilespmem:s14+$0xFFFFFFB0]  }
0x54: {  	[tilespmem:s11+$0xFFFFFF70] =	vst v1;
	v1 =	vld [tilespmem:s14+$0xFFFFFFC0]  }
0x55: {  	[tilespmem:s11+$0xFFFFFF80] =	vst v2;
	v2 =	vld [tilespmem:s14+$0xFFFFFFD0]  }
0x56: {  	[tilespmem:s11+$0xFFFFFF90] =	vst v3;
	v3 =	vld [tilespmem:s14+$0xFFFFFFE0]  }
0x57: {  	[tilespmem:s11+$0xFFFFFFA0] =	vst v4;
	v4 =	vld [tilespmem:s14+$0xFFFFFFF0]  }
0x58: {  	[tilespmem:s11+$0xFFFFFFB0] =	vst v0;
	v0 =	vld [tilespmem:s14+$0x0]  }
0x59: {  	[tilespmem:s11+$0xFFFFFFC0] =	vst v1;
	v1 =	vld [tilespmem:s14+$0x10]  }
0x5a: {  	[tilespmem:s11+$0xFFFFFFD0] =	vst v2;
	v2 =	vld [tilespmem:s14+$0x20]  }
0x5b: {  	[tilespmem:s11+$0xFFFFFFE0] =	vst v3;
	v3 =	vld [tilespmem:s14+$0x30]  }
0x5c: {  	[tilespmem:s11+$0xFFFFFFF0] =	vst v4;
	v4 =	vld [tilespmem:s14+$0x40]  }
0x5d: {  	[tilespmem:s11+$0x0] =	vst v0;
	v0 =	vld [tilespmem:s14+$0x50]  }
0x5e: {  	[tilespmem:s11+$0x10] =	vst v1;
	v1 =	vld [tilespmem:s14+$0x60]  }
0x5f: {  	[tilespmem:s11+$0x20] =	vst v2;
	v2 =	vld [tilespmem:s14+$0x70]  }
0x60: {  	[tilespmem:s11+$0x30] =	vst v3;
	v3 =	vld [tilespmem:s14+$0x80]  }
0x61: {  	[tilespmem:s11+$0x40] =	vst v4;
	v4 =	vld [tilespmem:s14+$0x90]  }
0x62: {  	[tilespmem:s11+$0x50] =	vst v0;
	v5 =	vld [tilespmem:s14+$0xA0]  }
.Ltmp3:
0x63: {  	[tilespmem:s11+$0x60] =	vst v1;
	v0 =	vld [tilespmem:s14+$0xB0];
	(pc) =	sbr.rel @p2 .LBB2_3-.Ltmp3, $4  }
0x64: {  	[tilespmem:s11+$0x70] =	vst v2;
	v1 =	vld [tilespmem:s14+$0xC0]  }
0x65: {  	[tilespmem:s11+$0x80] =	vst v3;
	v2 =	vld [tilespmem:s14+$0xD0]  }
0x66: {  	[tilespmem:s11+$0x90] =	vst v4;
	v3 =	vld [tilespmem:s14+$0xE0]  }
0x67: {  	v4 =	vld [tilespmem:s14+$0xFFFFFF00];
	[tilespmem:s11+$0xA0] =	vst v5;
	s14 =	sadd.s32 $0x200, s14  }
.Ltmp4:
0x68: {  	_ = 	snop;
	(pc) =	sbr.rel .LBB2_4-.Ltmp4, $1  }
0x69: {  	_ =	sdelay $0x3  }
.LBB2_6:
0x6a: {  	_ =	sfence.sel $0x180000  }
0x6b: {  	s2 =	simm.s32 $0x1;
	[bflag:$0x0] =	sbarrier.arrive $0xFFFF  }
0x6c: {  	s31 =	simm.s32 $0x2;
	[sflag:s2] =	ssyncpa.u1 $0x1  }
0x6d: {  	[sflag:s31] =	ssyncpa.u1 $0x1  }
0x6e: {  	_ =	strace $0x9000004D  }
0x6f: {  	s0 =	sadd.s32 @!p0 $0x100000, s0;
	[bflag:$0x2] =	sbarrier.arrive $0xFFFF  }
0x70: {  	[sflag:s0] =	ssyncadd.tile.s32 @!p0 $0x1;
	s0 =	simm.s32 @!p0 $0x3F  }
0x71: {  	_ =	swait.ge @!p0 [sflag:s0], s1  }
0x72: {  	s1 =	ssub.s32 @!p0 $0x0, s1;
	[sflag:s0] =	ssyncset.done @!p0 $0x0  }
0x73: {  	[sflag:s0] =	ssyncadd.s32 @!p0 s1  }
0x74: {  	[bflag:$0x3] =	sbarrier.arrive $0xFFFF  }
0x75: {  	_ =	shalt  }
.Lfunc_end2:
execute1_lowered:
.L_overlay_start_2:
0x76: {  	(tag) =	ssettag $0x2  }
0x77: {  	s0 =	rddreg [dreg:$0x0];
	_ =	strace $0x80000050;
	s3 =	simm.s32 $0x1  }
0x78: {  	v1 =	vimm.s32 $0xFFFFFFFF;
	[sflag:s3] =	ssyncpa.u1 $0x0  }
0x79: {  	[tilespmem:$0x10] =	vst v1  }
0x7a: {  	v0 =	vimm.f32 $0.0e+00;
	[tilespmem:$0x20] =	vst v1  }
0x7b: {  	[tilespmem:$0x30] =	vst v0  }
0x7c: {  	s2 =	simm.s32 $0x2;
	s6 =	simm.s32 $0x7;
	s26 =	stileid.u32;
	[tilespmem:$0x40] =	vst v0  }
0x7d: {  	s7 =	simm.s32 $0x8;
	s31 =	simm.s32 $0x9;
	s14 =	simm.s32 $0x0;
	[tilespmem:$0x50] =	vst v0  }
0x7e: {  	s15 =	simm.s32 $0x100;
	s18 =	simm.s32 $0x10;
	s19 =	simm.s32 $0x9100;
	[tilespmem:$0x60] =	vst v1  }
0x7f: {  	s20 =	simm.s32 $0xF;
	s21 =	simm.s32 $0x50;
	s22 =	simm.s32 $0x40FF;
	[tilespmem:$0x70] =	vst v1  }
0x80: {  	s23 =	simm.s32 $0x20;
	s24 =	simm.s32 $0x30;
	s25 =	simm.s32 $0x80FF;
	[tilespmem:$0x80] =	vst v1  }
0x81: {  	s30 =	simm.s32 $0x0;
	s29 =	simm.s32 $0x0;
	s1 =	sadd.s32 $0xAAA00, s0;
	v1 =	vimm.s32 $0x0;
	[tilespmem:$0xB0] =	vst v0  }
.Ltmp5:
0x82: {  	s4 =	sadd.s32 $0x26A00, s0;
	s5 =	sadd.s32 $0x28A00, s0;
	[tilespmem:$0x90] =	vst v1;
	(pc) =	sbr.rel .LBB3_1-.Ltmp5, $4  }
0x83: {  	s8 =	sshll.u32 s26, $0xC;
	s10 =	sshll.u32 s26, $0x1;
	[tilespmem:$0xA0] =	vst v1;
	[sflag:s2] =	ssyncpa.u1 $0x0  }
0x84: {  	s12 =	sshllo.u32 s26, $0x1;
	s26 =	simm.s32 $0x80;
	[sflag:s6] =	ssyncpa.u1 $0x0  }
0x85: {  	vm0 =	vmmov $0xffff;
	v2 =	vlaneseq.u32;
	s9 =	sadd.s32 $0x1000, s8;
	s11 =	sor.u32 $0x81, s10;
	[sflag:s7] =	ssyncpa.u1 $0x0  }
0x86: {  	vm1 =	vmxor vm1, vm1;
	vm2 =	vmmov $0x1;
	vm3 =	vcmask $0x3F3C;
	s13 =	sor.u32 $0x80, s10;
	s28 =	smov.u32 s8;
	[sflag:s31] =	ssyncpa.u1 $0x0  }
.LBB3_3:
0x87: {  	s0 =	sshrl.u32 s28, $0x3  }
0x88: {  	s2 =	sand.u32 $0x7, s28;
	s0 =	sadd.s32 s4, s0  }
0x89: {  	[tilespmem:s15], [sflag:$0x7] =	stream.linear.gather [hbm4b:s0+s2], $0x1000, $0x38;
	[tilespmem:$0x9120] =	vst v63  }
.LBB3_4:
0x8a: {  	s0 =	sadd.s32 $0x1000, s28  }
0x8b: {  	s2 =	smov.u32 s8;
	s29 =	sadd.s32 $0x1, s29;
	p0 =	slt.s32 s0, s9  }
0x8c: {  	s2 =	smov.u32 @p0 s0;
	p0 =	sne.s32 s29, $0x4  }
.Ltmp6:
0x8d: {  	_ = 	snop;
	(pc) =	sbr.rel @!p0 .LBB3_13-.Ltmp6, $2  }
0x8e: {  	_ =	sdelay $0x2  }
0x8f: {  	s30 =	smov.u32 s28;
	s28 =	smov.u32 s2  }
.LBB3_1:
0x90: {  	p0 =	sgt.s32 s29, $0x1  }
.Ltmp7:
0x91: {  	_ = 	snop;
	(pc) =	sbr.rel @p0 .LBB3_11-.Ltmp7, $1  }
0x92: {  	_ =	sdelay $0x3  }
0x93: {  	p0 =	seq.s32 s29, $0x0  }
.Ltmp8:
0x94: {  	_ = 	snop;
	(pc) =	sbr.rel @p0 .LBB3_3-.Ltmp8, $1  }
0x95: {  	_ =	sdelay $0x3  }
0x96: {  	_ =	swait.ge [sflag:s6], $0x1000  }
0x97: {  	[sflag:s6] =	ssyncset.done $0x0  }
0x98: {  	[sflag:s6] =	ssyncadd.s32 $0xFFFFF000;
	(ifvalue) =	ssetifvalue $0xFFFFFFFF;
	v3 =	vld.msk [tilespmem:s15+$0x0 ss:$0x1], $0xffff;
	_ =	sdelay $0x4  }
0x99: {  	v4 =	vperm.xlane v3, v1  }
0x9a: {  	vm4 =	vlt.u32 v3, $0x400000  }
0x9b: {  	v3 =	vnsel vm4, $0xFFFFFFFE, v3;
	vm4 =	vlt.u32 v4, $0x400000  }
0x9c: {  	[tilespmem:$0x70] =	vst v3;
	v3 =	vnsel vm4, $0xFFFFFFFE, v4  }
0x9d: {  	s17 =	simm.s32 $0x10F0;
	[tilespmem:$0x80] =	vst v3  }
0x9e: {  	v3 =	vld.msk [tilespmem:s17+$0x0 ss:$0x1], $0xffff;
	_ =	sdelay $0x4  }
0x9f: {  	(xrf1) =	vunique.msk.u32 $0xffff, v3;
	_ =	sdelay $0xd  }
0xa0: {  	v4 =	vimm.s32 $0xFFFFFFFF;
	v5, _, _ =	vpop (xrf1)  }
0xa1: {  	vm5 =	vne.s32 v3, v4;
	vm4 =	veq.s32 v5, v2  }
0xa2: {  	vm6 =	vlt.u32 v3, $0x400000;
	vm4 =	vmand vm5, vm4  }
0xa3: {  	vm4 =	vmand vm6, vm4  }
0xa4: {  	v4 =	vnsel vm4, $0xFFFFFFFF, v3;
	_ =	sdelay $0x3  }
0xa5: {  	s0 =	simm.s32 $0x40F0;
	(ifvalue) =	ssetifvalue $0xFFFFFFFF  }
0xa6: {  	v3 =	vperm.xlane v3, v1;
	[tilespmem:s0], [sflag:$0x8] =	stream.indirect_vreg.gather [hbm4b:s1+s14], $0x1, v4, vm0, $0x4038;
	v4 =	vnsel vm6, $0xFFFFFFFE, v4;
	[tilespmem:$0x9120] =	vst v63  }
0xa7: {  	s2 =	simm.s32 $0x0;
	s16 =	simm.s32 $0x10E0;
	[tilespmem:s17+$0x0] =	vst v4  }
.LBB3_6:
0xa8: {  	v4 =	vld.msk [tilespmem:s16+$0x0 ss:$0x1], $0xffff;
	s2 =	sadd.s32 $0x10, s2;
	v5 =	vmov v3;
	s17 =	smov.u32 s16  }
0xa9: {  	p0 =	slt.u32 s2, $0xFF0;
	_ =	sdelay $0x4  }
0xaa: {  	v3 =	vperm.xlane v4, v1;
	(xrf1) =	vunique.msk.u32 $0xffff, v4;
	_ =	sdelay $0xd  }
0xab: {  	v6, _, _ =	vpop (xrf1)  }
0xac: {  	vm5 =	vne.s32 v4, v5;
	vm4 =	veq.s32 v6, v2  }
0xad: {  	vm6 =	vlt.u32 v4, $0x400000;
	vm4 =	vmand vm5, vm4  }
0xae: {  	vm4 =	vmand vm6, vm4  }
0xaf: {  	v4 =	vnsel vm4, $0xFFFFFFFF, v4  }
.Ltmp9:
0xb0: {  	v5 =	vnsel vm6, $0xFFFFFFFE, v4;
	(pc) =	sbr.rel @p0 .LBB3_6-.Ltmp9, $3  }
0xb1: {  	_ =	sdelay $0x1  }
0xb2: {  	s16 =	sadd.s32 $0xFFFFFFF0, s16;
	s0 =	sadd.s32 $0xFFFFFFF0, s0;
	(ifvalue) =	ssetifvalue $0xFFFFFFFF  }
0xb3: {  	[tilespmem:s0], [sflag:$0x8] =	stream.indirect_vreg.gather [hbm4b:s1+s14], $0x1, v4, vm0, $0x4038;
	[tilespmem:s17+$0x0] =	vst v5  }
.Ltmp10:
0xb4: {  	(pc) =	sbr.rel .LBB3_4-.Ltmp10, $4  }
0xb5: {  	_ = 	snop  }
0xb6: {  	s0 =	sshrl.u32 s30, $0x3  }
0xb7: {  	s2 =	simm.s32 $0x5100;
	s0 =	sadd.s32 s5, s0  }
0xb8: {  	[tilespmem:s2], [sflag:$0x8] =	stream.linear.gather [hbm:s0], $0x1000, $0x38;
	[tilespmem:$0x9120] =	vst v63  }
.LBB3_11:
0xb9: {  	p0 =	seq.s32 s29, $0x2  }
.Ltmp11:
0xba: {  	_ = 	snop;
	(pc) =	sbr.rel @!p0 .LBB3_12-.Ltmp11, $1  }
0xbb: {  	_ =	sdelay $0x3  }
0xbc: {  	_ =	swait.ge [sflag:s7], $0x2000  }
0xbd: {  	[sflag:s7] =	ssyncset.done $0x0  }
0xbe: {  	s0 =	simm.s32 $0x10FF;
	[sflag:s7] =	ssyncadd.s32 $0xFFFFE000  }
0xbf: {  	[spmem:s11] =	stream.linear.scatter [tilespmem:s0], [sflag:$0x1], $0x1, $0x38;
	[tilespmem:$0x9120] =	vst v63  }
0xc0: {  	_ =	swait.ge [sflag:s3], $0x1  }
0xc1: {  	[sflag:s3] =	ssyncset.done $0x0  }
0xc2: {  	[sflag:s3] =	ssyncadd.s32 $0xFFFFFFFF  }
0xc3: {  	v4 =	vld [tilespmem:$0x10]  }
0xc4: {  	v5 =	vld [tilespmem:$0x70]  }
0xc5: {  	v3 =	vld [tilespmem:$0x80];
	_ =	sdelay $0x2  }
0xc6: {  	(v2sf) =	vpush v4, $0x0  }
0xc7: {  	(v2sf) =	vpush v5, $0x0  }
0xc8: {  	(v2sf) =	vpush v3, $0x0;
	_ =	sdelay $0xc  }
0xc9: {  	s16 =	spop (v2sf)  }
0xca: {  	s2 =	spop (v2sf)  }
0xcb: {  	s30 =	spop (v2sf)  }
0xcc: {  	p0 =	seq.s32 s16, s2;
	p1 =	seq.s32 s30, s16  }
0xcd: {  	p1 =	por p0, p1  }
0xce: {  	v4 =	vpsel p1, $0xFFFFFFFF, v4  }
0xcf: {  	[tilespmem:s18+$0x0] =	vst.msk $0x1, v4  }
0xd0: {  	v4 =	vld [tilespmem:$0x30]  }
0xd1: {  	v5 =	vld [tilespmem:$0x5100]  }
0xd2: {  	v6 =	vld [tilespmem:$0x40];
	_ =	sdelay $0x3  }
0xd3: {  	vm4 =	vmmov vm1;
	v5 =	vadd.f32 v5, v4  }
0xd4: {  	vm5 =	vmmov vm2;
	s31 =	simm.s32 $0x5100;
	vm4 =	vmmov @p0 vm2;
	v4 =	vadd.f32 v6, v4  }
0xd5: {  	vm5 =	vmmov @p1 vm1;
	[tilespmem:s31+$0x0] =	vst.msk vm4, v5  }
0xd6: {  	[tilespmem:s19+$0x0] =	vst.msk vm5, v4  }
0xd7: {  	v4 =	vld [tilespmem:$0x40F0];
	_ =	sdelay $0x3  }
0xd8: {  	v5 =	vimm.f32 $0.0e+00  }
0xd9: {  	v4 =	vshift.insert v4, v5, s20;
	_ =	sdelay $0x1  }
0xda: {  	[tilespmem:s21+$0x0] =	vst.msk $0x1, v4  }
0xdb: {  	[tilespmem:s22+$0x0] =	vst.msk $0x1, v5  }
0xdc: {  	v4 =	vld [tilespmem:$0x10F0];
	_ =	sdelay $0x4  }
0xdd: {  	v4 =	vshift.insert v4, v1, s20;
	_ =	sdelay $0x1  }
0xde: {  	[tilespmem:s23+$0x0] =	vst.msk $0x1, v4  }
0xdf: {  	s17 =	simm.s32 $0x100;
	v6 =	vld [tilespmem:s31+$0x0]  }
0xe0: {  	v7 =	vld [tilespmem:s17+$0x0];
	_ =	sdelay $0x3  }
0xe1: {  	v5 =	vadd.f32 v6, v5  }
0xe2: {  	vm4 =	vne.s32 v7, $0xFFFFFFFF  }
0xe3: {  	(xrf2) =	vadd.seg.scan.f32 vm4, v5;
	_ =	sdelay $0x3  }
0xe4: {  	s0 =	simm.s32 $0x3100;
	v5 =	vperm.xlane v4, v1  }
0xe5: {  	v6 =	vld [tilespmem:s0+$0x0]  }
0xe6: {  	vm5 =	veq.s32 v7, v3;
	vm6 =	veq.s32 v7, v5  }
0xe7: {  	vm7 =	vgt.u32 v7, $0xFFFFFFFD;
	vm6 =	vmor vm6, vm5  }
0xe8: {  	vm6 =	vmor vm6, vm7  }
0xe9: {  	v9 =	vld [tilespmem:$0xA0];
	v7 =	vsel vm6, $0xFFFFFFFF, v7  }
0xea: {  	v10 =	vld [tilespmem:$0x90];
	v6 =	vsel vm5, $0x0, v6;
	v8, _, _ =	vpop (xrf2)  }
0xeb: {  	v6 =	vadd.f32 v8, v6  }
0xec: {  	s2 =	simm.s32 $0x7100  }
0xed: {  	vm4 =	vmand vm4, vm3;
	[tilespmem:s2+$0x0] =	vst v6;
	(ifvalue) =	ssetifvalue $0xFFFFFFFF  }
0xee: {  	vm6 =	veq.s32 v9, $0x1;
	[hbm4b:s1+s14] =	stream.indirect_vreg.scatter [tilespmem:s2], [sflag:$0x2], $0x1, v7, vm0, $0x4038;
	v7 =	vsel vm4, $0x0, v8;
	[tilespmem:$0x9120] =	vst v63  }
0xef: {  	s16 =	simm.s32 $0x0;
	s17 =	simm.s32 $0x110;
	vm4 =	vmor vm6, vm5;
	v6 =	vsel vm5, v8, v10;
	v7 =	vshift.insert v7, v0, s20  }
.LBB3_9:
0xf0: {  	v8 =	vld [tilespmem:s17+$0x0];
	s31 =	sadd.s32 $0x10, s31  }
0xf1: {  	s0 =	sadd.s32 $0x10, s0;
	v9 =	vld [tilespmem:s31+$0x0]  }
0xf2: {  	s16 =	sadd.s32 $0x10, s16;
	v10 =	vld [tilespmem:s0+$0x0]  }
0xf3: {  	p0 =	slt.u32 s16, $0xFF0;
	_ =	sdelay $0x2  }
0xf4: {  	v7 =	vadd.f32 v9, v7  }
0xf5: {  	vm5 =	vne.s32 v8, $0xFFFFFFFF  }
0xf6: {  	vm6 =	vmand vm5, vm3;
	(xrf2) =	vadd.seg.scan.f32 vm5, v7;
	_ =	sdelay $0x5  }
0xf7: {  	vm7 =	veq.s32 v8, v5;
	vm5 =	veq.s32 v8, v3  }
0xf8: {  	vm8 =	vgt.u32 v8, $0xFFFFFFFD;
	vm4 =	vmor vm4, vm5;
	vm7 =	vmor vm7, vm5  }
0xf9: {  	vm7 =	vmor vm7, vm8  }
0xfa: {  	v8 =	vsel vm7, $0xFFFFFFFF, v8  }
.Ltmp12:
0xfb: {  	v7 =	vsel vm5, $0x0, v10;
	v9, _, _ =	vpop (xrf2);
	(pc) =	sbr.rel @p0 .LBB3_9-.Ltmp12, $4  }
0xfc: {  	v6 =	vsel vm5, v9, v6;
	v10 =	vadd.f32 v9, v7;
	v7 =	vsel vm6, $0x0, v9  }
0xfd: {  	s2 =	sadd.s32 $0x10, s2;
	v7 =	vshift.insert v7, v0, s20  }
0xfe: {  	s17 =	sadd.s32 $0x10, s17;
	[tilespmem:s2+$0x0] =	vst v10;
	(ifvalue) =	ssetifvalue $0xFFFFFFFF  }
0xff: {  	[hbm4b:s1+s14] =	stream.indirect_vreg.scatter [tilespmem:s2], [sflag:$0x2], $0x1, v8, vm0, $0x4038;
	[tilespmem:$0x9120] =	vst v63  }
0x100: {  	v3 =	vld [tilespmem:$0x80F0];
	_ =	sdelay $0x4  }
0x101: {  	v3 =	vshift.insert v3, v0, s20;
	_ =	sdelay $0x1  }
0x102: {  	[tilespmem:s24+$0x0] =	vst.msk $0x1, v3  }
0x103: {  	v3 =	vsel vm4, $0x1, v1;
	[tilespmem:$0x90] =	vst v6  }
0x104: {  	[tilespmem:$0xA0] =	vst v3  }
0x105: {  	[spmem:s12] =	stream.linear.scatter [tilespmem:s25], [sflag:$0x1], $0x1, $0x38;
	[tilespmem:$0x9120] =	vst v63  }
0x106: {  	v3 =	vmctz.xlane vm4;
	_ =	swait.ge [sflag:s3], $0x1  }
0x107: {  	(v2sf) =	vpush v4, $0x0  }
0x108: {  	(v2sf) =	vpush v3, $0x0;
	_ =	sdelay $0xd  }
0x109: {  	s0 =	spop (v2sf)  }
0x10a: {  	s2 =	spop (v2sf)  }
0x10b: {  	[sflag:s3] =	ssyncset.done $0x0;
	p0 =	sne.s32 s30, s0;
	p1 =	slt.s32 s2, $0xF  }
0x10c: {  	[sflag:s3] =	ssyncadd.s32 $0xFFFFFFFF;
	v3 =	vimm.s32 @!p0 $0xFFFFFFFF;
	s2 =	simm.s32 @!p1 $0xF  }
0x10d: {  	[tilespmem:$0x80] =	vst @!p0 v3;
	s31 =	sadd.s32 $0x90, s2  }
0x10e: {  	[spmem:s10] =	stream.linear.scatter [tilespmem:s31], [sflag:$0x1], $0x1, $0x38;
	[tilespmem:$0x9120] =	vst v63  }
0x10f: {  	_ =	swait.ge [sflag:s3], $0x1  }
0x110: {  	[sflag:s3] =	ssyncset.done $0x0  }
0x111: {  	[sflag:s3] =	ssyncadd.s32 $0xFFFFFFFF  }
0x112: {  	[spmem:s13] =	stream.linear.scatter [tilespmem:s26], [sflag:$0x1], $0x1, $0x38;
	[tilespmem:$0x9120] =	vst v63  }
0x113: {  	_ =	swait.ge [sflag:s3], $0x1  }
0x114: {  	[sflag:s3] =	ssyncset.done $0x0  }
0x115: {  	[sflag:s3] =	ssyncadd.s32 $0xFFFFFFFF;
	(ifvalue) =	ssetifvalue $0xFFFFFFFF;
	v3 =	vld [tilespmem:$0x10];
	_ =	sdelay $0x3  }
.Ltmp13:
0x116: {  	_ = 	snop;
	(pc) =	sbr.rel .LBB3_4-.Ltmp13, $3  }
0x117: {  	_ =	sdelay $0x1  }
0x118: {  	(ifvalue) =	ssetifvalue $0xFFFFFFFF  }
0x119: {  	[hbm4b:s1+s14] =	stream.indirect_vreg.scatter [tilespmem:s19], [sflag:$0x9], $0x1, v3, vm0, $0x4038;
	[tilespmem:$0x9120] =	vst v63  }
.LBB3_12:
0x11a: {  	s0 =	simm.s32 $0x2  }
0x11b: {  	_ =	swait.ge [sflag:s0], $0x1000  }
0x11c: {  	[sflag:s0] =	ssyncset.done $0x0  }
0x11d: {  	s31 =	simm.s32 $0x9;
	[sflag:s0] =	ssyncadd.s32 $0xFFFFF000  }
0x11e: {  	_ =	swait.ge [sflag:s31], $0x10  }
0x11f: {  	[sflag:s31] =	ssyncset.done $0x0  }
0x120: {  	[sflag:s31] =	ssyncadd.s32 $0xFFFFFFF0  }
.LBB3_13:
0x121: {  	_ =	sfence.sel $0x180000  }
0x122: {  	s0 =	simm.s32 $0x7;
	[bflag:$0x0] =	sbarrier.arrive $0xFFFF  }
0x123: {  	s26 =	simm.s32 $0x8;
	[sflag:s0] =	ssyncpa.u1 $0x1  }
0x124: {  	s28 =	simm.s32 $0x9;
	[sflag:s26] =	ssyncpa.u1 $0x1  }
0x125: {  	[sflag:s28] =	ssyncpa.u1 $0x1  }
0x126: {  	_ =	sfence.stream.spmem  }
0x127: {  	s29 =	simm.s32 $0x3;
	[bflag:$0x0] =	sbarrier.arrive $0xFFFF  }
0x128: {  	s30 =	simm.s32 $0x4;
	[sflag:s29] =	ssyncpa.u1 $0x1  }
0x129: {  	s31 =	simm.s32 $0x3C;
	s2 =	stileid.u32;
	[sflag:s30] =	ssyncpa.u1 $0x1  }
0x12a: {  	p0 =	sne.s32 s2, $0x0;
	[sflag:s31] =	ssyncpa.u1 $0x1  }
0x12b: {  	s0 =	simm.s32 @p0 $0x1;
	_ =	sfence @p0  }
0x12c: {  	[sflag:s0] =	ssyncpa.u1 @p0 $0x1;
	s0 =	simm.s32 @p0 $0x2  }
0x12d: {  	[sflag:s0] =	ssyncpa.u1 @p0 $0x1  }
0x12e: {  	_ =	strace @p0 $0x90000050  }
0x12f: {  	[bflag:$0x2] =	sbarrier.arrive @p0 $0xFFFF  }
0x130: {  	_ =	shalt @p0  }
.LBB3_14:
0x131: {  	_ =	sfence.stream.spmem;
	s0 =	simm.s32 $0x5  }
0x132: {  	s2 =	simm.s32 $0x80;
	s3 =	simm.s32 $0xC0;
	[sflag:s0] =	ssyncpa.u1 $0x0  }
0x133: {  	[tilespmem:s3], [sflag:$0x5] =	stream.linear.gather [spmem:s2], $0x20, $0x38;
	[tilespmem:$0x9120] =	vst v63  }
0x134: {  	s2 =	simm.s32 $0x0;
	s3 =	simm.s32 $0xE0  }
0x135: {  	[tilespmem:s3], [sflag:$0x5] =	stream.linear.gather [spmem:s2], $0x20, $0x38;
	[tilespmem:$0x9120] =	vst v63  }
.Ltmp14:
0x136: {  	_ = 	snop;
	(pc) =	sbr.rel .LBB3_15-.Ltmp14, $4  }
0x137: {  	_ =	swait.ge [sflag:s0], $0x40  }
0x138: {  	[sflag:s0] =	ssyncset.done $0x0  }
0x139: {  	s31 =	simm.s32 $0x6;
	[sflag:s0] =	ssyncadd.s32 $0xFFFFFFC0  }
0x13a: {  	s4 =	simm.s32 $0x0;
	[sflag:s31] =	ssyncpa.u1 $0x0  }
.LBB3_20:
0x13b: {  	p0 =	sgt.u32 s0, $0x3FFFFF  }
0x13c: {  	s5 =	sshrl.u32 @!p0 s0, $0x3  }
0x13d: {  	s0 =	sand.u32 @!p0 $0x7, s0;
	s6 =	simm.s32 @!p0 $0xB0;
	s5 =	sadd.s32 @!p0 s1, s5  }
0x13e: {  	[tilespmem:s6], [sflag:$0x6] =	stream.linear.gather @!p0 [hbm4b:s5+s0], $0x1, $0x38;
	[tilespmem:$0x9120] =	vst v63  }
0x13f: {  	s0 =	simm.s32 @!p0 $0x6  }
0x140: {  	_ =	swait.ge @!p0 [sflag:s0], $0x1  }
0x141: {  	[sflag:s0] =	ssyncset.done @!p0 $0x0  }
0x142: {  	[sflag:s0] =	ssyncadd.s32 @!p0 $0xFFFFFFFF  }
0x143: {  	v2 =	vmov @!p0 s4;
	v1 =	vld.msk @!p0 [tilespmem:$0xB0], $0x1;
	_ =	sdelay $0x3  }
0x144: {  	s0 =	simm.s32 @!p0 $0xE0  }
0x145: {  	[tilespmem:v2+s0+$0x0], v1 =	vst.idx.ret.add.f32.msk @!p0 $0x1, v1  }
0x146: {  	[tilespmem:s2+$0xC0] =	vst.msk $0x1, v0  }
0x147: {  	v0 =	vld.msk [tilespmem:s4+$0xE0], $0x1;
	_ =	sdelay $0x4  }
0x148: {  	[tilespmem:s2+$0xE0] =	vst.msk $0x1, v0;
	s2 =	sadd.s32 $0x1, s2  }
.LBB3_22:
0x149: {  	s4 =	sadd.s32 $0x1, s4  }
0x14a: {  	p0 =	sne.s32 s4, $0x20  }
.Ltmp15:
0x14b: {  	_ = 	snop;
	(pc) =	sbr.rel @!p0 .LBB3_23-.Ltmp15, $1  }
0x14c: {  	_ =	sdelay $0x3  }
.LBB3_15:
0x14d: {  	v0 =	vld.msk [tilespmem:s4+$0xC0], $0x1;
	_ =	sdelay $0x4  }
0x14e: {  	(v2sf) =	vpush v0, $0x0;
	_ =	sdelay $0xe  }
0x14f: {  	s0 =	spop (v2sf)  }
0x150: {  	p0 =	seq.s32 s0, $0xFFFFFFFF  }
.Ltmp16:
0x151: {  	_ = 	snop;
	(pc) =	sbr.rel @p0 .LBB3_22-.Ltmp16, $1  }
0x152: {  	_ =	sdelay $0x3  }
0x153: {  	p0 =	slt.s32 s2, $0x1  }
.Ltmp17:
0x154: {  	_ = 	snop;
	(pc) =	sbr.rel @p0 .LBB3_20-.Ltmp17, $1  }
0x155: {  	_ =	sdelay $0x3  }
0x156: {  	s5 =	simm.s32 $0xC0;
	p0 =	por $0x0, $0x0  }
0x157: {  	v1 =	vld.msk @!p0 [tilespmem:s5+$0x0], $0x1;
	_ =	sdelay $0x4  }
0x158: {  	(v2sf) =	vpush @!p0 v1, $0x0;
	_ =	sdelay $0xd  }
0x159: {  	p2 =	sne.s32 s2, $0x1  }
.Ltmp18:
0x15a: {  	s6 =	spop @!p0 (v2sf);
	(pc) =	sbr.rel @!p2 .LBB3_19-.Ltmp18, $4  }
0x15b: {  	p1 =	seq.s32 @!p0 s0, s6  }
0x15c: {  	s6 =	simm.s32 $0x0;
	p1 =	por !p1, p0  }
0x15d: {  	s8 =	simm.s32 $0xFFFFFFFF;
	s6 =	simm.s32 @p1 $0xFFFFFFFF  }
0x15e: {  	s7 =	simm.s32 $0x1;
	s6 =	smov.u32 @p0 s8  }
.LBB3_18:
0x15f: {  	s8 =	smov.u32 s6;
	p0 =	sne.s32 s6, $0xFFFFFFFF  }
0x160: {  	s5 =	sadd.s32 $0x1, s5;
	s6 =	smov.u32 s7;
	s7 =	sadd.s32 $0x1, s7  }
0x161: {  	p1 =	sne.s32 s2, s7;
	v1 =	vld.msk @!p0 [tilespmem:s5+$0x0], $0x1;
	_ =	sdelay $0x4  }
0x162: {  	(v2sf) =	vpush @!p0 v1, $0x0;
	_ =	sdelay $0xe  }
.Ltmp19:
0x163: {  	s9 =	spop @!p0 (v2sf);
	(pc) =	sbr.rel @p1 .LBB3_18-.Ltmp19, $4  }
0x164: {  	p2 =	seq.s32 @!p0 s0, s9  }
0x165: {  	p2 =	por !p2, p0  }
0x166: {  	s6 =	simm.s32 @p2 $0xFFFFFFFF  }
0x167: {  	s6 =	smov.u32 @p0 s8  }
.LBB3_19:
0x168: {  	p0 =	sne.s32 s6, $0xFFFFFFFF  }
.Ltmp20:
0x169: {  	_ = 	snop;
	(pc) =	sbr.rel @!p0 .LBB3_20-.Ltmp20, $1  }
0x16a: {  	_ =	sdelay $0x3  }
0x16b: {  	v0 =	vld.msk [tilespmem:s4+$0xE0], $0x1;
	v1 =	vmov s6  }
.Ltmp21:
0x16c: {  	_ = 	snop;
	(pc) =	sbr.rel .LBB3_22-.Ltmp21, $2  }
0x16d: {  	_ =	sdelay $0x2  }
0x16e: {  	[tilespmem:v1+s3+$0x0], v0 =	vst.idx.ret.add.f32.msk $0x1, v0  }
.LBB3_23:
0x16f: {  	p0 =	slt.s32 s2, $0x1  }
.Ltmp22:
0x170: {  	_ = 	snop;
	(pc) =	sbr.rel @p0 .LBB3_27-.Ltmp22, $3  }
0x171: {  	_ =	sdelay $0x1  }
0x172: {  	s0 =	simm.s32 $0x6  }
0x173: {  	[sflag:s0] =	ssyncpa.u1 $0x1;
	s0 =	simm.s32 $0x0  }
0x174: {  	s3 =	simm.s32 $0xC0  }
0x175: {  	v0 =	vld.msk [tilespmem:s3+$0x0], $0x1;
	_ =	sdelay $0x4  }
0x176: {  	(v2sf) =	vpush v0, $0x0;
	_ =	sdelay $0xe  }
0x177: {  	s2 =	sadd.s32 $0xFFFFFFFF, s2;
	s4 =	spop (v2sf)  }
0x178: {  	p1 =	sne.s32 s2, $0x0;
	p0 =	sgt.u32 s4, $0x3FFFFF  }
.Ltmp23:
0x179: {  	s5 =	sshrl.u32 @!p0 s4, $0x3;
	(pc) =	sbr.rel @!p1 .LBB3_26-.Ltmp23, $4  }
0x17a: {  	s3 =	simm.s32 $0xE0;
	s4 =	sand.u32 @!p0 $0x7, s4;
	s5 =	sadd.s32 @!p0 s1, s5  }
0x17b: {  	[hbm4b:s5+s4] =	stream.linear.scatter @!p0 [tilespmem:s3], [sflag:$0x5], $0x1, $0x38;
	[tilespmem:$0x9120] =	vst v63  }
0x17c: {  	s5 =	simm.s32 $0x0  }
0x17d: {  	s4 =	simm.s32 $0xC1;
	s5 =	simm.s32 @!p0 $0x4  }
.LBB3_25:
0x17e: {  	v0 =	vld.msk [tilespmem:s4+$0x0], $0x1;
	s2 =	sadd.s32 $0xFFFFFFFF, s2;
	s0 =	sadd.s32 s0, s5  }
0x17f: {  	p0 =	sne.s32 s2, $0x0;
	_ =	sdelay $0x3  }
0x180: {  	(v2sf) =	vpush v0, $0x0;
	_ =	sdelay $0xe  }
.Ltmp24:
0x181: {  	s6 =	spop (v2sf);
	(pc) =	sbr.rel @p0 .LBB3_25-.Ltmp24, $4  }
0x182: {  	s5 =	simm.s32 $0x0;
	p1 =	sgt.u32 s6, $0x3FFFFF  }
0x183: {  	s3 =	sadd.s32 $0x1, s3;
	s5 =	simm.s32 @!p1 $0x4;
	s7 =	sshrl.u32 @!p1 s6, $0x3  }
0x184: {  	s4 =	sadd.s32 $0x1, s4;
	s6 =	sand.u32 @!p1 $0x7, s6;
	s7 =	sadd.s32 @!p1 s1, s7  }
0x185: {  	[hbm4b:s7+s6] =	stream.linear.scatter @!p1 [tilespmem:s3], [sflag:$0x5], $0x1, $0x38;
	[tilespmem:$0x9120] =	vst v63  }
.LBB3_26:
0x186: {  	s0 =	sadd.s32 s0, s5  }
0x187: {  	s0 =	sshrl.u32 s0, $0x2  }
.LBB3_27:
0x188: {  	s1 =	simm.s32 $0x5  }
0x189: {  	_ =	swait.ge [sflag:s1], s0  }
0x18a: {  	s28 =	ssub.s32 $0x0, s0;
	[sflag:s1] =	ssyncset.done $0x0  }
0x18b: {  	[sflag:s1] =	ssyncadd.s32 s28  }
0x18c: {  	[sflag:s1] =	ssyncpa.u1 $0x1  }
0x18d: {  	s29 =	simm.s32 $0x1;
	_ =	sfence  }
0x18e: {  	s30 =	simm.s32 $0x2;
	[sflag:s29] =	ssyncpa.u1 $0x1  }
0x18f: {  	[sflag:s30] =	ssyncpa.u1 $0x1  }
0x190: {  	_ =	strace $0x90000050  }
0x191: {  	[bflag:$0x2] =	sbarrier.arrive $0xFFFF  }
0x192: {  	s31 =	rddreg [dreg:$0x1]  }
0x193: {  	s0 =	sadd.s32 $0x100000, s31  }
0x194: {  	[sflag:s0] =	ssyncadd.tile.s32 $0x1;
	_ =	shalt  }
.Lfunc_end3:
_tile_overlayer_lowered:
.L_overlay_start_3:
0x195: {  	(tag) =	ssettag $0x3  }
0x196: {  	s0 =	rddreg [dreg:$0x0];
	s2 =	stileid.u32  }
0x197: {  	s1 =	rddreg [dreg:$0x1];
	p0 =	sne.s32 s2, $0x0  }
0x198: {  	s3 =	rddreg [dreg:$0x2];
	[bflag:$0x3] =	sbarrier.arrive $0xFFFF;
	s2 =	simm.s32 @!p0 $0x1C01  }
0x199: {  	[timem:s3], [sflag:s2] =	dma.local @!p0 [hbm:s0], s1  }
0x19a: {  	s0 =	simm.s32 @!p0 $0x1  }
0x19b: {  	_ =	swait.ge @!p0 [sflag:s0], s1  }
0x19c: {  	s1 =	ssub.s32 @!p0 $0x0, s1;
	[sflag:s0] =	ssyncset.done @!p0 $0x0  }
0x19d: {  	[sflag:s0] =	ssyncadd.s32 @!p0 s1  }
0x19e: {  	[bflag:$0x3] =	sbarrier.arrive $0xFFFF  }
0x19f: {  	_ =	shalt  }

// kernel: scatter_offload_async_start.3
scs
__scs_entry_jumppad:
0x0: {  	(pc) =	sbr.rel $0x88, $3  }
0x1: {  	(tag) =	ssettag $0x0;
	lr =	simm.s32 $0x1  }
0x2: {  	[smem:$0x3F7F] =	sst lr;
	_ =	strace $0xD0000000  }
0x3: {  	_ = 	snop  }
0x4: {  	_ = 	snop  }
0x5: {  	_ = 	snop  }
0x6: {  	_ = 	snop  }
0x7: {  	_ = 	snop  }
__scs_overlays_trampoline_lowered:
0x8: {  	[smem:$0x3F8E] =	sst s0  }
0x9: {  	[smem:$0x3F8F] =	sst s1  }
0xa: {  	[smem:$0x3F90] =	sst s2  }
0xb: {  	[smem:$0x3F91] =	sst s3  }
0xc: {  	[smem:$0x3F92] =	sst s4  }
0xd: {  	[smem:$0x3F93] =	sst s5  }
0xe: {  	[smem:$0x3F94] =	sst s6  }
0xf: {  	[smem:$0x3F95] =	sst s7  }
0x10: {  	[smem:$0x3F96] =	sst s8  }
0x11: {  	[smem:$0x3F97] =	sst s9;
	s0 =	simm.s32 @!p0 $0x0  }
0x12: {  	s1 =	sld [smem:$0x3F7D];
	s0 =	simm.s32 @p0 $0x1  }
0x13: {  	[smem:$0x3F98] =	sst s0;
	s0 =	simm.s32 @!p1 $0x0  }
0x14: {  	s2 =	sld [smem:$0x3F7C];
	s0 =	simm.s32 @p1 $0x1  }
0x15: {  	[smem:$0x3F99] =	sst s0;
	s0 =	simm.s32 @!p2 $0x0  }
0x16: {  	s3 =	sld [smem:$0x3FDB];
	s0 =	simm.s32 @p2 $0x1  }
0x17: {  	s4 =	simm.s32 $0x1BF5;
	[smem:$0x3F9B] =	sst s0  }
0x18: {  	s0 =	sld [smem:$0x3F7E];
	_ =	swait.ge [sflag:s4], $0x0  }
0x19: {  	s7 =	sld [smem:$0x3F7F]  }
0x1a: {  	s8 =	sadd.s32 $0xFFFFE003, lr  }
0x1b: {  	s9 =	sadd.s32 $0xFFFFFEF7, lr;
	s5 =	simm.s32 $0xFFFFFFFF;
	p2 =	slt.u32 s8, $0xFFFFF086  }
0x1c: {  	p1 =	slt.u32 s9, $0xF7A;
	s5 =	simm.s32 @!p2 $0x0  }
0x1d: {  	s5 =	simm.s32 @p1 $0x1;
	p0 =	seq.s32 s7, s2  }
0x1e: {  	s7 =	smul.u32 @!p0 $0xF7A, s2;
	p2 =	seq.s32 @!p0 s5, $0x0  }
0x1f: {  	s9 =	smul.u32 $0xF7A, s1;
	s8 =	simm.s32 @!p0 $0x1BF5;
	p2 =	por !p2, p0  }
0x20: {  	[sflag:s8] =	ssyncset.s32 @!p0 $0xFFFFF086;
	s6 =	sadd.s32 @!p0 s3, s7;
	s7 =	simm.s32 @!p0 $0x108  }
0x21: {  	s3 =	sadd.s32 s3, s9;
	s6 =	sadd.s32 @!p0 $0x88, s6;
	s7 =	simm.s32 @p2 $0x1082  }
0x22: {  	[simem:s7], [sflag:s8] =	dma.local @!p0 [hbm:s6], $0xF7A  }
0x23: {  	s9 =	sor.u32 $0xD0000000, s2;
	s6 =	simm.s32 $0x108;
	_ =	swait.ge @!p0 [sflag:s8], $0x0  }
0x24: {  	s3 =	sadd.s32 $0x88, s3;
	s6 =	simm.s32 @!p1 $0x1082;
	[sflag:s4] =	ssyncset.s32 $0xFFFFF086  }
0x25: {  	[simem:s6], [sflag:s4] =	dma.local [hbm:s3], $0xF7A  }
0x26: {  	[smem:$0x3F7F] =	sst s1;
	(tag) =	ssettag s2;
	_ =	strace s9  }
0x27: {  	s1 =	sld [smem:$0x3F8F]  }
0x28: {  	s2 =	sld [smem:$0x3F90]  }
0x29: {  	s4 =	sld [smem:$0x3F92]  }
0x2a: {  	p0 =	seq.s32 s5, $0x0;
	s5 =	sld [smem:$0x3F93]  }
0x2b: {  	s6 =	sld [smem:$0x3F94]  }
0x2c: {  	s7 =	sld [smem:$0x3F95]  }
0x2d: {  	s3 =	simm.s32 $0x108;
	s8 =	sld [smem:$0x3F96]  }
0x2e: {  	s3 =	simm.s32 @!p0 $0x1082;
	s9 =	sld [smem:$0x3F97]  }
0x2f: {  	lr =	sadd.s32 s0, s3;
	s0 =	sld [smem:$0x3F8E]  }
0x30: {  	s3 =	sld [smem:$0x3F91]  }
0x31: {  	[smem:$0x3F9A] =	sst s10  }
0x32: {  	s10 =	sld [smem:$0x3F98];
	_ =	sdelay $0x3  }
0x33: {  	p0 =	seq.s32 s10, $0x1;
	s10 =	sld [smem:$0x3F9A];
	_ =	sdelay $0x3  }
0x34: {  	[smem:$0x3F9A] =	sst s10  }
0x35: {  	s10 =	sld [smem:$0x3F99];
	_ =	sdelay $0x3  }
0x36: {  	p1 =	seq.s32 s10, $0x1;
	s10 =	sld [smem:$0x3F9A];
	_ =	sdelay $0x3  }
0x37: {  	[smem:$0x3F9A] =	sst s10  }
0x38: {  	s10 =	sld [smem:$0x3F9B]  }
0x39: {  	_ = 	snop;
	(pc) =	sbr.ind lr, $3  }
0x3a: {  	_ = 	snop  }
0x3b: {  	_ = 	snop  }
0x3c: {  	p2 =	seq.s32 s10, $0x1;
	s10 =	sld [smem:$0x3F9A]  }
0x3d: {  	_ =	shalt  }
0x3e: {  	_ =	shalt  }
0x3f: {  	_ =	shalt  }
0x40: {  	_ =	shalt  }
0x41: {  	_ =	shalt  }
0x42: {  	_ =	shalt  }
0x43: {  	_ =	shalt  }
0x44: {  	_ =	shalt  }
0x45: {  	_ =	shalt  }
0x46: {  	_ =	shalt  }
0x47: {  	_ =	shalt  }
0x48: {  	_ =	shalt  }
0x49: {  	_ =	shalt  }
0x4a: {  	_ =	shalt  }
0x4b: {  	_ =	shalt  }
0x4c: {  	_ =	shalt  }
0x4d: {  	_ =	shalt  }
0x4e: {  	_ =	shalt  }
0x4f: {  	_ =	shalt  }
0x50: {  	_ =	shalt  }
0x51: {  	_ =	shalt  }
0x52: {  	_ =	shalt  }
0x53: {  	_ =	shalt  }
0x54: {  	_ =	shalt  }
0x55: {  	_ =	shalt  }
0x56: {  	_ =	shalt  }
0x57: {  	_ =	shalt  }
0x58: {  	_ =	shalt  }
0x59: {  	_ =	shalt  }
0x5a: {  	_ =	shalt  }
0x5b: {  	_ =	shalt  }
0x5c: {  	_ =	shalt  }
0x5d: {  	_ =	shalt  }
0x5e: {  	_ =	shalt  }
0x5f: {  	_ =	shalt  }
0x60: {  	_ =	shalt  }
0x61: {  	_ =	shalt  }
0x62: {  	_ =	shalt  }
0x63: {  	_ =	shalt  }
0x64: {  	_ =	shalt  }
0x65: {  	_ =	shalt  }
0x66: {  	_ =	shalt  }
0x67: {  	_ =	shalt  }
0x68: {  	_ =	shalt  }
0x69: {  	_ =	shalt  }
0x6a: {  	_ =	shalt  }
0x6b: {  	_ =	shalt  }
0x6c: {  	_ =	shalt  }
0x6d: {  	_ =	shalt  }
0x6e: {  	_ =	shalt  }
0x6f: {  	_ =	shalt  }
0x70: {  	_ =	shalt  }
0x71: {  	_ =	shalt  }
0x72: {  	_ =	shalt  }
0x73: {  	_ =	shalt  }
0x74: {  	_ =	shalt  }
0x75: {  	_ =	shalt  }
0x76: {  	_ =	shalt  }
0x77: {  	_ =	shalt  }
0x78: {  	_ =	shalt  }
0x79: {  	_ =	shalt  }
0x7a: {  	_ =	shalt  }
0x7b: {  	_ =	shalt  }
0x7c: {  	_ =	shalt  }
0x7d: {  	_ =	shalt  }
0x7e: {  	_ =	shalt  }
0x7f: {  	_ =	shalt  }
0x80: {  	_ =	shalt  }
0x81: {  	_ =	shalt  }
0x82: {  	_ =	shalt  }
0x83: {  	_ =	shalt  }
0x84: {  	_ =	shalt  }
0x85: {  	_ =	shalt  }
0x86: {  	_ =	shalt  }
0x87: {  	_ =	shalt  }
.Lfunc_end0:
.L_simem_size_0:
called_computation.3_lowered:
.L_overlay_start_0:
0x88: {  	s0 =	sld [smem:$0x3FD9]  }
0x89: {  	s1 =	sld [smem:$0x3FFE];
	_ =	sdelay $0x3  }
0x8a: {  	s0 =	sadd.s32 s1, s0  }
0x8b: {  	[smem:$0x3FA6] =	sst s0  }
0x8c: {  	_ = 	snop  }
0x8d: {  	(tm) =	ssettm $0x1  }
0x8e: {  	s15 =	sld [smem:$0x3FFB];
	_ =	sdelay $0x3  }
0x8f: {  	_ =	strace s15  }
0x90: {  	s0 =	sld [smem:$0x3FFC];
	_ =	sdelay $0x3  }
0x91: {  	_ =	strace s0  }
0x92: {  	s0 =	sld [smem:$0x3FFD];
	_ =	sdelay $0x3  }
0x93: {  	_ =	strace s0  }
0x94: {  	_ =	strace $0x8FFFFFFF  }
0x95: {  	s16 =	sld [smem:$0x3FDB];
	_ =	sdelay $0x1  }
0x96: {  	s17 =	simm.s32 $_scs_section_size  }
0x97: {  	s2 =	simm.s32 $_size__tile_overlayer_lowered;
	s3 =	simm.s32 $_tile_overlayer_lowered  }
0x98: {  	s20 =	simm.s32 $0x1BFF;
	s19 =	sshll.u32 s3, $0x1;
	s0 =	sadd.s32 s17, s16  }
0x99: {  	s4 =	simm.s32 $0x0;
	s18 =	sshll.u32 s2, $0x1;
	s2 =	sadd.s32 s19, s0  }
0x9a: {  	[timem:s4], [sflag:s20] =	dma.local [hbm:s2], s18  }
0x9b: {  	_ =	swait.ge [sflag:s20], s18  }
0x9c: {  	s1 =	ssub.s32 $0x0, s18;
	[sflag:s20] =	ssyncset.done $0x0  }
0x9d: {  	[sflag:s20] =	ssyncadd.s32 s1;
	_ =	sdelay $0x1  }
0x9e: {  	s21 =	simm.s32 $0x1B8B  }
0x9f: {  	_ =	swait.ge [sflag:s21], $0x1  }
0xa0: {  	[sflag:s21] =	ssyncset.done $0x0  }
0xa1: {  	s23 =	simm.s32 $0x1B8E;
	s22 =	sld [smem:$0x3FFE];
	[sflag:s21] =	ssyncadd.s32 $0xFFFFFFFF  }
0xa2: {  	s24 =	simm.s32 $execute0_lowered;
	[smem:$0x3FD2] =	sst s23  }
0xa3: {  	s2 =	sshll.u32 s24, $0x1;
	_ =	strace $0x80000055;
	[dreg:$0x1] =	wrdreg $0xFFFFFFFF  }
0xa4: {  	s25 =	simm.s32 $_size_execute0_lowered;
	s0 =	sadd.s32 s0, s2;
	[dreg:$0x0] =	wrdreg $0x0  }
0xa5: {  	s2 =	sshll.u32 s25, $0x1;
	[dreg:$0x2] =	wrdreg s0  }
0xa6: {  	[dreg:$0x3] =	wrdreg s2  }
0xa7: {  	[dreg:$0x4] =	wrdreg $0xC0  }
0xa8: {  	_ =	task [dreg:s4], $0x5FFFF  }
0xa9: {  	[dreg:$0x1] =	wrdreg $0xFFFFFFFF  }
0xaa: {  	[dreg:$0x0] =	wrdreg $0x60  }
0xab: {  	[dreg:$0x2] =	wrdreg s22  }
0xac: {  	[dreg:$0x3] =	wrdreg $0x9  }
0xad: {  	_ =	task.clear_ibuf [dreg:s4], $0x4FFFF;
	_ =	strace $0x90000055  }
0xae: {  	s26 =	simm.s32 $0x9;
	_ =	strace $0x80000057  }
0xaf: {  	_ =	swait.ge [sflag:s26], $0x1  }
0xb0: {  	[sflag:s26] =	ssyncadd.s32 $0xFFFFFFFF  }
0xb1: {  	_ =	strace $0x90000057  }
0xb2: {  	_ =	sfence  }
0xb3: {  	s28 =	sld [smem:$0x0];
	_ =	sdelay $0x1  }
0xb4: {  	s29 =	srdreg.scid  }
0xb5: {  	s30 =	sshll.u32 s29, $0xD;
	s31 =	sshrl.u32 s29, $0x2  }
0xb6: {  	s1 =	sand.u32 $0x1, s29;
	s2 =	sand.u32 $0x4000, s30;
	s0 =	sadd.s32 s31, s28  }
0xb7: {  	s1 =	sor.u32 s2, s1;
	s0 =	sshll.u32 s0, $0x11  }
0xb8: {  	s0 =	sor.u32 s0, s1  }
0xb9: {  	s0 =	sadd.s32 $0x8F2B, s0  }
0xba: {  	[sflag:s0] =	ssyncadd.remote.s32 $0x1  }
0xbb: {  	_ =	sfence.sel $0xFFFF  }
0xbc: {  	[dreg:$0x0] =	wrdreg $0xFFFFFFFF;
	(pc) =	sbr.abs _section_cstart, $3  }
0xbd: {  	[dreg:$0x1] =	wrdreg $0xFFFFFFFF  }
0xbe: {  	_ =	task.clear_ibuf [dreg:s4], $0x2FFFF;
	_ =	strace $0x9FFFFFFF  }
0xbf: {  	(tm) =	ssettm $0x7FFFFFFF  }
tec
execute0_lowered:
.L_overlay_start_1:
0x0: {  	(tag) =	ssettag $0x1  }
0x1: {  	s0 =	rddreg [dreg:$0x0];
	_ =	strace $0x80000056;
	s3 =	simm.s32 $0x1  }
0x2: {  	v1 =	vimm.s32 $0xFFFFFFFF;
	[sflag:s3] =	ssyncpa.u1 $0x0  }
0x3: {  	[tilespmem:$0x10] =	vst v1  }
0x4: {  	v0 =	vimm.f32 $0.0e+00;
	[tilespmem:$0x20] =	vst v1  }
0x5: {  	[tilespmem:$0x30] =	vst v0  }
0x6: {  	s2 =	simm.s32 $0x2;
	s6 =	simm.s32 $0x7;
	s26 =	stileid.u32;
	[tilespmem:$0x40] =	vst v0  }
0x7: {  	s7 =	simm.s32 $0x8;
	s31 =	simm.s32 $0x9;
	s14 =	simm.s32 $0x0;
	[tilespmem:$0x50] =	vst v0  }
0x8: {  	s15 =	simm.s32 $0x100;
	s18 =	simm.s32 $0x10;
	s19 =	simm.s32 $0x9100;
	[tilespmem:$0x60] =	vst v1  }
0x9: {  	s20 =	simm.s32 $0xF;
	s21 =	simm.s32 $0x50;
	s22 =	simm.s32 $0x40FF;
	[tilespmem:$0x70] =	vst v1  }
0xa: {  	s23 =	simm.s32 $0x20;
	s24 =	simm.s32 $0x30;
	s25 =	simm.s32 $0x80FF;
	[tilespmem:$0x80] =	vst v1  }
0xb: {  	s30 =	simm.s32 $0x0;
	s29 =	simm.s32 $0x0;
	s1 =	sadd.s32 $0x2AA00, s0;
	v1 =	vimm.s32 $0x0;
	[tilespmem:$0xB0] =	vst v0  }
.Ltmp0:
0xc: {  	s4 =	sadd.s32 $0x12C00, s0;
	s5 =	sadd.s32 $0x14C00, s0;
	[tilespmem:$0x90] =	vst v1;
	(pc) =	sbr.rel .LBB2_1-.Ltmp0, $4  }
0xd: {  	s8 =	sshll.u32 s26, $0xC;
	s10 =	sshll.u32 s26, $0x1;
	[tilespmem:$0xA0] =	vst v1;
	[sflag:s2] =	ssyncpa.u1 $0x0  }
0xe: {  	s12 =	sshllo.u32 s26, $0x1;
	s26 =	simm.s32 $0x80;
	[sflag:s6] =	ssyncpa.u1 $0x0  }
0xf: {  	vm0 =	vmmov $0xffff;
	v2 =	vlaneseq.u32;
	s9 =	sadd.s32 $0x1000, s8;
	s11 =	sor.u32 $0x81, s10;
	[sflag:s7] =	ssyncpa.u1 $0x0  }
0x10: {  	vm1 =	vmxor vm1, vm1;
	vm2 =	vmmov $0x1;
	vm3 =	vcmask $0x3F3C;
	s13 =	sor.u32 $0x80, s10;
	s28 =	smov.u32 s8;
	[sflag:s31] =	ssyncpa.u1 $0x0  }
.LBB2_3:
0x11: {  	s0 =	sshrl.u32 s28, $0x3  }
0x12: {  	s2 =	sand.u32 $0x7, s28;
	s0 =	sadd.s32 s4, s0  }
0x13: {  	[tilespmem:s15], [sflag:$0x7] =	stream.linear.gather [hbm4b:s0+s2], $0x1000, $0x38;
	[tilespmem:$0x9120] =	vst v63  }
.LBB2_4:
0x14: {  	s0 =	sadd.s32 $0x1000, s28  }
0x15: {  	s2 =	smov.u32 s8;
	s29 =	sadd.s32 $0x1, s29;
	p0 =	slt.s32 s0, s9  }
0x16: {  	s2 =	smov.u32 @p0 s0;
	p0 =	sne.s32 s29, $0x4  }
.Ltmp1:
0x17: {  	_ = 	snop;
	(pc) =	sbr.rel @!p0 .LBB2_13-.Ltmp1, $2  }
0x18: {  	_ =	sdelay $0x2  }
0x19: {  	s30 =	smov.u32 s28;
	s28 =	smov.u32 s2  }
.LBB2_1:
0x1a: {  	p0 =	sgt.s32 s29, $0x1  }
.Ltmp2:
0x1b: {  	_ = 	snop;
	(pc) =	sbr.rel @p0 .LBB2_11-.Ltmp2, $1  }
0x1c: {  	_ =	sdelay $0x3  }
0x1d: {  	p0 =	seq.s32 s29, $0x0  }
.Ltmp3:
0x1e: {  	_ = 	snop;
	(pc) =	sbr.rel @p0 .LBB2_3-.Ltmp3, $1  }
0x1f: {  	_ =	sdelay $0x3  }
0x20: {  	_ =	swait.ge [sflag:s6], $0x1000  }
0x21: {  	[sflag:s6] =	ssyncset.done $0x0  }
0x22: {  	[sflag:s6] =	ssyncadd.s32 $0xFFFFF000;
	(ifvalue) =	ssetifvalue $0xFFFFFFFF;
	v3 =	vld.msk [tilespmem:s15+$0x0 ss:$0x1], $0xffff;
	_ =	sdelay $0x4  }
0x23: {  	v4 =	vperm.xlane v3, v1  }
0x24: {  	vm4 =	vlt.u32 v3, $0x400000  }
0x25: {  	v3 =	vnsel vm4, $0xFFFFFFFE, v3;
	vm4 =	vlt.u32 v4, $0x400000  }
0x26: {  	[tilespmem:$0x70] =	vst v3;
	v3 =	vnsel vm4, $0xFFFFFFFE, v4  }
0x27: {  	s17 =	simm.s32 $0x10F0;
	[tilespmem:$0x80] =	vst v3  }
0x28: {  	v3 =	vld.msk [tilespmem:s17+$0x0 ss:$0x1], $0xffff;
	_ =	sdelay $0x4  }
0x29: {  	(xrf1) =	vunique.msk.u32 $0xffff, v3;
	_ =	sdelay $0xd  }
0x2a: {  	v4 =	vimm.s32 $0xFFFFFFFF;
	v5, _, _ =	vpop (xrf1)  }
0x2b: {  	vm5 =	vne.s32 v3, v4;
	vm4 =	veq.s32 v5, v2  }
0x2c: {  	vm6 =	vlt.u32 v3, $0x400000;
	vm4 =	vmand vm5, vm4  }
0x2d: {  	vm4 =	vmand vm6, vm4  }
0x2e: {  	v4 =	vnsel vm4, $0xFFFFFFFF, v3;
	_ =	sdelay $0x3  }
0x2f: {  	s0 =	simm.s32 $0x40F0;
	(ifvalue) =	ssetifvalue $0xFFFFFFFF  }
0x30: {  	v3 =	vperm.xlane v3, v1;
	[tilespmem:s0], [sflag:$0x8] =	stream.indirect_vreg.gather [hbm4b:s1+s14], $0x1, v4, vm0, $0x4038;
	v4 =	vnsel vm6, $0xFFFFFFFE, v4;
	[tilespmem:$0x9120] =	vst v63  }
0x31: {  	s2 =	simm.s32 $0x0;
	s16 =	simm.s32 $0x10E0;
	[tilespmem:s17+$0x0] =	vst v4  }
.LBB2_6:
0x32: {  	v4 =	vld.msk [tilespmem:s16+$0x0 ss:$0x1], $0xffff;
	s2 =	sadd.s32 $0x10, s2;
	v5 =	vmov v3;
	s17 =	smov.u32 s16  }
0x33: {  	p0 =	slt.u32 s2, $0xFF0;
	_ =	sdelay $0x4  }
0x34: {  	v3 =	vperm.xlane v4, v1;
	(xrf1) =	vunique.msk.u32 $0xffff, v4;
	_ =	sdelay $0xd  }
0x35: {  	v6, _, _ =	vpop (xrf1)  }
0x36: {  	vm5 =	vne.s32 v4, v5;
	vm4 =	veq.s32 v6, v2  }
0x37: {  	vm6 =	vlt.u32 v4, $0x400000;
	vm4 =	vmand vm5, vm4  }
0x38: {  	vm4 =	vmand vm6, vm4  }
0x39: {  	v4 =	vnsel vm4, $0xFFFFFFFF, v4  }
.Ltmp4:
0x3a: {  	v5 =	vnsel vm6, $0xFFFFFFFE, v4;
	(pc) =	sbr.rel @p0 .LBB2_6-.Ltmp4, $3  }
0x3b: {  	_ =	sdelay $0x1  }
0x3c: {  	s16 =	sadd.s32 $0xFFFFFFF0, s16;
	s0 =	sadd.s32 $0xFFFFFFF0, s0;
	(ifvalue) =	ssetifvalue $0xFFFFFFFF  }
0x3d: {  	[tilespmem:s0], [sflag:$0x8] =	stream.indirect_vreg.gather [hbm4b:s1+s14], $0x1, v4, vm0, $0x4038;
	[tilespmem:s17+$0x0] =	vst v5  }
.Ltmp5:
0x3e: {  	(pc) =	sbr.rel .LBB2_4-.Ltmp5, $4  }
0x3f: {  	_ = 	snop  }
0x40: {  	s0 =	sshrl.u32 s30, $0x3  }
0x41: {  	s2 =	simm.s32 $0x5100;
	s0 =	sadd.s32 s5, s0  }
0x42: {  	[tilespmem:s2], [sflag:$0x8] =	stream.linear.gather [hbm:s0], $0x1000, $0x38;
	[tilespmem:$0x9120] =	vst v63  }
.LBB2_11:
0x43: {  	p0 =	seq.s32 s29, $0x2  }
.Ltmp6:
0x44: {  	_ = 	snop;
	(pc) =	sbr.rel @!p0 .LBB2_12-.Ltmp6, $1  }
0x45: {  	_ =	sdelay $0x3  }
0x46: {  	_ =	swait.ge [sflag:s7], $0x2000  }
0x47: {  	[sflag:s7] =	ssyncset.done $0x0  }
0x48: {  	s0 =	simm.s32 $0x10FF;
	[sflag:s7] =	ssyncadd.s32 $0xFFFFE000  }
0x49: {  	[spmem:s11] =	stream.linear.scatter [tilespmem:s0], [sflag:$0x1], $0x1, $0x38;
	[tilespmem:$0x9120] =	vst v63  }
0x4a: {  	_ =	swait.ge [sflag:s3], $0x1  }
0x4b: {  	[sflag:s3] =	ssyncset.done $0x0  }
0x4c: {  	[sflag:s3] =	ssyncadd.s32 $0xFFFFFFFF  }
0x4d: {  	v4 =	vld [tilespmem:$0x10]  }
0x4e: {  	v5 =	vld [tilespmem:$0x70]  }
0x4f: {  	v3 =	vld [tilespmem:$0x80];
	_ =	sdelay $0x2  }
0x50: {  	(v2sf) =	vpush v4, $0x0  }
0x51: {  	(v2sf) =	vpush v5, $0x0  }
0x52: {  	(v2sf) =	vpush v3, $0x0;
	_ =	sdelay $0xc  }
0x53: {  	s16 =	spop (v2sf)  }
0x54: {  	s2 =	spop (v2sf)  }
0x55: {  	s30 =	spop (v2sf)  }
0x56: {  	p0 =	seq.s32 s16, s2;
	p1 =	seq.s32 s30, s16  }
0x57: {  	p1 =	por p0, p1  }
0x58: {  	v4 =	vpsel p1, $0xFFFFFFFF, v4  }
0x59: {  	[tilespmem:s18+$0x0] =	vst.msk $0x1, v4  }
0x5a: {  	v4 =	vld [tilespmem:$0x30]  }
0x5b: {  	v5 =	vld [tilespmem:$0x5100]  }
0x5c: {  	v6 =	vld [tilespmem:$0x40];
	_ =	sdelay $0x3  }
0x5d: {  	vm4 =	vmmov vm1;
	v5 =	vadd.f32 v5, v4  }
0x5e: {  	vm5 =	vmmov vm2;
	s31 =	simm.s32 $0x5100;
	vm4 =	vmmov @p0 vm2;
	v4 =	vadd.f32 v6, v4  }
0x5f: {  	vm5 =	vmmov @p1 vm1;
	[tilespmem:s31+$0x0] =	vst.msk vm4, v5  }
0x60: {  	[tilespmem:s19+$0x0] =	vst.msk vm5, v4  }
0x61: {  	v4 =	vld [tilespmem:$0x40F0];
	_ =	sdelay $0x3  }
0x62: {  	v5 =	vimm.f32 $0.0e+00  }
0x63: {  	v4 =	vshift.insert v4, v5, s20;
	_ =	sdelay $0x1  }
0x64: {  	[tilespmem:s21+$0x0] =	vst.msk $0x1, v4  }
0x65: {  	[tilespmem:s22+$0x0] =	vst.msk $0x1, v5  }
0x66: {  	v4 =	vld [tilespmem:$0x10F0];
	_ =	sdelay $0x4  }
0x67: {  	v4 =	vshift.insert v4, v1, s20;
	_ =	sdelay $0x1  }
0x68: {  	[tilespmem:s23+$0x0] =	vst.msk $0x1, v4  }
0x69: {  	s17 =	simm.s32 $0x100;
	v6 =	vld [tilespmem:s31+$0x0]  }
0x6a: {  	v7 =	vld [tilespmem:s17+$0x0];
	_ =	sdelay $0x3  }
0x6b: {  	v5 =	vadd.f32 v6, v5  }
0x6c: {  	vm4 =	vne.s32 v7, $0xFFFFFFFF  }
0x6d: {  	(xrf2) =	vadd.seg.scan.f32 vm4, v5;
	_ =	sdelay $0x3  }
0x6e: {  	s0 =	simm.s32 $0x3100;
	v5 =	vperm.xlane v4, v1  }
0x6f: {  	v6 =	vld [tilespmem:s0+$0x0]  }
0x70: {  	vm5 =	veq.s32 v7, v3;
	vm6 =	veq.s32 v7, v5  }
0x71: {  	vm7 =	vgt.u32 v7, $0xFFFFFFFD;
	vm6 =	vmor vm6, vm5  }
0x72: {  	vm6 =	vmor vm6, vm7  }
0x73: {  	v9 =	vld [tilespmem:$0xA0];
	v7 =	vsel vm6, $0xFFFFFFFF, v7  }
0x74: {  	v10 =	vld [tilespmem:$0x90];
	v6 =	vsel vm5, $0x0, v6;
	v8, _, _ =	vpop (xrf2)  }
0x75: {  	v6 =	vadd.f32 v8, v6  }
0x76: {  	s2 =	simm.s32 $0x7100  }
0x77: {  	vm4 =	vmand vm4, vm3;
	[tilespmem:s2+$0x0] =	vst v6;
	(ifvalue) =	ssetifvalue $0xFFFFFFFF  }
0x78: {  	vm6 =	veq.s32 v9, $0x1;
	[hbm4b:s1+s14] =	stream.indirect_vreg.scatter [tilespmem:s2], [sflag:$0x2], $0x1, v7, vm0, $0x4038;
	v7 =	vsel vm4, $0x0, v8;
	[tilespmem:$0x9120] =	vst v63  }
0x79: {  	s16 =	simm.s32 $0x0;
	s17 =	simm.s32 $0x110;
	vm4 =	vmor vm6, vm5;
	v6 =	vsel vm5, v8, v10;
	v7 =	vshift.insert v7, v0, s20  }
.LBB2_9:
0x7a: {  	v8 =	vld [tilespmem:s17+$0x0];
	s31 =	sadd.s32 $0x10, s31  }
0x7b: {  	s0 =	sadd.s32 $0x10, s0;
	v9 =	vld [tilespmem:s31+$0x0]  }
0x7c: {  	s16 =	sadd.s32 $0x10, s16;
	v10 =	vld [tilespmem:s0+$0x0]  }
0x7d: {  	p0 =	slt.u32 s16, $0xFF0;
	_ =	sdelay $0x2  }
0x7e: {  	v7 =	vadd.f32 v9, v7  }
0x7f: {  	vm5 =	vne.s32 v8, $0xFFFFFFFF  }
0x80: {  	vm6 =	vmand vm5, vm3;
	(xrf2) =	vadd.seg.scan.f32 vm5, v7;
	_ =	sdelay $0x5  }
0x81: {  	vm7 =	veq.s32 v8, v5;
	vm5 =	veq.s32 v8, v3  }
0x82: {  	vm8 =	vgt.u32 v8, $0xFFFFFFFD;
	vm4 =	vmor vm4, vm5;
	vm7 =	vmor vm7, vm5  }
0x83: {  	vm7 =	vmor vm7, vm8  }
0x84: {  	v8 =	vsel vm7, $0xFFFFFFFF, v8  }
.Ltmp7:
0x85: {  	v7 =	vsel vm5, $0x0, v10;
	v9, _, _ =	vpop (xrf2);
	(pc) =	sbr.rel @p0 .LBB2_9-.Ltmp7, $4  }
0x86: {  	v6 =	vsel vm5, v9, v6;
	v10 =	vadd.f32 v9, v7;
	v7 =	vsel vm6, $0x0, v9  }
0x87: {  	s2 =	sadd.s32 $0x10, s2;
	v7 =	vshift.insert v7, v0, s20  }
0x88: {  	s17 =	sadd.s32 $0x10, s17;
	[tilespmem:s2+$0x0] =	vst v10;
	(ifvalue) =	ssetifvalue $0xFFFFFFFF  }
0x89: {  	[hbm4b:s1+s14] =	stream.indirect_vreg.scatter [tilespmem:s2], [sflag:$0x2], $0x1, v8, vm0, $0x4038;
	[tilespmem:$0x9120] =	vst v63  }
0x8a: {  	v3 =	vld [tilespmem:$0x80F0];
	_ =	sdelay $0x4  }
0x8b: {  	v3 =	vshift.insert v3, v0, s20;
	_ =	sdelay $0x1  }
0x8c: {  	[tilespmem:s24+$0x0] =	vst.msk $0x1, v3  }
0x8d: {  	v3 =	vsel vm4, $0x1, v1;
	[tilespmem:$0x90] =	vst v6  }
0x8e: {  	[tilespmem:$0xA0] =	vst v3  }
0x8f: {  	[spmem:s12] =	stream.linear.scatter [tilespmem:s25], [sflag:$0x1], $0x1, $0x38;
	[tilespmem:$0x9120] =	vst v63  }
0x90: {  	v3 =	vmctz.xlane vm4;
	_ =	swait.ge [sflag:s3], $0x1  }
0x91: {  	(v2sf) =	vpush v4, $0x0  }
0x92: {  	(v2sf) =	vpush v3, $0x0;
	_ =	sdelay $0xd  }
0x93: {  	s0 =	spop (v2sf)  }
0x94: {  	s2 =	spop (v2sf)  }
0x95: {  	[sflag:s3] =	ssyncset.done $0x0;
	p0 =	sne.s32 s30, s0;
	p1 =	slt.s32 s2, $0xF  }
0x96: {  	[sflag:s3] =	ssyncadd.s32 $0xFFFFFFFF;
	v3 =	vimm.s32 @!p0 $0xFFFFFFFF;
	s2 =	simm.s32 @!p1 $0xF  }
0x97: {  	[tilespmem:$0x80] =	vst @!p0 v3;
	s31 =	sadd.s32 $0x90, s2  }
0x98: {  	[spmem:s10] =	stream.linear.scatter [tilespmem:s31], [sflag:$0x1], $0x1, $0x38;
	[tilespmem:$0x9120] =	vst v63  }
0x99: {  	_ =	swait.ge [sflag:s3], $0x1  }
0x9a: {  	[sflag:s3] =	ssyncset.done $0x0  }
0x9b: {  	[sflag:s3] =	ssyncadd.s32 $0xFFFFFFFF  }
0x9c: {  	[spmem:s13] =	stream.linear.scatter [tilespmem:s26], [sflag:$0x1], $0x1, $0x38;
	[tilespmem:$0x9120] =	vst v63  }
0x9d: {  	_ =	swait.ge [sflag:s3], $0x1  }
0x9e: {  	[sflag:s3] =	ssyncset.done $0x0  }
0x9f: {  	[sflag:s3] =	ssyncadd.s32 $0xFFFFFFFF;
	(ifvalue) =	ssetifvalue $0xFFFFFFFF;
	v3 =	vld [tilespmem:$0x10];
	_ =	sdelay $0x3  }
.Ltmp8:
0xa0: {  	_ = 	snop;
	(pc) =	sbr.rel .LBB2_4-.Ltmp8, $3  }
0xa1: {  	_ =	sdelay $0x1  }
0xa2: {  	(ifvalue) =	ssetifvalue $0xFFFFFFFF  }
0xa3: {  	[hbm4b:s1+s14] =	stream.indirect_vreg.scatter [tilespmem:s19], [sflag:$0x9], $0x1, v3, vm0, $0x4038;
	[tilespmem:$0x9120] =	vst v63  }
.LBB2_12:
0xa4: {  	s0 =	simm.s32 $0x2  }
0xa5: {  	_ =	swait.ge [sflag:s0], $0x1000  }
0xa6: {  	[sflag:s0] =	ssyncset.done $0x0  }
0xa7: {  	s31 =	simm.s32 $0x9;
	[sflag:s0] =	ssyncadd.s32 $0xFFFFF000  }
0xa8: {  	_ =	swait.ge [sflag:s31], $0x10  }
0xa9: {  	[sflag:s31] =	ssyncset.done $0x0  }
0xaa: {  	[sflag:s31] =	ssyncadd.s32 $0xFFFFFFF0  }
.LBB2_13:
0xab: {  	_ =	sfence.sel $0x180000  }
0xac: {  	s0 =	simm.s32 $0x7;
	[bflag:$0x0] =	sbarrier.arrive $0xFFFF  }
0xad: {  	s26 =	simm.s32 $0x8;
	[sflag:s0] =	ssyncpa.u1 $0x1  }
0xae: {  	s28 =	simm.s32 $0x9;
	[sflag:s26] =	ssyncpa.u1 $0x1  }
0xaf: {  	[sflag:s28] =	ssyncpa.u1 $0x1  }
0xb0: {  	_ =	sfence.stream.spmem  }
0xb1: {  	s29 =	simm.s32 $0x3;
	[bflag:$0x0] =	sbarrier.arrive $0xFFFF  }
0xb2: {  	s30 =	simm.s32 $0x4;
	[sflag:s29] =	ssyncpa.u1 $0x1  }
0xb3: {  	s31 =	simm.s32 $0x3C;
	s2 =	stileid.u32;
	[sflag:s30] =	ssyncpa.u1 $0x1  }
0xb4: {  	p0 =	sne.s32 s2, $0x0;
	[sflag:s31] =	ssyncpa.u1 $0x1  }
0xb5: {  	s0 =	simm.s32 @p0 $0x1;
	_ =	sfence @p0  }
0xb6: {  	[sflag:s0] =	ssyncpa.u1 @p0 $0x1;
	s0 =	simm.s32 @p0 $0x2  }
0xb7: {  	[sflag:s0] =	ssyncpa.u1 @p0 $0x1  }
0xb8: {  	_ =	strace @p0 $0x90000056  }
0xb9: {  	[bflag:$0x2] =	sbarrier.arrive @p0 $0xFFFF  }
0xba: {  	_ =	shalt @p0  }
.LBB2_14:
0xbb: {  	_ =	sfence.stream.spmem;
	s0 =	simm.s32 $0x5  }
0xbc: {  	s2 =	simm.s32 $0x80;
	s3 =	simm.s32 $0xC0;
	[sflag:s0] =	ssyncpa.u1 $0x0  }
0xbd: {  	[tilespmem:s3], [sflag:$0x5] =	stream.linear.gather [spmem:s2], $0x20, $0x38;
	[tilespmem:$0x9120] =	vst v63  }
0xbe: {  	s2 =	simm.s32 $0x0;
	s3 =	simm.s32 $0xE0  }
0xbf: {  	[tilespmem:s3], [sflag:$0x5] =	stream.linear.gather [spmem:s2], $0x20, $0x38;
	[tilespmem:$0x9120] =	vst v63  }
.Ltmp9:
0xc0: {  	_ = 	snop;
	(pc) =	sbr.rel .LBB2_15-.Ltmp9, $4  }
0xc1: {  	_ =	swait.ge [sflag:s0], $0x40  }
0xc2: {  	[sflag:s0] =	ssyncset.done $0x0  }
0xc3: {  	s31 =	simm.s32 $0x6;
	[sflag:s0] =	ssyncadd.s32 $0xFFFFFFC0  }
0xc4: {  	s4 =	simm.s32 $0x0;
	[sflag:s31] =	ssyncpa.u1 $0x0  }
.LBB2_20:
0xc5: {  	p0 =	sgt.u32 s0, $0x3FFFFF  }
0xc6: {  	s5 =	sshrl.u32 @!p0 s0, $0x3  }
0xc7: {  	s0 =	sand.u32 @!p0 $0x7, s0;
	s6 =	simm.s32 @!p0 $0xB0;
	s5 =	sadd.s32 @!p0 s1, s5  }
0xc8: {  	[tilespmem:s6], [sflag:$0x6] =	stream.linear.gather @!p0 [hbm4b:s5+s0], $0x1, $0x38;
	[tilespmem:$0x9120] =	vst v63  }
0xc9: {  	s0 =	simm.s32 @!p0 $0x6  }
0xca: {  	_ =	swait.ge @!p0 [sflag:s0], $0x1  }
0xcb: {  	[sflag:s0] =	ssyncset.done @!p0 $0x0  }
0xcc: {  	[sflag:s0] =	ssyncadd.s32 @!p0 $0xFFFFFFFF  }
0xcd: {  	v2 =	vmov @!p0 s4;
	v1 =	vld.msk @!p0 [tilespmem:$0xB0], $0x1;
	_ =	sdelay $0x3  }
0xce: {  	s0 =	simm.s32 @!p0 $0xE0  }
0xcf: {  	[tilespmem:v2+s0+$0x0], v1 =	vst.idx.ret.add.f32.msk @!p0 $0x1, v1  }
0xd0: {  	[tilespmem:s2+$0xC0] =	vst.msk $0x1, v0  }
0xd1: {  	v0 =	vld.msk [tilespmem:s4+$0xE0], $0x1;
	_ =	sdelay $0x4  }
0xd2: {  	[tilespmem:s2+$0xE0] =	vst.msk $0x1, v0;
	s2 =	sadd.s32 $0x1, s2  }
.LBB2_22:
0xd3: {  	s4 =	sadd.s32 $0x1, s4  }
0xd4: {  	p0 =	sne.s32 s4, $0x20  }
.Ltmp10:
0xd5: {  	_ = 	snop;
	(pc) =	sbr.rel @!p0 .LBB2_23-.Ltmp10, $1  }
0xd6: {  	_ =	sdelay $0x3  }
.LBB2_15:
0xd7: {  	v0 =	vld.msk [tilespmem:s4+$0xC0], $0x1;
	_ =	sdelay $0x4  }
0xd8: {  	(v2sf) =	vpush v0, $0x0;
	_ =	sdelay $0xe  }
0xd9: {  	s0 =	spop (v2sf)  }
0xda: {  	p0 =	seq.s32 s0, $0xFFFFFFFF  }
.Ltmp11:
0xdb: {  	_ = 	snop;
	(pc) =	sbr.rel @p0 .LBB2_22-.Ltmp11, $1  }
0xdc: {  	_ =	sdelay $0x3  }
0xdd: {  	p0 =	slt.s32 s2, $0x1  }
.Ltmp12:
0xde: {  	_ = 	snop;
	(pc) =	sbr.rel @p0 .LBB2_20-.Ltmp12, $1  }
0xdf: {  	_ =	sdelay $0x3  }
0xe0: {  	s5 =	simm.s32 $0xC0;
	p0 =	por $0x0, $0x0  }
0xe1: {  	v1 =	vld.msk @!p0 [tilespmem:s5+$0x0], $0x1;
	_ =	sdelay $0x4  }
0xe2: {  	(v2sf) =	vpush @!p0 v1, $0x0;
	_ =	sdelay $0xd  }
0xe3: {  	p2 =	sne.s32 s2, $0x1  }
.Ltmp13:
0xe4: {  	s6 =	spop @!p0 (v2sf);
	(pc) =	sbr.rel @!p2 .LBB2_19-.Ltmp13, $4  }
0xe5: {  	p1 =	seq.s32 @!p0 s0, s6  }
0xe6: {  	s6 =	simm.s32 $0x0;
	p1 =	por !p1, p0  }
0xe7: {  	s8 =	simm.s32 $0xFFFFFFFF;
	s6 =	simm.s32 @p1 $0xFFFFFFFF  }
0xe8: {  	s7 =	simm.s32 $0x1;
	s6 =	smov.u32 @p0 s8  }
.LBB2_18:
0xe9: {  	s8 =	smov.u32 s6;
	p0 =	sne.s32 s6, $0xFFFFFFFF  }
0xea: {  	s5 =	sadd.s32 $0x1, s5;
	s6 =	smov.u32 s7;
	s7 =	sadd.s32 $0x1, s7  }
0xeb: {  	p1 =	sne.s32 s2, s7;
	v1 =	vld.msk @!p0 [tilespmem:s5+$0x0], $0x1;
	_ =	sdelay $0x4  }
0xec: {  	(v2sf) =	vpush @!p0 v1, $0x0;
	_ =	sdelay $0xe  }
.Ltmp14:
0xed: {  	s9 =	spop @!p0 (v2sf);
	(pc) =	sbr.rel @p1 .LBB2_18-.Ltmp14, $4  }
0xee: {  	p2 =	seq.s32 @!p0 s0, s9  }
0xef: {  	p2 =	por !p2, p0  }
0xf0: {  	s6 =	simm.s32 @p2 $0xFFFFFFFF  }
0xf1: {  	s6 =	smov.u32 @p0 s8  }
.LBB2_19:
0xf2: {  	p0 =	sne.s32 s6, $0xFFFFFFFF  }
.Ltmp15:
0xf3: {  	_ = 	snop;
	(pc) =	sbr.rel @!p0 .LBB2_20-.Ltmp15, $1  }
0xf4: {  	_ =	sdelay $0x3  }
0xf5: {  	v0 =	vld.msk [tilespmem:s4+$0xE0], $0x1;
	v1 =	vmov s6  }
.Ltmp16:
0xf6: {  	_ = 	snop;
	(pc) =	sbr.rel .LBB2_22-.Ltmp16, $2  }
0xf7: {  	_ =	sdelay $0x2  }
0xf8: {  	[tilespmem:v1+s3+$0x0], v0 =	vst.idx.ret.add.f32.msk $0x1, v0  }
.LBB2_23:
0xf9: {  	p0 =	slt.s32 s2, $0x1  }
.Ltmp17:
0xfa: {  	_ = 	snop;
	(pc) =	sbr.rel @p0 .LBB2_27-.Ltmp17, $3  }
0xfb: {  	_ =	sdelay $0x1  }
0xfc: {  	s0 =	simm.s32 $0x6  }
0xfd: {  	[sflag:s0] =	ssyncpa.u1 $0x1;
	s0 =	simm.s32 $0x0  }
0xfe: {  	s3 =	simm.s32 $0xC0  }
0xff: {  	v0 =	vld.msk [tilespmem:s3+$0x0], $0x1;
	_ =	sdelay $0x4  }
0x100: {  	(v2sf) =	vpush v0, $0x0;
	_ =	sdelay $0xe  }
0x101: {  	s2 =	sadd.s32 $0xFFFFFFFF, s2;
	s4 =	spop (v2sf)  }
0x102: {  	p1 =	sne.s32 s2, $0x0;
	p0 =	sgt.u32 s4, $0x3FFFFF  }
.Ltmp18:
0x103: {  	s5 =	sshrl.u32 @!p0 s4, $0x3;
	(pc) =	sbr.rel @!p1 .LBB2_26-.Ltmp18, $4  }
0x104: {  	s3 =	simm.s32 $0xE0;
	s4 =	sand.u32 @!p0 $0x7, s4;
	s5 =	sadd.s32 @!p0 s1, s5  }
0x105: {  	[hbm4b:s5+s4] =	stream.linear.scatter @!p0 [tilespmem:s3], [sflag:$0x5], $0x1, $0x38;
	[tilespmem:$0x9120] =	vst v63  }
0x106: {  	s5 =	simm.s32 $0x0  }
0x107: {  	s4 =	simm.s32 $0xC1;
	s5 =	simm.s32 @!p0 $0x4  }
.LBB2_25:
0x108: {  	v0 =	vld.msk [tilespmem:s4+$0x0], $0x1;
	s2 =	sadd.s32 $0xFFFFFFFF, s2;
	s0 =	sadd.s32 s0, s5  }
0x109: {  	p0 =	sne.s32 s2, $0x0;
	_ =	sdelay $0x3  }
0x10a: {  	(v2sf) =	vpush v0, $0x0;
	_ =	sdelay $0xe  }
.Ltmp19:
0x10b: {  	s6 =	spop (v2sf);
	(pc) =	sbr.rel @p0 .LBB2_25-.Ltmp19, $4  }
0x10c: {  	s5 =	simm.s32 $0x0;
	p1 =	sgt.u32 s6, $0x3FFFFF  }
0x10d: {  	s3 =	sadd.s32 $0x1, s3;
	s5 =	simm.s32 @!p1 $0x4;
	s7 =	sshrl.u32 @!p1 s6, $0x3  }
0x10e: {  	s4 =	sadd.s32 $0x1, s4;
	s6 =	sand.u32 @!p1 $0x7, s6;
	s7 =	sadd.s32 @!p1 s1, s7  }
0x10f: {  	[hbm4b:s7+s6] =	stream.linear.scatter @!p1 [tilespmem:s3], [sflag:$0x5], $0x1, $0x38;
	[tilespmem:$0x9120] =	vst v63  }
.LBB2_26:
0x110: {  	s0 =	sadd.s32 s0, s5  }
0x111: {  	s0 =	sshrl.u32 s0, $0x2  }
.LBB2_27:
0x112: {  	s1 =	simm.s32 $0x5  }
0x113: {  	_ =	swait.ge [sflag:s1], s0  }
0x114: {  	s28 =	ssub.s32 $0x0, s0;
	[sflag:s1] =	ssyncset.done $0x0  }
0x115: {  	[sflag:s1] =	ssyncadd.s32 s28  }
0x116: {  	[sflag:s1] =	ssyncpa.u1 $0x1  }
0x117: {  	s29 =	simm.s32 $0x1;
	_ =	sfence  }
0x118: {  	s30 =	simm.s32 $0x2;
	[sflag:s29] =	ssyncpa.u1 $0x1  }
0x119: {  	[sflag:s30] =	ssyncpa.u1 $0x1  }
0x11a: {  	_ =	strace $0x90000056  }
0x11b: {  	[bflag:$0x2] =	sbarrier.arrive $0xFFFF  }
0x11c: {  	s31 =	rddreg [dreg:$0x1]  }
0x11d: {  	s0 =	sadd.s32 $0x100000, s31  }
0x11e: {  	[sflag:s0] =	ssyncadd.tile.s32 $0x1;
	_ =	shalt  }
.Lfunc_end2:
_tile_overlayer_lowered:
.L_overlay_start_2:
0x11f: {  	(tag) =	ssettag $0x2  }
0x120: {  	s0 =	rddreg [dreg:$0x0];
	s2 =	stileid.u32  }
0x121: {  	s1 =	rddreg [dreg:$0x1];
	p0 =	sne.s32 s2, $0x0  }
0x122: {  	s3 =	rddreg [dreg:$0x2];
	[bflag:$0x3] =	sbarrier.arrive $0xFFFF;
	s2 =	simm.s32 @!p0 $0x1C01  }
0x123: {  	[timem:s3], [sflag:s2] =	dma.local @!p0 [hbm:s0], s1  }
0x124: {  	s0 =	simm.s32 @!p0 $0x1  }
0x125: {  	_ =	swait.ge @!p0 [sflag:s0], s1  }
0x126: {  	s1 =	ssub.s32 @!p0 $0x0, s1;
	[sflag:s0] =	ssyncset.done @!p0 $0x0  }
0x127: {  	[sflag:s0] =	ssyncadd.s32 @!p0 s1  }
0x128: {  	[bflag:$0x3] =	sbarrier.arrive $0xFFFF  }
0x129: {  	_ =	shalt  }

// kernel: scatter_offload_async_start
scs
__scs_entry_jumppad:
0x0: {  	(pc) =	sbr.rel $0x88, $3  }
0x1: {  	(tag) =	ssettag $0x0;
	lr =	simm.s32 $0x1  }
0x2: {  	[smem:$0x3F7F] =	sst lr;
	_ =	strace $0xD0000000  }
0x3: {  	_ = 	snop  }
0x4: {  	_ = 	snop  }
0x5: {  	_ = 	snop  }
0x6: {  	_ = 	snop  }
0x7: {  	_ = 	snop  }
__scs_overlays_trampoline_lowered:
0x8: {  	[smem:$0x3F8E] =	sst s0  }
0x9: {  	[smem:$0x3F8F] =	sst s1  }
0xa: {  	[smem:$0x3F90] =	sst s2  }
0xb: {  	[smem:$0x3F91] =	sst s3  }
0xc: {  	[smem:$0x3F92] =	sst s4  }
0xd: {  	[smem:$0x3F93] =	sst s5  }
0xe: {  	[smem:$0x3F94] =	sst s6  }
0xf: {  	[smem:$0x3F95] =	sst s7  }
0x10: {  	[smem:$0x3F96] =	sst s8  }
0x11: {  	[smem:$0x3F97] =	sst s9;
	s0 =	simm.s32 @!p0 $0x0  }
0x12: {  	s1 =	sld [smem:$0x3F7D];
	s0 =	simm.s32 @p0 $0x1  }
0x13: {  	[smem:$0x3F98] =	sst s0;
	s0 =	simm.s32 @!p1 $0x0  }
0x14: {  	s2 =	sld [smem:$0x3F7C];
	s0 =	simm.s32 @p1 $0x1  }
0x15: {  	[smem:$0x3F99] =	sst s0;
	s0 =	simm.s32 @!p2 $0x0  }
0x16: {  	s3 =	sld [smem:$0x3FDB];
	s0 =	simm.s32 @p2 $0x1  }
0x17: {  	s4 =	simm.s32 $0x1BF5;
	[smem:$0x3F9B] =	sst s0  }
0x18: {  	s0 =	sld [smem:$0x3F7E];
	_ =	swait.ge [sflag:s4], $0x0  }
0x19: {  	s7 =	sld [smem:$0x3F7F]  }
0x1a: {  	s8 =	sadd.s32 $0xFFFFE003, lr  }
0x1b: {  	s9 =	sadd.s32 $0xFFFFFEF7, lr;
	s5 =	simm.s32 $0xFFFFFFFF;
	p2 =	slt.u32 s8, $0xFFFFF086  }
0x1c: {  	p1 =	slt.u32 s9, $0xF7A;
	s5 =	simm.s32 @!p2 $0x0  }
0x1d: {  	s5 =	simm.s32 @p1 $0x1;
	p0 =	seq.s32 s7, s2  }
0x1e: {  	s7 =	smul.u32 @!p0 $0xF7A, s2;
	p2 =	seq.s32 @!p0 s5, $0x0  }
0x1f: {  	s9 =	smul.u32 $0xF7A, s1;
	s8 =	simm.s32 @!p0 $0x1BF5;
	p2 =	por !p2, p0  }
0x20: {  	[sflag:s8] =	ssyncset.s32 @!p0 $0xFFFFF086;
	s6 =	sadd.s32 @!p0 s3, s7;
	s7 =	simm.s32 @!p0 $0x108  }
0x21: {  	s3 =	sadd.s32 s3, s9;
	s6 =	sadd.s32 @!p0 $0x88, s6;
	s7 =	simm.s32 @p2 $0x1082  }
0x22: {  	[simem:s7], [sflag:s8] =	dma.local @!p0 [hbm:s6], $0xF7A  }
0x23: {  	s9 =	sor.u32 $0xD0000000, s2;
	s6 =	simm.s32 $0x108;
	_ =	swait.ge @!p0 [sflag:s8], $0x0  }
0x24: {  	s3 =	sadd.s32 $0x88, s3;
	s6 =	simm.s32 @!p1 $0x1082;
	[sflag:s4] =	ssyncset.s32 $0xFFFFF086  }
0x25: {  	[simem:s6], [sflag:s4] =	dma.local [hbm:s3], $0xF7A  }
0x26: {  	[smem:$0x3F7F] =	sst s1;
	(tag) =	ssettag s2;
	_ =	strace s9  }
0x27: {  	s1 =	sld [smem:$0x3F8F]  }
0x28: {  	s2 =	sld [smem:$0x3F90]  }
0x29: {  	s4 =	sld [smem:$0x3F92]  }
0x2a: {  	p0 =	seq.s32 s5, $0x0;
	s5 =	sld [smem:$0x3F93]  }
0x2b: {  	s6 =	sld [smem:$0x3F94]  }
0x2c: {  	s7 =	sld [smem:$0x3F95]  }
0x2d: {  	s3 =	simm.s32 $0x108;
	s8 =	sld [smem:$0x3F96]  }
0x2e: {  	s3 =	simm.s32 @!p0 $0x1082;
	s9 =	sld [smem:$0x3F97]  }
0x2f: {  	lr =	sadd.s32 s0, s3;
	s0 =	sld [smem:$0x3F8E]  }
0x30: {  	s3 =	sld [smem:$0x3F91]  }
0x31: {  	[smem:$0x3F9A] =	sst s10  }
0x32: {  	s10 =	sld [smem:$0x3F98];
	_ =	sdelay $0x3  }
0x33: {  	p0 =	seq.s32 s10, $0x1;
	s10 =	sld [smem:$0x3F9A];
	_ =	sdelay $0x3  }
0x34: {  	[smem:$0x3F9A] =	sst s10  }
0x35: {  	s10 =	sld [smem:$0x3F99];
	_ =	sdelay $0x3  }
0x36: {  	p1 =	seq.s32 s10, $0x1;
	s10 =	sld [smem:$0x3F9A];
	_ =	sdelay $0x3  }
0x37: {  	[smem:$0x3F9A] =	sst s10  }
0x38: {  	s10 =	sld [smem:$0x3F9B]  }
0x39: {  	_ = 	snop;
	(pc) =	sbr.ind lr, $3  }
0x3a: {  	_ = 	snop  }
0x3b: {  	_ = 	snop  }
0x3c: {  	p2 =	seq.s32 s10, $0x1;
	s10 =	sld [smem:$0x3F9A]  }
0x3d: {  	_ =	shalt  }
0x3e: {  	_ =	shalt  }
0x3f: {  	_ =	shalt  }
0x40: {  	_ =	shalt  }
0x41: {  	_ =	shalt  }
0x42: {  	_ =	shalt  }
0x43: {  	_ =	shalt  }
0x44: {  	_ =	shalt  }
0x45: {  	_ =	shalt  }
0x46: {  	_ =	shalt  }
0x47: {  	_ =	shalt  }
0x48: {  	_ =	shalt  }
0x49: {  	_ =	shalt  }
0x4a: {  	_ =	shalt  }
0x4b: {  	_ =	shalt  }
0x4c: {  	_ =	shalt  }
0x4d: {  	_ =	shalt  }
0x4e: {  	_ =	shalt  }
0x4f: {  	_ =	shalt  }
0x50: {  	_ =	shalt  }
0x51: {  	_ =	shalt  }
0x52: {  	_ =	shalt  }
0x53: {  	_ =	shalt  }
0x54: {  	_ =	shalt  }
0x55: {  	_ =	shalt  }
0x56: {  	_ =	shalt  }
0x57: {  	_ =	shalt  }
0x58: {  	_ =	shalt  }
0x59: {  	_ =	shalt  }
0x5a: {  	_ =	shalt  }
0x5b: {  	_ =	shalt  }
0x5c: {  	_ =	shalt  }
0x5d: {  	_ =	shalt  }
0x5e: {  	_ =	shalt  }
0x5f: {  	_ =	shalt  }
0x60: {  	_ =	shalt  }
0x61: {  	_ =	shalt  }
0x62: {  	_ =	shalt  }
0x63: {  	_ =	shalt  }
0x64: {  	_ =	shalt  }
0x65: {  	_ =	shalt  }
0x66: {  	_ =	shalt  }
0x67: {  	_ =	shalt  }
0x68: {  	_ =	shalt  }
0x69: {  	_ =	shalt  }
0x6a: {  	_ =	shalt  }
0x6b: {  	_ =	shalt  }
0x6c: {  	_ =	shalt  }
0x6d: {  	_ =	shalt  }
0x6e: {  	_ =	shalt  }
0x6f: {  	_ =	shalt  }
0x70: {  	_ =	shalt  }
0x71: {  	_ =	shalt  }
0x72: {  	_ =	shalt  }
0x73: {  	_ =	shalt  }
0x74: {  	_ =	shalt  }
0x75: {  	_ =	shalt  }
0x76: {  	_ =	shalt  }
0x77: {  	_ =	shalt  }
0x78: {  	_ =	shalt  }
0x79: {  	_ =	shalt  }
0x7a: {  	_ =	shalt  }
0x7b: {  	_ =	shalt  }
0x7c: {  	_ =	shalt  }
0x7d: {  	_ =	shalt  }
0x7e: {  	_ =	shalt  }
0x7f: {  	_ =	shalt  }
0x80: {  	_ =	shalt  }
0x81: {  	_ =	shalt  }
0x82: {  	_ =	shalt  }
0x83: {  	_ =	shalt  }
0x84: {  	_ =	shalt  }
0x85: {  	_ =	shalt  }
0x86: {  	_ =	shalt  }
0x87: {  	_ =	shalt  }
.Lfunc_end0:
.L_simem_size_0:
called_computation_lowered:
.L_overlay_start_0:
0x88: {  	s2 =	sld [smem:$0x3FD9]  }
0x89: {  	s3 =	sld [smem:$0x3FFE];
	_ =	sdelay $0x1  }
0x8a: {  	s1 =	srdreg.scid  }
0x8b: {  	s0 =	sand.u32 $0x1, s1  }
0x8c: {  	s15 =	sshll.u32 s0, $0xA;
	s2 =	sadd.s32 s3, s2  }
0x8d: {  	s2 =	sadd.s32 s2, s15  }
0x8e: {  	[smem:$0x3FA6] =	sst s2  }
0x8f: {  	_ = 	snop  }
0x90: {  	(tm) =	ssettm $0x1  }
0x91: {  	s16 =	sld [smem:$0x3FFB];
	_ =	sdelay $0x3  }
0x92: {  	_ =	strace s16  }
0x93: {  	s2 =	sld [smem:$0x3FFC];
	_ =	sdelay $0x3  }
0x94: {  	_ =	strace s2  }
0x95: {  	s2 =	sld [smem:$0x3FFD];
	_ =	sdelay $0x3  }
0x96: {  	_ =	strace s2  }
0x97: {  	_ =	strace $0x8FFFFFFF  }
0x98: {  	s17 =	sld [smem:$0x3FDB];
	_ =	sdelay $0x1  }
0x99: {  	s18 =	simm.s32 $_scs_section_size  }
0x9a: {  	s4 =	simm.s32 $_size__tile_overlayer_lowered;
	s5 =	simm.s32 $_tile_overlayer_lowered  }
0x9b: {  	s6 =	simm.s32 $0x1BFF;
	s19 =	sshll.u32 s5, $0x1;
	s3 =	sadd.s32 s18, s17  }
0x9c: {  	s20 =	simm.s32 $0x0;
	s4 =	sshll.u32 s4, $0x1;
	s5 =	sadd.s32 s19, s3  }
0x9d: {  	[timem:s20], [sflag:s6] =	dma.local [hbm:s5], s4  }
0x9e: {  	_ =	swait.ge [sflag:s6], s4  }
0x9f: {  	s4 =	ssub.s32 $0x0, s4;
	[sflag:s6] =	ssyncset.done $0x0  }
0xa0: {  	[sflag:s6] =	ssyncadd.s32 s4;
	_ =	sdelay $0x1  }
0xa1: {  	s21 =	simm.s32 $0x1B8B  }
0xa2: {  	_ =	swait.ge [sflag:s21], $0x1  }
0xa3: {  	[sflag:s21] =	ssyncset.done $0x0  }
0xa4: {  	s22 =	sld [smem:$0x3FFE];
	[sflag:s21] =	ssyncadd.s32 $0xFFFFFFFF  }
0xa5: {  	s24 =	simm.s32 $0x1B8E;
	s23 =	sld [smem:$0x0]  }
0xa6: {  	s25 =	simm.s32 $execute0_lowered;
	[smem:$0x3FD2] =	sst s24  }
0xa7: {  	s6 =	sshll.u32 s25, $0x1;
	_ =	strace $0x80000046;
	[dreg:$0x1] =	wrdreg $0xFFFFFFFF  }
0xa8: {  	s7 =	simm.s32 $_size_execute0_lowered;
	s6 =	sadd.s32 s3, s6;
	[dreg:$0x0] =	wrdreg $0x0  }
0xa9: {  	s7 =	sshll.u32 s7, $0x1;
	[dreg:$0x2] =	wrdreg s6  }
0xaa: {  	[dreg:$0x3] =	wrdreg s7  }
0xab: {  	[dreg:$0x4] =	wrdreg $0xC0  }
0xac: {  	s26 =	simm.s32 $execute1_lowered;
	_ =	task [dreg:s20], $0x5FFFF  }
0xad: {  	s6 =	sshll.u32 s26, $0x1;
	[dreg:$0x1] =	wrdreg $0xFFFFFFFF  }
0xae: {  	s3 =	sadd.s32 s3, s6;
	[dreg:$0x0] =	wrdreg $0x60  }
0xaf: {  	[dreg:$0x2] =	wrdreg s3  }
0xb0: {  	[dreg:$0x3] =	wrdreg s22  }
0xb1: {  	[dreg:$0x4] =	wrdreg $0x9  }
0xb2: {  	_ =	task.clear_ibuf [dreg:s20], $0x5FFFF;
	_ =	strace $0x90000046  }
0xb3: {  	s28 =	simm.s32 $0x9;
	_ =	strace $0x80000048  }
0xb4: {  	_ =	swait.ge [sflag:s28], $0x1  }
0xb5: {  	[sflag:s28] =	ssyncadd.s32 $0xFFFFFFFF  }
0xb6: {  	_ =	strace $0x90000048  }
0xb7: {  	s3 =	sld [smem:$0x0]  }
0xb8: {  	s6 =	sand.u32 $0xFFFFFFFE, s1  }
0xb9: {  	p0 =	sne.s32 s1, s6  }
0xba: {  	s6 =	sshll.u32 @p0 s6, $0xE  }
0xbb: {  	s6 =	sadd.s32 @p0 $0x11BF3, s6;
	s7 =	sshll.u32 @p0 s3, $0x11  }
0xbc: {  	s6 =	sor.u32 @p0 s7, s6  }
0xbd: {  	[sflag:s6] =	ssyncadd.remote.s32 @p0 $0x1;
	_ =	sdelay $0x1  }
0xbe: {  	s6 =	simm.s32 @p0 $0x1BF3  }
0xbf: {  	_ =	swait.eq @p0 [sflag:s6], $0x1  }
0xc0: {  	[sflag:s6] =	ssyncadd.s32 @p0 $0xFFFFFFFF  }
0xc1: {  	s7 =	sshll.u32 @!p0 s1, $0xE  }
0xc2: {  	s7 =	sor.u32 @!p0 $0x4000, s7;
	s6 =	simm.s32 @!p0 $0x1BF3  }
0xc3: {  	s3 =	sshll.u32 @!p0 s3, $0x11;
	s7 =	sadd.s32 @!p0 $0x11BF3, s7;
	_ =	swait.eq @!p0 [sflag:s6], $0x1  }
0xc4: {  	s3 =	sor.u32 @!p0 s3, s7;
	[sflag:s6] =	ssyncadd.s32 @!p0 $0xFFFFFFFF  }
0xc5: {  	[sflag:s3] =	ssyncadd.remote.s32 @!p0 $0x1  }
0xc6: {  	_ =	strace $0x80000049;
	[dreg:$0x1] =	wrdreg $0xFFFFFFFF  }
0xc7: {  	[dreg:$0x0] =	wrdreg $0x2030  }
0xc8: {  	[dreg:$0x2] =	wrdreg s22  }
0xc9: {  	[dreg:$0x3] =	wrdreg s1  }
0xca: {  	[dreg:$0x4] =	wrdreg s23  }
0xcb: {  	[dreg:$0x5] =	wrdreg $0xA  }
0xcc: {  	_ =	task.clear_ibuf [dreg:s20], $0x6FFFF;
	_ =	strace $0x90000049  }
0xcd: {  	s29 =	simm.s32 $0xA;
	_ =	strace $0x8000004B  }
0xce: {  	_ =	swait.ge [sflag:s29], $0x1  }
0xcf: {  	[sflag:s29] =	ssyncadd.s32 $0xFFFFFFFF  }
0xd0: {  	_ =	strace $0x9000004B  }
0xd1: {  	_ =	sfence  }
0xd2: {  	s30 =	sld [smem:$0x0];
	_ =	sdelay $0x2  }
0xd3: {  	s31 =	sshll.u32 s1, $0xD;
	s1 =	sshrl.u32 s1, $0x2  }
0xd4: {  	s4 =	sand.u32 $0x4000, s31;
	s1 =	sadd.s32 s1, s30  }
0xd5: {  	s0 =	sor.u32 s4, s0;
	s1 =	sshll.u32 s1, $0x11  }
0xd6: {  	s0 =	sor.u32 s1, s0  }
0xd7: {  	s0 =	sadd.s32 $0x8F2B, s0  }
0xd8: {  	[sflag:s0] =	ssyncadd.remote.s32 $0x1  }
0xd9: {  	_ =	sfence.sel $0xFFFF  }
0xda: {  	[dreg:$0x0] =	wrdreg $0xFFFFFFFF;
	(pc) =	sbr.abs _section_cstart, $3  }
0xdb: {  	[dreg:$0x1] =	wrdreg $0xFFFFFFFF  }
0xdc: {  	_ =	task.clear_ibuf [dreg:s20], $0x2FFFF;
	_ =	strace $0x9FFFFFFF  }
0xdd: {  	(tm) =	ssettm $0x7FFFFFFF  }
tec
execute0_lowered:
.L_overlay_start_1:
0x0: {  	(tag) =	ssettag $0x1  }
0x1: {  	s2 =	rddreg [dreg:$0x0]  }
0x2: {  	s3 =	rddreg [dreg:$0x1]  }
0x3: {  	s0 =	rddreg [dreg:$0x2];
	s4 =	stileid.u32;
	[bflag:$0x3] =	sbarrier.arrive $0xFFFF  }
0x4: {  	s1 =	simm.s32 $_size_execute1_lowered;
	s29 =	srdreg.scid;
	p0 =	sne.s32 s4, $0x0  }
0x5: {  	s1 =	sshll.u32 s1, $0x1;
	s5 =	simm.s32 @!p0 $0x1C3F;
	s6 =	simm.s32 @!p0 $0x4060  }
0x6: {  	[timem:s6], [sflag:s5] =	dma.local @!p0 [hbm:s2], s1  }
0x7: {  	s8 =	simm.s32 $0x2;
	s12 =	simm.s32 $0x0;
	s2 =	sshll.u32 s29, $0x6  }
0x8: {  	s9 =	simm.s32 $0x80;
	s4 =	sshll.u32 s4, $0x7;
	s2 =	sand.u32 $0x40, s2  }
0x9: {  	s10 =	simm.s32 $0x0;
	s11 =	simm.s32 $0x0;
	s2 =	sor.u32 s4, s2  }
0xa: {  	_ =	strace $0x80000047;
	s4 =	sshll.u32 s2, $0x4;
	s31 =	ssub.s32 $0x800, s2  }
.Ltmp0:
0xb: {  	s30 =	sadd.s32 s4, s3;
	s7 =	sand.u32 $0x7C0, s31;
	(pc) =	sbr.rel .LBB2_1-.Ltmp0, $4  }
0xc: {  	s3 =	sadd.s32 $0x26A00, s3;
	p1 =	sne.s32 s7, $0x0;
	s7 =	simm.s32 $0x1  }
0xd: {  	s4 =	simm.s32 $0x1;
	s5 =	sshrl.u32 s31, $0xB;
	s7 =	simm.s32 @!p1 $0x0  }
0xe: {  	[sflag:s4] =	ssyncpa.u1 $0x0;
	s6 =	sadd.s32 $0x1EA00, s30;
	s5 =	sadd.s32 s7, s5  }
0xf: {  	[sflag:s8] =	ssyncpa.u1 $0x0;
	s8 =	simm.s32 $0x20;
	s7 =	sadd.s32 $0x1, s5  }
.LBB2_4:
0x10: {  	_ =	sdelay $0x2  }
0x11: {  	s12 =	sshll.u32 s12, $0x4  }
0x12: {  	[tilespmem:v1+s13+$0x0 ss:$0x1] =	vst.idx.msk $0xffff, v2;
	s12 =	sand.u32 $0x7FF0, s12  }
0x13: {  	[tilespmem:v1+s13+$0xFFFFFFF0 ss:$0x1] =	vst.idx.msk $0xffff, v3;
	s12 =	sadd.s32 s3, s12  }
0x14: {  	[hbm4b:s12+s8] =	stream.strided.scatter [tilespmem:s14], [sflag:$0x2], $0x800, s9, s8, $0x38;
	[tilespmem:$0x2000] =	vst v63  }
.LBB2_5:
0x15: {  	p2 =	sne.s32 s11, s7  }
.Ltmp1:
0x16: {  	p1 =	slt.u32 s11, $0x2;
	(pc) =	sbr.rel @!p2 .LBB2_6-.Ltmp1, $4  }
0x17: {  	s12 =	simm.s32 @!p1 $0x2  }
0x18: {  	_ =	swait.ge @!p1 [sflag:s12], $0x800  }
0x19: {  	s13 =	sadd.s32 $0x1, s11;
	s10 =	sadd.s32 $0x800, s10;
	[sflag:s12] =	ssyncset.done @!p1 $0x0  }
0x1a: {  	s11 =	smov.u32 s13;
	[sflag:s12] =	ssyncadd.s32 @!p1 $0xFFFFF800;
	s12 =	smov.u32 s2  }
.LBB2_1:
0x1b: {  	p1 =	sge.u32 s11, s5  }
0x1c: {  	s13 =	sxor.u32 @!p1 $0xFFFFFFFF, s11  }
0x1d: {  	s31 =	sadd.s32 $0xFFFFFFFF, s11;
	s13 =	sshll.u32 @!p1 s13, $0xB  }
0x1e: {  	s14 =	simm.s32 @!p1 $0x20;
	s15 =	simm.s32 @!p1 $0x80;
	s13 =	sand.u32 @!p1 $0x800, s13  }
0x1f: {  	[tilespmem:s13], [sflag:$0x1] =	stream.strided.gather @!p1 [hbm4b:s6+s14], $0x800, s15, s14, $0x38;
	[tilespmem:$0x2000] =	vst v63  }
0x20: {  	p1 =	sge.u32 s31, s5  }
.Ltmp2:
0x21: {  	_ = 	snop;
	(pc) =	sbr.rel @p1 .LBB2_5-.Ltmp2, $1  }
0x22: {  	_ =	sdelay $0x3  }
0x23: {  	s14 =	sand.u32 $0x800, s10  }
0x24: {  	s13 =	sor.u32 $0x10, s14  }
0x25: {  	v0 =	vmov s13;
	_ =	sdelay $0x1  }
0x26: {  	_ =	swait.ge [sflag:s4], $0x800  }
0x27: {  	[sflag:s4] =	ssyncset.done $0x0  }
0x28: {  	s15 =	sshll.u32 s11, $0xB;
	[sflag:s4] =	ssyncadd.s32 $0xFFFFF800;
	s13 =	simm.s32 $0x0  }
0x29: {  	s16 =	sor.u32 $0x1010, s14;
	s31 =	sand.u32 $0x800, s15;
	v2 =	vld.idx.msk [tilespmem:v0+s13+$0x0 ss:$0x1], $0xffff  }
0x2a: {  	s15 =	simm.s32 $0x80;
	s14 =	sor.u32 $0x1000, s31;
	v1 =	vmov s16;
	v3 =	vld.idx.msk [tilespmem:v0+s13+$0xFFFFFFF0 ss:$0x1], $0xffff  }
.LBB2_3:
0x2b: {  	p1 =	sne.s32 s15, $0x1F80  }
.Ltmp3:
0x2c: {  	_ = 	snop;
	(pc) =	sbr.rel @p1 .LBB2_3-.Ltmp3, $4  }
0x2d: {  	_ = 	snop  }
0x2e: {  	s16 =	sshra.s32 s15, $0x2;
	s15 =	sadd.s32 $0x80, s15  }
0x2f: {  	[tilespmem:v1+s13+$0x0 ss:$0x1] =	vst.idx.msk $0xffff, v2;
	v2 =	vld.idx.msk [tilespmem:v0+s16+$0x0 ss:$0x1], $0xffff  }
0x30: {  	[tilespmem:v1+s13+$0xFFFFFFF0 ss:$0x1] =	vst.idx.msk $0xffff, v3;
	v3 =	vld.idx.msk [tilespmem:v0+s16+$0xFFFFFFF0 ss:$0x1], $0xffff;
	s13 =	smov.u32 s16  }
.Ltmp4:
0x31: {  	_ = 	snop;
	(pc) =	sbr.rel .LBB2_4-.Ltmp4, $1  }
0x32: {  	_ =	sdelay $0x3  }
.LBB2_6:
0x33: {  	_ =	sfence.sel $0x180000  }
0x34: {  	s2 =	simm.s32 $0x1;
	[bflag:$0x0] =	sbarrier.arrive $0xFFFF  }
0x35: {  	s31 =	simm.s32 $0x2;
	[sflag:s2] =	ssyncpa.u1 $0x1  }
0x36: {  	[sflag:s31] =	ssyncpa.u1 $0x1  }
0x37: {  	_ =	strace $0x90000047  }
0x38: {  	s0 =	sadd.s32 @!p0 $0x100000, s0;
	[bflag:$0x2] =	sbarrier.arrive $0xFFFF  }
0x39: {  	[sflag:s0] =	ssyncadd.tile.s32 @!p0 $0x1;
	s0 =	simm.s32 @!p0 $0x3F  }
0x3a: {  	_ =	swait.ge @!p0 [sflag:s0], s1  }
0x3b: {  	s1 =	ssub.s32 @!p0 $0x0, s1;
	[sflag:s0] =	ssyncset.done @!p0 $0x0  }
0x3c: {  	[sflag:s0] =	ssyncadd.s32 @!p0 s1  }
0x3d: {  	[bflag:$0x3] =	sbarrier.arrive $0xFFFF  }
0x3e: {  	_ =	shalt  }
.Lfunc_end2:
execute1_lowered:
.L_overlay_start_2:
0x3f: {  	(tag) =	ssettag $0x2  }
0x40: {  	s11 =	rddreg [dreg:$0x0]  }
0x41: {  	s2 =	rddreg [dreg:$0x1];
	_ =	strace $0x8000004A;
	s12 =	simm.s32 $0x1  }
0x42: {  	v0 =	vimm.s32 $0x0;
	[sflag:s12] =	ssyncpa.u1 $0x0  }
0x43: {  	[tilespmem:$0x28] =	vst v0  }
0x44: {  	[tilespmem:$0x38] =	vst v0  }
0x45: {  	[tilespmem:$0x48] =	vst v0  }
0x46: {  	[tilespmem:$0x58] =	vst v0  }
0x47: {  	[tilespmem:$0x68] =	vst v0  }
0x48: {  	[tilespmem:$0x78] =	vst v0  }
0x49: {  	[tilespmem:$0x88] =	vst v0  }
0x4a: {  	[tilespmem:$0x98] =	vst v0  }
0x4b: {  	[tilespmem:$0xA8] =	vst v0  }
0x4c: {  	[tilespmem:$0xB8] =	vst v0  }
0x4d: {  	[tilespmem:$0xC8] =	vst v0  }
0x4e: {  	[tilespmem:$0xD8] =	vst v0  }
0x4f: {  	[tilespmem:$0xE8] =	vst v0  }
0x50: {  	[tilespmem:$0xF8] =	vst v0  }
0x51: {  	[tilespmem:$0x108] =	vst v0  }
0x52: {  	[tilespmem:$0x118] =	vst v0  }
0x53: {  	[tilespmem:$0x128] =	vst v0  }
0x54: {  	[tilespmem:$0x138] =	vst v0  }
0x55: {  	[tilespmem:$0x148] =	vst v0  }
0x56: {  	[tilespmem:$0x158] =	vst v0  }
0x57: {  	[tilespmem:$0x168] =	vst v0  }
0x58: {  	[tilespmem:$0x178] =	vst v0  }
0x59: {  	[tilespmem:$0x188] =	vst v0  }
0x5a: {  	[tilespmem:$0x198] =	vst v0  }
0x5b: {  	[tilespmem:$0x1A8] =	vst v0  }
0x5c: {  	[tilespmem:$0x1B8] =	vst v0  }
0x5d: {  	[tilespmem:$0x1C8] =	vst v0  }
0x5e: {  	[tilespmem:$0x1D8] =	vst v0  }
0x5f: {  	[tilespmem:$0x1E8] =	vst v0  }
0x60: {  	[tilespmem:$0x1F8] =	vst v0  }
0x61: {  	[tilespmem:$0x208] =	vst v0  }
0x62: {  	[tilespmem:$0x218] =	vst v0  }
0x63: {  	[tilespmem:$0x228] =	vst v0  }
0x64: {  	[tilespmem:$0x238] =	vst v0  }
0x65: {  	[tilespmem:$0x248] =	vst v0  }
0x66: {  	[tilespmem:$0x258] =	vst v0  }
0x67: {  	[tilespmem:$0x268] =	vst v0  }
0x68: {  	[tilespmem:$0x278] =	vst v0  }
0x69: {  	[tilespmem:$0x288] =	vst v0  }
0x6a: {  	[tilespmem:$0x298] =	vst v0  }
0x6b: {  	[tilespmem:$0x2A8] =	vst v0  }
0x6c: {  	[tilespmem:$0x2B8] =	vst v0  }
0x6d: {  	[tilespmem:$0x2C8] =	vst v0  }
0x6e: {  	[tilespmem:$0x2D8] =	vst v0  }
0x6f: {  	[tilespmem:$0x2E8] =	vst v0  }
0x70: {  	[tilespmem:$0x2F8] =	vst v0  }
0x71: {  	[tilespmem:$0x308] =	vst v0  }
0x72: {  	[tilespmem:$0x318] =	vst v0  }
0x73: {  	[tilespmem:$0x328] =	vst v0  }
0x74: {  	[tilespmem:$0x338] =	vst v0  }
0x75: {  	[tilespmem:$0x348] =	vst v0  }
0x76: {  	[tilespmem:$0x358] =	vst v0  }
0x77: {  	[tilespmem:$0x368] =	vst v0  }
0x78: {  	[tilespmem:$0x378] =	vst v0  }
0x79: {  	[tilespmem:$0x388] =	vst v0  }
0x7a: {  	[tilespmem:$0x398] =	vst v0  }
0x7b: {  	[tilespmem:$0x3A8] =	vst v0  }
0x7c: {  	[tilespmem:$0x3B8] =	vst v0  }
0x7d: {  	[tilespmem:$0x3C8] =	vst v0  }
0x7e: {  	[tilespmem:$0x3D8] =	vst v0  }
0x7f: {  	[tilespmem:$0x3E8] =	vst v0  }
0x80: {  	[tilespmem:$0x3F8] =	vst v0  }
0x81: {  	[tilespmem:$0x408] =	vst v0  }
0x82: {  	[tilespmem:$0x418] =	vst v0  }
0x83: {  	[tilespmem:$0x428] =	vst v0  }
0x84: {  	[tilespmem:$0x438] =	vst v0  }
0x85: {  	[tilespmem:$0x448] =	vst v0  }
0x86: {  	[tilespmem:$0x458] =	vst v0  }
0x87: {  	[tilespmem:$0x468] =	vst v0  }
0x88: {  	[tilespmem:$0x478] =	vst v0  }
0x89: {  	[tilespmem:$0x488] =	vst v0  }
0x8a: {  	[tilespmem:$0x498] =	vst v0  }
0x8b: {  	[tilespmem:$0x4A8] =	vst v0  }
0x8c: {  	[tilespmem:$0x4B8] =	vst v0  }
0x8d: {  	[tilespmem:$0x4C8] =	vst v0  }
0x8e: {  	[tilespmem:$0x4D8] =	vst v0  }
0x8f: {  	[tilespmem:$0x4E8] =	vst v0  }
0x90: {  	[tilespmem:$0x4F8] =	vst v0  }
0x91: {  	[tilespmem:$0x508] =	vst v0  }
0x92: {  	[tilespmem:$0x518] =	vst v0  }
0x93: {  	[tilespmem:$0x528] =	vst v0  }
0x94: {  	[tilespmem:$0x538] =	vst v0  }
0x95: {  	[tilespmem:$0x548] =	vst v0  }
0x96: {  	[tilespmem:$0x558] =	vst v0  }
0x97: {  	[tilespmem:$0x568] =	vst v0  }
0x98: {  	[tilespmem:$0x578] =	vst v0  }
0x99: {  	[tilespmem:$0x588] =	vst v0  }
0x9a: {  	[tilespmem:$0x598] =	vst v0  }
0x9b: {  	[tilespmem:$0x5A8] =	vst v0  }
0x9c: {  	[tilespmem:$0x5B8] =	vst v0  }
0x9d: {  	[tilespmem:$0x5C8] =	vst v0  }
0x9e: {  	[tilespmem:$0x5D8] =	vst v0  }
0x9f: {  	[tilespmem:$0x5E8] =	vst v0  }
0xa0: {  	[tilespmem:$0x5F8] =	vst v0  }
0xa1: {  	[tilespmem:$0x608] =	vst v0  }
0xa2: {  	[tilespmem:$0x618] =	vst v0  }
0xa3: {  	[tilespmem:$0x628] =	vst v0  }
0xa4: {  	[tilespmem:$0x638] =	vst v0  }
0xa5: {  	[tilespmem:$0x648] =	vst v0  }
0xa6: {  	[tilespmem:$0x658] =	vst v0  }
0xa7: {  	[tilespmem:$0x668] =	vst v0  }
0xa8: {  	[tilespmem:$0x678] =	vst v0  }
0xa9: {  	[tilespmem:$0x688] =	vst v0  }
0xaa: {  	[tilespmem:$0x698] =	vst v0  }
0xab: {  	[tilespmem:$0x6A8] =	vst v0  }
0xac: {  	[tilespmem:$0x6B8] =	vst v0  }
0xad: {  	[tilespmem:$0x6C8] =	vst v0  }
0xae: {  	[tilespmem:$0x6D8] =	vst v0  }
0xaf: {  	[tilespmem:$0x6E8] =	vst v0  }
0xb0: {  	[tilespmem:$0x6F8] =	vst v0  }
0xb1: {  	[tilespmem:$0x708] =	vst v0  }
0xb2: {  	[tilespmem:$0x718] =	vst v0  }
0xb3: {  	[tilespmem:$0x728] =	vst v0  }
0xb4: {  	[tilespmem:$0x738] =	vst v0  }
0xb5: {  	[tilespmem:$0x748] =	vst v0  }
0xb6: {  	[tilespmem:$0x758] =	vst v0  }
0xb7: {  	[tilespmem:$0x768] =	vst v0  }
0xb8: {  	[tilespmem:$0x778] =	vst v0  }
0xb9: {  	[tilespmem:$0x788] =	vst v0  }
0xba: {  	[tilespmem:$0x798] =	vst v0  }
0xbb: {  	[tilespmem:$0x7A8] =	vst v0  }
0xbc: {  	[tilespmem:$0x7B8] =	vst v0  }
0xbd: {  	[tilespmem:$0x7C8] =	vst v0  }
0xbe: {  	[tilespmem:$0x7D8] =	vst v0  }
0xbf: {  	[tilespmem:$0x7E8] =	vst v0  }
0xc0: {  	[tilespmem:$0x7F8] =	vst v0  }
0xc1: {  	[tilespmem:$0x808] =	vst v0  }
0xc2: {  	[tilespmem:$0x818] =	vst v0  }
0xc3: {  	[tilespmem:$0x828] =	vst v0  }
0xc4: {  	[tilespmem:$0x838] =	vst v0  }
0xc5: {  	[tilespmem:$0x848] =	vst v0  }
0xc6: {  	[tilespmem:$0x858] =	vst v0  }
0xc7: {  	[tilespmem:$0x868] =	vst v0  }
0xc8: {  	[tilespmem:$0x878] =	vst v0  }
0xc9: {  	[tilespmem:$0x888] =	vst v0  }
0xca: {  	[tilespmem:$0x898] =	vst v0  }
0xcb: {  	[tilespmem:$0x8A8] =	vst v0  }
0xcc: {  	[tilespmem:$0x8B8] =	vst v0  }
0xcd: {  	[tilespmem:$0x8C8] =	vst v0  }
0xce: {  	[tilespmem:$0x8D8] =	vst v0  }
0xcf: {  	[tilespmem:$0x8E8] =	vst v0  }
0xd0: {  	[tilespmem:$0x8F8] =	vst v0  }
0xd1: {  	[tilespmem:$0x908] =	vst v0  }
0xd2: {  	[tilespmem:$0x918] =	vst v0  }
0xd3: {  	[tilespmem:$0x928] =	vst v0  }
0xd4: {  	[tilespmem:$0x938] =	vst v0  }
0xd5: {  	[tilespmem:$0x948] =	vst v0  }
0xd6: {  	[tilespmem:$0x958] =	vst v0  }
0xd7: {  	[tilespmem:$0x968] =	vst v0  }
0xd8: {  	[tilespmem:$0x978] =	vst v0  }
0xd9: {  	[tilespmem:$0x988] =	vst v0  }
0xda: {  	[tilespmem:$0x998] =	vst v0  }
0xdb: {  	[tilespmem:$0x9A8] =	vst v0  }
0xdc: {  	[tilespmem:$0x9B8] =	vst v0  }
0xdd: {  	[tilespmem:$0x9C8] =	vst v0  }
0xde: {  	[tilespmem:$0x9D8] =	vst v0  }
0xdf: {  	[tilespmem:$0x9E8] =	vst v0  }
0xe0: {  	[tilespmem:$0x9F8] =	vst v0  }
0xe1: {  	[tilespmem:$0xA08] =	vst v0  }
0xe2: {  	[tilespmem:$0xA18] =	vst v0  }
0xe3: {  	[tilespmem:$0xA28] =	vst v0  }
0xe4: {  	[tilespmem:$0xA38] =	vst v0  }
0xe5: {  	[tilespmem:$0xA48] =	vst v0  }
0xe6: {  	[tilespmem:$0xA58] =	vst v0  }
0xe7: {  	[tilespmem:$0xA68] =	vst v0  }
0xe8: {  	[tilespmem:$0xA78] =	vst v0  }
0xe9: {  	[tilespmem:$0xA88] =	vst v0  }
0xea: {  	[tilespmem:$0xA98] =	vst v0  }
0xeb: {  	[tilespmem:$0xAA8] =	vst v0  }
0xec: {  	[tilespmem:$0xAB8] =	vst v0  }
0xed: {  	[tilespmem:$0xAC8] =	vst v0  }
0xee: {  	[tilespmem:$0xAD8] =	vst v0  }
0xef: {  	[tilespmem:$0xAE8] =	vst v0  }
0xf0: {  	[tilespmem:$0xAF8] =	vst v0  }
0xf1: {  	[tilespmem:$0xB08] =	vst v0  }
0xf2: {  	[tilespmem:$0xB18] =	vst v0  }
0xf3: {  	[tilespmem:$0xB28] =	vst v0  }
0xf4: {  	[tilespmem:$0xB38] =	vst v0  }
0xf5: {  	[tilespmem:$0xB48] =	vst v0  }
0xf6: {  	[tilespmem:$0xB58] =	vst v0  }
0xf7: {  	[tilespmem:$0xB68] =	vst v0  }
0xf8: {  	[tilespmem:$0xB78] =	vst v0  }
0xf9: {  	[tilespmem:$0xB88] =	vst v0  }
0xfa: {  	[tilespmem:$0xB98] =	vst v0  }
0xfb: {  	[tilespmem:$0xBA8] =	vst v0  }
0xfc: {  	[tilespmem:$0xBB8] =	vst v0  }
0xfd: {  	[tilespmem:$0xBC8] =	vst v0  }
0xfe: {  	[tilespmem:$0xBD8] =	vst v0  }
0xff: {  	[tilespmem:$0xBE8] =	vst v0  }
0x100: {  	[tilespmem:$0xBF8] =	vst v0  }
0x101: {  	[tilespmem:$0xC08] =	vst v0  }
0x102: {  	[tilespmem:$0xC18] =	vst v0  }
0x103: {  	[tilespmem:$0xC28] =	vst v0  }
0x104: {  	[tilespmem:$0xC38] =	vst v0  }
0x105: {  	[tilespmem:$0xC48] =	vst v0  }
0x106: {  	[tilespmem:$0xC58] =	vst v0  }
0x107: {  	[tilespmem:$0xC68] =	vst v0  }
0x108: {  	[tilespmem:$0xC78] =	vst v0  }
0x109: {  	[tilespmem:$0xC88] =	vst v0  }
0x10a: {  	[tilespmem:$0xC98] =	vst v0  }
0x10b: {  	[tilespmem:$0xCA8] =	vst v0  }
0x10c: {  	[tilespmem:$0xCB8] =	vst v0  }
0x10d: {  	[tilespmem:$0xCC8] =	vst v0  }
0x10e: {  	[tilespmem:$0xCD8] =	vst v0  }
0x10f: {  	[tilespmem:$0xCE8] =	vst v0  }
0x110: {  	[tilespmem:$0xCF8] =	vst v0  }
0x111: {  	[tilespmem:$0xD08] =	vst v0  }
0x112: {  	[tilespmem:$0xD18] =	vst v0  }
0x113: {  	[tilespmem:$0xD28] =	vst v0  }
0x114: {  	[tilespmem:$0xD38] =	vst v0  }
0x115: {  	[tilespmem:$0xD48] =	vst v0  }
0x116: {  	[tilespmem:$0xD58] =	vst v0  }
0x117: {  	[tilespmem:$0xD68] =	vst v0  }
0x118: {  	[tilespmem:$0xD78] =	vst v0  }
0x119: {  	[tilespmem:$0xD88] =	vst v0  }
0x11a: {  	[tilespmem:$0xD98] =	vst v0  }
0x11b: {  	[tilespmem:$0xDA8] =	vst v0  }
0x11c: {  	[tilespmem:$0xDB8] =	vst v0  }
0x11d: {  	[tilespmem:$0xDC8] =	vst v0  }
0x11e: {  	[tilespmem:$0xDD8] =	vst v0  }
0x11f: {  	[tilespmem:$0xDE8] =	vst v0  }
0x120: {  	[tilespmem:$0xDF8] =	vst v0  }
0x121: {  	[tilespmem:$0xE08] =	vst v0  }
0x122: {  	[tilespmem:$0xE18] =	vst v0  }
0x123: {  	[tilespmem:$0xE28] =	vst v0  }
0x124: {  	[tilespmem:$0xE38] =	vst v0  }
0x125: {  	[tilespmem:$0xE48] =	vst v0  }
0x126: {  	[tilespmem:$0xE58] =	vst v0  }
0x127: {  	[tilespmem:$0xE68] =	vst v0  }
0x128: {  	[tilespmem:$0xE78] =	vst v0  }
0x129: {  	[tilespmem:$0xE88] =	vst v0  }
0x12a: {  	[tilespmem:$0xE98] =	vst v0  }
0x12b: {  	[tilespmem:$0xEA8] =	vst v0  }
0x12c: {  	[tilespmem:$0xEB8] =	vst v0  }
0x12d: {  	[tilespmem:$0xEC8] =	vst v0  }
0x12e: {  	[tilespmem:$0xED8] =	vst v0  }
0x12f: {  	[tilespmem:$0xEE8] =	vst v0  }
0x130: {  	[tilespmem:$0xEF8] =	vst v0  }
0x131: {  	[tilespmem:$0xF08] =	vst v0  }
0x132: {  	[tilespmem:$0xF18] =	vst v0  }
0x133: {  	[tilespmem:$0xF28] =	vst v0  }
0x134: {  	[tilespmem:$0xF38] =	vst v0  }
0x135: {  	[tilespmem:$0xF48] =	vst v0  }
0x136: {  	[tilespmem:$0xF58] =	vst v0  }
0x137: {  	[tilespmem:$0xF68] =	vst v0  }
0x138: {  	[tilespmem:$0xF78] =	vst v0  }
0x139: {  	[tilespmem:$0xF88] =	vst v0  }
0x13a: {  	[tilespmem:$0xF98] =	vst v0  }
0x13b: {  	[tilespmem:$0xFA8] =	vst v0  }
0x13c: {  	[tilespmem:$0xFB8] =	vst v0  }
0x13d: {  	[tilespmem:$0xFC8] =	vst v0  }
0x13e: {  	[tilespmem:$0xFD8] =	vst v0  }
0x13f: {  	[tilespmem:$0xFE8] =	vst v0  }
0x140: {  	[tilespmem:$0xFF8] =	vst v0  }
0x141: {  	[tilespmem:$0x1018] =	vst v0  }
0x142: {  	[tilespmem:$0x10D8] =	vst v0  }
0x143: {  	[tilespmem:$0x1B28] =	vst v0  }
0x144: {  	[tilespmem:$0x1B18] =	vst v0  }
0x145: {  	[tilespmem:$0x1B08] =	vst v0  }
0x146: {  	[tilespmem:$0x1AF8] =	vst v0  }
0x147: {  	[tilespmem:$0x1AE8] =	vst v0  }
0x148: {  	[tilespmem:$0x1AD8] =	vst v0  }
0x149: {  	[tilespmem:$0x1AC8] =	vst v0  }
0x14a: {  	[tilespmem:$0x1AB8] =	vst v0  }
0x14b: {  	[tilespmem:$0x1AA8] =	vst v0  }
0x14c: {  	[tilespmem:$0x1A98] =	vst v0  }
0x14d: {  	[tilespmem:$0x1A88] =	vst v0  }
0x14e: {  	[tilespmem:$0x1A78] =	vst v0  }
0x14f: {  	[tilespmem:$0x1A68] =	vst v0  }
0x150: {  	[tilespmem:$0x1A58] =	vst v0  }
0x151: {  	[tilespmem:$0x1A48] =	vst v0  }
0x152: {  	[tilespmem:$0x1A38] =	vst v0  }
0x153: {  	[tilespmem:$0x1A28] =	vst v0  }
0x154: {  	[tilespmem:$0x1A18] =	vst v0  }
0x155: {  	[tilespmem:$0x1A08] =	vst v0  }
0x156: {  	[tilespmem:$0x19F8] =	vst v0  }
0x157: {  	[tilespmem:$0x19E8] =	vst v0  }
0x158: {  	[tilespmem:$0x19D8] =	vst v0  }
0x159: {  	[tilespmem:$0x19C8] =	vst v0  }
0x15a: {  	[tilespmem:$0x19B8] =	vst v0  }
0x15b: {  	[tilespmem:$0x19A8] =	vst v0  }
0x15c: {  	[tilespmem:$0x1998] =	vst v0  }
0x15d: {  	[tilespmem:$0x1988] =	vst v0  }
0x15e: {  	[tilespmem:$0x1978] =	vst v0  }
0x15f: {  	[tilespmem:$0x1968] =	vst v0  }
0x160: {  	[tilespmem:$0x1958] =	vst v0  }
0x161: {  	[tilespmem:$0x1948] =	vst v0  }
0x162: {  	[tilespmem:$0x1938] =	vst v0  }
0x163: {  	[tilespmem:$0x1928] =	vst v0  }
0x164: {  	[tilespmem:$0x1918] =	vst v0  }
0x165: {  	[tilespmem:$0x1908] =	vst v0  }
0x166: {  	[tilespmem:$0x18F8] =	vst v0  }
0x167: {  	[tilespmem:$0x18E8] =	vst v0  }
0x168: {  	[tilespmem:$0x18D8] =	vst v0  }
0x169: {  	[tilespmem:$0x18C8] =	vst v0  }
0x16a: {  	[tilespmem:$0x18B8] =	vst v0  }
0x16b: {  	[tilespmem:$0x18A8] =	vst v0  }
0x16c: {  	[tilespmem:$0x1898] =	vst v0  }
0x16d: {  	[tilespmem:$0x1888] =	vst v0  }
0x16e: {  	[tilespmem:$0x1878] =	vst v0  }
0x16f: {  	[tilespmem:$0x1868] =	vst v0  }
0x170: {  	[tilespmem:$0x1858] =	vst v0  }
0x171: {  	[tilespmem:$0x1848] =	vst v0  }
0x172: {  	[tilespmem:$0x1838] =	vst v0  }
0x173: {  	[tilespmem:$0x1828] =	vst v0  }
0x174: {  	[tilespmem:$0x1818] =	vst v0  }
0x175: {  	[tilespmem:$0x1808] =	vst v0  }
0x176: {  	[tilespmem:$0x17F8] =	vst v0  }
0x177: {  	[tilespmem:$0x17E8] =	vst v0  }
0x178: {  	[tilespmem:$0x17D8] =	vst v0  }
0x179: {  	[tilespmem:$0x17C8] =	vst v0  }
0x17a: {  	[tilespmem:$0x17B8] =	vst v0  }
0x17b: {  	[tilespmem:$0x17A8] =	vst v0  }
0x17c: {  	[tilespmem:$0x1798] =	vst v0  }
0x17d: {  	[tilespmem:$0x1788] =	vst v0  }
0x17e: {  	[tilespmem:$0x1778] =	vst v0  }
0x17f: {  	[tilespmem:$0x1768] =	vst v0  }
0x180: {  	[tilespmem:$0x1758] =	vst v0  }
0x181: {  	[tilespmem:$0x1748] =	vst v0  }
0x182: {  	[tilespmem:$0x1738] =	vst v0  }
0x183: {  	[tilespmem:$0x1728] =	vst v0  }
0x184: {  	[tilespmem:$0x1718] =	vst v0  }
0x185: {  	[tilespmem:$0x1708] =	vst v0  }
0x186: {  	[tilespmem:$0x16F8] =	vst v0  }
0x187: {  	[tilespmem:$0x16E8] =	vst v0  }
0x188: {  	[tilespmem:$0x16D8] =	vst v0  }
0x189: {  	[tilespmem:$0x16C8] =	vst v0  }
0x18a: {  	[tilespmem:$0x16B8] =	vst v0  }
0x18b: {  	[tilespmem:$0x16A8] =	vst v0  }
0x18c: {  	[tilespmem:$0x1698] =	vst v0  }
0x18d: {  	[tilespmem:$0x1688] =	vst v0  }
0x18e: {  	[tilespmem:$0x1678] =	vst v0  }
0x18f: {  	[tilespmem:$0x1668] =	vst v0  }
0x190: {  	[tilespmem:$0x1658] =	vst v0  }
0x191: {  	[tilespmem:$0x1648] =	vst v0  }
0x192: {  	[tilespmem:$0x1638] =	vst v0  }
0x193: {  	[tilespmem:$0x1628] =	vst v0  }
0x194: {  	[tilespmem:$0x1618] =	vst v0  }
0x195: {  	[tilespmem:$0x1608] =	vst v0  }
0x196: {  	[tilespmem:$0x15F8] =	vst v0  }
0x197: {  	[tilespmem:$0x15E8] =	vst v0  }
0x198: {  	[tilespmem:$0x15D8] =	vst v0  }
0x199: {  	[tilespmem:$0x15C8] =	vst v0  }
0x19a: {  	[tilespmem:$0x15B8] =	vst v0  }
0x19b: {  	[tilespmem:$0x15A8] =	vst v0  }
0x19c: {  	[tilespmem:$0x1598] =	vst v0  }
0x19d: {  	[tilespmem:$0x1588] =	vst v0  }
0x19e: {  	[tilespmem:$0x1578] =	vst v0  }
0x19f: {  	[tilespmem:$0x1568] =	vst v0  }
0x1a0: {  	[tilespmem:$0x1558] =	vst v0  }
0x1a1: {  	[tilespmem:$0x1548] =	vst v0  }
0x1a2: {  	[tilespmem:$0x1538] =	vst v0  }
0x1a3: {  	[tilespmem:$0x1528] =	vst v0  }
0x1a4: {  	[tilespmem:$0x1518] =	vst v0  }
0x1a5: {  	[tilespmem:$0x1508] =	vst v0  }
0x1a6: {  	[tilespmem:$0x14F8] =	vst v0  }
0x1a7: {  	[tilespmem:$0x14E8] =	vst v0  }
0x1a8: {  	[tilespmem:$0x14D8] =	vst v0  }
0x1a9: {  	[tilespmem:$0x14C8] =	vst v0  }
0x1aa: {  	[tilespmem:$0x14B8] =	vst v0  }
0x1ab: {  	[tilespmem:$0x14A8] =	vst v0  }
0x1ac: {  	[tilespmem:$0x1498] =	vst v0  }
0x1ad: {  	[tilespmem:$0x1488] =	vst v0  }
0x1ae: {  	[tilespmem:$0x1478] =	vst v0  }
0x1af: {  	[tilespmem:$0x1468] =	vst v0  }
0x1b0: {  	[tilespmem:$0x1458] =	vst v0  }
0x1b1: {  	[tilespmem:$0x1448] =	vst v0  }
0x1b2: {  	[tilespmem:$0x1438] =	vst v0  }
0x1b3: {  	[tilespmem:$0x1428] =	vst v0  }
0x1b4: {  	[tilespmem:$0x1418] =	vst v0  }
0x1b5: {  	[tilespmem:$0x1408] =	vst v0  }
0x1b6: {  	[tilespmem:$0x13F8] =	vst v0  }
0x1b7: {  	[tilespmem:$0x13E8] =	vst v0  }
0x1b8: {  	[tilespmem:$0x13D8] =	vst v0  }
0x1b9: {  	[tilespmem:$0x13C8] =	vst v0  }
0x1ba: {  	[tilespmem:$0x13B8] =	vst v0  }
0x1bb: {  	[tilespmem:$0x13A8] =	vst v0  }
0x1bc: {  	[tilespmem:$0x1398] =	vst v0  }
0x1bd: {  	[tilespmem:$0x1388] =	vst v0  }
0x1be: {  	[tilespmem:$0x1378] =	vst v0  }
0x1bf: {  	[tilespmem:$0x1368] =	vst v0  }
0x1c0: {  	[tilespmem:$0x1358] =	vst v0  }
0x1c1: {  	[tilespmem:$0x1348] =	vst v0  }
0x1c2: {  	[tilespmem:$0x1338] =	vst v0  }
0x1c3: {  	[tilespmem:$0x1328] =	vst v0  }
0x1c4: {  	[tilespmem:$0x1318] =	vst v0  }
0x1c5: {  	[tilespmem:$0x1308] =	vst v0  }
0x1c6: {  	[tilespmem:$0x12F8] =	vst v0  }
0x1c7: {  	[tilespmem:$0x12E8] =	vst v0  }
0x1c8: {  	[tilespmem:$0x12D8] =	vst v0  }
0x1c9: {  	[tilespmem:$0x12C8] =	vst v0  }
0x1ca: {  	[tilespmem:$0x12B8] =	vst v0  }
0x1cb: {  	[tilespmem:$0x12A8] =	vst v0  }
0x1cc: {  	[tilespmem:$0x1298] =	vst v0  }
0x1cd: {  	[tilespmem:$0x1288] =	vst v0  }
0x1ce: {  	[tilespmem:$0x1278] =	vst v0  }
0x1cf: {  	[tilespmem:$0x1268] =	vst v0  }
0x1d0: {  	[tilespmem:$0x1258] =	vst v0  }
0x1d1: {  	[tilespmem:$0x1248] =	vst v0  }
0x1d2: {  	[tilespmem:$0x1238] =	vst v0  }
0x1d3: {  	[tilespmem:$0x1228] =	vst v0  }
0x1d4: {  	[tilespmem:$0x1218] =	vst v0  }
0x1d5: {  	[tilespmem:$0x1208] =	vst v0  }
0x1d6: {  	[tilespmem:$0x11F8] =	vst v0  }
0x1d7: {  	[tilespmem:$0x11E8] =	vst v0  }
0x1d8: {  	[tilespmem:$0x11D8] =	vst v0  }
0x1d9: {  	[tilespmem:$0x11C8] =	vst v0  }
0x1da: {  	[tilespmem:$0x11B8] =	vst v0  }
0x1db: {  	[tilespmem:$0x11A8] =	vst v0  }
0x1dc: {  	[tilespmem:$0x1198] =	vst v0  }
0x1dd: {  	[tilespmem:$0x1188] =	vst v0  }
0x1de: {  	[tilespmem:$0x1178] =	vst v0  }
0x1df: {  	[tilespmem:$0x1168] =	vst v0  }
0x1e0: {  	[tilespmem:$0x1158] =	vst v0  }
0x1e1: {  	[tilespmem:$0x1148] =	vst v0  }
0x1e2: {  	[tilespmem:$0x1138] =	vst v0  }
0x1e3: {  	[tilespmem:$0x1128] =	vst v0  }
0x1e4: {  	[tilespmem:$0x1118] =	vst v0  }
0x1e5: {  	s4 =	stileid.u32;
	[tilespmem:$0x1108] =	vst v0  }
0x1e6: {  	s0 =	sshll.u32 s4, $0x2;
	s1 =	smin.u32 s4, $0xC;
	[tilespmem:$0x10F8] =	vst v0  }
0x1e7: {  	[tilespmem:$0x10E8] =	vst v0;
	s0 =	sadd.s32 s1, s0  }
0x1e8: {  	p0 =	slt.u32 s4, $0xC;
	[tilespmem:$0x10C8] =	vst v0;
	s1 =	simm.s32 $0x870;
	s6 =	smul.u32 $0x1B0, s0  }
0x1e9: {  	s1 =	simm.s32 @!p0 $0x6C0;
	[tilespmem:$0x1038] =	vst v0  }
0x1ea: {  	[tilespmem:$0x10B8] =	vst v0;
	s0 =	sadd.s32 s1, s6  }
0x1eb: {  	[tilespmem:$0x10A8] =	vst v0;
	s7 =	smin.u32 s0, $0x8000  }
0x1ec: {  	[tilespmem:$0x1098] =	vst v0;
	s0 =	ssub.s32 s7, s6  }
0x1ed: {  	s3 =	simm.s32 $0x2;
	s8 =	simm.s32 $0x9;
	[tilespmem:$0x1088] =	vst v0;
	p0 =	sgt.s32 s0, $0x0  }
0x1ee: {  	s10 =	simm.s32 $0xA;
	s30 =	simm.s32 $0xB;
	[tilespmem:$0x1078] =	vst v0;
	s0 =	simm.s32 @!p0 $0x0  }
0x1ef: {  	s16 =	simm.s32 $0x0;
	p4 =	por $0x0, $0x0;
	[tilespmem:$0x1068] =	vst v0;
	s29 =	sand.u32 $0xFFF0, s0  }
0x1f0: {  	s17 =	simm.s32 $0xC;
	s21 =	simm.s32 $0x0;
	[tilespmem:$0x1058] =	vst v0;
	s1 =	sshrl.u32 s29, $0x4  }
0x1f1: {  	s18 =	simm.s32 $0x0;
	s2 =	sand.u32 $0x1, s2;
	[tilespmem:$0x1048] =	vst v0;
	s1 =	smul.u32 $0x12F7, s1  }
0x1f2: {  	s20 =	simm.s32 $0x0;
	s31 =	sshll.u32 s4, $0x5;
	[dreg:$0x5] =	wrdreg s2;
	[tilespmem:$0x1028] =	vst v0  }
0x1f3: {  	[tilespmem:$0x1008] =	vst v0;
	s2 =	sshll.u32 s2, $0xC;
	[sflag:s3] =	ssyncpa.u1 $0x0;
	s1 =	sshrl.u32 s1, $0x11  }
0x1f4: {  	v0 =	vimm.s32 $0xFFFFFFFF;
	s3 =	sadd.s32 $0x26A00, s11;
	[dreg:$0x4] =	wrdreg s31;
	s5 =	smul.u32 $0x1B0, s1  }
.Ltmp5:
0x1f5: {  	s2 =	sadd.s32 s2, s11;
	[tilespmem:$0x3648] =	vst v0;
	[sflag:s8] =	ssyncpa.u1 $0x0;
	(pc) =	sbr.rel .LBB3_1-.Ltmp5, $4  }
0x1f6: {  	s11 =	sadd.s32 $0x11EA00, s11;
	[sflag:s10] =	ssyncpa.u1 $0x0;
	p0 =	sne.s32 s0, s5  }
0x1f7: {  	s14 =	sadd.s32 $0x1CA00, s2;
	s15 =	sadd.s32 $0x1AA00, s2;
	s12 =	simm.s32 @!p0 $0x0  }
0x1f8: {  	[sflag:s30] =	ssyncpa.u1 $0x0;
	s19 =	smov.u32 s6;
	s12 =	sadd.s32 s1, s12  }
0x1f9: {  	v0 =	vlaneseq.u32;
	[dreg:$0x6] =	wrdreg s6;
	p0 =	por $0x1, $0x1;
	s4 =	sadd.s32 $0x1, s12  }
.LBB3_18:
0x1fa: {  	s0 =	simm.s32 $0x2  }
0x1fb: {  	_ =	swait.ge [sflag:s0], $0x0  }
0x1fc: {  	[sflag:s0] =	ssyncset.done $0x0;
	s0 =	simm.s32 $0x0  }
.LBB3_19:
0x1fd: {  	_ =	swait.ge [sflag:s17], s0  }
0x1fe: {  	s31 =	ssub.s32 $0x0, s0;
	v1 =	vmov s23;
	vm0 =	veq.s32 v0, $0x0;
	[sflag:s17] =	ssyncset.done $0x0  }
0x1ff: {  	vm15 =	veq.s32 v0, $0x2;
	v1 =	vsel vm0, s28, v1;
	[sflag:s17] =	ssyncadd.s32 s31  }
0x200: {  	v1 =	vsel vm15, s21, v1;
	[sflag:s17] =	ssyncpa.u1 $0x1  }
0x201: {  	[tilespmem:$0x3648] =	vst v1  }
.LBB3_20:
0x202: {  	s0 =	sadd.s32 $0x1B0, s19  }
0x203: {  	s1 =	smov.u32 s6;
	p1 =	slt.s32 s0, s7  }
0x204: {  	s1 =	smov.u32 @p1 s0;
	p1 =	sne.s32 s20, s4  }
.Ltmp6:
0x205: {  	_ = 	snop;
	(pc) =	sbr.rel @!p1 .LBB3_21-.Ltmp6, $4  }
0x206: {  	_ = 	snop  }
0x207: {  	s21 =	smov.u32 s18  }
0x208: {  	s31 =	sadd.s32 $0x1, s20;
	s18 =	smov.u32 s19;
	p0 =	por !p0, !p0  }
0x209: {  	p4 =	por !p4, !p4;
	s20 =	smov.u32 s31;
	s19 =	smov.u32 s1  }
.LBB3_1:
0x20a: {  	p2 =	sge.u32 s20, s12  }
0x20b: {  	s0 =	smulhi.u32 @!p2 $0xAAAAAAAB, s20  }
0x20c: {  	s1 =	smov.u32 s19;
	p3 =	sgt.s32 @!p2 s19, $0x7E50  }
0x20d: {  	s2 =	sshra.s32 @!p2 s19, $0x1F;
	p3 =	por !p3, p2;
	s0 =	sshrl.u32 @!p2 s0, $0x1  }
0x20e: {  	s2 =	sand.u32 @!p2 s2, s19;
	s1 =	simm.s32 @p3 $0x7E50;
	s0 =	smul.u32 @!p2 $0x3, s0  }
0x20f: {  	s1 =	ssub.s32 @!p2 s1, s2  }
0x210: {  	s23 =	sadd.s32 $0xFFFFFFFF, s20;
	s1 =	sadd.s32 @!p2 $0xFFFF81B0, s1;
	s0 =	ssub.s32 @!p2 s20, s0  }
0x211: {  	s2 =	sshll.u32 @!p2 s1, $0x2;
	p3 =	sgt.s32 @!p2 s1, $0x1AF;
	s0 =	smul.u32 @!p2 $0x6C0, s0  }
0x212: {  	s5 =	sand.u32 @!p2 $0x7, s19;
	s1 =	ssub.s32 @!p2 $0x6C0, s2;
	p3 =	por !p3, p2  }
0x213: {  	s2 =	sshrl.u32 @!p2 s19, $0x3;
	s1 =	sshrl.u32 @!p2 s1, $0x2;
	s0 =	sshrl.u32 @!p2 s0, $0x2  }
0x214: {  	s2 =	sadd.s32 @!p2 s2, s14;
	s1 =	simm.s32 @!p3 $0x0;
	s0 =	sadd.s32 @!p2 $0x3888, s0  }
0x215: {  	[tilespmem:s0], [sflag:$0xA] =	stream.linear.gather @!p2 [hbm4b:s2+s5], s1, $0x38;
	[tilespmem:$0x1F0F8] =	vst v63  }
0x216: {  	p2 =	sge.u32 s23, s12  }
0x217: {  	p3 =	sgt.s32 @!p2 s18, $0x7E50  }
0x218: {  	s0 =	smov.u32 s18;
	s1 =	sshra.s32 @!p2 s18, $0x1F;
	p3 =	por !p3, p2  }
0x219: {  	s1 =	sand.u32 @!p2 s1, s18;
	s0 =	simm.s32 @p3 $0x7E50  }
0x21a: {  	s0 =	ssub.s32 @!p2 s0, s1  }
0x21b: {  	s0 =	sadd.s32 @!p2 $0xFFFF81B0, s0  }
0x21c: {  	s1 =	sshll.u32 @!p2 s0, $0x2  }
0x21d: {  	p3 =	sgt.s32 @!p2 s0, $0x1AF;
	s0 =	ssub.s32 @!p2 $0x6C0, s1  }
0x21e: {  	s22 =	ssub.s32 @!p2 $0x8000, s18;
	p3 =	por !p3, p2;
	s0 =	sshrl.u32 @!p2 s0, $0x2  }
0x21f: {  	s1 =	sand.u32 @!p2 $0x1, s23;
	s0 =	simm.s32 @!p3 $0x0;
	p3 =	slt.s32 @!p2 s22, $0x1  }
0x220: {  	s2 =	simm.s32 @!p2 $0xA;
	s1 =	smul.u32 @!p2 $0x6C0, s1;
	p3 =	por p2, p3  }
.Ltmp7:
0x221: {  	_ =	swait.ge @!p2 [sflag:s2], s0;
	(pc) =	sbr.rel @p3 .LBB3_7-.Ltmp7, $4  }
0x222: {  	s5 =	ssub.s32 @!p2 $0x0, s0;
	[sflag:s2] =	ssyncset.done @!p2 $0x0  }
0x223: {  	s1 =	sshrl.u32 @!p2 s1, $0x2;
	[sflag:s2] =	ssyncadd.s32 @!p2 s5;
	s2 =	sshrl.u32 @!p2 s18, $0x3  }
0x224: {  	s1 =	sadd.s32 @!p2 $0x3D98, s1;
	s5 =	sand.u32 @!p2 $0x7, s18;
	s2 =	sadd.s32 @!p2 s2, s15  }
0x225: {  	[tilespmem:s1], [sflag:$0xB] =	stream.linear.gather @!p2 [hbm4b:s2+s5], s0, $0x38;
	[tilespmem:$0x1F0F8] =	vst v63  }
0x226: {  	s0 =	smulhi.u32 $0xAAAAAAAB, s23;
	_ =	sdelay $0x1  }
0x227: {  	s0 =	sshrl.u32 s0, $0x1  }
0x228: {  	s0 =	smul.u32 $0x3, s0;
	_ =	sdelay $0x1  }
0x229: {  	s0 =	ssub.s32 s23, s0  }
0x22a: {  	s1 =	simm.s32 $0x1;
	s0 =	smul.u32 $0x6C0, s0  }
.Ltmp8:
0x22b: {  	s1 =	simm.s32 @!p0 $0x0;
	(pc) =	sbr.rel .LBB3_4-.Ltmp8, $4  }
0x22c: {  	s1 =	smul.u32 $0x36000, s1  }
0x22d: {  	p3 =	slt.s32 @!p2 s22, $0x1B0;
	s0 =	sshrl.u32 s0, $0x2  }
0x22e: {  	p2 =	por !p3, p2;
	s1 =	sshrl.u32 s1, $0x2;
	s0 =	sadd.s32 $0x3888, s0  }
0x22f: {  	s24 =	simm.s32 $0x0;
	s22 =	simm.s32 @p2 $0x1B0;
	s23 =	sadd.s32 $0x40F8, s1;
	v1 =	vmov s0  }
.LBB3_3:
0x230: {  	p2 =	sge.s32 s24, s22  }
.Ltmp9:
0x231: {  	_ = 	snop;
	(pc) =	sbr.rel @p2 .LBB3_7-.Ltmp9, $2  }
0x232: {  	_ =	sdelay $0x2  }
0x233: {  	s23 =	sadd.s32 $0x800, s23  }
.LBB3_4:
0x234: {  	p2 =	sle.s32 s22, s24  }
.Ltmp10:
0x235: {  	_ = 	snop;
	(pc) =	sbr.rel @p2 .LBB3_3-.Ltmp10, $2  }
0x236: {  	_ =	sdelay $0x2  }
0x237: {  	s0 =	smov.u32 s24;
	s24 =	sadd.s32 $0x10, s24  }
0x238: {  	s1 =	ssub.s32 s22, s0  }
0x239: {  	p2 =	slt.s32 s1, $0x10  }
0x23a: {  	s1 =	simm.s32 @!p2 $0x10  }
0x23b: {  	v2 =	vmov s1  }
0x23c: {  	vm0 =	vgt.s32 v2, v0;
	_ =	sdelay $0x5  }
0x23d: {  	v2 =	vld.idx.msk [tilespmem:v1+s0+$0x0 ss:$0x1], vm0;
	_ =	sdelay $0x2  }
0x23e: {  	p2 =	slt.s32 s24, s22;
	s1 =	smov.u32 s22  }
0x23f: {  	s2 =	smov.u32 s23;
	s25 =	simm.s32 $0x0;
	s1 =	smov.u32 @p2 s24  }
.LBB3_6:
0x240: {  	(v2sf) =	vpush v2, s25;
	_ =	sdelay $0xc  }
0x241: {  	s25 =	sadd.s32 $0x1, s25  }
0x242: {  	s31 =	sadd.s32 s25, s0  }
0x243: {  	p2 =	slt.s32 s31, s1;
	s5 =	spop (v2sf)  }
.Ltmp11:
0x244: {  	s5 =	sshll.u32 s5, $0x4;
	(pc) =	sbr.rel @p2 .LBB3_6-.Ltmp11, $4  }
0x245: {  	s5 =	sand.u32 $0x1FFFFFF0, s5  }
0x246: {  	s5 =	sadd.s32 s11, s5  }
0x247: {  	[tilespmem:s2], [sflag:$0x9] =	stream.linear.gather [hbm4b:s5+s16], $0x4, $0x38;
	[tilespmem:$0x1F0F8] =	vst v63  }
0x248: {  	s2 =	sadd.s32 $0x80, s2  }
.Ltmp12:
0x249: {  	_ = 	snop;
	(pc) =	sbr.rel .LBB3_3-.Ltmp12, $1  }
0x24a: {  	_ =	sdelay $0x3  }
.LBB3_7:
0x24b: {  	p2 =	slt.u32 s20, $0x2  }
.Ltmp13:
0x24c: {  	_ = 	snop;
	(pc) =	sbr.rel @p2 .LBB3_20-.Ltmp13, $1  }
0x24d: {  	_ =	sdelay $0x3  }
0x24e: {  	p2 =	sgt.s32 s21, $0x7E50  }
0x24f: {  	s0 =	smov.u32 s21;
	s1 =	sshra.s32 s21, $0x1F;
	s2 =	ssub.s32 $0x8000, s21  }
0x250: {  	s0 =	simm.s32 @!p2 $0x7E50;
	s1 =	sand.u32 s1, s21;
	p2 =	slt.s32 s2, $0x1B0  }
0x251: {  	s0 =	ssub.s32 s0, s1;
	s2 =	simm.s32 @!p2 $0x1B0  }
0x252: {  	s0 =	sadd.s32 $0xFFFF81B0, s0;
	s24 =	sshll.u32 s2, $0x2  }
0x253: {  	s28 =	simm.s32 $0x9;
	s25 =	sshll.u32 s0, $0x2;
	s1 =	sand.u32 $0x3FFFFFFC, s24  }
0x254: {  	p2 =	sgt.s32 s0, $0x1AF;
	s26 =	ssub.s32 $0x6C0, s25;
	_ =	swait.ge [sflag:s28], s1  }
0x255: {  	s1 =	ssub.s32 $0x0, s1;
	[sflag:s28] =	ssyncset.done $0x0;
	s0 =	sshrl.u32 s26, $0x2  }
0x256: {  	s30 =	simm.s32 $0xB;
	[sflag:s28] =	ssyncadd.s32 s1;
	s0 =	simm.s32 @p2 $0x0  }
0x257: {  	_ =	swait.ge [sflag:s30], s0  }
0x258: {  	s0 =	ssub.s32 $0x0, s0;
	[sflag:s30] =	ssyncset.done $0x0  }
0x259: {  	[sflag:s30] =	ssyncadd.s32 s0  }
0x25a: {  	v1 =	vld [tilespmem:$0x3648];
	_ =	sdelay $0x4  }
0x25b: {  	(v2sf) =	vpush v1, $0x0  }
0x25c: {  	(v2sf) =	vpush v1, $0x1  }
0x25d: {  	(v2sf) =	vpush v1, $0x2;
	_ =	sdelay $0x3  }
0x25e: {  	s0 =	sadd.s32 $0x1B0, s21  }
0x25f: {  	s1 =	ssub.s32 $0x10000, s21;
	p2 =	slt.s32 s7, s0  }
0x260: {  	s0 =	smov.u32 @p2 s7;
	p2 =	sgt.s32 s1, $0x0  }
0x261: {  	s25 =	ssub.s32 s0, s21;
	s1 =	simm.s32 @!p2 $0x0  }
0x262: {  	p2 =	slt.s32 s1, s25  }
0x263: {  	s25 =	smov.u32 @p2 s1  }
0x264: {  	s24 =	simm.s32 $0x1;
	p2 =	slt.s32 s25, $0x1  }
.Ltmp14:
0x265: {  	s24 =	simm.s32 @!p4 $0x0;
	(pc) =	sbr.rel @p2 .LBB3_12-.Ltmp14, $4  }
0x266: {  	s31 =	smul.u32 $0x6C0, s24  }
0x267: {  	s26 =	spop (v2sf)  }
0x268: {  	s0 =	sshrl.u32 s31, $0x2;
	s29 =	spop (v2sf)  }
0x269: {  	s22 =	sadd.s32 $0x3D98, s0;
	s21 =	spop (v2sf)  }
0x26a: {  	s0 =	smin.u32 s25, $0x10  }
0x26b: {  	v1 =	vmov s0  }
0x26c: {  	p3 =	sgt.s32 s25, $0x10;
	vm1 =	vgt.u32 v1, v0  }
.Ltmp15:
0x26d: {  	_ = 	snop;
	(pc) =	sbr.rel @!p3 .LBB3_11-.Ltmp15, $2  }
0x26e: {  	_ =	sdelay $0x2  }
0x26f: {  	s23 =	simm.s32 $0x10;
	s28 =	sadd.s32 $0xFFFFFFF0, s25;
	s0 =	smov.u32 s22;
	vm0 =	vmmov vm1  }
.LBB3_10:
0x270: {  	s1 =	smin.u32 s28, $0x10;
	s23 =	sadd.s32 $0x10, s23;
	v1 =	vld.msk [tilespmem:s0+$0x0 ss:$0x1], vm1  }
0x271: {  	v2 =	vmov s1;
	p3 =	slt.s32 s23, s25  }
0x272: {  	vm1 =	vgt.u32 v2, v0  }
.Ltmp16:
0x273: {  	(pc) =	sbr.rel @p3 .LBB3_10-.Ltmp16, $3  }
0x274: {  	_ =	sdelay $0x1  }
0x275: {  	v1 =	vshll.u32 v1, $0x4  }
0x276: {  	s28 =	sadd.s32 $0xFFFFFFF0, s28;
	[tilespmem:s0+$0x0] =	vst.msk vm0, v1;
	s0 =	sadd.s32 $0x10, s0;
	vm0 =	vmmov vm1  }
.LBB3_11:
0x277: {  	_ =	sdelay $0x4  }
0x278: {  	v1 =	vld.msk [tilespmem:s0+$0x0 ss:$0x1], vm1;
	_ =	sdelay $0x4  }
0x279: {  	v1 =	vshll.u32 v1, $0x4  }
0x27a: {  	[tilespmem:s0+$0x0] =	vst.msk vm0, v1  }
.LBB3_12:
0x27b: {  	s0 =	sand.u32 $0x1, s20  }
0x27c: {  	s0 =	smul.u32 $0x1B0, s0  }
0x27d: {  	p3 =	sne.s32 s29, $0xFFFFFFFF  }
0x27e: {  	v1 =	vld.msk @!p3 [tilespmem:s0+$0x3D98], $0x1;
	_ =	sdelay $0x4  }
0x27f: {  	(v2sf) =	vpush @!p3 v1, $0x0;
	_ =	sdelay $0xc  }
.Ltmp17:
0x280: {  	_ = 	snop;
	(pc) =	sbr.rel @p2 .LBB3_18-.Ltmp17, $4  }
0x281: {  	_ = 	snop  }
0x282: {  	s28 =	spop @!p3 (v2sf)  }
0x283: {  	s21 =	simm.s32 @!p3 $0x0;
	s23 =	smov.u32 s28  }
0x284: {  	[sflag:s17] =	ssyncpa.u1 $0x0;
	s28 =	smov.u32 @p3 s26;
	s23 =	smov.u32 @p3 s29  }
0x285: {  	v1 =	vld.msk [tilespmem:s22+$0x0], $0x1;
	_ =	sdelay $0x4  }
0x286: {  	(v2sf) =	vpush v1, $0x0;
	_ =	sdelay $0xe  }
0x287: {  	s0 =	simm.s32 @!p4 $0x0;
	s26 =	smul.u32 $0x36000, s24;
	s31 =	spop (v2sf)  }
0x288: {  	s29 =	ssub.s32 $0x0, s25;
	s0 =	simm.s32 @p4 $0x1;
	p2 =	seq.s32 s28, s31  }
0x289: {  	s1 =	smov.u32 s28;
	[smem:$0x7FD] =	sst s0;
	p3 =	sgt.s32 @!p2 s28, $0x0  }
0x28a: {  	s0 =	sshrl.u32 s26, $0x2;
	s26 =	sadd.s32 $0x1, s29;
	p3 =	por !p3, p2  }
0x28b: {  	s1 =	simm.s32 @p3 $0x0;
	p3 =	seq.s32 s26, $0x0  }
.Ltmp18:
0x28c: {  	_ = 	snop;
	(pc) =	sbr.rel @p3 .LBB3_15-.Ltmp18, $4  }
0x28d: {  	s6 =	smov.u32 s4;
	s25 =	simm.s32 $0x0  }
0x28e: {  	s24 =	sadd.s32 $0x40F8, s0;
	s0 =	simm.s32 @!p2 $0x1;
	s2 =	smin.u32 @!p2 s1, $0x7FFF  }
0x28f: {  	s30 =	sadd.s32 $0x1, s22;
	s0 =	smov.u32 @p2 s25;
	s5 =	sand.u32 @!p2 $0x7FF8, s2  }
0x290: {  	s1 =	simm.s32 @!p2 $0x1B38;
	s2 =	sand.u32 @!p2 $0x7, s2;
	s5 =	sadd.s32 @!p2 s3, s5  }
.LBB3_14:
0x291: {  	s4 =	smov.u32 s0  }
0x292: {  	[tilespmem:s1], [sflag:$0x2] =	stream.linear.gather @!p2 [hbm4b:s5+s2], $0x4, $0x38;
	[tilespmem:$0x1F0F8] =	vst v63  }
0x293: {  	s26 =	sadd.s32 $0x1, s26;
	s2 =	smov.u32 s31;
	v1 =	vld.msk [tilespmem:s30+$0x0], $0x1  }
0x294: {  	p3 =	seq.s32 s26, $0x0;
	_ =	sdelay $0x3  }
0x295: {  	(v2sf) =	vpush v1, $0x0;
	_ =	sdelay $0xe  }
0x296: {  	s31 =	spop (v2sf)  }
0x297: {  	p2 =	seq.s32 s2, s31  }
0x298: {  	p4 =	sgt.s32 @!p2 s2, $0x0;
	s1 =	sshll.u32 @!p2 s0, $0x6;
	s0 =	sadd.s32 @!p2 $0x1, s0  }
.Ltmp19:
0x299: {  	p4 =	por !p4, p2;
	s1 =	sshra.s32 @!p2 s1, $0x2;
	(pc) =	sbr.rel @!p3 .LBB3_14-.Ltmp19, $4  }
0x29a: {  	s0 =	smov.u32 @p2 s4;
	s2 =	simm.s32 @p4 $0x0;
	s1 =	sadd.s32 @!p2 $0x1B38, s1  }
0x29b: {  	s2 =	smin.u32 @!p2 s2, $0x7FFF  }
0x29c: {  	s4 =	sand.u32 @!p2 $0x7FF8, s2;
	s2 =	sand.u32 @!p2 $0x7, s2  }
0x29d: {  	s30 =	sadd.s32 $0x1, s30;
	s5 =	sadd.s32 @!p2 s3, s4  }
.LBB3_15:
0x29e: {  	[tilespmem:s1], [sflag:$0x2] =	stream.linear.gather @!p2 [hbm4b:s5+s2], $0x4, $0x38;
	[tilespmem:$0x1F0F8] =	vst v63  }
0x29f: {  	s0 =	sshll.u32 s0, $0x2  }
0x2a0: {  	s31 =	simm.s32 $0x2;
	s0 =	sand.u32 $0x3FFFFFFC, s0  }
0x2a1: {  	_ =	swait.ge [sflag:s31], s0  }
0x2a2: {  	s0 =	ssub.s32 $0x0, s0;
	[sflag:s31] =	ssyncset.done $0x0  }
0x2a3: {  	[sflag:s31] =	ssyncadd.s32 s0  }
0x2a4: {  	v1 =	vld.msk [tilespmem:s22+$0x0], $0x1;
	_ =	sdelay $0x4  }
0x2a5: {  	(v2sf) =	vpush v1, $0x0;
	_ =	sdelay $0xe  }
0x2a6: {  	s26 =	spop (v2sf)  }
0x2a7: {  	p2 =	sne.s32 s28, s26  }
0x2a8: {  	p4 =	sne.s32 @p2 s28, s23  }
0x2a9: {  	p3 =	por !p4, !p2  }
0x2aa: {  	s0 =	simm.s32 @!p3 $0x0  }
0x2ab: {  	v1 =	vld.msk @!p3 [tilespmem:s0+$0x1B38], $0xf  }
0x2ac: {  	p5 =	sgt.u32 @!p3 s28, $0x7FFF  }
0x2ad: {  	s1 =	sshll.u32 @!p3 s21, $0x6;
	p6 =	por @p2 p5, !p4  }
0x2ae: {  	s1 =	sshra.s32 @!p3 s1, $0x2;
	p1 =	por p6, !p2;
	p6 =	por p4, !p2  }
0x2af: {  	s2 =	sadd.s32 @!p3 $0x28, s1;
	s4 =	sand.u32 @!p1 $0x7FF8, s28;
	s5 =	sshll.u32 @!p6 s21, $0x6  }
0x2b0: {  	s28 =	sand.u32 @!p1 $0x7, s28;
	[tilespmem:s1+$0x28] =	vst.add.f32.msk @!p3 $0xf, v1;
	s1 =	sadd.s32 @!p1 s3, s4;
	s4 =	sshra.s32 @!p6 s5, $0x2  }
0x2b1: {  	[hbm4b:s1+s28] =	stream.linear.scatter @!p1 [tilespmem:s2], [sflag:$0xC], $0x4, $0x38;
	[tilespmem:$0x1F0F8] =	vst v63  }
0x2b2: {  	s0 =	rddreg [dreg:$0x4];
	s1 =	sadd.s32 @!p6 $0x28, s4;
	s2 =	simm.s32 @!p6 $0x1  }
0x2b3: {  	[spmem:s0] =	stream.linear.scatter @!p6 [tilespmem:s1], [sflag:$0x1], $0x4, $0x38;
	[tilespmem:$0x1F0F8] =	vst v63  }
0x2b4: {  	s0 =	sadd.s32 @p2 $0x1, s21;
	_ =	swait.ge @!p6 [sflag:s2], $0x4  }
0x2b5: {  	s1 =	sshrl.u32 @p2 s0, $0x4;
	[sflag:s2] =	ssyncset.done @!p6 $0x0  }
0x2b6: {  	s1 =	smulhi.u32 @p2 $0x97B425F, s1;
	[sflag:s2] =	ssyncadd.s32 @!p6 $0xFFFFFFFC  }
0x2b7: {  	s28 =	sadd.s32 $0x1, s29;
	v1 =	vld.msk @p2 [tilespmem:s24+$0x0], $0xf  }
0x2b8: {  	p1 =	por @p2 !p5, !p4;
	p4 =	seq.s32 s28, $0x0;
	s1 =	smul.u32 @p2 $0x1B0, s1  }
.Ltmp20:
0x2b9: {  	p1 =	por !p1, !p2;
	s2 =	simm.s32 @!p3 $0x0;
	(pc) =	sbr.rel @p4 .LBB3_17-.Ltmp20, $4  }
0x2ba: {  	s4 =	sshll.u32 @!p2 s21, $0x6;
	s2 =	simm.s32 @!p1 $0x10;
	s0 =	ssub.s32 @p2 s0, s1  }
0x2bb: {  	s29 =	simm.s32 $0x0;
	s2 =	sadd.s32 @!p3 $0x0, s2;
	s5 =	sshll.u32 @p2 s0, $0x4  }
0x2bc: {  	s30 =	sshra.s32 @!p2 s4, $0x2;
	s1 =	simm.s32 @p2 $0x1;
	s2 =	smov.u32 @p3 s25;
	[tilespmem:s5+$0x28] =	vst.msk @p2 $0xf, v1  }
0x2bd: {  	s21 =	smov.u32 @p2 s0;
	s29 =	smov.u32 @p2 s2;
	s25 =	smov.u32 @p2 s1;
	v1 =	vld.msk @!p2 [tilespmem:s24+$0x0], $0xf  }
.LBB3_16:
0x2be: {  	_ =	sdelay $0x3  }
0x2bf: {  	s22 =	sadd.s32 $0x1, s22;
	[tilespmem:s30+$0x28] =	vst.add.f32.msk @!p2 $0xf, v1  }
0x2c0: {  	v1 =	vld.msk [tilespmem:s22+$0x0], $0x1;
	_ =	sdelay $0x4  }
0x2c1: {  	(v2sf) =	vpush v1, $0x0;
	_ =	sdelay $0xe  }
0x2c2: {  	s0 =	smov.u32 s26;
	s26 =	spop (v2sf)  }
0x2c3: {  	p2 =	sne.s32 s0, s26  }
0x2c4: {  	p5 =	sne.s32 @p2 s0, s23  }
0x2c5: {  	s4 =	sshll.u32 @!p2 s21, $0x6;
	p4 =	por !p5, !p2  }
0x2c6: {  	s30 =	sshra.s32 @!p2 s4, $0x2;
	s4 =	sshll.u32 @!p4 s25, $0x6  }
0x2c7: {  	s4 =	sshra.s32 @!p4 s4, $0x2  }
0x2c8: {  	p1 =	sgt.u32 @!p4 s0, $0x7FFF;
	v1 =	vld.msk @!p4 [tilespmem:s4+$0x1B38], $0xf  }
0x2c9: {  	s31 =	sshll.u32 @!p4 s21, $0x6;
	p6 =	por @p2 p1, !p5;
	p1 =	por @p2 !p1, !p5  }
0x2ca: {  	s8 =	simm.s32 @!p4 $0x0;
	s31 =	sshra.s32 @!p4 s31, $0x2;
	p1 =	por !p1, !p2  }
0x2cb: {  	p5 =	por p5, !p2;
	s8 =	simm.s32 @!p1 $0x10;
	p1 =	por p6, !p2  }
0x2cc: {  	s4 =	sadd.s32 @!p4 $0x28, s31;
	s13 =	sshll.u32 @!p5 s21, $0x6;
	s10 =	sand.u32 @!p1 $0x7FF8, s0  }
0x2cd: {  	s13 =	sshra.s32 @!p5 s13, $0x2;
	s0 =	sand.u32 @!p1 $0x7, s0;
	s10 =	sadd.s32 @!p1 s3, s10;
	[tilespmem:s31+$0x28] =	vst.add.f32.msk @!p4 $0xf, v1  }
0x2ce: {  	[hbm4b:s10+s0] =	stream.linear.scatter @!p1 [tilespmem:s4], [sflag:$0xC], $0x4, $0x38;
	[tilespmem:$0x1F0F8] =	vst v63  }
0x2cf: {  	s1 =	rddreg [dreg:$0x4];
	s0 =	sadd.s32 @!p5 $0x28, s13;
	s4 =	simm.s32 @!p5 $0x1  }
0x2d0: {  	[spmem:s1] =	stream.linear.scatter @!p5 [tilespmem:s0], [sflag:$0x1], $0x4, $0x38;
	[tilespmem:$0x1F0F8] =	vst v63  }
0x2d1: {  	s2 =	sadd.s32 @p2 $0x1, s21;
	_ =	swait.ge @!p5 [sflag:s4], $0x4  }
0x2d2: {  	s5 =	sshrl.u32 @p2 s2, $0x4;
	[sflag:s4] =	ssyncset.done @!p5 $0x0  }
0x2d3: {  	s24 =	sadd.s32 $0x80, s24;
	s5 =	smulhi.u32 @p2 $0x97B425F, s5;
	[sflag:s4] =	ssyncadd.s32 @!p5 $0xFFFFFFFC  }
0x2d4: {  	s28 =	sadd.s32 $0x1, s28;
	v1 =	vld.msk @p2 [tilespmem:s24+$0x0], $0xf  }
0x2d5: {  	p3 =	seq.s32 s28, $0x0;
	s5 =	smul.u32 @p2 $0x1B0, s5  }
.Ltmp21:
0x2d6: {  	_ = 	snop;
	(pc) =	sbr.rel @!p3 .LBB3_16-.Ltmp21, $4  }
0x2d7: {  	s2 =	ssub.s32 @p2 s2, s5  }
0x2d8: {  	s8 =	sadd.s32 @!p4 s8, s29;
	s5 =	sshll.u32 @p2 s2, $0x4  }
0x2d9: {  	s9 =	sadd.s32 @p2 $0x1, s25;
	s8 =	smov.u32 @p4 s29;
	[tilespmem:s5+$0x28] =	vst.msk @p2 $0xf, v1  }
0x2da: {  	s25 =	smov.u32 @p2 s9;
	s21 =	smov.u32 @p2 s2;
	s29 =	smov.u32 @p2 s8;
	v1 =	vld.msk @!p2 [tilespmem:s24+$0x0], $0xf  }
.LBB3_17:
.Ltmp22:
0x2db: {  	_ = 	snop;
	(pc) =	sbr.rel .LBB3_19-.Ltmp22, $3  }
0x2dc: {  	s1 =	sld [smem:$0x7FD];
	_ =	sdelay $0x1  }
0x2dd: {  	s0 =	sshrl.u32 s29, $0x2;
	s28 =	smov.u32 s26  }
0x2de: {  	s4 =	smov.u32 s6;
	s6 =	rddreg [dreg:$0x6];
	p4 =	seq.s32 s1, $0x1;
	[tilespmem:s30+$0x28] =	vst.add.f32.msk @!p2 $0xf, v1  }
.LBB3_21:
0x2df: {  	_ =	sfence.sel $0x180000  }
0x2e0: {  	s0 =	simm.s32 $0x9;
	[bflag:$0x0] =	sbarrier.arrive $0xFFFF  }
0x2e1: {  	s24 =	simm.s32 $0xA;
	[sflag:s0] =	ssyncpa.u1 $0x1  }
0x2e2: {  	s25 =	simm.s32 $0xB;
	[sflag:s24] =	ssyncpa.u1 $0x1  }
0x2e3: {  	s26 =	simm.s32 $0x2;
	[sflag:s25] =	ssyncpa.u1 $0x1  }
0x2e4: {  	[sflag:s26] =	ssyncpa.u1 $0x1  }
0x2e5: {  	v0 =	vld [tilespmem:$0x3648];
	_ =	sdelay $0x4  }
0x2e6: {  	(v2sf) =	vpush v0, $0x0  }
0x2e7: {  	(v2sf) =	vpush v0, $0x1;
	_ =	sdelay $0x1  }
0x2e8: {  	(v2sf) =	vpush v0, $0x2;
	_ =	sdelay $0xb  }
0x2e9: {  	s0 =	spop (v2sf)  }
0x2ea: {  	s1 =	spop (v2sf)  }
0x2eb: {  	s2 =	smov.u32 s0;
	p0 =	sne.s32 s0, s1  }
0x2ec: {  	s4 =	spop (v2sf);
	s2 =	simm.s32 @!p0 $0xFFFFFFFF  }
0x2ed: {  	v2 =	vimm.s32 $0x1;
	v3 =	vlaneseq.u32;
	p0 =	seq.s32 s4, $0xFFFFFFFF;
	v1 =	vmov s2  }
0x2ee: {  	s16 =	stileid.u32;
	v0 =	vperm.xlane v0, v2;
	p1 =	sne.s32 @!p0 s0, s1;
	v1 =	vperm.xlane v1, v3  }
0x2ef: {  	vm0 =	vcmask $0x3F04;
	s6 =	simm.s32 $0x3648;
	s0 =	simm.s32 @!p0 $0x1;
	p1 =	por !p1, p0  }
0x2f0: {  	s2 =	sshll.u32 s16, $0x1;
	s1 =	sshll.u32 @!p0 s4, $0x6;
	s0 =	simm.s32 @p1 $0x0;
	v0 =	vsel vm0, v1, v0  }
0x2f1: {  	s5 =	sor.u32 $0x200, s2;
	s1 =	sshra.s32 @!p0 s1, $0x2;
	s0 =	sor.u32 @!p0 s0, s2;
	[tilespmem:$0x3648] =	vst v0  }
0x2f2: {  	[spmem:s5] =	stream.linear.scatter [tilespmem:s6], [sflag:$0x1], $0x2, $0x38;
	[tilespmem:$0x1F0F8] =	vst v63  }
0x2f3: {  	s1 =	sadd.s32 @!p0 $0x28, s1;
	s0 =	sshll.u32 @!p0 s0, $0x4  }
0x2f4: {  	[spmem:s0] =	stream.linear.scatter @!p0 [tilespmem:s1], [sflag:$0x1], $0x10, $0x38;
	[tilespmem:$0x1F0F8] =	vst v63  }
0x2f5: {  	s0 =	simm.s32 @!p0 $0x12  }
0x2f6: {  	s28 =	simm.s32 $0x1;
	s0 =	simm.s32 @p0 $0x2  }
0x2f7: {  	_ =	swait.ge [sflag:s28], s0  }
0x2f8: {  	s0 =	ssub.s32 $0x0, s0;
	[sflag:s28] =	ssyncset.done $0x0  }
0x2f9: {  	p0 =	sne.s32 s16, $0x0;
	[sflag:s28] =	ssyncadd.s32 s0  }
.Ltmp23:
0x2fa: {  	_ =	sfence.stream.spmem;
	(pc) =	sbr.rel @p0 .LBB3_38-.Ltmp23, $4  }
0x2fb: {  	s29 =	simm.s32 $0x3;
	[bflag:$0x0] =	sbarrier.arrive $0xFFFF  }
0x2fc: {  	s30 =	simm.s32 $0x4;
	[sflag:s29] =	ssyncpa.u1 $0x1  }
0x2fd: {  	s31 =	simm.s32 $0x3C;
	[sflag:s30] =	ssyncpa.u1 $0x1  }
0x2fe: {  	s17 =	rddreg [dreg:$0x5];
	[sflag:s31] =	ssyncpa.u1 $0x1  }
0x2ff: {  	_ =	sfence.stream.spmem;
	s0 =	simm.s32 $0x5  }
0x300: {  	s1 =	simm.s32 $0x200;
	s2 =	simm.s32 $0x3658;
	[sflag:s0] =	ssyncpa.u1 $0x0  }
0x301: {  	[tilespmem:s2], [sflag:$0x5] =	stream.linear.gather [spmem:s1], $0x20, $0x38;
	[tilespmem:$0x1F0F8] =	vst v63  }
0x302: {  	s26 =	simm.s32 $0x0;
	s28 =	simm.s32 $0x3678  }
0x303: {  	[tilespmem:s28], [sflag:$0x5] =	stream.linear.gather [spmem:s26], $0x200, $0x38;
	[tilespmem:$0x1F0F8] =	vst v63  }
0x304: {  	_ =	swait.ge [sflag:s0], $0x220  }
0x305: {  	[sflag:s0] =	ssyncset.done $0x0  }
0x306: {  	s29 =	simm.s32 $0x0;
	[sflag:s0] =	ssyncadd.s32 $0xFFFFFDE0  }
0x307: {  	v0 =	vld.msk [tilespmem:s29+$0x3658], $0x1;
	_ =	sdelay $0x1  }
0x308: {  	s30 =	simm.s32 $0x1  }
0x309: {  	v1 =	vld.msk [tilespmem:s30+$0x3658], $0x1;
	_ =	sdelay $0x1  }
0x30a: {  	(v2sf) =	vpush v0, $0x0;
	_ =	sdelay $0x2  }
0x30b: {  	(v2sf) =	vpush v1, $0x0;
	_ =	sdelay $0x2  }
0x30c: {  	s31 =	simm.s32 $0x2  }
0x30d: {  	v0 =	vld.msk [tilespmem:s31+$0x3658], $0x1;
	_ =	sdelay $0x2  }
0x30e: {  	s6 =	simm.s32 $0xFFFFFFFF;
	s1 =	simm.s32 $0xFFFFFFFF;
	s0 =	simm.s32 $0xC  }
.LBB3_23:
0x30f: {  	s2 =	smov.u32 s6;
	s4 =	smov.u32 s1  }
0x310: {  	s1 =	sshra.s32 s0, $0x2;
	p1 =	sne.s32 s0, $0x7C;
	s0 =	sadd.s32 $0x4, s0;
	(v2sf) =	vpush v0, $0x0  }
0x311: {  	v0 =	vld.msk [tilespmem:s1+$0x3658], $0x1  }
.Ltmp24:
0x312: {  	(pc) =	sbr.rel @p1 .LBB3_23-.Ltmp24, $4  }
0x313: {  	s6 =	spop (v2sf)  }
0x314: {  	p2 =	sne.s32 s4, $0xFFFFFFFF;
	s1 =	smov.u32 s6  }
0x315: {  	p3 =	seq.s32 s6, $0xFFFFFFFF;
	s1 =	smov.u32 @p2 s4  }
0x316: {  	s6 =	smov.u32 @p3 s2;
	s1 =	smov.u32 @p3 s4  }
0x317: {  	(v2sf) =	vpush v0, $0x0;
	_ =	sdelay $0x8  }
0x318: {  	s0 =	spop (v2sf)  }
0x319: {  	p1 =	sne.s32 s1, $0xFFFFFFFF;
	s2 =	smov.u32 s0  }
0x31a: {  	s9 =	simm.s32 $0x6;
	p2 =	seq.s32 s0, $0xFFFFFFFF;
	s2 =	smov.u32 @p1 s1  }
0x31b: {  	s10 =	simm.s32 $0x3638;
	s2 =	smov.u32 @p2 s1;
	s1 =	spop (v2sf)  }
0x31c: {  	s0 =	smov.u32 @p2 s6;
	p1 =	sne.s32 s2, $0xFFFFFFFF;
	s4 =	smov.u32 s1  }
.Ltmp25:
0x31d: {  	p2 =	seq.s32 s1, $0xFFFFFFFF;
	s4 =	smov.u32 @p1 s2;
	(pc) =	sbr.rel .LBB3_25-.Ltmp25, $4  }
0x31e: {  	s11 =	simm.s32 $0x0;
	s4 =	smov.u32 @p2 s2;
	s7 =	spop (v2sf)  }
0x31f: {  	[sflag:s9] =	ssyncpa.u1 $0x0;
	p1 =	sne.s32 s4, $0xFFFFFFFF;
	s8 =	smov.u32 s7  }
0x320: {  	s1 =	smov.u32 @p2 s0;
	p2 =	seq.s32 s7, $0xFFFFFFFF;
	s8 =	smov.u32 @p1 s4  }
0x321: {  	s6 =	simm.s32 $0x0;
	s7 =	smov.u32 @p2 s1;
	s8 =	smov.u32 @p2 s4  }
.LBB3_30:
0x322: {  	p1 =	sgt.u32 s12, $0x7FFF  }
0x323: {  	p2 =	seq.s32 @!p1 s12, s8  }
0x324: {  	p1 =	por p1, p2  }
0x325: {  	p2 =	sne.s32 @!p1 s12, s7  }
0x326: {  	p1 =	por p1, !p2  }
0x327: {  	s0 =	sshll.u32 @p1 s11, $0x6  }
0x328: {  	s0 =	sand.u32 @!p1 $0x7FF8, s12  }
0x329: {  	s1 =	sand.u32 @!p1 $0x7, s12;
	s0 =	sadd.s32 @!p1 s3, s0  }
0x32a: {  	[tilespmem:s10], [sflag:$0x6] =	stream.linear.gather @!p1 [hbm4b:s0+s1], $0x4, $0x38;
	[tilespmem:$0x1F0F8] =	vst v63  }
0x32b: {  	_ =	swait.ge @!p1 [sflag:s9], $0x4  }
0x32c: {  	[sflag:s9] =	ssyncset.done @!p1 $0x0  }
0x32d: {  	[sflag:s9] =	ssyncadd.s32 @!p1 $0xFFFFFFFC  }
0x32e: {  	v1 =	vld @!p1 [tilespmem:$0x3638];
	_ =	sdelay $0x2  }
0x32f: {  	s0 =	sshll.u32 @!p1 s11, $0x6  }
0x330: {  	s1 =	sshrl.u32 @!p1 s0, $0x2  }
0x331: {  	[tilespmem:s1+$0x3678] =	vst.add.f32.msk @!p1 $0xffff, v1  }
0x332: {  	s0 =	sshrl.u32 s0, $0x2;
	[tilespmem:s6+$0x3658] =	vst.msk $0x1, v0  }
0x333: {  	v0 =	vld [tilespmem:s0+$0x3678];
	_ =	sdelay $0x2  }
0x334: {  	s31 =	sshll.u32 s6, $0x6  }
0x335: {  	s0 =	sshra.s32 s31, $0x2  }
0x336: {  	s6 =	sadd.s32 $0x1, s6;
	[tilespmem:s0+$0x3678] =	vst v0  }
.LBB3_32:
0x337: {  	s11 =	sadd.s32 $0x1, s11  }
0x338: {  	p1 =	sne.s32 s11, $0x20  }
.Ltmp26:
0x339: {  	_ = 	snop;
	(pc) =	sbr.rel @!p1 .LBB3_33-.Ltmp26, $1  }
0x33a: {  	_ =	sdelay $0x3  }
.LBB3_25:
0x33b: {  	v0 =	vld.msk [tilespmem:s11+$0x3658], $0x1;
	_ =	sdelay $0x4  }
0x33c: {  	(v2sf) =	vpush v0, $0x0;
	_ =	sdelay $0xe  }
0x33d: {  	s12 =	spop (v2sf)  }
0x33e: {  	p1 =	seq.s32 s12, $0xFFFFFFFF  }
.Ltmp27:
0x33f: {  	_ = 	snop;
	(pc) =	sbr.rel @p1 .LBB3_32-.Ltmp27, $1  }
0x340: {  	_ =	sdelay $0x3  }
0x341: {  	p1 =	slt.s32 s6, $0x1  }
.Ltmp28:
0x342: {  	_ = 	snop;
	(pc) =	sbr.rel @p1 .LBB3_30-.Ltmp28, $1  }
0x343: {  	_ =	sdelay $0x3  }
0x344: {  	s13 =	simm.s32 $0x3658;
	p1 =	por $0x0, $0x0  }
0x345: {  	v1 =	vld.msk @!p1 [tilespmem:s13+$0x0], $0x1;
	_ =	sdelay $0x4  }
0x346: {  	(v2sf) =	vpush @!p1 v1, $0x0;
	_ =	sdelay $0xd  }
0x347: {  	p3 =	sne.s32 s6, $0x1  }
.Ltmp29:
0x348: {  	s0 =	spop @!p1 (v2sf);
	(pc) =	sbr.rel @!p3 .LBB3_29-.Ltmp29, $4  }
0x349: {  	p2 =	seq.s32 @!p1 s12, s0  }
0x34a: {  	s14 =	simm.s32 $0x0;
	p2 =	por !p2, p1  }
0x34b: {  	s0 =	simm.s32 $0xFFFFFFFF;
	s14 =	simm.s32 @p2 $0xFFFFFFFF  }
0x34c: {  	s15 =	simm.s32 $0x1;
	s14 =	smov.u32 @p1 s0  }
.LBB3_28:
0x34d: {  	s0 =	smov.u32 s14;
	p1 =	sne.s32 s14, $0xFFFFFFFF  }
0x34e: {  	s13 =	sadd.s32 $0x1, s13;
	s14 =	smov.u32 s15;
	s15 =	sadd.s32 $0x1, s15  }
0x34f: {  	p2 =	sne.s32 s6, s15;
	v1 =	vld.msk @!p1 [tilespmem:s13+$0x0], $0x1;
	_ =	sdelay $0x4  }
0x350: {  	(v2sf) =	vpush @!p1 v1, $0x0;
	_ =	sdelay $0xe  }
.Ltmp30:
0x351: {  	s1 =	spop @!p1 (v2sf);
	(pc) =	sbr.rel @p2 .LBB3_28-.Ltmp30, $4  }
0x352: {  	p3 =	seq.s32 @!p1 s12, s1  }
0x353: {  	p3 =	por !p3, p1  }
0x354: {  	s14 =	simm.s32 @p3 $0xFFFFFFFF  }
0x355: {  	s14 =	smov.u32 @p1 s0  }
.LBB3_29:
0x356: {  	p1 =	sne.s32 s14, $0xFFFFFFFF  }
.Ltmp31:
0x357: {  	_ = 	snop;
	(pc) =	sbr.rel @!p1 .LBB3_30-.Ltmp31, $1  }
0x358: {  	_ =	sdelay $0x3  }
0x359: {  	s0 =	sshll.u32 s11, $0x4  }
0x35a: {  	s0 =	sand.u32 $0x3FFFFFF0, s0  }
0x35b: {  	v0 =	vld [tilespmem:s0+$0x3678]  }
.Ltmp32:
0x35c: {  	_ = 	snop;
	(pc) =	sbr.rel .LBB3_32-.Ltmp32, $4  }
0x35d: {  	_ = 	snop  }
0x35e: {  	s31 =	sshll.u32 s14, $0x6  }
0x35f: {  	s0 =	sshra.s32 s31, $0x2  }
0x360: {  	[tilespmem:s0+$0x3678] =	vst.add.f32.msk $0xffff, v0  }
.LBB3_33:
0x361: {  	s0 =	simm.s32 $0x6;
	p1 =	seq.s32 s6, $0x0  }
0x362: {  	[sflag:s0] =	ssyncpa.u1 $0x1;
	v0 =	vimm.s32 @p1 $0xFFFFFFFF  }
0x363: {  	s9 =	sadd.s32 $0xFFFFFFFF, s6;
	[tilespmem:$0x3878] =	vst @p1 v0  }
0x364: {  	v0 =	vld.msk @!p1 [tilespmem:s9+$0x3658], $0x1;
	_ =	sdelay $0x1  }
0x365: {  	v1 =	vld.msk @!p1 [tilespmem:$0x3658], $0x1;
	_ =	sdelay $0x2  }
0x366: {  	p2 =	seq.s32 @!p1 s9, $0x0;
	v0 =	vbroadcast @!p1 v0, $0x0  }
0x367: {  	vm0 =	vmmov @!p1 $0x1;
	p2 =	por !p2, p1  }
0x368: {  	v1 =	vnsel @!p1 vm0, $0xFFFFFFFF, v1;
	vm0 =	vcmask @!p1 $0x308;
	v0 =	vpsel !p2, $0xFFFFFFFF, v0  }
0x369: {  	p2 =	sne.s32 @!p1 s8, s7;
	v0 =	vsel @!p1 vm0, v1, v0  }
0x36a: {  	s0 =	simm.s32 @!p1 $0x3678;
	s1 =	simm.s32 @!p1 $0x0;
	p3 =	por !p2, p1;
	[tilespmem:$0x3878] =	vst @!p1 v0  }
0x36b: {  	[spmem:s1] =	stream.linear.scatter @!p1 [tilespmem:s0], [sflag:$0x1], $0x10, $0x38;
	[tilespmem:$0x1F0F8] =	vst v63  }
0x36c: {  	s0 =	sshll.u32 @!p3 s9, $0x6  }
0x36d: {  	s0 =	sshra.s32 @!p3 s0, $0x2  }
0x36e: {  	s1 =	simm.s32 @!p3 $0x10;
	s0 =	sadd.s32 @!p3 $0x3678, s0  }
0x36f: {  	[spmem:s1] =	stream.linear.scatter @!p3 [tilespmem:s0], [sflag:$0x1], $0x10, $0x38;
	[tilespmem:$0x1F0F8] =	vst v63  }
0x370: {  	s0 =	simm.s32 @!p3 $0x1  }
0x371: {  	_ =	swait.ge @!p3 [sflag:s0], $0x20  }
0x372: {  	p1 =	por p2, p1;
	[sflag:s0] =	ssyncset.done @!p3 $0x0  }
0x373: {  	[sflag:s0] =	ssyncadd.s32 @!p3 $0xFFFFFFE0;
	s0 =	simm.s32 @!p1 $0x1  }
0x374: {  	_ =	swait.ge @!p1 [sflag:s0], $0x10  }
0x375: {  	s29 =	simm.s32 $0x3878;
	[sflag:s0] =	ssyncset.done @!p1 $0x0  }
0x376: {  	s30 =	simm.s32 $0x200;
	s31 =	simm.s32 $0x1;
	[sflag:s0] =	ssyncadd.s32 @!p1 $0xFFFFFFF0  }
0x377: {  	[spmem:s30] =	stream.linear.scatter [tilespmem:s29], [sflag:$0x1], $0x10, $0x38;
	[tilespmem:$0x1F0F8] =	vst v63  }
0x378: {  	_ =	swait.ge [sflag:s31], $0x10  }
0x379: {  	[sflag:s31] =	ssyncset.done $0x0  }
0x37a: {  	p1 =	seq.s32 s17, $0x0;
	s8 =	rddreg [dreg:$0x1];
	[sflag:s31] =	ssyncadd.s32 $0xFFFFFFF0  }
0x37b: {  	s1 =	sshll.u32 @p1 s8, $0xE;
	s7 =	rddreg [dreg:$0x2]  }
0x37c: {  	s0 =	sadd.s32 @p1 $0x15C3C, s1;
	s1 =	sshll.u32 @p1 s7, $0x11  }
0x37d: {  	_ =	sfence.stream.spmem;
	s0 =	sor.u32 @p1 s1, s0  }
0x37e: {  	[sflag:s0] =	ssyncadd.remote.s32 @p1 $0x1;
	s0 =	simm.s32 @p1 $0x4  }
0x37f: {  	s2 =	simm.s32 @!p1 $0x3C;
	s1 =	sand.u32 $0xFFFFFFFE, s8;
	_ =	swait.ge @p1 [sflag:s0], $0x6  }
0x380: {  	s4 =	simm.s32 @!p1 $0x0;
	s1 =	sadd.s32 @!p1 $0x4, s1;
	[sflag:s0] =	ssyncset.done @p1 $0x0  }
0x381: {  	s5 =	simm.s32 @!p1 $0x20;
	[sflag:s0] =	ssyncadd.s32 @p1 $0xFFFFFFFA;
	s0 =	sshll.u32 @!p1 s1, $0x1A  }
0x382: {  	s1 =	sshll.u32 @!p1 s1, $0xD;
	s0 =	sor.u32 @!p1 s0, s7;
	_ =	swait.eq @!p1 [sflag:s2], $0x1  }
0x383: {  	s1 =	sor.u32 @!p1 $0x1C04, s1;
	s2 =	simm.s32 @!p1 $0x1C03;
	s0 =	sor.u32 @!p1 $0x80004000, s0  }
0x384: {  	[spmem:s5], [sflag:s1] =	dma.general @!p1 [spmem:s4], [sflag:s2], length:$0x4, [dreg:$0x0], stride_count:$0x0, ici_dest:s0, dma_misc:DstOpCode:WRITE  }
0x385: {  	p2 =	slt.s32 s9, $0x2;
	s4 =	simm.s32 @!p1 $0x40;
	s5 =	simm.s32 @!p1 $0x42  }
0x386: {  	[spmem:s5], [sflag:s1] =	dma.general @!p1 [spmem:s4], [sflag:s2], length:$0x2, [dreg:$0x0], stride_count:$0x0, ici_dest:s0, dma_misc:DstOpCode:WRITE  }
.Ltmp33:
0x387: {  	s0 =	simm.s32 @!p1 $0x3;
	(pc) =	sbr.rel @p2 .LBB3_37-.Ltmp33, $4  }
0x388: {  	s1 =	sshll.u32 @!p1 s8, $0xE;
	_ =	swait.ge @!p1 [sflag:s0], $0x6  }
0x389: {  	s2 =	sshll.u32 @!p1 s7, $0x11;
	s1 =	sadd.s32 @!p1 $0x11C3C, s1;
	[sflag:s0] =	ssyncset.done @!p1 $0x0  }
0x38a: {  	[sflag:s0] =	ssyncadd.s32 @!p1 $0xFFFFFFFA;
	s0 =	sor.u32 @!p1 s2, s1  }
0x38b: {  	[sflag:s0] =	ssyncadd.remote.s32 @!p1 $0xFFFFFFFF;
	s0 =	simm.s32 $0x0  }
0x38c: {  	s0 =	simm.s32 $0x3659  }
0x38d: {  	v0 =	vld.msk [tilespmem:s0+$0x0], $0x1;
	_ =	sdelay $0x4  }
0x38e: {  	(v2sf) =	vpush v0, $0x0;
	_ =	sdelay $0xd  }
0x38f: {  	s2 =	sadd.s32 $0xFFFFFFFE, s6  }
0x390: {  	s2 =	sadd.s32 $0xFFFFFFFF, s2;
	s0 =	spop (v2sf)  }
0x391: {  	p2 =	sne.s32 s2, $0x0;
	p1 =	sgt.u32 s0, $0x7FFF  }
.Ltmp34:
0x392: {  	s4 =	sand.u32 @!p1 $0x7FF8, s0;
	(pc) =	sbr.rel @!p2 .LBB3_36-.Ltmp34, $4  }
0x393: {  	s1 =	simm.s32 $0x3688;
	s0 =	sand.u32 @!p1 $0x7, s0;
	s4 =	sadd.s32 @!p1 s3, s4  }
0x394: {  	[hbm4b:s4+s0] =	stream.linear.scatter @!p1 [tilespmem:s1], [sflag:$0x5], $0x4, $0x38;
	[tilespmem:$0x1F0F8] =	vst v63  }
0x395: {  	s0 =	simm.s32 $0x0  }
0x396: {  	s6 =	simm.s32 $0x0;
	s7 =	simm.s32 $0x365A;
	s0 =	simm.s32 @!p1 $0x10  }
.LBB3_35:
0x397: {  	v0 =	vld.msk [tilespmem:s7+$0x0], $0x1;
	s2 =	sadd.s32 $0xFFFFFFFF, s2;
	s6 =	sadd.s32 s6, s0  }
0x398: {  	p1 =	sne.s32 s2, $0x0;
	_ =	sdelay $0x3  }
0x399: {  	(v2sf) =	vpush v0, $0x0;
	_ =	sdelay $0xe  }
.Ltmp35:
0x39a: {  	s4 =	spop (v2sf);
	(pc) =	sbr.rel @p1 .LBB3_35-.Ltmp35, $4  }
0x39b: {  	s0 =	simm.s32 $0x0;
	p2 =	sgt.u32 s4, $0x7FFF  }
0x39c: {  	s1 =	sadd.s32 $0x10, s1;
	s0 =	simm.s32 @!p2 $0x10;
	s5 =	sand.u32 @!p2 $0x7FF8, s4  }
0x39d: {  	s7 =	sadd.s32 $0x1, s7;
	s4 =	sand.u32 @!p2 $0x7, s4;
	s5 =	sadd.s32 @!p2 s3, s5  }
0x39e: {  	[hbm4b:s5+s4] =	stream.linear.scatter @!p2 [tilespmem:s1], [sflag:$0x5], $0x4, $0x38;
	[tilespmem:$0x1F0F8] =	vst v63  }
.LBB3_36:
0x39f: {  	s0 =	sadd.s32 s6, s0  }
0x3a0: {  	s0 =	sshrl.u32 s0, $0x2  }
.LBB3_37:
0x3a1: {  	s1 =	simm.s32 $0x5  }
0x3a2: {  	_ =	swait.ge [sflag:s1], s0  }
0x3a3: {  	s31 =	ssub.s32 $0x0, s0;
	[sflag:s1] =	ssyncset.done $0x0  }
0x3a4: {  	[sflag:s1] =	ssyncadd.s32 s31  }
0x3a5: {  	[sflag:s1] =	ssyncpa.u1 $0x1  }
.LBB3_38:
0x3a6: {  	s0 =	sor.u32 s17, s16  }
0x3a7: {  	p1 =	sne.s32 s0, $0x0  }
.Ltmp36:
0x3a8: {  	_ = 	snop;
	(pc) =	sbr.rel @p1 .LBB3_53-.Ltmp36, $3  }
0x3a9: {  	_ =	sdelay $0x1  }
0x3aa: {  	[bflag:$0x0] =	sbarrier.arrive $0xFFFF  }
0x3ab: {  	_ =	sfence  }
0x3ac: {  	s0 =	simm.s32 $0x7  }
0x3ad: {  	s1 =	simm.s32 $0x200;
	s2 =	simm.s32 $0x3658;
	[sflag:s0] =	ssyncpa.u1 $0x0  }
0x3ae: {  	[tilespmem:s2], [sflag:$0x7] =	stream.linear.gather [spmem:s1], $0x20, $0x38;
	[tilespmem:$0x1F0F8] =	vst v63  }
0x3af: {  	s30 =	simm.s32 $0x3678;
	s1 =	simm.s32 $0x0  }
0x3b0: {  	[tilespmem:s30], [sflag:$0x7] =	stream.linear.gather [spmem:s1], $0x200, $0x38;
	[tilespmem:$0x1F0F8] =	vst v63  }
.Ltmp37:
0x3b1: {  	_ = 	snop;
	(pc) =	sbr.rel .LBB3_40-.Ltmp37, $4  }
0x3b2: {  	_ =	swait.ge [sflag:s0], $0x220  }
0x3b3: {  	[sflag:s0] =	ssyncset.done $0x0  }
0x3b4: {  	s31 =	simm.s32 $0x8;
	[sflag:s0] =	ssyncadd.s32 $0xFFFFFDE0  }
0x3b5: {  	s2 =	simm.s32 $0x0;
	[sflag:s31] =	ssyncpa.u1 $0x0  }
.LBB3_45:
0x3b6: {  	p1 =	slt.u32 s4, $0x8000  }
0x3b7: {  	s0 =	sand.u32 @p1 $0x7FF8, s4  }
0x3b8: {  	s4 =	sand.u32 @p1 $0x7, s4;
	s5 =	simm.s32 @p1 $0x3638;
	s0 =	sadd.s32 @p1 s3, s0  }
0x3b9: {  	[tilespmem:s5], [sflag:$0x8] =	stream.linear.gather @p1 [hbm4b:s0+s4], $0x4, $0x38;
	[tilespmem:$0x1F0F8] =	vst v63  }
0x3ba: {  	s0 =	simm.s32 @p1 $0x8  }
0x3bb: {  	_ =	swait.ge @p1 [sflag:s0], $0x4  }
0x3bc: {  	[sflag:s0] =	ssyncset.done @p1 $0x0  }
0x3bd: {  	[sflag:s0] =	ssyncadd.s32 @p1 $0xFFFFFFFC  }
0x3be: {  	v1 =	vld @p1 [tilespmem:$0x3638];
	_ =	sdelay $0x2  }
0x3bf: {  	s0 =	sshll.u32 @p1 s2, $0x6  }
0x3c0: {  	s5 =	sshll.u32 @!p1 s2, $0x6;
	s4 =	sshrl.u32 @p1 s0, $0x2  }
0x3c1: {  	s5 =	smov.u32 @p1 s0;
	[tilespmem:s4+$0x3678] =	vst.add.f32.msk @p1 $0xffff, v1  }
0x3c2: {  	s0 =	sshrl.u32 s5, $0x2;
	[tilespmem:s1+$0x3658] =	vst.msk $0x1, v0  }
0x3c3: {  	v0 =	vld [tilespmem:s0+$0x3678];
	_ =	sdelay $0x2  }
0x3c4: {  	s31 =	sshll.u32 s1, $0x6  }
0x3c5: {  	s0 =	sshra.s32 s31, $0x2  }
0x3c6: {  	s1 =	sadd.s32 $0x1, s1;
	[tilespmem:s0+$0x3678] =	vst v0  }
.LBB3_47:
0x3c7: {  	s2 =	sadd.s32 $0x1, s2  }
0x3c8: {  	p1 =	sne.s32 s2, $0x20  }
.Ltmp38:
0x3c9: {  	_ = 	snop;
	(pc) =	sbr.rel @!p1 .LBB3_48-.Ltmp38, $1  }
0x3ca: {  	_ =	sdelay $0x3  }
.LBB3_40:
0x3cb: {  	v0 =	vld.msk [tilespmem:s2+$0x3658], $0x1;
	_ =	sdelay $0x4  }
0x3cc: {  	(v2sf) =	vpush v0, $0x0;
	_ =	sdelay $0xe  }
0x3cd: {  	s4 =	spop (v2sf)  }
0x3ce: {  	p1 =	seq.s32 s4, $0xFFFFFFFF  }
.Ltmp39:
0x3cf: {  	_ = 	snop;
	(pc) =	sbr.rel @p1 .LBB3_47-.Ltmp39, $1  }
0x3d0: {  	_ =	sdelay $0x3  }
0x3d1: {  	p1 =	slt.s32 s1, $0x1  }
.Ltmp40:
0x3d2: {  	_ = 	snop;
	(pc) =	sbr.rel @p1 .LBB3_45-.Ltmp40, $1  }
0x3d3: {  	_ =	sdelay $0x3  }
0x3d4: {  	s5 =	simm.s32 $0x3658;
	p1 =	por $0x0, $0x0  }
0x3d5: {  	v1 =	vld.msk @!p1 [tilespmem:s5+$0x0], $0x1;
	_ =	sdelay $0x4  }
0x3d6: {  	(v2sf) =	vpush @!p1 v1, $0x0;
	_ =	sdelay $0xd  }
0x3d7: {  	p3 =	sne.s32 s1, $0x1  }
.Ltmp41:
0x3d8: {  	s0 =	spop @!p1 (v2sf);
	(pc) =	sbr.rel @!p3 .LBB3_44-.Ltmp41, $4  }
0x3d9: {  	p2 =	seq.s32 @!p1 s4, s0  }
0x3da: {  	s6 =	simm.s32 $0x0;
	p2 =	por !p2, p1  }
0x3db: {  	s0 =	simm.s32 $0xFFFFFFFF;
	s6 =	simm.s32 @p2 $0xFFFFFFFF  }
0x3dc: {  	s7 =	simm.s32 $0x1;
	s6 =	smov.u32 @p1 s0  }
.LBB3_43:
0x3dd: {  	s0 =	smov.u32 s6;
	p1 =	sne.s32 s6, $0xFFFFFFFF  }
0x3de: {  	s5 =	sadd.s32 $0x1, s5;
	s6 =	smov.u32 s7;
	s7 =	sadd.s32 $0x1, s7  }
0x3df: {  	p2 =	sne.s32 s1, s7;
	v1 =	vld.msk @!p1 [tilespmem:s5+$0x0], $0x1;
	_ =	sdelay $0x4  }
0x3e0: {  	(v2sf) =	vpush @!p1 v1, $0x0;
	_ =	sdelay $0xe  }
.Ltmp42:
0x3e1: {  	s8 =	spop @!p1 (v2sf);
	(pc) =	sbr.rel @p2 .LBB3_43-.Ltmp42, $4  }
0x3e2: {  	p3 =	seq.s32 @!p1 s4, s8  }
0x3e3: {  	p3 =	por !p3, p1  }
0x3e4: {  	s6 =	simm.s32 @p3 $0xFFFFFFFF  }
0x3e5: {  	s6 =	smov.u32 @p1 s0  }
.LBB3_44:
0x3e6: {  	p1 =	sne.s32 s6, $0xFFFFFFFF  }
.Ltmp43:
0x3e7: {  	_ = 	snop;
	(pc) =	sbr.rel @!p1 .LBB3_45-.Ltmp43, $1  }
0x3e8: {  	_ =	sdelay $0x3  }
0x3e9: {  	s0 =	sshll.u32 s2, $0x4  }
0x3ea: {  	s0 =	sand.u32 $0x3FFFFFF0, s0  }
0x3eb: {  	v0 =	vld [tilespmem:s0+$0x3678]  }
.Ltmp44:
0x3ec: {  	_ = 	snop;
	(pc) =	sbr.rel .LBB3_47-.Ltmp44, $4  }
0x3ed: {  	_ = 	snop  }
0x3ee: {  	s31 =	sshll.u32 s6, $0x6  }
0x3ef: {  	s0 =	sshra.s32 s31, $0x2  }
0x3f0: {  	[tilespmem:s0+$0x3678] =	vst.add.f32.msk $0xffff, v0  }
.LBB3_48:
0x3f1: {  	p1 =	slt.s32 s1, $0x1  }
.Ltmp45:
0x3f2: {  	_ = 	snop;
	(pc) =	sbr.rel @p1 .LBB3_52-.Ltmp45, $3  }
0x3f3: {  	_ =	sdelay $0x1  }
0x3f4: {  	s0 =	simm.s32 $0x8  }
0x3f5: {  	s2 =	simm.s32 $0x0;
	[sflag:s0] =	ssyncpa.u1 $0x1  }
0x3f6: {  	s0 =	simm.s32 $0x3658  }
0x3f7: {  	v0 =	vld.msk [tilespmem:s0+$0x0], $0x1;
	_ =	sdelay $0x4  }
0x3f8: {  	(v2sf) =	vpush v0, $0x0;
	_ =	sdelay $0xe  }
0x3f9: {  	s1 =	sadd.s32 $0xFFFFFFFF, s1;
	s0 =	spop (v2sf)  }
0x3fa: {  	p2 =	sne.s32 s1, $0x0;
	p1 =	sgt.u32 s0, $0x7FFF  }
.Ltmp46:
0x3fb: {  	s5 =	sand.u32 @!p1 $0x7FF8, s0;
	(pc) =	sbr.rel @!p2 .LBB3_51-.Ltmp46, $4  }
0x3fc: {  	s4 =	simm.s32 $0x3678;
	s0 =	sand.u32 @!p1 $0x7, s0;
	s5 =	sadd.s32 @!p1 s3, s5  }
0x3fd: {  	[hbm4b:s5+s0] =	stream.linear.scatter @!p1 [tilespmem:s4], [sflag:$0x7], $0x4, $0x38;
	[tilespmem:$0x1F0F8] =	vst v63  }
0x3fe: {  	s0 =	simm.s32 $0x0  }
0x3ff: {  	s5 =	simm.s32 $0x3659;
	s0 =	simm.s32 @!p1 $0x10  }
.LBB3_50:
0x400: {  	v0 =	vld.msk [tilespmem:s5+$0x0], $0x1;
	s1 =	sadd.s32 $0xFFFFFFFF, s1;
	s2 =	sadd.s32 s2, s0  }
0x401: {  	p1 =	sne.s32 s1, $0x0;
	_ =	sdelay $0x3  }
0x402: {  	(v2sf) =	vpush v0, $0x0;
	_ =	sdelay $0xe  }
.Ltmp47:
0x403: {  	s6 =	spop (v2sf);
	(pc) =	sbr.rel @p1 .LBB3_50-.Ltmp47, $4  }
0x404: {  	s0 =	simm.s32 $0x0;
	p2 =	sgt.u32 s6, $0x7FFF  }
0x405: {  	s4 =	sadd.s32 $0x10, s4;
	s0 =	simm.s32 @!p2 $0x10;
	s7 =	sand.u32 @!p2 $0x7FF8, s6  }
0x406: {  	s5 =	sadd.s32 $0x1, s5;
	s6 =	sand.u32 @!p2 $0x7, s6;
	s7 =	sadd.s32 @!p2 s3, s7  }
0x407: {  	[hbm4b:s7+s6] =	stream.linear.scatter @!p2 [tilespmem:s4], [sflag:$0x7], $0x4, $0x38;
	[tilespmem:$0x1F0F8] =	vst v63  }
.LBB3_51:
0x408: {  	s0 =	sadd.s32 s2, s0  }
0x409: {  	s2 =	sshrl.u32 s0, $0x2  }
.LBB3_52:
0x40a: {  	s0 =	simm.s32 $0x7  }
0x40b: {  	_ =	swait.ge [sflag:s0], s2  }
0x40c: {  	s1 =	ssub.s32 $0x0, s2;
	[sflag:s0] =	ssyncset.done $0x0  }
0x40d: {  	[sflag:s0] =	ssyncadd.s32 s1  }
0x40e: {  	[sflag:s0] =	ssyncpa.u1 $0x1  }
.LBB3_53:
0x40f: {  	_ =	sfence;
	s0 =	simm.s32 $0x1  }
0x410: {  	[sflag:s0] =	ssyncpa.u1 $0x1  }
0x411: {  	_ =	strace $0x9000004A  }
0x412: {  	[bflag:$0x2] =	sbarrier.arrive $0xFFFF  }
0x413: {  	s0 =	rddreg [dreg:$0x3]  }
0x414: {  	s0 =	sadd.s32 @!p0 $0x100000, s0  }
0x415: {  	[sflag:s0] =	ssyncadd.tile.s32 @!p0 $0x1;
	_ =	shalt  }
.Lfunc_end3:
_tile_overlayer_lowered:
.L_overlay_start_3:
0x416: {  	(tag) =	ssettag $0x3  }
0x417: {  	s0 =	rddreg [dreg:$0x0];
	s2 =	stileid.u32  }
0x418: {  	s1 =	rddreg [dreg:$0x1];
	p0 =	sne.s32 s2, $0x0  }
0x419: {  	s3 =	rddreg [dreg:$0x2];
	[bflag:$0x3] =	sbarrier.arrive $0xFFFF;
	s2 =	simm.s32 @!p0 $0x1C01  }
0x41a: {  	[timem:s3], [sflag:s2] =	dma.local @!p0 [hbm:s0], s1  }
0x41b: {  	s0 =	simm.s32 @!p0 $0x1  }
0x41c: {  	_ =	swait.ge @!p0 [sflag:s0], s1  }
0x41d: {  	s1 =	ssub.s32 @!p0 $0x0, s1;
	[sflag:s0] =	ssyncset.done @!p0 $0x0  }
0x41e: {  	[sflag:s0] =	ssyncadd.s32 @!p0 s1  }
0x41f: {  	[bflag:$0x3] =	sbarrier.arrive $0xFFFF  }
0x420: {  	_ =	shalt  }

</sc_bundles>
